<compile_context>
chip_gen: v7x
topology: tpu7x:2x2x1
jax: 0.10.2.dev20260603
libtpu: 0.0.44.dev20260713+nightly
codegen_flags: <defaults>
</compile_context>

<pallas_src>
import jax
import jax.numpy as jnp
from jax import lax
from jax.experimental import pallas as pl
from jax.experimental.pallas import tpu as pltpu
from jax.experimental.pallas import tpu_sc as plsc

NI = 5
BB = 4
KK = 17
HH = 384
WW = 384
LANES = 16
PTS = BB * KK
PV = 5
NCH = NI * 2
WROWS = WW // LANES
ROWS16 = NI * BB * 2 * HH * WROWS
GAMMA = 0.8


def _vsqrt(s):
    bits = plsc.bitcast(s, jnp.int32)
    magic = jnp.full((LANES,), 0x5F3759DF, jnp.int32)
    y = plsc.bitcast(magic - (bits >> 1), jnp.float32)
    for _ in range(3):
        y = y * (jnp.float32(1.5) - jnp.float32(0.5) * s * y * y)
    return s * y


def _body(pred_hbm, kps_hbm, out_hbm, kps_v, keys_v, idx_v, rows_v, res_v, sems):
    pltpu.sync_copy(kps_hbm, kps_v)
    iota = lax.iota(jnp.int32, LANES)

    pts = []
    for v in range(PV):
        gid = iota + (v * LANES)
        inrange = gid < PTS
        g = jnp.where(inrange, gid, PTS - 1)
        b = g // KK
        k = g - b * KK
        base = b * (2 * KK * 2) + k * 2
        x0 = plsc.load_gather(kps_v, [base])
        y0 = plsc.load_gather(kps_v, [base + 1])
        x1 = plsc.load_gather(kps_v, [base + KK * 2])
        y1 = plsc.load_gather(kps_v, [base + KK * 2 + 1])
        valid = ((x0 >= 0) & (x0 < WW) & (y0 >= 0) & (y0 < HH) &
                 (x1 >= 0) & (x1 < WW) & (y1 >= 0) & (y1 < HH))
        scat = valid & inrange
        key = (b * HH + y0) * WW + x0
        skey = jnp.where(scat, key, -1)
        keys_v[pl.ds(v * LANES, LANES)] = skey
        nz = (x1 != x0) | (y1 != y0)
        dx = (x1 - x0).astype(jnp.float32)
        dy = (y1 - y0).astype(jnp.float32)
        rb = jnp.where(scat, (b * 2 * HH + y0) * WROWS + (x0 >> 4), 0)
        lane = jnp.where(scat, x0 & (LANES - 1), 0)
        pts.append((scat & nz, dx, dy, rb, lane, skey))

    cps = []
    for i in range(NI):
        for c in range(2):
            ch = i * 2 + c
            off = i * (BB * 2 * HH * WROWS) + c * (HH * WROWS)
            for v in range(PV):
                idx_v[ch, pl.ds(v * LANES, LANES)] = pts[v][3] + off
            cps.append(pltpu.async_copy(
                pred_hbm.at[idx_v.at[ch, pl.ds(0, 72)]],
                rows_v.at[ch, pl.ds(0, 72)], sems.at[ch]))

    key_vecs = [p[5] for p in pts]
    dups = [jnp.zeros((LANES,), jnp.int32) for _ in range(PV)]
    for q in range(1, PTS):
        qv, ql = divmod(q, LANES)
        kq = jnp.broadcast_to(keys_v[pl.ds(q, LANES)][0], (LANES,))
        for v in range(qv + 1):
            hit = key_vecs[v] == kq
            if v == qv:
                hit = hit & (iota < ql)
            dups[v] = dups[v] | hit.astype(jnp.int32)

    masks = [pts[v][0] & (dups[v] == 0) for v in range(PV)]
    cntv = jnp.zeros((LANES,), jnp.float32)
    for v in range(PV):
        cntv = cntv + jnp.where(masks[v], jnp.float32(1.0), jnp.float32(0.0))

    wsum = jnp.zeros((LANES,), jnp.float32)
    for i in range(NI):
        cps[i * 2].wait()
        cps[i * 2 + 1].wait()
        acc = jnp.zeros((LANES,), jnp.float32)
        for v in range(PV):
            _, dx, dy, _, lane, _ = pts[v]
            rid = iota + (v * LANES)
            u = plsc.load_gather(rows_v, [jnp.full((LANES,), i * 2, jnp.int32), rid, lane])
            w = plsc.load_gather(rows_v, [jnp.full((LANES,), i * 2 + 1, jnp.int32), rid, lane])
            du = u - dx
            dv = w - dy
            epe = _vsqrt(du * du + dv * dv)
            acc = acc + jnp.where(masks[v], epe, jnp.float32(0.0))
        wsum = wsum + jnp.float32(GAMMA ** (NI - 1 - i)) * acc
    total = jnp.broadcast_to(jnp.sum(wsum), (LANES,))
    cnt = jnp.broadcast_to(jnp.sum(cntv), (LANES,))
    res_v[...] = total / cnt
    pltpu.sync_copy(res_v, out_hbm)


def kernel(pred_flows, kps):
    pred2d = pred_flows.reshape(ROWS16, LANES)
    kflat = kps.reshape(-1)
    mesh = plsc.VectorSubcoreMesh(
        core_axis_name="c", subcore_axis_name="s", num_cores=1, num_subcores=1)
    f = pl.kernel(
        _body,
        mesh=mesh,
        compiler_params=pltpu.CompilerParams(
            needs_layout_passes=False, use_tc_tiling_on_sc=False),
        out_type=jax.ShapeDtypeStruct((LANES,), jnp.float32),
        scratch_types=[
            pltpu.VMEM((BB * 2 * KK * 2,), jnp.int32),
            pltpu.VMEM((PV * LANES + LANES,), jnp.int32),
            pltpu.VMEM((NCH, PV * LANES), jnp.int32),
            pltpu.VMEM((NCH, PV * LANES, LANES), jnp.float32),
            pltpu.VMEM((LANES,), jnp.float32),
            pltpu.SemaphoreType.DMA((NCH,)),
        ],
    )
    return f(pred2d, kflat)[0]

# --- scband reference (transcript-rebuilt; emitter-appended) ---
"""Pipeline reference for scband-keypoint-flow-loss-28836410425930 (READ-ONLY COPY).

The authoritative reference and input builder live on the scoring server;
editing this copy changes nothing except your own understanding.
"""

import jax, jax.numpy as jnp
import numpy as np


def setup_inputs(seed: int = 0) -> dict:
    key = jax.random.key(seed)
    k1, k2 = jax.random.split(key)
    pred_flows = jax.random.normal(k1, (5, 4, 2, 384, 384), dtype=jnp.float32)
    kps = jax.random.randint(k2, (4, 2, 17, 2), 0, 384, dtype=jnp.int32)
    return {"pred_flows": pred_flows, "kps": kps}


def reference(pred_flows, kps):
    gamma = 0.8
    loss_weight = 1.0
    n_iters, B, C, H, W = pred_flows.shape
    K = kps.shape[2]
    kps0 = kps[:, 0]  # [B, K, 2] (x, y)
    kps1 = kps[:, 1]
    disp = (kps1 - kps0).astype(jnp.float32)  # [B, K, 2]
    valid = ((kps0[..., 0] >= 0) & (kps0[..., 1] >= 0) &
             (kps1[..., 0] >= 0) & (kps1[..., 1] >= 0) &
             (kps0[..., 0] < W) & (kps0[..., 1] < H) &
             (kps1[..., 0] < W) & (kps1[..., 1] < H))
    # route invalid keypoints out of bounds so mode='drop' skips them
    y = jnp.where(valid, kps0[..., 1], H)
    x = jnp.where(valid, kps0[..., 0], W)
    b = jnp.broadcast_to(jnp.arange(B)[:, None], (B, K))
    gt = jnp.zeros((B, H, W, 2), dtype=pred_flows.dtype)
    gt = gt.at[b.reshape(-1), y.reshape(-1), x.reshape(-1)].set(
        disp.reshape(-1, 2), mode='drop')
    gt_flow = jnp.transpose(gt, (0, 3, 1, 2))  # [B, 2, H, W]
    gt_mask = jnp.linalg.norm(gt_flow, axis=1, keepdims=True) > 0  # [B,1,H,W]
    count = jnp.sum(gt_mask).astype(jnp.float32)
    # all pred flows share gt_flow resolution, so area-interp of gt is identity
    loss = jnp.float32(0.0)
    for i in range(n_iters):
        w = gamma ** (n_iters - i - 1)
        epe = jnp.linalg.norm(pred_flows[i] - gt_flow, axis=1, keepdims=True)
        masked_mean = jnp.sum(jnp.where(gt_mask, epe, 0.0)) / count
        loss = loss + w * masked_mean
    return loss * loss_weight

if __name__ == "__main__":
    import jax
    _d = setup_inputs()
    print(jax.jit(kernel)(*tuple(_d.values())))

</pallas_src>

<mosaic_0001>
#map = affine_map<(d0, d1) -> (0, 0)>
#map1 = affine_map<(d0, d1) -> (0)>
module attributes {stable_mosaic.version = 14 : i64} {
  func.func @_body(%arg0: i32, %arg1: i32, %arg2: memref<368640x16xf32, #tpu.memory_space<hbm>>, %arg3: memref<272xi32, #tpu.memory_space<hbm>>, %arg4: memref<16xf32, #tpu.memory_space<hbm>>, %arg5: memref<272xi32, #tpu.memory_space<vmem>>, %arg6: memref<96xi32, #tpu.memory_space<vmem>>, %arg7: memref<10x80xi32, #tpu.memory_space<vmem>>, %arg8: memref<10x80x16xf32, #tpu.memory_space<vmem>>, %arg9: memref<16xf32, #tpu.memory_space<vmem>>, %arg10: memref<10x!tpu.dma_semaphore, #tpu.memory_space<semaphore_mem>>) attributes {dimension_semantics = [#tpu.dimension_semantics<core_parallel>, #tpu.dimension_semantics<subcore_parallel>], iteration_bounds = array<i64: 1, 1>, scalar_prefetch = 0 : i64, scratch_operands = 6 : i64, tpu.core_type = #tpu.core_type<sc_vector_subcore>, window_params = [{transform_indices = #map}, {transform_indices = #map1}, {transform_indices = #map1}]} {
    "tpu.region"() ({
      %run_scoped3A = tpu.sem_alloc : memref<!tpu.dma_semaphore, #tpu.memory_space<semaphore_mem>>
      tpu.enqueue_dma source(%arg3 : memref<272xi32, #tpu.memory_space<hbm>>) target(%arg5 : memref<272xi32, #tpu.memory_space<vmem>>) target_semaphore(%run_scoped3A : memref<!tpu.dma_semaphore, #tpu.memory_space<semaphore_mem>>)
      tpu.wait_dma2 semaphore(%run_scoped3A : memref<!tpu.dma_semaphore, #tpu.memory_space<semaphore_mem>>) src(%arg3 : memref<272xi32, #tpu.memory_space<hbm>>) dst(%arg5 : memref<272xi32, #tpu.memory_space<vmem>>)
      tpu.yield
    }) : () -> ()
    %iota3A = tpu.iota {dimensions = array<i32: 0>} : vector<16xi32>
    %add3A = arith.constant 0 : i32
    %add3A_0 = vector.broadcast %add3A : i32 to vector<16xi32>
    %add3A_1 = arith.addi %iota3A, %add3A_0 : vector<16xi32>
    %lt3A = arith.constant 68 : i32
    %lt3A_2 = vector.broadcast %lt3A : i32 to vector<16xi32>
    %lt3A_3 = arith.cmpi slt, %add3A_1, %lt3A_2 : vector<16xi32>
    %jit3A = arith.constant 67 : i32
    %broadcast_in_dim3A = vector.broadcast %jit3A : i32 to vector<16xi32>
    %select_n3A = arith.select %lt3A_3, %add3A_1, %broadcast_in_dim3A : vector<16xi1>, vector<16xi32>
    %jit3A_4 = arith.constant 17 : i32
    %div3A = vector.broadcast %jit3A_4 : i32 to vector<16xi32>
    %div3A_5 = arith.divsi %select_n3A, %div3A : vector<16xi32>
    %sign3A = arith.constant 0 : i32
    %sign3A_6 = vector.broadcast %sign3A : i32 to vector<16xi32>
    %sign3A_7 = arith.cmpi sgt, %select_n3A, %sign3A_6 : vector<16xi32>
    %sign3A_8 = arith.extui %sign3A_7 : vector<16xi1> to vector<16xi32>
    %sign3A_9 = arith.constant 0 : i32
    %sign3A_10 = vector.broadcast %sign3A_9 : i32 to vector<16xi32>
    %sign3A_11 = arith.cmpi slt, %select_n3A, %sign3A_10 : vector<16xi32>
    %sign3A_12 = arith.extui %sign3A_11 : vector<16xi1> to vector<16xi32>
    %sign3A_13 = arith.subi %sign3A_8, %sign3A_12 : vector<16xi32>
    %sign3A_14 = arith.constant 0 : i32
    %sign3A_15 = arith.cmpi sgt, %jit3A_4, %sign3A_14 : i32
    %sign3A_16 = arith.extui %sign3A_15 : i1 to i32
    %sign3A_17 = arith.constant 0 : i32
    %sign3A_18 = arith.cmpi slt, %jit3A_4, %sign3A_17 : i32
    %sign3A_19 = arith.extui %sign3A_18 : i1 to i32
    %sign3A_20 = arith.subi %sign3A_16, %sign3A_19 : i32
    %ne3A = vector.broadcast %sign3A_20 : i32 to vector<16xi32>
    %ne3A_21 = arith.cmpi ne, %sign3A_13, %ne3A : vector<16xi32>
    %rem3A = vector.broadcast %jit3A_4 : i32 to vector<16xi32>
    %rem3A_22 = arith.remsi %select_n3A, %rem3A : vector<16xi32>
    %ne3A_23 = arith.constant 0 : i32
    %ne3A_24 = vector.broadcast %ne3A_23 : i32 to vector<16xi32>
    %ne3A_25 = arith.cmpi ne, %rem3A_22, %ne3A_24 : vector<16xi32>
    %and3A = arith.andi %ne3A_21, %ne3A_25 : vector<16xi1>
    %sub3A = arith.constant 1 : i32
    %sub3A_26 = vector.broadcast %sub3A : i32 to vector<16xi32>
    %sub3A_27 = arith.subi %div3A_5, %sub3A_26 : vector<16xi32>
    %select_n3A_28 = arith.select %and3A, %sub3A_27, %div3A_5 : vector<16xi1>, vector<16xi32>
    %mul3A = arith.constant 17 : i32
    %mul3A_29 = vector.broadcast %mul3A : i32 to vector<16xi32>
    %mul3A_30 = arith.muli %select_n3A_28, %mul3A_29 : vector<16xi32>
    %sub3A_31 = arith.subi %select_n3A, %mul3A_30 : vector<16xi32>
    %mul3A_32 = arith.constant 68 : i32
    %mul3A_33 = vector.broadcast %mul3A_32 : i32 to vector<16xi32>
    %mul3A_34 = arith.muli %select_n3A_28, %mul3A_33 : vector<16xi32>
    %mul3A_35 = arith.constant 2 : i32
    %mul3A_36 = vector.broadcast %mul3A_35 : i32 to vector<16xi32>
    %mul3A_37 = arith.muli %sub3A_31, %mul3A_36 : vector<16xi32>
    %add3A_38 = arith.addi %mul3A_34, %mul3A_37 : vector<16xi32>
    %gather3A = tpu.vector_load_idx %arg5[%add3A_38] : memref<272xi32, #tpu.memory_space<vmem>>[vector<16xi32>], vector<16xi32>,
    %add3A_39 = arith.constant 1 : i32
    %add3A_40 = vector.broadcast %add3A_39 : i32 to vector<16xi32>
    %add3A_41 = arith.addi %add3A_38, %add3A_40 : vector<16xi32>
    %gather3A_42 = tpu.vector_load_idx %arg5[%add3A_41] : memref<272xi32, #tpu.memory_space<vmem>>[vector<16xi32>], vector<16xi32>,
    %add3A_43 = arith.constant 34 : i32
    %add3A_44 = vector.broadcast %add3A_43 : i32 to vector<16xi32>
    %add3A_45 = arith.addi %add3A_38, %add3A_44 : vector<16xi32>
    %gather3A_46 = tpu.vector_load_idx %arg5[%add3A_45] : memref<272xi32, #tpu.memory_space<vmem>>[vector<16xi32>], vector<16xi32>,
    %add3A_47 = arith.constant 34 : i32
    %add3A_48 = vector.broadcast %add3A_47 : i32 to vector<16xi32>
    %add3A_49 = arith.addi %add3A_38, %add3A_48 : vector<16xi32>
    %add3A_50 = arith.constant 1 : i32
    %add3A_51 = vector.broadcast %add3A_50 : i32 to vector<16xi32>
    %add3A_52 = arith.addi %add3A_49, %add3A_51 : vector<16xi32>
    %gather3A_53 = tpu.vector_load_idx %arg5[%add3A_52] : memref<272xi32, #tpu.memory_space<vmem>>[vector<16xi32>], vector<16xi32>,
    %ge3A = arith.constant 0 : i32
    %ge3A_54 = vector.broadcast %ge3A : i32 to vector<16xi32>
    %ge3A_55 = arith.cmpi sge, %gather3A, %ge3A_54 : vector<16xi32>
    %lt3A_56 = arith.constant 384 : i32
    %lt3A_57 = vector.broadcast %lt3A_56 : i32 to vector<16xi32>
    %lt3A_58 = arith.cmpi slt, %gather3A, %lt3A_57 : vector<16xi32>
    %and3A_59 = arith.andi %ge3A_55, %lt3A_58 : vector<16xi1>
    %ge3A_60 = arith.constant 0 : i32
    %ge3A_61 = vector.broadcast %ge3A_60 : i32 to vector<16xi32>
    %ge3A_62 = arith.cmpi sge, %gather3A_42, %ge3A_61 : vector<16xi32>
    %and3A_63 = arith.andi %and3A_59, %ge3A_62 : vector<16xi1>
    %lt3A_64 = arith.constant 384 : i32
    %lt3A_65 = vector.broadcast %lt3A_64 : i32 to vector<16xi32>
    %lt3A_66 = arith.cmpi slt, %gather3A_42, %lt3A_65 : vector<16xi32>
    %and3A_67 = arith.andi %and3A_63, %lt3A_66 : vector<16xi1>
    %ge3A_68 = arith.constant 0 : i32
    %ge3A_69 = vector.broadcast %ge3A_68 : i32 to vector<16xi32>
    %ge3A_70 = arith.cmpi sge, %gather3A_46, %ge3A_69 : vector<16xi32>
    %and3A_71 = arith.andi %and3A_67, %ge3A_70 : vector<16xi1>
    %lt3A_72 = arith.constant 384 : i32
    %lt3A_73 = vector.broadcast %lt3A_72 : i32 to vector<16xi32>
    %lt3A_74 = arith.cmpi slt, %gather3A_46, %lt3A_73 : vector<16xi32>
    %and3A_75 = arith.andi %and3A_71, %lt3A_74 : vector<16xi1>
    %ge3A_76 = arith.constant 0 : i32
    %ge3A_77 = vector.broadcast %ge3A_76 : i32 to vector<16xi32>
    %ge3A_78 = arith.cmpi sge, %gather3A_53, %ge3A_77 : vector<16xi32>
    %and3A_79 = arith.andi %and3A_75, %ge3A_78 : vector<16xi1>
    %lt3A_80 = arith.constant 384 : i32
    %lt3A_81 = vector.broadcast %lt3A_80 : i32 to vector<16xi32>
    %lt3A_82 = arith.cmpi slt, %gather3A_53, %lt3A_81 : vector<16xi32>
    %and3A_83 = arith.andi %and3A_79, %lt3A_82 : vector<16xi1>
    %and3A_84 = arith.andi %and3A_83, %lt3A_3 : vector<16xi1>
    %mul3A_85 = arith.constant 384 : i32
    %mul3A_86 = vector.broadcast %mul3A_85 : i32 to vector<16xi32>
    %mul3A_87 = arith.muli %select_n3A_28, %mul3A_86 : vector<16xi32>
    %add3A_88 = arith.addi %mul3A_87, %gather3A_42 : vector<16xi32>
    %mul3A_89 = arith.constant 384 : i32
    %mul3A_90 = vector.broadcast %mul3A_89 : i32 to vector<16xi32>
    %mul3A_91 = arith.muli %add3A_88, %mul3A_90 : vector<16xi32>
    %add3A_92 = arith.addi %mul3A_91, %gather3A : vector<16xi32>
    %jit3A_93 = arith.constant -1 : i32
    %broadcast_in_dim3A_94 = vector.broadcast %jit3A_93 : i32 to vector<16xi32>
    %select_n3A_95 = arith.select %and3A_84, %add3A_92, %broadcast_in_dim3A_94 : vector<16xi1>, vector<16xi32>
    %swap3A = arith.constant 0 : index
    %swap3A_96 = tpu.vector_load %arg6[%swap3A] {strides = array<i32>} : memref<96xi32, #tpu.memory_space<vmem>>, vector<16xi32>,
    tpu.vector_store %arg6[%swap3A], %select_n3A_95 {strides = array<i32>} : memref<96xi32, #tpu.memory_space<vmem>>, vector<16xi32>,
    %ne3A_97 = arith.cmpi ne, %gather3A_46, %gather3A : vector<16xi32>
    %ne3A_98 = arith.cmpi ne, %gather3A_53, %gather3A_42 : vector<16xi32>
    %or3A = arith.ori %ne3A_97, %ne3A_98 : vector<16xi1>
    %sub3A_99 = arith.subi %gather3A_46, %gather3A : vector<16xi32>
    %convert_element_type3A = arith.sitofp %sub3A_99 : vector<16xi32> to vector<16xf32>
    %sub3A_100 = arith.subi %gather3A_53, %gather3A_42 : vector<16xi32>
    %convert_element_type3A_101 = arith.sitofp %sub3A_100 : vector<16xi32> to vector<16xf32>
    %mul3A_102 = arith.constant 2 : i32
    %mul3A_103 = vector.broadcast %mul3A_102 : i32 to vector<16xi32>
    %mul3A_104 = arith.muli %select_n3A_28, %mul3A_103 : vector<16xi32>
    %mul3A_105 = arith.constant 384 : i32
    %mul3A_106 = vector.broadcast %mul3A_105 : i32 to vector<16xi32>
    %mul3A_107 = arith.muli %mul3A_104, %mul3A_106 : vector<16xi32>
    %add3A_108 = arith.addi %mul3A_107, %gather3A_42 : vector<16xi32>
    %mul3A_109 = arith.constant 24 : i32
    %mul3A_110 = vector.broadcast %mul3A_109 : i32 to vector<16xi32>
    %mul3A_111 = arith.muli %add3A_108, %mul3A_110 : vector<16xi32>
    %shift_right_arithmetic3A = arith.constant 4 : i32
    %shift_right_arithmetic3A_112 = vector.broadcast %shift_right_arithmetic3A : i32 to vector<16xi32>
    %shift_right_arithmetic3A_113 = arith.shrsi %gather3A, %shift_right_arithmetic3A_112 : vector<16xi32>
    %add3A_114 = arith.addi %mul3A_111, %shift_right_arithmetic3A_113 : vector<16xi32>
    %jit3A_115 = arith.constant 0 : i32
    %broadcast_in_dim3A_116 = vector.broadcast %jit3A_115 : i32 to vector<16xi32>
    %select_n3A_117 = arith.select %and3A_84, %add3A_114, %broadcast_in_dim3A_116 : vector<16xi1>, vector<16xi32>
    %and3A_118 = arith.constant 15 : i32
    %and3A_119 = vector.broadcast %and3A_118 : i32 to vector<16xi32>
    %and3A_120 = arith.andi %gather3A, %and3A_119 : vector<16xi32>
    %jit3A_121 = arith.constant 0 : i32
    %broadcast_in_dim3A_122 = vector.broadcast %jit3A_121 : i32 to vector<16xi32>
    %select_n3A_123 = arith.select %and3A_84, %and3A_120, %broadcast_in_dim3A_122 : vector<16xi1>, vector<16xi32>
    %and3A_124 = arith.andi %and3A_84, %or3A : vector<16xi1>
    %add3A_125 = arith.constant 16 : i32
    %add3A_126 = vector.broadcast %add3A_125 : i32 to vector<16xi32>
    %add3A_127 = arith.addi %iota3A, %add3A_126 : vector<16xi32>
    %lt3A_128 = arith.constant 68 : i32
    %lt3A_129 = vector.broadcast %lt3A_128 : i32 to vector<16xi32>
    %lt3A_130 = arith.cmpi slt, %add3A_127, %lt3A_129 : vector<16xi32>
    %jit3A_131 = arith.constant 67 : i32
    %broadcast_in_dim3A_132 = vector.broadcast %jit3A_131 : i32 to vector<16xi32>
    %select_n3A_133 = arith.select %lt3A_130, %add3A_127, %broadcast_in_dim3A_132 : vector<16xi1>, vector<16xi32>
    %jit3A_134 = arith.constant 17 : i32
    %div3A_135 = vector.broadcast %jit3A_134 : i32 to vector<16xi32>
    %div3A_136 = arith.divsi %select_n3A_133, %div3A_135 : vector<16xi32>
    %sign3A_137 = arith.constant 0 : i32
    %sign3A_138 = vector.broadcast %sign3A_137 : i32 to vector<16xi32>
    %sign3A_139 = arith.cmpi sgt, %select_n3A_133, %sign3A_138 : vector<16xi32>
    %sign3A_140 = arith.extui %sign3A_139 : vector<16xi1> to vector<16xi32>
    %sign3A_141 = arith.constant 0 : i32
    %sign3A_142 = vector.broadcast %sign3A_141 : i32 to vector<16xi32>
    %sign3A_143 = arith.cmpi slt, %select_n3A_133, %sign3A_142 : vector<16xi32>
    %sign3A_144 = arith.extui %sign3A_143 : vector<16xi1> to vector<16xi32>
    %sign3A_145 = arith.subi %sign3A_140, %sign3A_144 : vector<16xi32>
    %sign3A_146 = arith.constant 0 : i32
    %sign3A_147 = arith.cmpi sgt, %jit3A_134, %sign3A_146 : i32
    %sign3A_148 = arith.extui %sign3A_147 : i1 to i32
    %sign3A_149 = arith.constant 0 : i32
    %sign3A_150 = arith.cmpi slt, %jit3A_134, %sign3A_149 : i32
    %sign3A_151 = arith.extui %sign3A_150 : i1 to i32
    %sign3A_152 = arith.subi %sign3A_148, %sign3A_151 : i32
    %ne3A_153 = vector.broadcast %sign3A_152 : i32 to vector<16xi32>
    %ne3A_154 = arith.cmpi ne, %sign3A_145, %ne3A_153 : vector<16xi32>
    %rem3A_155 = vector.broadcast %jit3A_134 : i32 to vector<16xi32>
    %rem3A_156 = arith.remsi %select_n3A_133, %rem3A_155 : vector<16xi32>
    %ne3A_157 = arith.constant 0 : i32
    %ne3A_158 = vector.broadcast %ne3A_157 : i32 to vector<16xi32>
    %ne3A_159 = arith.cmpi ne, %rem3A_156, %ne3A_158 : vector<16xi32>
    %and3A_160 = arith.andi %ne3A_154, %ne3A_159 : vector<16xi1>
    %sub3A_161 = arith.constant 1 : i32
    %sub3A_162 = vector.broadcast %sub3A_161 : i32 to vector<16xi32>
    %sub3A_163 = arith.subi %div3A_136, %sub3A_162 : vector<16xi32>
    %select_n3A_164 = arith.select %and3A_160, %sub3A_163, %div3A_136 : vector<16xi1>, vector<16xi32>
    %mul3A_165 = arith.constant 17 : i32
    %mul3A_166 = vector.broadcast %mul3A_165 : i32 to vector<16xi32>
    %mul3A_167 = arith.muli %select_n3A_164, %mul3A_166 : vector<16xi32>
    %sub3A_168 = arith.subi %select_n3A_133, %mul3A_167 : vector<16xi32>
    %mul3A_169 = arith.constant 68 : i32
    %mul3A_170 = vector.broadcast %mul3A_169 : i32 to vector<16xi32>
    %mul3A_171 = arith.muli %select_n3A_164, %mul3A_170 : vector<16xi32>
    %mul3A_172 = arith.constant 2 : i32
    %mul3A_173 = vector.broadcast %mul3A_172 : i32 to vector<16xi32>
    %mul3A_174 = arith.muli %sub3A_168, %mul3A_173 : vector<16xi32>
    %add3A_175 = arith.addi %mul3A_171, %mul3A_174 : vector<16xi32>
    %gather3A_176 = tpu.vector_load_idx %arg5[%add3A_175] : memref<272xi32, #tpu.memory_space<vmem>>[vector<16xi32>], vector<16xi32>,
    %add3A_177 = arith.constant 1 : i32
    %add3A_178 = vector.broadcast %add3A_177 : i32 to vector<16xi32>
    %add3A_179 = arith.addi %add3A_175, %add3A_178 : vector<16xi32>
    %gather3A_180 = tpu.vector_load_idx %arg5[%add3A_179] : memref<272xi32, #tpu.memory_space<vmem>>[vector<16xi32>], vector<16xi32>,
    %add3A_181 = arith.constant 34 : i32
    %add3A_182 = vector.broadcast %add3A_181 : i32 to vector<16xi32>
    %add3A_183 = arith.addi %add3A_175, %add3A_182 : vector<16xi32>
    %gather3A_184 = tpu.vector_load_idx %arg5[%add3A_183] : memref<272xi32, #tpu.memory_space<vmem>>[vector<16xi32>], vector<16xi32>,
    %add3A_185 = arith.constant 34 : i32
    %add3A_186 = vector.broadcast %add3A_185 : i32 to vector<16xi32>
    %add3A_187 = arith.addi %add3A_175, %add3A_186 : vector<16xi32>
    %add3A_188 = arith.constant 1 : i32
    %add3A_189 = vector.broadcast %add3A_188 : i32 to vector<16xi32>
    %add3A_190 = arith.addi %add3A_187, %add3A_189 : vector<16xi32>
    %gather3A_191 = tpu.vector_load_idx %arg5[%add3A_190] : memref<272xi32, #tpu.memory_space<vmem>>[vector<16xi32>], vector<16xi32>,
    %ge3A_192 = arith.constant 0 : i32
    %ge3A_193 = vector.broadcast %ge3A_192 : i32 to vector<16xi32>
    %ge3A_194 = arith.cmpi sge, %gather3A_176, %ge3A_193 : vector<16xi32>
    %lt3A_195 = arith.constant 384 : i32
    %lt3A_196 = vector.broadcast %lt3A_195 : i32 to vector<16xi32>
    %lt3A_197 = arith.cmpi slt, %gather3A_176, %lt3A_196 : vector<16xi32>
    %and3A_198 = arith.andi %ge3A_194, %lt3A_197 : vector<16xi1>
    %ge3A_199 = arith.constant 0 : i32
    %ge3A_200 = vector.broadcast %ge3A_199 : i32 to vector<16xi32>
    %ge3A_201 = arith.cmpi sge, %gather3A_180, %ge3A_200 : vector<16xi32>
    %and3A_202 = arith.andi %and3A_198, %ge3A_201 : vector<16xi1>
    %lt3A_203 = arith.constant 384 : i32
    %lt3A_204 = vector.broadcast %lt3A_203 : i32 to vector<16xi32>
    %lt3A_205 = arith.cmpi slt, %gather3A_180, %lt3A_204 : vector<16xi32>
    %and3A_206 = arith.andi %and3A_202, %lt3A_205 : vector<16xi1>
    %ge3A_207 = arith.constant 0 : i32
    %ge3A_208 = vector.broadcast %ge3A_207 : i32 to vector<16xi32>
    %ge3A_209 = arith.cmpi sge, %gather3A_184, %ge3A_208 : vector<16xi32>
    %and3A_210 = arith.andi %and3A_206, %ge3A_209 : vector<16xi1>
    %lt3A_211 = arith.constant 384 : i32
    %lt3A_212 = vector.broadcast %lt3A_211 : i32 to vector<16xi32>
    %lt3A_213 = arith.cmpi slt, %gather3A_184, %lt3A_212 : vector<16xi32>
    %and3A_214 = arith.andi %and3A_210, %lt3A_213 : vector<16xi1>
    %ge3A_215 = arith.constant 0 : i32
    %ge3A_216 = vector.broadcast %ge3A_215 : i32 to vector<16xi32>
    %ge3A_217 = arith.cmpi sge, %gather3A_191, %ge3A_216 : vector<16xi32>
    %and3A_218 = arith.andi %and3A_214, %ge3A_217 : vector<16xi1>
    %lt3A_219 = arith.constant 384 : i32
    %lt3A_220 = vector.broadcast %lt3A_219 : i32 to vector<16xi32>
    %lt3A_221 = arith.cmpi slt, %gather3A_191, %lt3A_220 : vector<16xi32>
    %and3A_222 = arith.andi %and3A_218, %lt3A_221 : vector<16xi1>
    %and3A_223 = arith.andi %and3A_222, %lt3A_130 : vector<16xi1>
    %mul3A_224 = arith.constant 384 : i32
    %mul3A_225 = vector.broadcast %mul3A_224 : i32 to vector<16xi32>
    %mul3A_226 = arith.muli %select_n3A_164, %mul3A_225 : vector<16xi32>
    %add3A_227 = arith.addi %mul3A_226, %gather3A_180 : vector<16xi32>
    %mul3A_228 = arith.constant 384 : i32
    %mul3A_229 = vector.broadcast %mul3A_228 : i32 to vector<16xi32>
    %mul3A_230 = arith.muli %add3A_227, %mul3A_229 : vector<16xi32>
    %add3A_231 = arith.addi %mul3A_230, %gather3A_176 : vector<16xi32>
    %jit3A_232 = arith.constant -1 : i32
    %broadcast_in_dim3A_233 = vector.broadcast %jit3A_232 : i32 to vector<16xi32>
    %select_n3A_234 = arith.select %and3A_223, %add3A_231, %broadcast_in_dim3A_233 : vector<16xi1>, vector<16xi32>
    %swap3A_235 = arith.constant 16 : index
    %swap3A_236 = tpu.vector_load %arg6[%swap3A_235] {strides = array<i32>} : memref<96xi32, #tpu.memory_space<vmem>>, vector<16xi32>,
    tpu.vector_store %arg6[%swap3A_235], %select_n3A_234 {strides = array<i32>} : memref<96xi32, #tpu.memory_space<vmem>>, vector<16xi32>,
    %ne3A_237 = arith.cmpi ne, %gather3A_184, %gather3A_176 : vector<16xi32>
    %ne3A_238 = arith.cmpi ne, %gather3A_191, %gather3A_180 : vector<16xi32>
    %or3A_239 = arith.ori %ne3A_237, %ne3A_238 : vector<16xi1>
    %sub3A_240 = arith.subi %gather3A_184, %gather3A_176 : vector<16xi32>
    %convert_element_type3A_241 = arith.sitofp %sub3A_240 : vector<16xi32> to vector<16xf32>
    %sub3A_242 = arith.subi %gather3A_191, %gather3A_180 : vector<16xi32>
    %convert_element_type3A_243 = arith.sitofp %sub3A_242 : vector<16xi32> to vector<16xf32>
    %mul3A_244 = arith.constant 2 : i32
    %mul3A_245 = vector.broadcast %mul3A_244 : i32 to vector<16xi32>
    %mul3A_246 = arith.muli %select_n3A_164, %mul3A_245 : vector<16xi32>
    %mul3A_247 = arith.constant 384 : i32
    %mul3A_248 = vector.broadcast %mul3A_247 : i32 to vector<16xi32>
    %mul3A_249 = arith.muli %mul3A_246, %mul3A_248 : vector<16xi32>
    %add3A_250 = arith.addi %mul3A_249, %gather3A_180 : vector<16xi32>
    %mul3A_251 = arith.constant 24 : i32
    %mul3A_252 = vector.broadcast %mul3A_251 : i32 to vector<16xi32>
    %mul3A_253 = arith.muli %add3A_250, %mul3A_252 : vector<16xi32>
    %shift_right_arithmetic3A_254 = arith.constant 4 : i32
    %shift_right_arithmetic3A_255 = vector.broadcast %shift_right_arithmetic3A_254 : i32 to vector<16xi32>
    %shift_right_arithmetic3A_256 = arith.shrsi %gather3A_176, %shift_right_arithmetic3A_255 : vector<16xi32>
    %add3A_257 = arith.addi %mul3A_253, %shift_right_arithmetic3A_256 : vector<16xi32>
    %jit3A_258 = arith.constant 0 : i32
    %broadcast_in_dim3A_259 = vector.broadcast %jit3A_258 : i32 to vector<16xi32>
    %select_n3A_260 = arith.select %and3A_223, %add3A_257, %broadcast_in_dim3A_259 : vector<16xi1>, vector<16xi32>
    %and3A_261 = arith.constant 15 : i32
    %and3A_262 = vector.broadcast %and3A_261 : i32 to vector<16xi32>
    %and3A_263 = arith.andi %gather3A_176, %and3A_262 : vector<16xi32>
    %jit3A_264 = arith.constant 0 : i32
    %broadcast_in_dim3A_265 = vector.broadcast %jit3A_264 : i32 to vector<16xi32>
    %select_n3A_266 = arith.select %and3A_223, %and3A_263, %broadcast_in_dim3A_265 : vector<16xi1>, vector<16xi32>
    %and3A_267 = arith.andi %and3A_223, %or3A_239 : vector<16xi1>
    %add3A_268 = arith.constant 32 : i32
    %add3A_269 = vector.broadcast %add3A_268 : i32 to vector<16xi32>
    %add3A_270 = arith.addi %iota3A, %add3A_269 : vector<16xi32>
    %lt3A_271 = arith.constant 68 : i32
    %lt3A_272 = vector.broadcast %lt3A_271 : i32 to vector<16xi32>
    %lt3A_273 = arith.cmpi slt, %add3A_270, %lt3A_272 : vector<16xi32>
    %jit3A_274 = arith.constant 67 : i32
    %broadcast_in_dim3A_275 = vector.broadcast %jit3A_274 : i32 to vector<16xi32>
    %select_n3A_276 = arith.select %lt3A_273, %add3A_270, %broadcast_in_dim3A_275 : vector<16xi1>, vector<16xi32>
    %jit3A_277 = arith.constant 17 : i32
    %div3A_278 = vector.broadcast %jit3A_277 : i32 to vector<16xi32>
    %div3A_279 = arith.divsi %select_n3A_276, %div3A_278 : vector<16xi32>
    %sign3A_280 = arith.constant 0 : i32
    %sign3A_281 = vector.broadcast %sign3A_280 : i32 to vector<16xi32>
    %sign3A_282 = arith.cmpi sgt, %select_n3A_276, %sign3A_281 : vector<16xi32>
    %sign3A_283 = arith.extui %sign3A_282 : vector<16xi1> to vector<16xi32>
    %sign3A_284 = arith.constant 0 : i32
    %sign3A_285 = vector.broadcast %sign3A_284 : i32 to vector<16xi32>
    %sign3A_286 = arith.cmpi slt, %select_n3A_276, %sign3A_285 : vector<16xi32>
    %sign3A_287 = arith.extui %sign3A_286 : vector<16xi1> to vector<16xi32>
    %sign3A_288 = arith.subi %sign3A_283, %sign3A_287 : vector<16xi32>
    %sign3A_289 = arith.constant 0 : i32
    %sign3A_290 = arith.cmpi sgt, %jit3A_277, %sign3A_289 : i32
    %sign3A_291 = arith.extui %sign3A_290 : i1 to i32
    %sign3A_292 = arith.constant 0 : i32
    %sign3A_293 = arith.cmpi slt, %jit3A_277, %sign3A_292 : i32
    %sign3A_294 = arith.extui %sign3A_293 : i1 to i32
    %sign3A_295 = arith.subi %sign3A_291, %sign3A_294 : i32
    %ne3A_296 = vector.broadcast %sign3A_295 : i32 to vector<16xi32>
    %ne3A_297 = arith.cmpi ne, %sign3A_288, %ne3A_296 : vector<16xi32>
    %rem3A_298 = vector.broadcast %jit3A_277 : i32 to vector<16xi32>
    %rem3A_299 = arith.remsi %select_n3A_276, %rem3A_298 : vector<16xi32>
    %ne3A_300 = arith.constant 0 : i32
    %ne3A_301 = vector.broadcast %ne3A_300 : i32 to vector<16xi32>
    %ne3A_302 = arith.cmpi ne, %rem3A_299, %ne3A_301 : vector<16xi32>
    %and3A_303 = arith.andi %ne3A_297, %ne3A_302 : vector<16xi1>
    %sub3A_304 = arith.constant 1 : i32
    %sub3A_305 = vector.broadcast %sub3A_304 : i32 to vector<16xi32>
    %sub3A_306 = arith.subi %div3A_279, %sub3A_305 : vector<16xi32>
    %select_n3A_307 = arith.select %and3A_303, %sub3A_306, %div3A_279 : vector<16xi1>, vector<16xi32>
    %mul3A_308 = arith.constant 17 : i32
    %mul3A_309 = vector.broadcast %mul3A_308 : i32 to vector<16xi32>
    %mul3A_310 = arith.muli %select_n3A_307, %mul3A_309 : vector<16xi32>
    %sub3A_311 = arith.subi %select_n3A_276, %mul3A_310 : vector<16xi32>
    %mul3A_312 = arith.constant 68 : i32
    %mul3A_313 = vector.broadcast %mul3A_312 : i32 to vector<16xi32>
    %mul3A_314 = arith.muli %select_n3A_307, %mul3A_313 : vector<16xi32>
    %mul3A_315 = arith.constant 2 : i32
    %mul3A_316 = vector.broadcast %mul3A_315 : i32 to vector<16xi32>
    %mul3A_317 = arith.muli %sub3A_311, %mul3A_316 : vector<16xi32>
    %add3A_318 = arith.addi %mul3A_314, %mul3A_317 : vector<16xi32>
    %gather3A_319 = tpu.vector_load_idx %arg5[%add3A_318] : memref<272xi32, #tpu.memory_space<vmem>>[vector<16xi32>], vector<16xi32>,
    %add3A_320 = arith.constant 1 : i32
    %add3A_321 = vector.broadcast %add3A_320 : i32 to vector<16xi32>
    %add3A_322 = arith.addi %add3A_318, %add3A_321 : vector<16xi32>
    %gather3A_323 = tpu.vector_load_idx %arg5[%add3A_322] : memref<272xi32, #tpu.memory_space<vmem>>[vector<16xi32>], vector<16xi32>,
    %add3A_324 = arith.constant 34 : i32
    %add3A_325 = vector.broadcast %add3A_324 : i32 to vector<16xi32>
    %add3A_326 = arith.addi %add3A_318, %add3A_325 : vector<16xi32>
    %gather3A_327 = tpu.vector_load_idx %arg5[%add3A_326] : memref<272xi32, #tpu.memory_space<vmem>>[vector<16xi32>], vector<16xi32>,
    %add3A_328 = arith.constant 34 : i32
    %add3A_329 = vector.broadcast %add3A_328 : i32 to vector<16xi32>
    %add3A_330 = arith.addi %add3A_318, %add3A_329 : vector<16xi32>
    %add3A_331 = arith.constant 1 : i32
    %add3A_332 = vector.broadcast %add3A_331 : i32 to vector<16xi32>
    %add3A_333 = arith.addi %add3A_330, %add3A_332 : vector<16xi32>
    %gather3A_334 = tpu.vector_load_idx %arg5[%add3A_333] : memref<272xi32, #tpu.memory_space<vmem>>[vector<16xi32>], vector<16xi32>,
    %ge3A_335 = arith.constant 0 : i32
    %ge3A_336 = vector.broadcast %ge3A_335 : i32 to vector<16xi32>
    %ge3A_337 = arith.cmpi sge, %gather3A_319, %ge3A_336 : vector<16xi32>
    %lt3A_338 = arith.constant 384 : i32
    %lt3A_339 = vector.broadcast %lt3A_338 : i32 to vector<16xi32>
    %lt3A_340 = arith.cmpi slt, %gather3A_319, %lt3A_339 : vector<16xi32>
    %and3A_341 = arith.andi %ge3A_337, %lt3A_340 : vector<16xi1>
    %ge3A_342 = arith.constant 0 : i32
    %ge3A_343 = vector.broadcast %ge3A_342 : i32 to vector<16xi32>
    %ge3A_344 = arith.cmpi sge, %gather3A_323, %ge3A_343 : vector<16xi32>
    %and3A_345 = arith.andi %and3A_341, %ge3A_344 : vector<16xi1>
    %lt3A_346 = arith.constant 384 : i32
    %lt3A_347 = vector.broadcast %lt3A_346 : i32 to vector<16xi32>
    %lt3A_348 = arith.cmpi slt, %gather3A_323, %lt3A_347 : vector<16xi32>
    %and3A_349 = arith.andi %and3A_345, %lt3A_348 : vector<16xi1>
    %ge3A_350 = arith.constant 0 : i32
    %ge3A_351 = vector.broadcast %ge3A_350 : i32 to vector<16xi32>
    %ge3A_352 = arith.cmpi sge, %gather3A_327, %ge3A_351 : vector<16xi32>
    %and3A_353 = arith.andi %and3A_349, %ge3A_352 : vector<16xi1>
    %lt3A_354 = arith.constant 384 : i32
    %lt3A_355 = vector.broadcast %lt3A_354 : i32 to vector<16xi32>
    %lt3A_356 = arith.cmpi slt, %gather3A_327, %lt3A_355 : vector<16xi32>
    %and3A_357 = arith.andi %and3A_353, %lt3A_356 : vector<16xi1>
    %ge3A_358 = arith.constant 0 : i32
    %ge3A_359 = vector.broadcast %ge3A_358 : i32 to vector<16xi32>
    %ge3A_360 = arith.cmpi sge, %gather3A_334, %ge3A_359 : vector<16xi32>
    %and3A_361 = arith.andi %and3A_357, %ge3A_360 : vector<16xi1>
    %lt3A_362 = arith.constant 384 : i32
    %lt3A_363 = vector.broadcast %lt3A_362 : i32 to vector<16xi32>
    %lt3A_364 = arith.cmpi slt, %gather3A_334, %lt3A_363 : vector<16xi32>
    %and3A_365 = arith.andi %and3A_361, %lt3A_364 : vector<16xi1>
    %and3A_366 = arith.andi %and3A_365, %lt3A_273 : vector<16xi1>
    %mul3A_367 = arith.constant 384 : i32
    %mul3A_368 = vector.broadcast %mul3A_367 : i32 to vector<16xi32>
    %mul3A_369 = arith.muli %select_n3A_307, %mul3A_368 : vector<16xi32>
    %add3A_370 = arith.addi %mul3A_369, %gather3A_323 : vector<16xi32>
    %mul3A_371 = arith.constant 384 : i32
    %mul3A_372 = vector.broadcast %mul3A_371 : i32 to vector<16xi32>
    %mul3A_373 = arith.muli %add3A_370, %mul3A_372 : vector<16xi32>
    %add3A_374 = arith.addi %mul3A_373, %gather3A_319 : vector<16xi32>
    %jit3A_375 = arith.constant -1 : i32
    %broadcast_in_dim3A_376 = vector.broadcast %jit3A_375 : i32 to vector<16xi32>
    %select_n3A_377 = arith.select %and3A_366, %add3A_374, %broadcast_in_dim3A_376 : vector<16xi1>, vector<16xi32>
    %swap3A_378 = arith.constant 32 : index
    %swap3A_379 = tpu.vector_load %arg6[%swap3A_378] {strides = array<i32>} : memref<96xi32, #tpu.memory_space<vmem>>, vector<16xi32>,
    tpu.vector_store %arg6[%swap3A_378], %select_n3A_377 {strides = array<i32>} : memref<96xi32, #tpu.memory_space<vmem>>, vector<16xi32>,
    %ne3A_380 = arith.cmpi ne, %gather3A_327, %gather3A_319 : vector<16xi32>
    %ne3A_381 = arith.cmpi ne, %gather3A_334, %gather3A_323 : vector<16xi32>
    %or3A_382 = arith.ori %ne3A_380, %ne3A_381 : vector<16xi1>
    %sub3A_383 = arith.subi %gather3A_327, %gather3A_319 : vector<16xi32>
    %convert_element_type3A_384 = arith.sitofp %sub3A_383 : vector<16xi32> to vector<16xf32>
    %sub3A_385 = arith.subi %gather3A_334, %gather3A_323 : vector<16xi32>
    %convert_element_type3A_386 = arith.sitofp %sub3A_385 : vector<16xi32> to vector<16xf32>
    %mul3A_387 = arith.constant 2 : i32
    %mul3A_388 = vector.broadcast %mul3A_387 : i32 to vector<16xi32>
    %mul3A_389 = arith.muli %select_n3A_307, %mul3A_388 : vector<16xi32>
    %mul3A_390 = arith.constant 384 : i32
    %mul3A_391 = vector.broadcast %mul3A_390 : i32 to vector<16xi32>
    %mul3A_392 = arith.muli %mul3A_389, %mul3A_391 : vector<16xi32>
    %add3A_393 = arith.addi %mul3A_392, %gather3A_323 : vector<16xi32>
    %mul3A_394 = arith.constant 24 : i32
    %mul3A_395 = vector.broadcast %mul3A_394 : i32 to vector<16xi32>
    %mul3A_396 = arith.muli %add3A_393, %mul3A_395 : vector<16xi32>
    %shift_right_arithmetic3A_397 = arith.constant 4 : i32
    %shift_right_arithmetic3A_398 = vector.broadcast %shift_right_arithmetic3A_397 : i32 to vector<16xi32>
    %shift_right_arithmetic3A_399 = arith.shrsi %gather3A_319, %shift_right_arithmetic3A_398 : vector<16xi32>
    %add3A_400 = arith.addi %mul3A_396, %shift_right_arithmetic3A_399 : vector<16xi32>
    %jit3A_401 = arith.constant 0 : i32
    %broadcast_in_dim3A_402 = vector.broadcast %jit3A_401 : i32 to vector<16xi32>
    %select_n3A_403 = arith.select %and3A_366, %add3A_400, %broadcast_in_dim3A_402 : vector<16xi1>, vector<16xi32>
    %and3A_404 = arith.constant 15 : i32
    %and3A_405 = vector.broadcast %and3A_404 : i32 to vector<16xi32>
    %and3A_406 = arith.andi %gather3A_319, %and3A_405 : vector<16xi32>
    %jit3A_407 = arith.constant 0 : i32
    %broadcast_in_dim3A_408 = vector.broadcast %jit3A_407 : i32 to vector<16xi32>
    %select_n3A_409 = arith.select %and3A_366, %and3A_406, %broadcast_in_dim3A_408 : vector<16xi1>, vector<16xi32>
    %and3A_410 = arith.andi %and3A_366, %or3A_382 : vector<16xi1>
    %add3A_411 = arith.constant 48 : i32
    %add3A_412 = vector.broadcast %add3A_411 : i32 to vector<16xi32>
    %add3A_413 = arith.addi %iota3A, %add3A_412 : vector<16xi32>
    %lt3A_414 = arith.constant 68 : i32
    %lt3A_415 = vector.broadcast %lt3A_414 : i32 to vector<16xi32>
    %lt3A_416 = arith.cmpi slt, %add3A_413, %lt3A_415 : vector<16xi32>
    %jit3A_417 = arith.constant 67 : i32
    %broadcast_in_dim3A_418 = vector.broadcast %jit3A_417 : i32 to vector<16xi32>
    %select_n3A_419 = arith.select %lt3A_416, %add3A_413, %broadcast_in_dim3A_418 : vector<16xi1>, vector<16xi32>
    %jit3A_420 = arith.constant 17 : i32
    %div3A_421 = vector.broadcast %jit3A_420 : i32 to vector<16xi32>
    %div3A_422 = arith.divsi %select_n3A_419, %div3A_421 : vector<16xi32>
    %sign3A_423 = arith.constant 0 : i32
    %sign3A_424 = vector.broadcast %sign3A_423 : i32 to vector<16xi32>
    %sign3A_425 = arith.cmpi sgt, %select_n3A_419, %sign3A_424 : vector<16xi32>
    %sign3A_426 = arith.extui %sign3A_425 : vector<16xi1> to vector<16xi32>
    %sign3A_427 = arith.constant 0 : i32
    %sign3A_428 = vector.broadcast %sign3A_427 : i32 to vector<16xi32>
    %sign3A_429 = arith.cmpi slt, %select_n3A_419, %sign3A_428 : vector<16xi32>
    %sign3A_430 = arith.extui %sign3A_429 : vector<16xi1> to vector<16xi32>
    %sign3A_431 = arith.subi %sign3A_426, %sign3A_430 : vector<16xi32>
    %sign3A_432 = arith.constant 0 : i32
    %sign3A_433 = arith.cmpi sgt, %jit3A_420, %sign3A_432 : i32
    %sign3A_434 = arith.extui %sign3A_433 : i1 to i32
    %sign3A_435 = arith.constant 0 : i32
    %sign3A_436 = arith.cmpi slt, %jit3A_420, %sign3A_435 : i32
    %sign3A_437 = arith.extui %sign3A_436 : i1 to i32
    %sign3A_438 = arith.subi %sign3A_434, %sign3A_437 : i32
    %ne3A_439 = vector.broadcast %sign3A_438 : i32 to vector<16xi32>
    %ne3A_440 = arith.cmpi ne, %sign3A_431, %ne3A_439 : vector<16xi32>
    %rem3A_441 = vector.broadcast %jit3A_420 : i32 to vector<16xi32>
    %rem3A_442 = arith.remsi %select_n3A_419, %rem3A_441 : vector<16xi32>
    %ne3A_443 = arith.constant 0 : i32
    %ne3A_444 = vector.broadcast %ne3A_443 : i32 to vector<16xi32>
    %ne3A_445 = arith.cmpi ne, %rem3A_442, %ne3A_444 : vector<16xi32>
    %and3A_446 = arith.andi %ne3A_440, %ne3A_445 : vector<16xi1>
    %sub3A_447 = arith.constant 1 : i32
    %sub3A_448 = vector.broadcast %sub3A_447 : i32 to vector<16xi32>
    %sub3A_449 = arith.subi %div3A_422, %sub3A_448 : vector<16xi32>
    %select_n3A_450 = arith.select %and3A_446, %sub3A_449, %div3A_422 : vector<16xi1>, vector<16xi32>
    %mul3A_451 = arith.constant 17 : i32
    %mul3A_452 = vector.broadcast %mul3A_451 : i32 to vector<16xi32>
    %mul3A_453 = arith.muli %select_n3A_450, %mul3A_452 : vector<16xi32>
    %sub3A_454 = arith.subi %select_n3A_419, %mul3A_453 : vector<16xi32>
    %mul3A_455 = arith.constant 68 : i32
    %mul3A_456 = vector.broadcast %mul3A_455 : i32 to vector<16xi32>
    %mul3A_457 = arith.muli %select_n3A_450, %mul3A_456 : vector<16xi32>
    %mul3A_458 = arith.constant 2 : i32
    %mul3A_459 = vector.broadcast %mul3A_458 : i32 to vector<16xi32>
    %mul3A_460 = arith.muli %sub3A_454, %mul3A_459 : vector<16xi32>
    %add3A_461 = arith.addi %mul3A_457, %mul3A_460 : vector<16xi32>
    %gather3A_462 = tpu.vector_load_idx %arg5[%add3A_461] : memref<272xi32, #tpu.memory_space<vmem>>[vector<16xi32>], vector<16xi32>,
    %add3A_463 = arith.constant 1 : i32
    %add3A_464 = vector.broadcast %add3A_463 : i32 to vector<16xi32>
    %add3A_465 = arith.addi %add3A_461, %add3A_464 : vector<16xi32>
    %gather3A_466 = tpu.vector_load_idx %arg5[%add3A_465] : memref<272xi32, #tpu.memory_space<vmem>>[vector<16xi32>], vector<16xi32>,
    %add3A_467 = arith.constant 34 : i32
    %add3A_468 = vector.broadcast %add3A_467 : i32 to vector<16xi32>
    %add3A_469 = arith.addi %add3A_461, %add3A_468 : vector<16xi32>
    %gather3A_470 = tpu.vector_load_idx %arg5[%add3A_469] : memref<272xi32, #tpu.memory_space<vmem>>[vector<16xi32>], vector<16xi32>,
    %add3A_471 = arith.constant 34 : i32
    %add3A_472 = vector.broadcast %add3A_471 : i32 to vector<16xi32>
    %add3A_473 = arith.addi %add3A_461, %add3A_472 : vector<16xi32>
    %add3A_474 = arith.constant 1 : i32
    %add3A_475 = vector.broadcast %add3A_474 : i32 to vector<16xi32>
    %add3A_476 = arith.addi %add3A_473, %add3A_475 : vector<16xi32>
    %gather3A_477 = tpu.vector_load_idx %arg5[%add3A_476] : memref<272xi32, #tpu.memory_space<vmem>>[vector<16xi32>], vector<16xi32>,
    %ge3A_478 = arith.constant 0 : i32
    %ge3A_479 = vector.broadcast %ge3A_478 : i32 to vector<16xi32>
    %ge3A_480 = arith.cmpi sge, %gather3A_462, %ge3A_479 : vector<16xi32>
    %lt3A_481 = arith.constant 384 : i32
    %lt3A_482 = vector.broadcast %lt3A_481 : i32 to vector<16xi32>
    %lt3A_483 = arith.cmpi slt, %gather3A_462, %lt3A_482 : vector<16xi32>
    %and3A_484 = arith.andi %ge3A_480, %lt3A_483 : vector<16xi1>
    %ge3A_485 = arith.constant 0 : i32
    %ge3A_486 = vector.broadcast %ge3A_485 : i32 to vector<16xi32>
    %ge3A_487 = arith.cmpi sge, %gather3A_466, %ge3A_486 : vector<16xi32>
    %and3A_488 = arith.andi %and3A_484, %ge3A_487 : vector<16xi1>
    %lt3A_489 = arith.constant 384 : i32
    %lt3A_490 = vector.broadcast %lt3A_489 : i32 to vector<16xi32>
    %lt3A_491 = arith.cmpi slt, %gather3A_466, %lt3A_490 : vector<16xi32>
    %and3A_492 = arith.andi %and3A_488, %lt3A_491 : vector<16xi1>
    %ge3A_493 = arith.constant 0 : i32
    %ge3A_494 = vector.broadcast %ge3A_493 : i32 to vector<16xi32>
    %ge3A_495 = arith.cmpi sge, %gather3A_470, %ge3A_494 : vector<16xi32>
    %and3A_496 = arith.andi %and3A_492, %ge3A_495 : vector<16xi1>
    %lt3A_497 = arith.constant 384 : i32
    %lt3A_498 = vector.broadcast %lt3A_497 : i32 to vector<16xi32>
    %lt3A_499 = arith.cmpi slt, %gather3A_470, %lt3A_498 : vector<16xi32>
    %and3A_500 = arith.andi %and3A_496, %lt3A_499 : vector<16xi1>
    %ge3A_501 = arith.constant 0 : i32
    %ge3A_502 = vector.broadcast %ge3A_501 : i32 to vector<16xi32>
    %ge3A_503 = arith.cmpi sge, %gather3A_477, %ge3A_502 : vector<16xi32>
    %and3A_504 = arith.andi %and3A_500, %ge3A_503 : vector<16xi1>
    %lt3A_505 = arith.constant 384 : i32
    %lt3A_506 = vector.broadcast %lt3A_505 : i32 to vector<16xi32>
    %lt3A_507 = arith.cmpi slt, %gather3A_477, %lt3A_506 : vector<16xi32>
    %and3A_508 = arith.andi %and3A_504, %lt3A_507 : vector<16xi1>
    %and3A_509 = arith.andi %and3A_508, %lt3A_416 : vector<16xi1>
    %mul3A_510 = arith.constant 384 : i32
    %mul3A_511 = vector.broadcast %mul3A_510 : i32 to vector<16xi32>
    %mul3A_512 = arith.muli %select_n3A_450, %mul3A_511 : vector<16xi32>
    %add3A_513 = arith.addi %mul3A_512, %gather3A_466 : vector<16xi32>
    %mul3A_514 = arith.constant 384 : i32
    %mul3A_515 = vector.broadcast %mul3A_514 : i32 to vector<16xi32>
    %mul3A_516 = arith.muli %add3A_513, %mul3A_515 : vector<16xi32>
    %add3A_517 = arith.addi %mul3A_516, %gather3A_462 : vector<16xi32>
    %jit3A_518 = arith.constant -1 : i32
    %broadcast_in_dim3A_519 = vector.broadcast %jit3A_518 : i32 to vector<16xi32>
    %select_n3A_520 = arith.select %and3A_509, %add3A_517, %broadcast_in_dim3A_519 : vector<16xi1>, vector<16xi32>
    %swap3A_521 = arith.constant 48 : index
    %swap3A_522 = tpu.vector_load %arg6[%swap3A_521] {strides = array<i32>} : memref<96xi32, #tpu.memory_space<vmem>>, vector<16xi32>,
    tpu.vector_store %arg6[%swap3A_521], %select_n3A_520 {strides = array<i32>} : memref<96xi32, #tpu.memory_space<vmem>>, vector<16xi32>,
    %ne3A_523 = arith.cmpi ne, %gather3A_470, %gather3A_462 : vector<16xi32>
    %ne3A_524 = arith.cmpi ne, %gather3A_477, %gather3A_466 : vector<16xi32>
    %or3A_525 = arith.ori %ne3A_523, %ne3A_524 : vector<16xi1>
    %sub3A_526 = arith.subi %gather3A_470, %gather3A_462 : vector<16xi32>
    %convert_element_type3A_527 = arith.sitofp %sub3A_526 : vector<16xi32> to vector<16xf32>
    %sub3A_528 = arith.subi %gather3A_477, %gather3A_466 : vector<16xi32>
    %convert_element_type3A_529 = arith.sitofp %sub3A_528 : vector<16xi32> to vector<16xf32>
    %mul3A_530 = arith.constant 2 : i32
    %mul3A_531 = vector.broadcast %mul3A_530 : i32 to vector<16xi32>
    %mul3A_532 = arith.muli %select_n3A_450, %mul3A_531 : vector<16xi32>
    %mul3A_533 = arith.constant 384 : i32
    %mul3A_534 = vector.broadcast %mul3A_533 : i32 to vector<16xi32>
    %mul3A_535 = arith.muli %mul3A_532, %mul3A_534 : vector<16xi32>
    %add3A_536 = arith.addi %mul3A_535, %gather3A_466 : vector<16xi32>
    %mul3A_537 = arith.constant 24 : i32
    %mul3A_538 = vector.broadcast %mul3A_537 : i32 to vector<16xi32>
    %mul3A_539 = arith.muli %add3A_536, %mul3A_538 : vector<16xi32>
    %shift_right_arithmetic3A_540 = arith.constant 4 : i32
    %shift_right_arithmetic3A_541 = vector.broadcast %shift_right_arithmetic3A_540 : i32 to vector<16xi32>
    %shift_right_arithmetic3A_542 = arith.shrsi %gather3A_462, %shift_right_arithmetic3A_541 : vector<16xi32>
    %add3A_543 = arith.addi %mul3A_539, %shift_right_arithmetic3A_542 : vector<16xi32>
    %jit3A_544 = arith.constant 0 : i32
    %broadcast_in_dim3A_545 = vector.broadcast %jit3A_544 : i32 to vector<16xi32>
    %select_n3A_546 = arith.select %and3A_509, %add3A_543, %broadcast_in_dim3A_545 : vector<16xi1>, vector<16xi32>
    %and3A_547 = arith.constant 15 : i32
    %and3A_548 = vector.broadcast %and3A_547 : i32 to vector<16xi32>
    %and3A_549 = arith.andi %gather3A_462, %and3A_548 : vector<16xi32>
    %jit3A_550 = arith.constant 0 : i32
    %broadcast_in_dim3A_551 = vector.broadcast %jit3A_550 : i32 to vector<16xi32>
    %select_n3A_552 = arith.select %and3A_509, %and3A_549, %broadcast_in_dim3A_551 : vector<16xi1>, vector<16xi32>
    %and3A_553 = arith.andi %and3A_509, %or3A_525 : vector<16xi1>
    %add3A_554 = arith.constant 64 : i32
    %add3A_555 = vector.broadcast %add3A_554 : i32 to vector<16xi32>
    %add3A_556 = arith.addi %iota3A, %add3A_555 : vector<16xi32>
    %lt3A_557 = arith.constant 68 : i32
    %lt3A_558 = vector.broadcast %lt3A_557 : i32 to vector<16xi32>
    %lt3A_559 = arith.cmpi slt, %add3A_556, %lt3A_558 : vector<16xi32>
    %jit3A_560 = arith.constant 67 : i32
    %broadcast_in_dim3A_561 = vector.broadcast %jit3A_560 : i32 to vector<16xi32>
    %select_n3A_562 = arith.select %lt3A_559, %add3A_556, %broadcast_in_dim3A_561 : vector<16xi1>, vector<16xi32>
    %jit3A_563 = arith.constant 17 : i32
    %div3A_564 = vector.broadcast %jit3A_563 : i32 to vector<16xi32>
    %div3A_565 = arith.divsi %select_n3A_562, %div3A_564 : vector<16xi32>
    %sign3A_566 = arith.constant 0 : i32
    %sign3A_567 = vector.broadcast %sign3A_566 : i32 to vector<16xi32>
    %sign3A_568 = arith.cmpi sgt, %select_n3A_562, %sign3A_567 : vector<16xi32>
    %sign3A_569 = arith.extui %sign3A_568 : vector<16xi1> to vector<16xi32>
    %sign3A_570 = arith.constant 0 : i32
    %sign3A_571 = vector.broadcast %sign3A_570 : i32 to vector<16xi32>
    %sign3A_572 = arith.cmpi slt, %select_n3A_562, %sign3A_571 : vector<16xi32>
    %sign3A_573 = arith.extui %sign3A_572 : vector<16xi1> to vector<16xi32>
    %sign3A_574 = arith.subi %sign3A_569, %sign3A_573 : vector<16xi32>
    %sign3A_575 = arith.constant 0 : i32
    %sign3A_576 = arith.cmpi sgt, %jit3A_563, %sign3A_575 : i32
    %sign3A_577 = arith.extui %sign3A_576 : i1 to i32
    %sign3A_578 = arith.constant 0 : i32
    %sign3A_579 = arith.cmpi slt, %jit3A_563, %sign3A_578 : i32
    %sign3A_580 = arith.extui %sign3A_579 : i1 to i32
    %sign3A_581 = arith.subi %sign3A_577, %sign3A_580 : i32
    %ne3A_582 = vector.broadcast %sign3A_581 : i32 to vector<16xi32>
    %ne3A_583 = arith.cmpi ne, %sign3A_574, %ne3A_582 : vector<16xi32>
    %rem3A_584 = vector.broadcast %jit3A_563 : i32 to vector<16xi32>
    %rem3A_585 = arith.remsi %select_n3A_562, %rem3A_584 : vector<16xi32>
    %ne3A_586 = arith.constant 0 : i32
    %ne3A_587 = vector.broadcast %ne3A_586 : i32 to vector<16xi32>
    %ne3A_588 = arith.cmpi ne, %rem3A_585, %ne3A_587 : vector<16xi32>
    %and3A_589 = arith.andi %ne3A_583, %ne3A_588 : vector<16xi1>
    %sub3A_590 = arith.constant 1 : i32
    %sub3A_591 = vector.broadcast %sub3A_590 : i32 to vector<16xi32>
    %sub3A_592 = arith.subi %div3A_565, %sub3A_591 : vector<16xi32>
    %select_n3A_593 = arith.select %and3A_589, %sub3A_592, %div3A_565 : vector<16xi1>, vector<16xi32>
    %mul3A_594 = arith.constant 17 : i32
    %mul3A_595 = vector.broadcast %mul3A_594 : i32 to vector<16xi32>
    %mul3A_596 = arith.muli %select_n3A_593, %mul3A_595 : vector<16xi32>
    %sub3A_597 = arith.subi %select_n3A_562, %mul3A_596 : vector<16xi32>
    %mul3A_598 = arith.constant 68 : i32
    %mul3A_599 = vector.broadcast %mul3A_598 : i32 to vector<16xi32>
    %mul3A_600 = arith.muli %select_n3A_593, %mul3A_599 : vector<16xi32>
    %mul3A_601 = arith.constant 2 : i32
    %mul3A_602 = vector.broadcast %mul3A_601 : i32 to vector<16xi32>
    %mul3A_603 = arith.muli %sub3A_597, %mul3A_602 : vector<16xi32>
    %add3A_604 = arith.addi %mul3A_600, %mul3A_603 : vector<16xi32>
    %gather3A_605 = tpu.vector_load_idx %arg5[%add3A_604] : memref<272xi32, #tpu.memory_space<vmem>>[vector<16xi32>], vector<16xi32>,
    %add3A_606 = arith.constant 1 : i32
    %add3A_607 = vector.broadcast %add3A_606 : i32 to vector<16xi32>
    %add3A_608 = arith.addi %add3A_604, %add3A_607 : vector<16xi32>
    %gather3A_609 = tpu.vector_load_idx %arg5[%add3A_608] : memref<272xi32, #tpu.memory_space<vmem>>[vector<16xi32>], vector<16xi32>,
    %add3A_610 = arith.constant 34 : i32
    %add3A_611 = vector.broadcast %add3A_610 : i32 to vector<16xi32>
    %add3A_612 = arith.addi %add3A_604, %add3A_611 : vector<16xi32>
    %gather3A_613 = tpu.vector_load_idx %arg5[%add3A_612] : memref<272xi32, #tpu.memory_space<vmem>>[vector<16xi32>], vector<16xi32>,
    %add3A_614 = arith.constant 34 : i32
    %add3A_615 = vector.broadcast %add3A_614 : i32 to vector<16xi32>
    %add3A_616 = arith.addi %add3A_604, %add3A_615 : vector<16xi32>
    %add3A_617 = arith.constant 1 : i32
    %add3A_618 = vector.broadcast %add3A_617 : i32 to vector<16xi32>
    %add3A_619 = arith.addi %add3A_616, %add3A_618 : vector<16xi32>
    %gather3A_620 = tpu.vector_load_idx %arg5[%add3A_619] : memref<272xi32, #tpu.memory_space<vmem>>[vector<16xi32>], vector<16xi32>,
    %ge3A_621 = arith.constant 0 : i32
    %ge3A_622 = vector.broadcast %ge3A_621 : i32 to vector<16xi32>
    %ge3A_623 = arith.cmpi sge, %gather3A_605, %ge3A_622 : vector<16xi32>
    %lt3A_624 = arith.constant 384 : i32
    %lt3A_625 = vector.broadcast %lt3A_624 : i32 to vector<16xi32>
    %lt3A_626 = arith.cmpi slt, %gather3A_605, %lt3A_625 : vector<16xi32>
    %and3A_627 = arith.andi %ge3A_623, %lt3A_626 : vector<16xi1>
    %ge3A_628 = arith.constant 0 : i32
    %ge3A_629 = vector.broadcast %ge3A_628 : i32 to vector<16xi32>
    %ge3A_630 = arith.cmpi sge, %gather3A_609, %ge3A_629 : vector<16xi32>
    %and3A_631 = arith.andi %and3A_627, %ge3A_630 : vector<16xi1>
    %lt3A_632 = arith.constant 384 : i32
    %lt3A_633 = vector.broadcast %lt3A_632 : i32 to vector<16xi32>
    %lt3A_634 = arith.cmpi slt, %gather3A_609, %lt3A_633 : vector<16xi32>
    %and3A_635 = arith.andi %and3A_631, %lt3A_634 : vector<16xi1>
    %ge3A_636 = arith.constant 0 : i32
    %ge3A_637 = vector.broadcast %ge3A_636 : i32 to vector<16xi32>
    %ge3A_638 = arith.cmpi sge, %gather3A_613, %ge3A_637 : vector<16xi32>
    %and3A_639 = arith.andi %and3A_635, %ge3A_638 : vector<16xi1>
    %lt3A_640 = arith.constant 384 : i32
    %lt3A_641 = vector.broadcast %lt3A_640 : i32 to vector<16xi32>
    %lt3A_642 = arith.cmpi slt, %gather3A_613, %lt3A_641 : vector<16xi32>
    %and3A_643 = arith.andi %and3A_639, %lt3A_642 : vector<16xi1>
    %ge3A_644 = arith.constant 0 : i32
    %ge3A_645 = vector.broadcast %ge3A_644 : i32 to vector<16xi32>
    %ge3A_646 = arith.cmpi sge, %gather3A_620, %ge3A_645 : vector<16xi32>
    %and3A_647 = arith.andi %and3A_643, %ge3A_646 : vector<16xi1>
    %lt3A_648 = arith.constant 384 : i32
    %lt3A_649 = vector.broadcast %lt3A_648 : i32 to vector<16xi32>
    %lt3A_650 = arith.cmpi slt, %gather3A_620, %lt3A_649 : vector<16xi32>
    %and3A_651 = arith.andi %and3A_647, %lt3A_650 : vector<16xi1>
    %and3A_652 = arith.andi %and3A_651, %lt3A_559 : vector<16xi1>
    %mul3A_653 = arith.constant 384 : i32
    %mul3A_654 = vector.broadcast %mul3A_653 : i32 to vector<16xi32>
    %mul3A_655 = arith.muli %select_n3A_593, %mul3A_654 : vector<16xi32>
    %add3A_656 = arith.addi %mul3A_655, %gather3A_609 : vector<16xi32>
    %mul3A_657 = arith.constant 384 : i32
    %mul3A_658 = vector.broadcast %mul3A_657 : i32 to vector<16xi32>
    %mul3A_659 = arith.muli %add3A_656, %mul3A_658 : vector<16xi32>
    %add3A_660 = arith.addi %mul3A_659, %gather3A_605 : vector<16xi32>
    %jit3A_661 = arith.constant -1 : i32
    %broadcast_in_dim3A_662 = vector.broadcast %jit3A_661 : i32 to vector<16xi32>
    %select_n3A_663 = arith.select %and3A_652, %add3A_660, %broadcast_in_dim3A_662 : vector<16xi1>, vector<16xi32>
    %swap3A_664 = arith.constant 64 : index
    %swap3A_665 = tpu.vector_load %arg6[%swap3A_664] {strides = array<i32>} : memref<96xi32, #tpu.memory_space<vmem>>, vector<16xi32>,
    tpu.vector_store %arg6[%swap3A_664], %select_n3A_663 {strides = array<i32>} : memref<96xi32, #tpu.memory_space<vmem>>, vector<16xi32>,
    %ne3A_666 = arith.cmpi ne, %gather3A_613, %gather3A_605 : vector<16xi32>
    %ne3A_667 = arith.cmpi ne, %gather3A_620, %gather3A_609 : vector<16xi32>
    %or3A_668 = arith.ori %ne3A_666, %ne3A_667 : vector<16xi1>
    %sub3A_669 = arith.subi %gather3A_613, %gather3A_605 : vector<16xi32>
    %convert_element_type3A_670 = arith.sitofp %sub3A_669 : vector<16xi32> to vector<16xf32>
    %sub3A_671 = arith.subi %gather3A_620, %gather3A_609 : vector<16xi32>
    %convert_element_type3A_672 = arith.sitofp %sub3A_671 : vector<16xi32> to vector<16xf32>
    %mul3A_673 = arith.constant 2 : i32
    %mul3A_674 = vector.broadcast %mul3A_673 : i32 to vector<16xi32>
    %mul3A_675 = arith.muli %select_n3A_593, %mul3A_674 : vector<16xi32>
    %mul3A_676 = arith.constant 384 : i32
    %mul3A_677 = vector.broadcast %mul3A_676 : i32 to vector<16xi32>
    %mul3A_678 = arith.muli %mul3A_675, %mul3A_677 : vector<16xi32>
    %add3A_679 = arith.addi %mul3A_678, %gather3A_609 : vector<16xi32>
    %mul3A_680 = arith.constant 24 : i32
    %mul3A_681 = vector.broadcast %mul3A_680 : i32 to vector<16xi32>
    %mul3A_682 = arith.muli %add3A_679, %mul3A_681 : vector<16xi32>
    %shift_right_arithmetic3A_683 = arith.constant 4 : i32
    %shift_right_arithmetic3A_684 = vector.broadcast %shift_right_arithmetic3A_683 : i32 to vector<16xi32>
    %shift_right_arithmetic3A_685 = arith.shrsi %gather3A_605, %shift_right_arithmetic3A_684 : vector<16xi32>
    %add3A_686 = arith.addi %mul3A_682, %shift_right_arithmetic3A_685 : vector<16xi32>
    %jit3A_687 = arith.constant 0 : i32
    %broadcast_in_dim3A_688 = vector.broadcast %jit3A_687 : i32 to vector<16xi32>
    %select_n3A_689 = arith.select %and3A_652, %add3A_686, %broadcast_in_dim3A_688 : vector<16xi1>, vector<16xi32>
    %and3A_690 = arith.constant 15 : i32
    %and3A_691 = vector.broadcast %and3A_690 : i32 to vector<16xi32>
    %and3A_692 = arith.andi %gather3A_605, %and3A_691 : vector<16xi32>
    %jit3A_693 = arith.constant 0 : i32
    %broadcast_in_dim3A_694 = vector.broadcast %jit3A_693 : i32 to vector<16xi32>
    %select_n3A_695 = arith.select %and3A_652, %and3A_692, %broadcast_in_dim3A_694 : vector<16xi1>, vector<16xi32>
    %and3A_696 = arith.andi %and3A_652, %or3A_668 : vector<16xi1>
    %add3A_697 = arith.constant 0 : i32
    %add3A_698 = vector.broadcast %add3A_697 : i32 to vector<16xi32>
    %add3A_699 = arith.addi %select_n3A_117, %add3A_698 : vector<16xi32>
    %swap3A_700 = arith.constant 0 : i32
    %swap3A_701 = arith.index_cast %swap3A_700 : i32 to index
    %swap3A_702 = arith.constant 0 : index
    %swap3A_703 = tpu.vector_load %arg7[%swap3A_701, %swap3A_702] {strides = array<i32>} : memref<10x80xi32, #tpu.memory_space<vmem>>, vector<16xi32>,
    tpu.vector_store %arg7[%swap3A_701, %swap3A_702], %add3A_699 {strides = array<i32>} : memref<10x80xi32, #tpu.memory_space<vmem>>, vector<16xi32>,
    %add3A_704 = arith.constant 0 : i32
    %add3A_705 = vector.broadcast %add3A_704 : i32 to vector<16xi32>
    %add3A_706 = arith.addi %select_n3A_260, %add3A_705 : vector<16xi32>
    %swap3A_707 = arith.constant 0 : i32
    %swap3A_708 = arith.index_cast %swap3A_707 : i32 to index
    %swap3A_709 = arith.constant 16 : index
    %swap3A_710 = tpu.vector_load %arg7[%swap3A_708, %swap3A_709] {strides = array<i32>} : memref<10x80xi32, #tpu.memory_space<vmem>>, vector<16xi32>,
    tpu.vector_store %arg7[%swap3A_708, %swap3A_709], %add3A_706 {strides = array<i32>} : memref<10x80xi32, #tpu.memory_space<vmem>>, vector<16xi32>,
    %add3A_711 = arith.constant 0 : i32
    %add3A_712 = vector.broadcast %add3A_711 : i32 to vector<16xi32>
    %add3A_713 = arith.addi %select_n3A_403, %add3A_712 : vector<16xi32>
    %swap3A_714 = arith.constant 0 : i32
    %swap3A_715 = arith.index_cast %swap3A_714 : i32 to index
    %swap3A_716 = arith.constant 32 : index
    %swap3A_717 = tpu.vector_load %arg7[%swap3A_715, %swap3A_716] {strides = array<i32>} : memref<10x80xi32, #tpu.memory_space<vmem>>, vector<16xi32>,
    tpu.vector_store %arg7[%swap3A_715, %swap3A_716], %add3A_713 {strides = array<i32>} : memref<10x80xi32, #tpu.memory_space<vmem>>, vector<16xi32>,
    %add3A_718 = arith.constant 0 : i32
    %add3A_719 = vector.broadcast %add3A_718 : i32 to vector<16xi32>
    %add3A_720 = arith.addi %select_n3A_546, %add3A_719 : vector<16xi32>
    %swap3A_721 = arith.constant 0 : i32
    %swap3A_722 = arith.index_cast %swap3A_721 : i32 to index
    %swap3A_723 = arith.constant 48 : index
    %swap3A_724 = tpu.vector_load %arg7[%swap3A_722, %swap3A_723] {strides = array<i32>} : memref<10x80xi32, #tpu.memory_space<vmem>>, vector<16xi32>,
    tpu.vector_store %arg7[%swap3A_722, %swap3A_723], %add3A_720 {strides = array<i32>} : memref<10x80xi32, #tpu.memory_space<vmem>>, vector<16xi32>,
    %add3A_725 = arith.constant 0 : i32
    %add3A_726 = vector.broadcast %add3A_725 : i32 to vector<16xi32>
    %add3A_727 = arith.addi %select_n3A_689, %add3A_726 : vector<16xi32>
    %swap3A_728 = arith.constant 0 : i32
    %swap3A_729 = arith.index_cast %swap3A_728 : i32 to index
    %swap3A_730 = arith.constant 64 : index
    %swap3A_731 = tpu.vector_load %arg7[%swap3A_729, %swap3A_730] {strides = array<i32>} : memref<10x80xi32, #tpu.memory_space<vmem>>, vector<16xi32>,
    tpu.vector_store %arg7[%swap3A_729, %swap3A_730], %add3A_727 {strides = array<i32>} : memref<10x80xi32, #tpu.memory_space<vmem>>, vector<16xi32>,
    %dma_start3A = arith.constant 0 : i32
    %dma_start3A_732 = arith.constant 0 : i32
    %dma_start3A_733 = arith.constant 0 : i32
    %dma_start3A_734 = arith.constant 0 : i32
    %dma_start3A_735 = arith.constant 0 : i32
    %dma_start3A_736 = tpu.memref_slice %arg8[%dma_start3A_732, %dma_start3A_734, %dma_start3A_735] : memref<10x80x16xf32, #tpu.memory_space<vmem>> -> memref<1x72x16xf32, #tpu.memory_space<vmem>>
    %dma_start3A_737 = tpu.memref_squeeze %dma_start3A_736 : memref<1x72x16xf32, #tpu.memory_space<vmem>> -> memref<72x16xf32, #tpu.memory_space<vmem>>
    %dma_start3A_738 = arith.constant 0 : i32
    %dma_start3A_739 = tpu.memref_slice %arg7[%dma_start3A, %dma_start3A_738] : memref<10x80xi32, #tpu.memory_space<vmem>> -> memref<1x72xi32, #tpu.memory_space<vmem>>
    %dma_start3A_740 = tpu.memref_squeeze %dma_start3A_739 : memref<1x72xi32, #tpu.memory_space<vmem>> -> memref<72xi32, #tpu.memory_space<vmem>>
    %dma_start3A_741 = arith.constant 0 : i32
    %dma_start3A_742 = arith.constant 0 : i32
    %dma_start3A_743 = tpu.memref_slice %arg2[%dma_start3A_741, %dma_start3A_742] : memref<368640x16xf32, #tpu.memory_space<hbm>> -> memref<368640x16xf32, #tpu.memory_space<hbm>>
    %dma_start3A_744 = tpu.memref_slice %arg10[%dma_start3A_733] : memref<10x!tpu.dma_semaphore, #tpu.memory_space<semaphore_mem>> -> memref<1x!tpu.dma_semaphore, #tpu.memory_space<semaphore_mem>>
    %dma_start3A_745 = tpu.memref_squeeze %dma_start3A_744 : memref<1x!tpu.dma_semaphore, #tpu.memory_space<semaphore_mem>> -> memref<!tpu.dma_semaphore, #tpu.memory_space<semaphore_mem>>
    tpu.enqueue_indirect_dma source(%dma_start3A_743 : memref<368640x16xf32, #tpu.memory_space<hbm>>) target(%dma_start3A_737 : memref<72x16xf32, #tpu.memory_space<vmem>>) offsets(%dma_start3A_740 : memref<72xi32, #tpu.memory_space<vmem>>) semaphore(%dma_start3A_745 : memref<!tpu.dma_semaphore, #tpu.memory_space<semaphore_mem>>)
    %add3A_746 = arith.constant 9216 : i32
    %add3A_747 = vector.broadcast %add3A_746 : i32 to vector<16xi32>
    %add3A_748 = arith.addi %select_n3A_117, %add3A_747 : vector<16xi32>
    %swap3A_749 = arith.constant 1 : i32
    %swap3A_750 = arith.index_cast %swap3A_749 : i32 to index
    %swap3A_751 = arith.constant 0 : index
    %swap3A_752 = tpu.vector_load %arg7[%swap3A_750, %swap3A_751] {strides = array<i32>} : memref<10x80xi32, #tpu.memory_space<vmem>>, vector<16xi32>,
    tpu.vector_store %arg7[%swap3A_750, %swap3A_751], %add3A_748 {strides = array<i32>} : memref<10x80xi32, #tpu.memory_space<vmem>>, vector<16xi32>,
    %add3A_753 = arith.constant 9216 : i32
    %add3A_754 = vector.broadcast %add3A_753 : i32 to vector<16xi32>
    %add3A_755 = arith.addi %select_n3A_260, %add3A_754 : vector<16xi32>
    %swap3A_756 = arith.constant 1 : i32
    %swap3A_757 = arith.index_cast %swap3A_756 : i32 to index
    %swap3A_758 = arith.constant 16 : index
    %swap3A_759 = tpu.vector_load %arg7[%swap3A_757, %swap3A_758] {strides = array<i32>} : memref<10x80xi32, #tpu.memory_space<vmem>>, vector<16xi32>,
    tpu.vector_store %arg7[%swap3A_757, %swap3A_758], %add3A_755 {strides = array<i32>} : memref<10x80xi32, #tpu.memory_space<vmem>>, vector<16xi32>,
    %add3A_760 = arith.constant 9216 : i32
    %add3A_761 = vector.broadcast %add3A_760 : i32 to vector<16xi32>
    %add3A_762 = arith.addi %select_n3A_403, %add3A_761 : vector<16xi32>
    %swap3A_763 = arith.constant 1 : i32
    %swap3A_764 = arith.index_cast %swap3A_763 : i32 to index
    %swap3A_765 = arith.constant 32 : index
    %swap3A_766 = tpu.vector_load %arg7[%swap3A_764, %swap3A_765] {strides = array<i32>} : memref<10x80xi32, #tpu.memory_space<vmem>>, vector<16xi32>,
    tpu.vector_store %arg7[%swap3A_764, %swap3A_765], %add3A_762 {strides = array<i32>} : memref<10x80xi32, #tpu.memory_space<vmem>>, vector<16xi32>,
    %add3A_767 = arith.constant 9216 : i32
    %add3A_768 = vector.broadcast %add3A_767 : i32 to vector<16xi32>
    %add3A_769 = arith.addi %select_n3A_546, %add3A_768 : vector<16xi32>
    %swap3A_770 = arith.constant 1 : i32
    %swap3A_771 = arith.index_cast %swap3A_770 : i32 to index
    %swap3A_772 = arith.constant 48 : index
    %swap3A_773 = tpu.vector_load %arg7[%swap3A_771, %swap3A_772] {strides = array<i32>} : memref<10x80xi32, #tpu.memory_space<vmem>>, vector<16xi32>,
    tpu.vector_store %arg7[%swap3A_771, %swap3A_772], %add3A_769 {strides = array<i32>} : memref<10x80xi32, #tpu.memory_space<vmem>>, vector<16xi32>,
    %add3A_774 = arith.constant 9216 : i32
    %add3A_775 = vector.broadcast %add3A_774 : i32 to vector<16xi32>
    %add3A_776 = arith.addi %select_n3A_689, %add3A_775 : vector<16xi32>
    %swap3A_777 = arith.constant 1 : i32
    %swap3A_778 = arith.index_cast %swap3A_777 : i32 to index
    %swap3A_779 = arith.constant 64 : index
    %swap3A_780 = tpu.vector_load %arg7[%swap3A_778, %swap3A_779] {strides = array<i32>} : memref<10x80xi32, #tpu.memory_space<vmem>>, vector<16xi32>,
    tpu.vector_store %arg7[%swap3A_778, %swap3A_779], %add3A_776 {strides = array<i32>} : memref<10x80xi32, #tpu.memory_space<vmem>>, vector<16xi32>,
    %dma_start3A_781 = arith.constant 1 : i32
    %dma_start3A_782 = arith.constant 1 : i32
    %dma_start3A_783 = arith.constant 1 : i32
    %dma_start3A_784 = arith.constant 0 : i32
    %dma_start3A_785 = arith.constant 0 : i32
    %dma_start3A_786 = tpu.memref_slice %arg8[%dma_start3A_782, %dma_start3A_784, %dma_start3A_785] : memref<10x80x16xf32, #tpu.memory_space<vmem>> -> memref<1x72x16xf32, #tpu.memory_space<vmem>>
    %dma_start3A_787 = tpu.memref_squeeze %dma_start3A_786 : memref<1x72x16xf32, #tpu.memory_space<vmem>> -> memref<72x16xf32, #tpu.memory_space<vmem>>
    %dma_start3A_788 = arith.constant 0 : i32
    %dma_start3A_789 = tpu.memref_slice %arg7[%dma_start3A_781, %dma_start3A_788] : memref<10x80xi32, #tpu.memory_space<vmem>> -> memref<1x72xi32, #tpu.memory_space<vmem>>
    %dma_start3A_790 = tpu.memref_squeeze %dma_start3A_789 : memref<1x72xi32, #tpu.memory_space<vmem>> -> memref<72xi32, #tpu.memory_space<vmem>>
    %dma_start3A_791 = arith.constant 0 : i32
    %dma_start3A_792 = arith.constant 0 : i32
    %dma_start3A_793 = tpu.memref_slice %arg2[%dma_start3A_791, %dma_start3A_792] : memref<368640x16xf32, #tpu.memory_space<hbm>> -> memref<368640x16xf32, #tpu.memory_space<hbm>>
    %dma_start3A_794 = tpu.memref_slice %arg10[%dma_start3A_783] : memref<10x!tpu.dma_semaphore, #tpu.memory_space<semaphore_mem>> -> memref<1x!tpu.dma_semaphore, #tpu.memory_space<semaphore_mem>>
    %dma_start3A_795 = tpu.memref_squeeze %dma_start3A_794 : memref<1x!tpu.dma_semaphore, #tpu.memory_space<semaphore_mem>> -> memref<!tpu.dma_semaphore, #tpu.memory_space<semaphore_mem>>
    tpu.enqueue_indirect_dma source(%dma_start3A_793 : memref<368640x16xf32, #tpu.memory_space<hbm>>) target(%dma_start3A_787 : memref<72x16xf32, #tpu.memory_space<vmem>>) offsets(%dma_start3A_790 : memref<72xi32, #tpu.memory_space<vmem>>) semaphore(%dma_start3A_795 : memref<!tpu.dma_semaphore, #tpu.memory_space<semaphore_mem>>)
    %add3A_796 = arith.constant 73728 : i32
    %add3A_797 = vector.broadcast %add3A_796 : i32 to vector<16xi32>
    %add3A_798 = arith.addi %select_n3A_117, %add3A_797 : vector<16xi32>
    %swap3A_799 = arith.constant 2 : i32
    %swap3A_800 = arith.index_cast %swap3A_799 : i32 to index
    %swap3A_801 = arith.constant 0 : index
    %swap3A_802 = tpu.vector_load %arg7[%swap3A_800, %swap3A_801] {strides = array<i32>} : memref<10x80xi32, #tpu.memory_space<vmem>>, vector<16xi32>,
    tpu.vector_store %arg7[%swap3A_800, %swap3A_801], %add3A_798 {strides = array<i32>} : memref<10x80xi32, #tpu.memory_space<vmem>>, vector<16xi32>,
    %add3A_803 = arith.constant 73728 : i32
    %add3A_804 = vector.broadcast %add3A_803 : i32 to vector<16xi32>
    %add3A_805 = arith.addi %select_n3A_260, %add3A_804 : vector<16xi32>
    %swap3A_806 = arith.constant 2 : i32
    %swap3A_807 = arith.index_cast %swap3A_806 : i32 to index
    %swap3A_808 = arith.constant 16 : index
    %swap3A_809 = tpu.vector_load %arg7[%swap3A_807, %swap3A_808] {strides = array<i32>} : memref<10x80xi32, #tpu.memory_space<vmem>>, vector<16xi32>,
    tpu.vector_store %arg7[%swap3A_807, %swap3A_808], %add3A_805 {strides = array<i32>} : memref<10x80xi32, #tpu.memory_space<vmem>>, vector<16xi32>,
    %add3A_810 = arith.constant 73728 : i32
    %add3A_811 = vector.broadcast %add3A_810 : i32 to vector<16xi32>
    %add3A_812 = arith.addi %select_n3A_403, %add3A_811 : vector<16xi32>
    %swap3A_813 = arith.constant 2 : i32
    %swap3A_814 = arith.index_cast %swap3A_813 : i32 to index
    %swap3A_815 = arith.constant 32 : index
    %swap3A_816 = tpu.vector_load %arg7[%swap3A_814, %swap3A_815] {strides = array<i32>} : memref<10x80xi32, #tpu.memory_space<vmem>>, vector<16xi32>,
    tpu.vector_store %arg7[%swap3A_814, %swap3A_815], %add3A_812 {strides = array<i32>} : memref<10x80xi32, #tpu.memory_space<vmem>>, vector<16xi32>,
    %add3A_817 = arith.constant 73728 : i32
    %add3A_818 = vector.broadcast %add3A_817 : i32 to vector<16xi32>
    %add3A_819 = arith.addi %select_n3A_546, %add3A_818 : vector<16xi32>
    %swap3A_820 = arith.constant 2 : i32
    %swap3A_821 = arith.index_cast %swap3A_820 : i32 to index
    %swap3A_822 = arith.constant 48 : index
    %swap3A_823 = tpu.vector_load %arg7[%swap3A_821, %swap3A_822] {strides = array<i32>} : memref<10x80xi32, #tpu.memory_space<vmem>>, vector<16xi32>,
    tpu.vector_store %arg7[%swap3A_821, %swap3A_822], %add3A_819 {strides = array<i32>} : memref<10x80xi32, #tpu.memory_space<vmem>>, vector<16xi32>,
    %add3A_824 = arith.constant 73728 : i32
    %add3A_825 = vector.broadcast %add3A_824 : i32 to vector<16xi32>
    %add3A_826 = arith.addi %select_n3A_689, %add3A_825 : vector<16xi32>
    %swap3A_827 = arith.constant 2 : i32
    %swap3A_828 = arith.index_cast %swap3A_827 : i32 to index
    %swap3A_829 = arith.constant 64 : index
    %swap3A_830 = tpu.vector_load %arg7[%swap3A_828, %swap3A_829] {strides = array<i32>} : memref<10x80xi32, #tpu.memory_space<vmem>>, vector<16xi32>,
    tpu.vector_store %arg7[%swap3A_828, %swap3A_829], %add3A_826 {strides = array<i32>} : memref<10x80xi32, #tpu.memory_space<vmem>>, vector<16xi32>,
    %dma_start3A_831 = arith.constant 2 : i32
    %dma_start3A_832 = arith.constant 2 : i32
    %dma_start3A_833 = arith.constant 2 : i32
    %dma_start3A_834 = arith.constant 0 : i32
    %dma_start3A_835 = arith.constant 0 : i32
    %dma_start3A_836 = tpu.memref_slice %arg8[%dma_start3A_832, %dma_start3A_834, %dma_start3A_835] : memref<10x80x16xf32, #tpu.memory_space<vmem>> -> memref<1x72x16xf32, #tpu.memory_space<vmem>>
    %dma_start3A_837 = tpu.memref_squeeze %dma_start3A_836 : memref<1x72x16xf32, #tpu.memory_space<vmem>> -> memref<72x16xf32, #tpu.memory_space<vmem>>
    %dma_start3A_838 = arith.constant 0 : i32
    %dma_start3A_839 = tpu.memref_slice %arg7[%dma_start3A_831, %dma_start3A_838] : memref<10x80xi32, #tpu.memory_space<vmem>> -> memref<1x72xi32, #tpu.memory_space<vmem>>
    %dma_start3A_840 = tpu.memref_squeeze %dma_start3A_839 : memref<1x72xi32, #tpu.memory_space<vmem>> -> memref<72xi32, #tpu.memory_space<vmem>>
    %dma_start3A_841 = arith.constant 0 : i32
    %dma_start3A_842 = arith.constant 0 : i32
    %dma_start3A_843 = tpu.memref_slice %arg2[%dma_start3A_841, %dma_start3A_842] : memref<368640x16xf32, #tpu.memory_space<hbm>> -> memref<368640x16xf32, #tpu.memory_space<hbm>>
    %dma_start3A_844 = tpu.memref_slice %arg10[%dma_start3A_833] : memref<10x!tpu.dma_semaphore, #tpu.memory_space<semaphore_mem>> -> memref<1x!tpu.dma_semaphore, #tpu.memory_space<semaphore_mem>>
    %dma_start3A_845 = tpu.memref_squeeze %dma_start3A_844 : memref<1x!tpu.dma_semaphore, #tpu.memory_space<semaphore_mem>> -> memref<!tpu.dma_semaphore, #tpu.memory_space<semaphore_mem>>
    tpu.enqueue_indirect_dma source(%dma_start3A_843 : memref<368640x16xf32, #tpu.memory_space<hbm>>) target(%dma_start3A_837 : memref<72x16xf32, #tpu.memory_space<vmem>>) offsets(%dma_start3A_840 : memref<72xi32, #tpu.memory_space<vmem>>) semaphore(%dma_start3A_845 : memref<!tpu.dma_semaphore, #tpu.memory_space<semaphore_mem>>)
    %add3A_846 = arith.constant 82944 : i32
    %add3A_847 = vector.broadcast %add3A_846 : i32 to vector<16xi32>
    %add3A_848 = arith.addi %select_n3A_117, %add3A_847 : vector<16xi32>
    %swap3A_849 = arith.constant 3 : i32
    %swap3A_850 = arith.index_cast %swap3A_849 : i32 to index
    %swap3A_851 = arith.constant 0 : index
    %swap3A_852 = tpu.vector_load %arg7[%swap3A_850, %swap3A_851] {strides = array<i32>} : memref<10x80xi32, #tpu.memory_space<vmem>>, vector<16xi32>,
    tpu.vector_store %arg7[%swap3A_850, %swap3A_851], %add3A_848 {strides = array<i32>} : memref<10x80xi32, #tpu.memory_space<vmem>>, vector<16xi32>,
    %add3A_853 = arith.constant 82944 : i32
    %add3A_854 = vector.broadcast %add3A_853 : i32 to vector<16xi32>
    %add3A_855 = arith.addi %select_n3A_260, %add3A_854 : vector<16xi32>
    %swap3A_856 = arith.constant 3 : i32
    %swap3A_857 = arith.index_cast %swap3A_856 : i32 to index
    %swap3A_858 = arith.constant 16 : index
    %swap3A_859 = tpu.vector_load %arg7[%swap3A_857, %swap3A_858] {strides = array<i32>} : memref<10x80xi32, #tpu.memory_space<vmem>>, vector<16xi32>,
    tpu.vector_store %arg7[%swap3A_857, %swap3A_858], %add3A_855 {strides = array<i32>} : memref<10x80xi32, #tpu.memory_space<vmem>>, vector<16xi32>,
    %add3A_860 = arith.constant 82944 : i32
    %add3A_861 = vector.broadcast %add3A_860 : i32 to vector<16xi32>
    %add3A_862 = arith.addi %select_n3A_403, %add3A_861 : vector<16xi32>
    %swap3A_863 = arith.constant 3 : i32
    %swap3A_864 = arith.index_cast %swap3A_863 : i32 to index
    %swap3A_865 = arith.constant 32 : index
    %swap3A_866 = tpu.vector_load %arg7[%swap3A_864, %swap3A_865] {strides = array<i32>} : memref<10x80xi32, #tpu.memory_space<vmem>>, vector<16xi32>,
    tpu.vector_store %arg7[%swap3A_864, %swap3A_865], %add3A_862 {strides = array<i32>} : memref<10x80xi32, #tpu.memory_space<vmem>>, vector<16xi32>,
    %add3A_867 = arith.constant 82944 : i32
    %add3A_868 = vector.broadcast %add3A_867 : i32 to vector<16xi32>
    %add3A_869 = arith.addi %select_n3A_546, %add3A_868 : vector<16xi32>
    %swap3A_870 = arith.constant 3 : i32
    %swap3A_871 = arith.index_cast %swap3A_870 : i32 to index
    %swap3A_872 = arith.constant 48 : index
    %swap3A_873 = tpu.vector_load %arg7[%swap3A_871, %swap3A_872] {strides = array<i32>} : memref<10x80xi32, #tpu.memory_space<vmem>>, vector<16xi32>,
    tpu.vector_store %arg7[%swap3A_871, %swap3A_872], %add3A_869 {strides = array<i32>} : memref<10x80xi32, #tpu.memory_space<vmem>>, vector<16xi32>,
    %add3A_874 = arith.constant 82944 : i32
    %add3A_875 = vector.broadcast %add3A_874 : i32 to vector<16xi32>
    %add3A_876 = arith.addi %select_n3A_689, %add3A_875 : vector<16xi32>
    %swap3A_877 = arith.constant 3 : i32
    %swap3A_878 = arith.index_cast %swap3A_877 : i32 to index
    %swap3A_879 = arith.constant 64 : index
    %swap3A_880 = tpu.vector_load %arg7[%swap3A_878, %swap3A_879] {strides = array<i32>} : memref<10x80xi32, #tpu.memory_space<vmem>>, vector<16xi32>,
    tpu.vector_store %arg7[%swap3A_878, %swap3A_879], %add3A_876 {strides = array<i32>} : memref<10x80xi32, #tpu.memory_space<vmem>>, vector<16xi32>,
    %dma_start3A_881 = arith.constant 3 : i32
    %dma_start3A_882 = arith.constant 3 : i32
    %dma_start3A_883 = arith.constant 3 : i32
    %dma_start3A_884 = arith.constant 0 : i32
    %dma_start3A_885 = arith.constant 0 : i32
    %dma_start3A_886 = tpu.memref_slice %arg8[%dma_start3A_882, %dma_start3A_884, %dma_start3A_885] : memref<10x80x16xf32, #tpu.memory_space<vmem>> -> memref<1x72x16xf32, #tpu.memory_space<vmem>>
    %dma_start3A_887 = tpu.memref_squeeze %dma_start3A_886 : memref<1x72x16xf32, #tpu.memory_space<vmem>> -> memref<72x16xf32, #tpu.memory_space<vmem>>
    %dma_start3A_888 = arith.constant 0 : i32
    %dma_start3A_889 = tpu.memref_slice %arg7[%dma_start3A_881, %dma_start3A_888] : memref<10x80xi32, #tpu.memory_space<vmem>> -> memref<1x72xi32, #tpu.memory_space<vmem>>
    %dma_start3A_890 = tpu.memref_squeeze %dma_start3A_889 : memref<1x72xi32, #tpu.memory_space<vmem>> -> memref<72xi32, #tpu.memory_space<vmem>>
    %dma_start3A_891 = arith.constant 0 : i32
    %dma_start3A_892 = arith.constant 0 : i32
    %dma_start3A_893 = tpu.memref_slice %arg2[%dma_start3A_891, %dma_start3A_892] : memref<368640x16xf32, #tpu.memory_space<hbm>> -> memref<368640x16xf32, #tpu.memory_space<hbm>>
    %dma_start3A_894 = tpu.memref_slice %arg10[%dma_start3A_883] : memref<10x!tpu.dma_semaphore, #tpu.memory_space<semaphore_mem>> -> memref<1x!tpu.dma_semaphore, #tpu.memory_space<semaphore_mem>>
    %dma_start3A_895 = tpu.memref_squeeze %dma_start3A_894 : memref<1x!tpu.dma_semaphore, #tpu.memory_space<semaphore_mem>> -> memref<!tpu.dma_semaphore, #tpu.memory_space<semaphore_mem>>
    tpu.enqueue_indirect_dma source(%dma_start3A_893 : memref<368640x16xf32, #tpu.memory_space<hbm>>) target(%dma_start3A_887 : memref<72x16xf32, #tpu.memory_space<vmem>>) offsets(%dma_start3A_890 : memref<72xi32, #tpu.memory_space<vmem>>) semaphore(%dma_start3A_895 : memref<!tpu.dma_semaphore, #tpu.memory_space<semaphore_mem>>)
    %add3A_896 = arith.constant 147456 : i32
    %add3A_897 = vector.broadcast %add3A_896 : i32 to vector<16xi32>
    %add3A_898 = arith.addi %select_n3A_117, %add3A_897 : vector<16xi32>
    %swap3A_899 = arith.constant 4 : i32
    %swap3A_900 = arith.index_cast %swap3A_899 : i32 to index
    %swap3A_901 = arith.constant 0 : index
    %swap3A_902 = tpu.vector_load %arg7[%swap3A_900, %swap3A_901] {strides = array<i32>} : memref<10x80xi32, #tpu.memory_space<vmem>>, vector<16xi32>,
    tpu.vector_store %arg7[%swap3A_900, %swap3A_901], %add3A_898 {strides = array<i32>} : memref<10x80xi32, #tpu.memory_space<vmem>>, vector<16xi32>,
    %add3A_903 = arith.constant 147456 : i32
    %add3A_904 = vector.broadcast %add3A_903 : i32 to vector<16xi32>
    %add3A_905 = arith.addi %select_n3A_260, %add3A_904 : vector<16xi32>
    %swap3A_906 = arith.constant 4 : i32
    %swap3A_907 = arith.index_cast %swap3A_906 : i32 to index
    %swap3A_908 = arith.constant 16 : index
    %swap3A_909 = tpu.vector_load %arg7[%swap3A_907, %swap3A_908] {strides = array<i32>} : memref<10x80xi32, #tpu.memory_space<vmem>>, vector<16xi32>,
    tpu.vector_store %arg7[%swap3A_907, %swap3A_908], %add3A_905 {strides = array<i32>} : memref<10x80xi32, #tpu.memory_space<vmem>>, vector<16xi32>,
    %add3A_910 = arith.constant 147456 : i32
    %add3A_911 = vector.broadcast %add3A_910 : i32 to vector<16xi32>
    %add3A_912 = arith.addi %select_n3A_403, %add3A_911 : vector<16xi32>
    %swap3A_913 = arith.constant 4 : i32
    %swap3A_914 = arith.index_cast %swap3A_913 : i32 to index
    %swap3A_915 = arith.constant 32 : index
    %swap3A_916 = tpu.vector_load %arg7[%swap3A_914, %swap3A_915] {strides = array<i32>} : memref<10x80xi32, #tpu.memory_space<vmem>>, vector<16xi32>,
    tpu.vector_store %arg7[%swap3A_914, %swap3A_915], %add3A_912 {strides = array<i32>} : memref<10x80xi32, #tpu.memory_space<vmem>>, vector<16xi32>,
    %add3A_917 = arith.constant 147456 : i32
    %add3A_918 = vector.broadcast %add3A_917 : i32 to vector<16xi32>
    %add3A_919 = arith.addi %select_n3A_546, %add3A_918 : vector<16xi32>
    %swap3A_920 = arith.constant 4 : i32
    %swap3A_921 = arith.index_cast %swap3A_920 : i32 to index
    %swap3A_922 = arith.constant 48 : index
    %swap3A_923 = tpu.vector_load %arg7[%swap3A_921, %swap3A_922] {strides = array<i32>} : memref<10x80xi32, #tpu.memory_space<vmem>>, vector<16xi32>,
    tpu.vector_store %arg7[%swap3A_921, %swap3A_922], %add3A_919 {strides = array<i32>} : memref<10x80xi32, #tpu.memory_space<vmem>>, vector<16xi32>,
    %add3A_924 = arith.constant 147456 : i32
    %add3A_925 = vector.broadcast %add3A_924 : i32 to vector<16xi32>
    %add3A_926 = arith.addi %select_n3A_689, %add3A_925 : vector<16xi32>
    %swap3A_927 = arith.constant 4 : i32
    %swap3A_928 = arith.index_cast %swap3A_927 : i32 to index
    %swap3A_929 = arith.constant 64 : index
    %swap3A_930 = tpu.vector_load %arg7[%swap3A_928, %swap3A_929] {strides = array<i32>} : memref<10x80xi32, #tpu.memory_space<vmem>>, vector<16xi32>,
    tpu.vector_store %arg7[%swap3A_928, %swap3A_929], %add3A_926 {strides = array<i32>} : memref<10x80xi32, #tpu.memory_space<vmem>>, vector<16xi32>,
    %dma_start3A_931 = arith.constant 4 : i32
    %dma_start3A_932 = arith.constant 4 : i32
    %dma_start3A_933 = arith.constant 4 : i32
    %dma_start3A_934 = arith.constant 0 : i32
    %dma_start3A_935 = arith.constant 0 : i32
    %dma_start3A_936 = tpu.memref_slice %arg8[%dma_start3A_932, %dma_start3A_934, %dma_start3A_935] : memref<10x80x16xf32, #tpu.memory_space<vmem>> -> memref<1x72x16xf32, #tpu.memory_space<vmem>>
    %dma_start3A_937 = tpu.memref_squeeze %dma_start3A_936 : memref<1x72x16xf32, #tpu.memory_space<vmem>> -> memref<72x16xf32, #tpu.memory_space<vmem>>
    %dma_start3A_938 = arith.constant 0 : i32
    %dma_start3A_939 = tpu.memref_slice %arg7[%dma_start3A_931, %dma_start3A_938] : memref<10x80xi32, #tpu.memory_space<vmem>> -> memref<1x72xi32, #tpu.memory_space<vmem>>
    %dma_start3A_940 = tpu.memref_squeeze %dma_start3A_939 : memref<1x72xi32, #tpu.memory_space<vmem>> -> memref<72xi32, #tpu.memory_space<vmem>>
    %dma_start3A_941 = arith.constant 0 : i32
    %dma_start3A_942 = arith.constant 0 : i32
    %dma_start3A_943 = tpu.memref_slice %arg2[%dma_start3A_941, %dma_start3A_942] : memref<368640x16xf32, #tpu.memory_space<hbm>> -> memref<368640x16xf32, #tpu.memory_space<hbm>>
    %dma_start3A_944 = tpu.memref_slice %arg10[%dma_start3A_933] : memref<10x!tpu.dma_semaphore, #tpu.memory_space<semaphore_mem>> -> memref<1x!tpu.dma_semaphore, #tpu.memory_space<semaphore_mem>>
    %dma_start3A_945 = tpu.memref_squeeze %dma_start3A_944 : memref<1x!tpu.dma_semaphore, #tpu.memory_space<semaphore_mem>> -> memref<!tpu.dma_semaphore, #tpu.memory_space<semaphore_mem>>
    tpu.enqueue_indirect_dma source(%dma_start3A_943 : memref<368640x16xf32, #tpu.memory_space<hbm>>) target(%dma_start3A_937 : memref<72x16xf32, #tpu.memory_space<vmem>>) offsets(%dma_start3A_940 : memref<72xi32, #tpu.memory_space<vmem>>) semaphore(%dma_start3A_945 : memref<!tpu.dma_semaphore, #tpu.memory_space<semaphore_mem>>)
    %add3A_946 = arith.constant 156672 : i32
    %add3A_947 = vector.broadcast %add3A_946 : i32 to vector<16xi32>
    %add3A_948 = arith.addi %select_n3A_117, %add3A_947 : vector<16xi32>
    %swap3A_949 = arith.constant 5 : i32
    %swap3A_950 = arith.index_cast %swap3A_949 : i32 to index
    %swap3A_951 = arith.constant 0 : index
    %swap3A_952 = tpu.vector_load %arg7[%swap3A_950, %swap3A_951] {strides = array<i32>} : memref<10x80xi32, #tpu.memory_space<vmem>>, vector<16xi32>,
    tpu.vector_store %arg7[%swap3A_950, %swap3A_951], %add3A_948 {strides = array<i32>} : memref<10x80xi32, #tpu.memory_space<vmem>>, vector<16xi32>,
    %add3A_953 = arith.constant 156672 : i32
    %add3A_954 = vector.broadcast %add3A_953 : i32 to vector<16xi32>
    %add3A_955 = arith.addi %select_n3A_260, %add3A_954 : vector<16xi32>
    %swap3A_956 = arith.constant 5 : i32
    %swap3A_957 = arith.index_cast %swap3A_956 : i32 to index
    %swap3A_958 = arith.constant 16 : index
    %swap3A_959 = tpu.vector_load %arg7[%swap3A_957, %swap3A_958] {strides = array<i32>} : memref<10x80xi32, #tpu.memory_space<vmem>>, vector<16xi32>,
    tpu.vector_store %arg7[%swap3A_957, %swap3A_958], %add3A_955 {strides = array<i32>} : memref<10x80xi32, #tpu.memory_space<vmem>>, vector<16xi32>,
    %add3A_960 = arith.constant 156672 : i32
    %add3A_961 = vector.broadcast %add3A_960 : i32 to vector<16xi32>
    %add3A_962 = arith.addi %select_n3A_403, %add3A_961 : vector<16xi32>
    %swap3A_963 = arith.constant 5 : i32
    %swap3A_964 = arith.index_cast %swap3A_963 : i32 to index
    %swap3A_965 = arith.constant 32 : index
    %swap3A_966 = tpu.vector_load %arg7[%swap3A_964, %swap3A_965] {strides = array<i32>} : memref<10x80xi32, #tpu.memory_space<vmem>>, vector<16xi32>,
    tpu.vector_store %arg7[%swap3A_964, %swap3A_965], %add3A_962 {strides = array<i32>} : memref<10x80xi32, #tpu.memory_space<vmem>>, vector<16xi32>,
    %add3A_967 = arith.constant 156672 : i32
    %add3A_968 = vector.broadcast %add3A_967 : i32 to vector<16xi32>
    %add3A_969 = arith.addi %select_n3A_546, %add3A_968 : vector<16xi32>
    %swap3A_970 = arith.constant 5 : i32
    %swap3A_971 = arith.index_cast %swap3A_970 : i32 to index
    %swap3A_972 = arith.constant 48 : index
    %swap3A_973 = tpu.vector_load %arg7[%swap3A_971, %swap3A_972] {strides = array<i32>} : memref<10x80xi32, #tpu.memory_space<vmem>>, vector<16xi32>,
    tpu.vector_store %arg7[%swap3A_971, %swap3A_972], %add3A_969 {strides = array<i32>} : memref<10x80xi32, #tpu.memory_space<vmem>>, vector<16xi32>,
    %add3A_974 = arith.constant 156672 : i32
    %add3A_975 = vector.broadcast %add3A_974 : i32 to vector<16xi32>
    %add3A_976 = arith.addi %select_n3A_689, %add3A_975 : vector<16xi32>
    %swap3A_977 = arith.constant 5 : i32
    %swap3A_978 = arith.index_cast %swap3A_977 : i32 to index
    %swap3A_979 = arith.constant 64 : index
    %swap3A_980 = tpu.vector_load %arg7[%swap3A_978, %swap3A_979] {strides = array<i32>} : memref<10x80xi32, #tpu.memory_space<vmem>>, vector<16xi32>,
    tpu.vector_store %arg7[%swap3A_978, %swap3A_979], %add3A_976 {strides = array<i32>} : memref<10x80xi32, #tpu.memory_space<vmem>>, vector<16xi32>,
    %dma_start3A_981 = arith.constant 5 : i32
    %dma_start3A_982 = arith.constant 5 : i32
    %dma_start3A_983 = arith.constant 5 : i32
    %dma_start3A_984 = arith.constant 0 : i32
    %dma_start3A_985 = arith.constant 0 : i32
    %dma_start3A_986 = tpu.memref_slice %arg8[%dma_start3A_982, %dma_start3A_984, %dma_start3A_985] : memref<10x80x16xf32, #tpu.memory_space<vmem>> -> memref<1x72x16xf32, #tpu.memory_space<vmem>>
    %dma_start3A_987 = tpu.memref_squeeze %dma_start3A_986 : memref<1x72x16xf32, #tpu.memory_space<vmem>> -> memref<72x16xf32, #tpu.memory_space<vmem>>
    %dma_start3A_988 = arith.constant 0 : i32
    %dma_start3A_989 = tpu.memref_slice %arg7[%dma_start3A_981, %dma_start3A_988] : memref<10x80xi32, #tpu.memory_space<vmem>> -> memref<1x72xi32, #tpu.memory_space<vmem>>
    %dma_start3A_990 = tpu.memref_squeeze %dma_start3A_989 : memref<1x72xi32, #tpu.memory_space<vmem>> -> memref<72xi32, #tpu.memory_space<vmem>>
    %dma_start3A_991 = arith.constant 0 : i32
    %dma_start3A_992 = arith.constant 0 : i32
    %dma_start3A_993 = tpu.memref_slice %arg2[%dma_start3A_991, %dma_start3A_992] : memref<368640x16xf32, #tpu.memory_space<hbm>> -> memref<368640x16xf32, #tpu.memory_space<hbm>>
    %dma_start3A_994 = tpu.memref_slice %arg10[%dma_start3A_983] : memref<10x!tpu.dma_semaphore, #tpu.memory_space<semaphore_mem>> -> memref<1x!tpu.dma_semaphore, #tpu.memory_space<semaphore_mem>>
    %dma_start3A_995 = tpu.memref_squeeze %dma_start3A_994 : memref<1x!tpu.dma_semaphore, #tpu.memory_space<semaphore_mem>> -> memref<!tpu.dma_semaphore, #tpu.memory_space<semaphore_mem>>
    tpu.enqueue_indirect_dma source(%dma_start3A_993 : memref<368640x16xf32, #tpu.memory_space<hbm>>) target(%dma_start3A_987 : memref<72x16xf32, #tpu.memory_space<vmem>>) offsets(%dma_start3A_990 : memref<72xi32, #tpu.memory_space<vmem>>) semaphore(%dma_start3A_995 : memref<!tpu.dma_semaphore, #tpu.memory_space<semaphore_mem>>)
    %add3A_996 = arith.constant 221184 : i32
    %add3A_997 = vector.broadcast %add3A_996 : i32 to vector<16xi32>
    %add3A_998 = arith.addi %select_n3A_117, %add3A_997 : vector<16xi32>
    %swap3A_999 = arith.constant 6 : i32
    %swap3A_1000 = arith.index_cast %swap3A_999 : i32 to index
    %swap3A_1001 = arith.constant 0 : index
    %swap3A_1002 = tpu.vector_load %arg7[%swap3A_1000, %swap3A_1001] {strides = array<i32>} : memref<10x80xi32, #tpu.memory_space<vmem>>, vector<16xi32>,
    tpu.vector_store %arg7[%swap3A_1000, %swap3A_1001], %add3A_998 {strides = array<i32>} : memref<10x80xi32, #tpu.memory_space<vmem>>, vector<16xi32>,
    %add3A_1003 = arith.constant 221184 : i32
    %add3A_1004 = vector.broadcast %add3A_1003 : i32 to vector<16xi32>
    %add3A_1005 = arith.addi %select_n3A_260, %add3A_1004 : vector<16xi32>
    %swap3A_1006 = arith.constant 6 : i32
    %swap3A_1007 = arith.index_cast %swap3A_1006 : i32 to index
    %swap3A_1008 = arith.constant 16 : index
    %swap3A_1009 = tpu.vector_load %arg7[%swap3A_1007, %swap3A_1008] {strides = array<i32>} : memref<10x80xi32, #tpu.memory_space<vmem>>, vector<16xi32>,
    tpu.vector_store %arg7[%swap3A_1007, %swap3A_1008], %add3A_1005 {strides = array<i32>} : memref<10x80xi32, #tpu.memory_space<vmem>>, vector<16xi32>,
    %add3A_1010 = arith.constant 221184 : i32
    %add3A_1011 = vector.broadcast %add3A_1010 : i32 to vector<16xi32>
    %add3A_1012 = arith.addi %select_n3A_403, %add3A_1011 : vector<16xi32>
    %swap3A_1013 = arith.constant 6 : i32
    %swap3A_1014 = arith.index_cast %swap3A_1013 : i32 to index
    %swap3A_1015 = arith.constant 32 : index
    %swap3A_1016 = tpu.vector_load %arg7[%swap3A_1014, %swap3A_1015] {strides = array<i32>} : memref<10x80xi32, #tpu.memory_space<vmem>>, vector<16xi32>,
    tpu.vector_store %arg7[%swap3A_1014, %swap3A_1015], %add3A_1012 {strides = array<i32>} : memref<10x80xi32, #tpu.memory_space<vmem>>, vector<16xi32>,
    %add3A_1017 = arith.constant 221184 : i32
    %add3A_1018 = vector.broadcast %add3A_1017 : i32 to vector<16xi32>
    %add3A_1019 = arith.addi %select_n3A_546, %add3A_1018 : vector<16xi32>
    %swap3A_1020 = arith.constant 6 : i32
    %swap3A_1021 = arith.index_cast %swap3A_1020 : i32 to index
    %swap3A_1022 = arith.constant 48 : index
    %swap3A_1023 = tpu.vector_load %arg7[%swap3A_1021, %swap3A_1022] {strides = array<i32>} : memref<10x80xi32, #tpu.memory_space<vmem>>, vector<16xi32>,
    tpu.vector_store %arg7[%swap3A_1021, %swap3A_1022], %add3A_1019 {strides = array<i32>} : memref<10x80xi32, #tpu.memory_space<vmem>>, vector<16xi32>,
    %add3A_1024 = arith.constant 221184 : i32
    %add3A_1025 = vector.broadcast %add3A_1024 : i32 to vector<16xi32>
    %add3A_1026 = arith.addi %select_n3A_689, %add3A_1025 : vector<16xi32>
    %swap3A_1027 = arith.constant 6 : i32
    %swap3A_1028 = arith.index_cast %swap3A_1027 : i32 to index
    %swap3A_1029 = arith.constant 64 : index
    %swap3A_1030 = tpu.vector_load %arg7[%swap3A_1028, %swap3A_1029] {strides = array<i32>} : memref<10x80xi32, #tpu.memory_space<vmem>>, vector<16xi32>,
    tpu.vector_store %arg7[%swap3A_1028, %swap3A_1029], %add3A_1026 {strides = array<i32>} : memref<10x80xi32, #tpu.memory_space<vmem>>, vector<16xi32>,
    %dma_start3A_1031 = arith.constant 6 : i32
    %dma_start3A_1032 = arith.constant 6 : i32
    %dma_start3A_1033 = arith.constant 6 : i32
    %dma_start3A_1034 = arith.constant 0 : i32
    %dma_start3A_1035 = arith.constant 0 : i32
    %dma_start3A_1036 = tpu.memref_slice %arg8[%dma_start3A_1032, %dma_start3A_1034, %dma_start3A_1035] : memref<10x80x16xf32, #tpu.memory_space<vmem>> -> memref<1x72x16xf32, #tpu.memory_space<vmem>>
    %dma_start3A_1037 = tpu.memref_squeeze %dma_start3A_1036 : memref<1x72x16xf32, #tpu.memory_space<vmem>> -> memref<72x16xf32, #tpu.memory_space<vmem>>
    %dma_start3A_1038 = arith.constant 0 : i32
    %dma_start3A_1039 = tpu.memref_slice %arg7[%dma_start3A_1031, %dma_start3A_1038] : memref<10x80xi32, #tpu.memory_space<vmem>> -> memref<1x72xi32, #tpu.memory_space<vmem>>
    %dma_start3A_1040 = tpu.memref_squeeze %dma_start3A_1039 : memref<1x72xi32, #tpu.memory_space<vmem>> -> memref<72xi32, #tpu.memory_space<vmem>>
    %dma_start3A_1041 = arith.constant 0 : i32
    %dma_start3A_1042 = arith.constant 0 : i32
    %dma_start3A_1043 = tpu.memref_slice %arg2[%dma_start3A_1041, %dma_start3A_1042] : memref<368640x16xf32, #tpu.memory_space<hbm>> -> memref<368640x16xf32, #tpu.memory_space<hbm>>
    %dma_start3A_1044 = tpu.memref_slice %arg10[%dma_start3A_1033] : memref<10x!tpu.dma_semaphore, #tpu.memory_space<semaphore_mem>> -> memref<1x!tpu.dma_semaphore, #tpu.memory_space<semaphore_mem>>
    %dma_start3A_1045 = tpu.memref_squeeze %dma_start3A_1044 : memref<1x!tpu.dma_semaphore, #tpu.memory_space<semaphore_mem>> -> memref<!tpu.dma_semaphore, #tpu.memory_space<semaphore_mem>>
    tpu.enqueue_indirect_dma source(%dma_start3A_1043 : memref<368640x16xf32, #tpu.memory_space<hbm>>) target(%dma_start3A_1037 : memref<72x16xf32, #tpu.memory_space<vmem>>) offsets(%dma_start3A_1040 : memref<72xi32, #tpu.memory_space<vmem>>) semaphore(%dma_start3A_1045 : memref<!tpu.dma_semaphore, #tpu.memory_space<semaphore_mem>>)
    %add3A_1046 = arith.constant 230400 : i32
    %add3A_1047 = vector.broadcast %add3A_1046 : i32 to vector<16xi32>
    %add3A_1048 = arith.addi %select_n3A_117, %add3A_1047 : vector<16xi32>
    %swap3A_1049 = arith.constant 7 : i32
    %swap3A_1050 = arith.index_cast %swap3A_1049 : i32 to index
    %swap3A_1051 = arith.constant 0 : index
    %swap3A_1052 = tpu.vector_load %arg7[%swap3A_1050, %swap3A_1051] {strides = array<i32>} : memref<10x80xi32, #tpu.memory_space<vmem>>, vector<16xi32>,
    tpu.vector_store %arg7[%swap3A_1050, %swap3A_1051], %add3A_1048 {strides = array<i32>} : memref<10x80xi32, #tpu.memory_space<vmem>>, vector<16xi32>,
    %add3A_1053 = arith.constant 230400 : i32
    %add3A_1054 = vector.broadcast %add3A_1053 : i32 to vector<16xi32>
    %add3A_1055 = arith.addi %select_n3A_260, %add3A_1054 : vector<16xi32>
    %swap3A_1056 = arith.constant 7 : i32
    %swap3A_1057 = arith.index_cast %swap3A_1056 : i32 to index
    %swap3A_1058 = arith.constant 16 : index
    %swap3A_1059 = tpu.vector_load %arg7[%swap3A_1057, %swap3A_1058] {strides = array<i32>} : memref<10x80xi32, #tpu.memory_space<vmem>>, vector<16xi32>,
    tpu.vector_store %arg7[%swap3A_1057, %swap3A_1058], %add3A_1055 {strides = array<i32>} : memref<10x80xi32, #tpu.memory_space<vmem>>, vector<16xi32>,
    %add3A_1060 = arith.constant 230400 : i32
    %add3A_1061 = vector.broadcast %add3A_1060 : i32 to vector<16xi32>
    %add3A_1062 = arith.addi %select_n3A_403, %add3A_1061 : vector<16xi32>
    %swap3A_1063 = arith.constant 7 : i32
    %swap3A_1064 = arith.index_cast %swap3A_1063 : i32 to index
    %swap3A_1065 = arith.constant 32 : index
    %swap3A_1066 = tpu.vector_load %arg7[%swap3A_1064, %swap3A_1065] {strides = array<i32>} : memref<10x80xi32, #tpu.memory_space<vmem>>, vector<16xi32>,
    tpu.vector_store %arg7[%swap3A_1064, %swap3A_1065], %add3A_1062 {strides = array<i32>} : memref<10x80xi32, #tpu.memory_space<vmem>>, vector<16xi32>,
    %add3A_1067 = arith.constant 230400 : i32
    %add3A_1068 = vector.broadcast %add3A_1067 : i32 to vector<16xi32>
    %add3A_1069 = arith.addi %select_n3A_546, %add3A_1068 : vector<16xi32>
    %swap3A_1070 = arith.constant 7 : i32
    %swap3A_1071 = arith.index_cast %swap3A_1070 : i32 to index
    %swap3A_1072 = arith.constant 48 : index
    %swap3A_1073 = tpu.vector_load %arg7[%swap3A_1071, %swap3A_1072] {strides = array<i32>} : memref<10x80xi32, #tpu.memory_space<vmem>>, vector<16xi32>,
    tpu.vector_store %arg7[%swap3A_1071, %swap3A_1072], %add3A_1069 {strides = array<i32>} : memref<10x80xi32, #tpu.memory_space<vmem>>, vector<16xi32>,
    %add3A_1074 = arith.constant 230400 : i32
    %add3A_1075 = vector.broadcast %add3A_1074 : i32 to vector<16xi32>
    %add3A_1076 = arith.addi %select_n3A_689, %add3A_1075 : vector<16xi32>
    %swap3A_1077 = arith.constant 7 : i32
    %swap3A_1078 = arith.index_cast %swap3A_1077 : i32 to index
    %swap3A_1079 = arith.constant 64 : index
    %swap3A_1080 = tpu.vector_load %arg7[%swap3A_1078, %swap3A_1079] {strides = array<i32>} : memref<10x80xi32, #tpu.memory_space<vmem>>, vector<16xi32>,
    tpu.vector_store %arg7[%swap3A_1078, %swap3A_1079], %add3A_1076 {strides = array<i32>} : memref<10x80xi32, #tpu.memory_space<vmem>>, vector<16xi32>,
    %dma_start3A_1081 = arith.constant 7 : i32
    %dma_start3A_1082 = arith.constant 7 : i32
    %dma_start3A_1083 = arith.constant 7 : i32
    %dma_start3A_1084 = arith.constant 0 : i32
    %dma_start3A_1085 = arith.constant 0 : i32
    %dma_start3A_1086 = tpu.memref_slice %arg8[%dma_start3A_1082, %dma_start3A_1084, %dma_start3A_1085] : memref<10x80x16xf32, #tpu.memory_space<vmem>> -> memref<1x72x16xf32, #tpu.memory_space<vmem>>
    %dma_start3A_1087 = tpu.memref_squeeze %dma_start3A_1086 : memref<1x72x16xf32, #tpu.memory_space<vmem>> -> memref<72x16xf32, #tpu.memory_space<vmem>>
    %dma_start3A_1088 = arith.constant 0 : i32
    %dma_start3A_1089 = tpu.memref_slice %arg7[%dma_start3A_1081, %dma_start3A_1088] : memref<10x80xi32, #tpu.memory_space<vmem>> -> memref<1x72xi32, #tpu.memory_space<vmem>>
    %dma_start3A_1090 = tpu.memref_squeeze %dma_start3A_1089 : memref<1x72xi32, #tpu.memory_space<vmem>> -> memref<72xi32, #tpu.memory_space<vmem>>
    %dma_start3A_1091 = arith.constant 0 : i32
    %dma_start3A_1092 = arith.constant 0 : i32
    %dma_start3A_1093 = tpu.memref_slice %arg2[%dma_start3A_1091, %dma_start3A_1092] : memref<368640x16xf32, #tpu.memory_space<hbm>> -> memref<368640x16xf32, #tpu.memory_space<hbm>>
    %dma_start3A_1094 = tpu.memref_slice %arg10[%dma_start3A_1083] : memref<10x!tpu.dma_semaphore, #tpu.memory_space<semaphore_mem>> -> memref<1x!tpu.dma_semaphore, #tpu.memory_space<semaphore_mem>>
    %dma_start3A_1095 = tpu.memref_squeeze %dma_start3A_1094 : memref<1x!tpu.dma_semaphore, #tpu.memory_space<semaphore_mem>> -> memref<!tpu.dma_semaphore, #tpu.memory_space<semaphore_mem>>
    tpu.enqueue_indirect_dma source(%dma_start3A_1093 : memref<368640x16xf32, #tpu.memory_space<hbm>>) target(%dma_start3A_1087 : memref<72x16xf32, #tpu.memory_space<vmem>>) offsets(%dma_start3A_1090 : memref<72xi32, #tpu.memory_space<vmem>>) semaphore(%dma_start3A_1095 : memref<!tpu.dma_semaphore, #tpu.memory_space<semaphore_mem>>)
    %add3A_1096 = arith.constant 294912 : i32
    %add3A_1097 = vector.broadcast %add3A_1096 : i32 to vector<16xi32>
    %add3A_1098 = arith.addi %select_n3A_117, %add3A_1097 : vector<16xi32>
    %swap3A_1099 = arith.constant 8 : i32
    %swap3A_1100 = arith.index_cast %swap3A_1099 : i32 to index
    %swap3A_1101 = arith.constant 0 : index
    %swap3A_1102 = tpu.vector_load %arg7[%swap3A_1100, %swap3A_1101] {strides = array<i32>} : memref<10x80xi32, #tpu.memory_space<vmem>>, vector<16xi32>,
    tpu.vector_store %arg7[%swap3A_1100, %swap3A_1101], %add3A_1098 {strides = array<i32>} : memref<10x80xi32, #tpu.memory_space<vmem>>, vector<16xi32>,
    %add3A_1103 = arith.constant 294912 : i32
    %add3A_1104 = vector.broadcast %add3A_1103 : i32 to vector<16xi32>
    %add3A_1105 = arith.addi %select_n3A_260, %add3A_1104 : vector<16xi32>
    %swap3A_1106 = arith.constant 8 : i32
    %swap3A_1107 = arith.index_cast %swap3A_1106 : i32 to index
    %swap3A_1108 = arith.constant 16 : index
    %swap3A_1109 = tpu.vector_load %arg7[%swap3A_1107, %swap3A_1108] {strides = array<i32>} : memref<10x80xi32, #tpu.memory_space<vmem>>, vector<16xi32>,
    tpu.vector_store %arg7[%swap3A_1107, %swap3A_1108], %add3A_1105 {strides = array<i32>} : memref<10x80xi32, #tpu.memory_space<vmem>>, vector<16xi32>,
    %add3A_1110 = arith.constant 294912 : i32
    %add3A_1111 = vector.broadcast %add3A_1110 : i32 to vector<16xi32>
    %add3A_1112 = arith.addi %select_n3A_403, %add3A_1111 : vector<16xi32>
    %swap3A_1113 = arith.constant 8 : i32
    %swap3A_1114 = arith.index_cast %swap3A_1113 : i32 to index
    %swap3A_1115 = arith.constant 32 : index
    %swap3A_1116 = tpu.vector_load %arg7[%swap3A_1114, %swap3A_1115] {strides = array<i32>} : memref<10x80xi32, #tpu.memory_space<vmem>>, vector<16xi32>,
    tpu.vector_store %arg7[%swap3A_1114, %swap3A_1115], %add3A_1112 {strides = array<i32>} : memref<10x80xi32, #tpu.memory_space<vmem>>, vector<16xi32>,
    %add3A_1117 = arith.constant 294912 : i32
    %add3A_1118 = vector.broadcast %add3A_1117 : i32 to vector<16xi32>
    %add3A_1119 = arith.addi %select_n3A_546, %add3A_1118 : vector<16xi32>
    %swap3A_1120 = arith.constant 8 : i32
    %swap3A_1121 = arith.index_cast %swap3A_1120 : i32 to index
    %swap3A_1122 = arith.constant 48 : index
    %swap3A_1123 = tpu.vector_load %arg7[%swap3A_1121, %swap3A_1122] {strides = array<i32>} : memref<10x80xi32, #tpu.memory_space<vmem>>, vector<16xi32>,
    tpu.vector_store %arg7[%swap3A_1121, %swap3A_1122], %add3A_1119 {strides = array<i32>} : memref<10x80xi32, #tpu.memory_space<vmem>>, vector<16xi32>,
    %add3A_1124 = arith.constant 294912 : i32
    %add3A_1125 = vector.broadcast %add3A_1124 : i32 to vector<16xi32>
    %add3A_1126 = arith.addi %select_n3A_689, %add3A_1125 : vector<16xi32>
    %swap3A_1127 = arith.constant 8 : i32
    %swap3A_1128 = arith.index_cast %swap3A_1127 : i32 to index
    %swap3A_1129 = arith.constant 64 : index
    %swap3A_1130 = tpu.vector_load %arg7[%swap3A_1128, %swap3A_1129] {strides = array<i32>} : memref<10x80xi32, #tpu.memory_space<vmem>>, vector<16xi32>,
    tpu.vector_store %arg7[%swap3A_1128, %swap3A_1129], %add3A_1126 {strides = array<i32>} : memref<10x80xi32, #tpu.memory_space<vmem>>, vector<16xi32>,
    %dma_start3A_1131 = arith.constant 8 : i32
    %dma_start3A_1132 = arith.constant 8 : i32
    %dma_start3A_1133 = arith.constant 8 : i32
    %dma_start3A_1134 = arith.constant 0 : i32
    %dma_start3A_1135 = arith.constant 0 : i32
    %dma_start3A_1136 = tpu.memref_slice %arg8[%dma_start3A_1132, %dma_start3A_1134, %dma_start3A_1135] : memref<10x80x16xf32, #tpu.memory_space<vmem>> -> memref<1x72x16xf32, #tpu.memory_space<vmem>>
    %dma_start3A_1137 = tpu.memref_squeeze %dma_start3A_1136 : memref<1x72x16xf32, #tpu.memory_space<vmem>> -> memref<72x16xf32, #tpu.memory_space<vmem>>
    %dma_start3A_1138 = arith.constant 0 : i32
    %dma_start3A_1139 = tpu.memref_slice %arg7[%dma_start3A_1131, %dma_start3A_1138] : memref<10x80xi32, #tpu.memory_space<vmem>> -> memref<1x72xi32, #tpu.memory_space<vmem>>
    %dma_start3A_1140 = tpu.memref_squeeze %dma_start3A_1139 : memref<1x72xi32, #tpu.memory_space<vmem>> -> memref<72xi32, #tpu.memory_space<vmem>>
    %dma_start3A_1141 = arith.constant 0 : i32
    %dma_start3A_1142 = arith.constant 0 : i32
    %dma_start3A_1143 = tpu.memref_slice %arg2[%dma_start3A_1141, %dma_start3A_1142] : memref<368640x16xf32, #tpu.memory_space<hbm>> -> memref<368640x16xf32, #tpu.memory_space<hbm>>
    %dma_start3A_1144 = tpu.memref_slice %arg10[%dma_start3A_1133] : memref<10x!tpu.dma_semaphore, #tpu.memory_space<semaphore_mem>> -> memref<1x!tpu.dma_semaphore, #tpu.memory_space<semaphore_mem>>
    %dma_start3A_1145 = tpu.memref_squeeze %dma_start3A_1144 : memref<1x!tpu.dma_semaphore, #tpu.memory_space<semaphore_mem>> -> memref<!tpu.dma_semaphore, #tpu.memory_space<semaphore_mem>>
    tpu.enqueue_indirect_dma source(%dma_start3A_1143 : memref<368640x16xf32, #tpu.memory_space<hbm>>) target(%dma_start3A_1137 : memref<72x16xf32, #tpu.memory_space<vmem>>) offsets(%dma_start3A_1140 : memref<72xi32, #tpu.memory_space<vmem>>) semaphore(%dma_start3A_1145 : memref<!tpu.dma_semaphore, #tpu.memory_space<semaphore_mem>>)
    %add3A_1146 = arith.constant 304128 : i32
    %add3A_1147 = vector.broadcast %add3A_1146 : i32 to vector<16xi32>
    %add3A_1148 = arith.addi %select_n3A_117, %add3A_1147 : vector<16xi32>
    %swap3A_1149 = arith.constant 9 : i32
    %swap3A_1150 = arith.index_cast %swap3A_1149 : i32 to index
    %swap3A_1151 = arith.constant 0 : index
    %swap3A_1152 = tpu.vector_load %arg7[%swap3A_1150, %swap3A_1151] {strides = array<i32>} : memref<10x80xi32, #tpu.memory_space<vmem>>, vector<16xi32>,
    tpu.vector_store %arg7[%swap3A_1150, %swap3A_1151], %add3A_1148 {strides = array<i32>} : memref<10x80xi32, #tpu.memory_space<vmem>>, vector<16xi32>,
    %add3A_1153 = arith.constant 304128 : i32
    %add3A_1154 = vector.broadcast %add3A_1153 : i32 to vector<16xi32>
    %add3A_1155 = arith.addi %select_n3A_260, %add3A_1154 : vector<16xi32>
    %swap3A_1156 = arith.constant 9 : i32
    %swap3A_1157 = arith.index_cast %swap3A_1156 : i32 to index
    %swap3A_1158 = arith.constant 16 : index
    %swap3A_1159 = tpu.vector_load %arg7[%swap3A_1157, %swap3A_1158] {strides = array<i32>} : memref<10x80xi32, #tpu.memory_space<vmem>>, vector<16xi32>,
    tpu.vector_store %arg7[%swap3A_1157, %swap3A_1158], %add3A_1155 {strides = array<i32>} : memref<10x80xi32, #tpu.memory_space<vmem>>, vector<16xi32>,
    %add3A_1160 = arith.constant 304128 : i32
    %add3A_1161 = vector.broadcast %add3A_1160 : i32 to vector<16xi32>
    %add3A_1162 = arith.addi %select_n3A_403, %add3A_1161 : vector<16xi32>
    %swap3A_1163 = arith.constant 9 : i32
    %swap3A_1164 = arith.index_cast %swap3A_1163 : i32 to index
    %swap3A_1165 = arith.constant 32 : index
    %swap3A_1166 = tpu.vector_load %arg7[%swap3A_1164, %swap3A_1165] {strides = array<i32>} : memref<10x80xi32, #tpu.memory_space<vmem>>, vector<16xi32>,
    tpu.vector_store %arg7[%swap3A_1164, %swap3A_1165], %add3A_1162 {strides = array<i32>} : memref<10x80xi32, #tpu.memory_space<vmem>>, vector<16xi32>,
    %add3A_1167 = arith.constant 304128 : i32
    %add3A_1168 = vector.broadcast %add3A_1167 : i32 to vector<16xi32>
    %add3A_1169 = arith.addi %select_n3A_546, %add3A_1168 : vector<16xi32>
    %swap3A_1170 = arith.constant 9 : i32
    %swap3A_1171 = arith.index_cast %swap3A_1170 : i32 to index
    %swap3A_1172 = arith.constant 48 : index
    %swap3A_1173 = tpu.vector_load %arg7[%swap3A_1171, %swap3A_1172] {strides = array<i32>} : memref<10x80xi32, #tpu.memory_space<vmem>>, vector<16xi32>,
    tpu.vector_store %arg7[%swap3A_1171, %swap3A_1172], %add3A_1169 {strides = array<i32>} : memref<10x80xi32, #tpu.memory_space<vmem>>, vector<16xi32>,
    %add3A_1174 = arith.constant 304128 : i32
    %add3A_1175 = vector.broadcast %add3A_1174 : i32 to vector<16xi32>
    %add3A_1176 = arith.addi %select_n3A_689, %add3A_1175 : vector<16xi32>
    %swap3A_1177 = arith.constant 9 : i32
    %swap3A_1178 = arith.index_cast %swap3A_1177 : i32 to index
    %swap3A_1179 = arith.constant 64 : index
    %swap3A_1180 = tpu.vector_load %arg7[%swap3A_1178, %swap3A_1179] {strides = array<i32>} : memref<10x80xi32, #tpu.memory_space<vmem>>, vector<16xi32>,
    tpu.vector_store %arg7[%swap3A_1178, %swap3A_1179], %add3A_1176 {strides = array<i32>} : memref<10x80xi32, #tpu.memory_space<vmem>>, vector<16xi32>,
    %dma_start3A_1181 = arith.constant 9 : i32
    %dma_start3A_1182 = arith.constant 9 : i32
    %dma_start3A_1183 = arith.constant 9 : i32
    %dma_start3A_1184 = arith.constant 0 : i32
    %dma_start3A_1185 = arith.constant 0 : i32
    %dma_start3A_1186 = tpu.memref_slice %arg8[%dma_start3A_1182, %dma_start3A_1184, %dma_start3A_1185] : memref<10x80x16xf32, #tpu.memory_space<vmem>> -> memref<1x72x16xf32, #tpu.memory_space<vmem>>
    %dma_start3A_1187 = tpu.memref_squeeze %dma_start3A_1186 : memref<1x72x16xf32, #tpu.memory_space<vmem>> -> memref<72x16xf32, #tpu.memory_space<vmem>>
    %dma_start3A_1188 = arith.constant 0 : i32
    %dma_start3A_1189 = tpu.memref_slice %arg7[%dma_start3A_1181, %dma_start3A_1188] : memref<10x80xi32, #tpu.memory_space<vmem>> -> memref<1x72xi32, #tpu.memory_space<vmem>>
    %dma_start3A_1190 = tpu.memref_squeeze %dma_start3A_1189 : memref<1x72xi32, #tpu.memory_space<vmem>> -> memref<72xi32, #tpu.memory_space<vmem>>
    %dma_start3A_1191 = arith.constant 0 : i32
    %dma_start3A_1192 = arith.constant 0 : i32
    %dma_start3A_1193 = tpu.memref_slice %arg2[%dma_start3A_1191, %dma_start3A_1192] : memref<368640x16xf32, #tpu.memory_space<hbm>> -> memref<368640x16xf32, #tpu.memory_space<hbm>>
    %dma_start3A_1194 = tpu.memref_slice %arg10[%dma_start3A_1183] : memref<10x!tpu.dma_semaphore, #tpu.memory_space<semaphore_mem>> -> memref<1x!tpu.dma_semaphore, #tpu.memory_space<semaphore_mem>>
    %dma_start3A_1195 = tpu.memref_squeeze %dma_start3A_1194 : memref<1x!tpu.dma_semaphore, #tpu.memory_space<semaphore_mem>> -> memref<!tpu.dma_semaphore, #tpu.memory_space<semaphore_mem>>
    tpu.enqueue_indirect_dma source(%dma_start3A_1193 : memref<368640x16xf32, #tpu.memory_space<hbm>>) target(%dma_start3A_1187 : memref<72x16xf32, #tpu.memory_space<vmem>>) offsets(%dma_start3A_1190 : memref<72xi32, #tpu.memory_space<vmem>>) semaphore(%dma_start3A_1195 : memref<!tpu.dma_semaphore, #tpu.memory_space<semaphore_mem>>)
    %broadcast_in_dim3A_1196 = arith.constant 0 : i32
    %broadcast_in_dim3A_1197 = vector.broadcast %broadcast_in_dim3A_1196 : i32 to vector<16xi32>
    %broadcast_in_dim3A_1198 = arith.constant 0 : i32
    %broadcast_in_dim3A_1199 = vector.broadcast %broadcast_in_dim3A_1198 : i32 to vector<16xi32>
    %broadcast_in_dim3A_1200 = arith.constant 0 : i32
    %broadcast_in_dim3A_1201 = vector.broadcast %broadcast_in_dim3A_1200 : i32 to vector<16xi32>
    %broadcast_in_dim3A_1202 = arith.constant 0 : i32
    %broadcast_in_dim3A_1203 = vector.broadcast %broadcast_in_dim3A_1202 : i32 to vector<16xi32>
    %broadcast_in_dim3A_1204 = arith.constant 0 : i32
    %broadcast_in_dim3A_1205 = vector.broadcast %broadcast_in_dim3A_1204 : i32 to vector<16xi32>
    %get3A = arith.constant 1 : index
    %get3A_1206 = tpu.vector_load %arg6[%get3A] {strides = array<i32>} : memref<96xi32, #tpu.memory_space<vmem>>, vector<16xi32>,
    %slice3A = vector.extract_strided_slice %get3A_1206 {offsets = [0], sizes = [1], strides = [1]} : vector<16xi32> to vector<1xi32>
    %squeeze3A = vector.extract %slice3A[0] : i32 from vector<1xi32>
    %broadcast_in_dim3A_1207 = vector.broadcast %squeeze3A : i32 to vector<16xi32>
    %eq3A = arith.cmpi eq, %select_n3A_95, %broadcast_in_dim3A_1207 : vector<16xi32>
    %lt3A_1208 = arith.constant 1 : i32
    %lt3A_1209 = vector.broadcast %lt3A_1208 : i32 to vector<16xi32>
    %lt3A_1210 = arith.cmpi slt, %iota3A, %lt3A_1209 : vector<16xi32>
    %and3A_1211 = arith.andi %eq3A, %lt3A_1210 : vector<16xi1>
    %convert_element_type3A_1212 = arith.extui %and3A_1211 : vector<16xi1> to vector<16xi32>
    %or3A_1213 = arith.ori %broadcast_in_dim3A_1197, %convert_element_type3A_1212 : vector<16xi32>
    %get3A_1214 = arith.constant 2 : index
    %get3A_1215 = tpu.vector_load %arg6[%get3A_1214] {strides = array<i32>} : memref<96xi32, #tpu.memory_space<vmem>>, vector<16xi32>,
    %slice3A_1216 = vector.extract_strided_slice %get3A_1215 {offsets = [0], sizes = [1], strides = [1]} : vector<16xi32> to vector<1xi32>
    %squeeze3A_1217 = vector.extract %slice3A_1216[0] : i32 from vector<1xi32>
    %broadcast_in_dim3A_1218 = vector.broadcast %squeeze3A_1217 : i32 to vector<16xi32>
    %eq3A_1219 = arith.cmpi eq, %select_n3A_95, %broadcast_in_dim3A_1218 : vector<16xi32>
    %lt3A_1220 = arith.constant 2 : i32
    %lt3A_1221 = vector.broadcast %lt3A_1220 : i32 to vector<16xi32>
    %lt3A_1222 = arith.cmpi slt, %iota3A, %lt3A_1221 : vector<16xi32>
    %and3A_1223 = arith.andi %eq3A_1219, %lt3A_1222 : vector<16xi1>
    %convert_element_type3A_1224 = arith.extui %and3A_1223 : vector<16xi1> to vector<16xi32>
    %or3A_1225 = arith.ori %or3A_1213, %convert_element_type3A_1224 : vector<16xi32>
    %get3A_1226 = arith.constant 3 : index
    %get3A_1227 = tpu.vector_load %arg6[%get3A_1226] {strides = array<i32>} : memref<96xi32, #tpu.memory_space<vmem>>, vector<16xi32>,
    %slice3A_1228 = vector.extract_strided_slice %get3A_1227 {offsets = [0], sizes = [1], strides = [1]} : vector<16xi32> to vector<1xi32>
    %squeeze3A_1229 = vector.extract %slice3A_1228[0] : i32 from vector<1xi32>
    %broadcast_in_dim3A_1230 = vector.broadcast %squeeze3A_1229 : i32 to vector<16xi32>
    %eq3A_1231 = arith.cmpi eq, %select_n3A_95, %broadcast_in_dim3A_1230 : vector<16xi32>
    %lt3A_1232 = arith.constant 3 : i32
    %lt3A_1233 = vector.broadcast %lt3A_1232 : i32 to vector<16xi32>
    %lt3A_1234 = arith.cmpi slt, %iota3A, %lt3A_1233 : vector<16xi32>
    %and3A_1235 = arith.andi %eq3A_1231, %lt3A_1234 : vector<16xi1>
    %convert_element_type3A_1236 = arith.extui %and3A_1235 : vector<16xi1> to vector<16xi32>
    %or3A_1237 = arith.ori %or3A_1225, %convert_element_type3A_1236 : vector<16xi32>
    %get3A_1238 = arith.constant 4 : index
    %get3A_1239 = tpu.vector_load %arg6[%get3A_1238] {strides = array<i32>} : memref<96xi32, #tpu.memory_space<vmem>>, vector<16xi32>,
    %slice3A_1240 = vector.extract_strided_slice %get3A_1239 {offsets = [0], sizes = [1], strides = [1]} : vector<16xi32> to vector<1xi32>
    %squeeze3A_1241 = vector.extract %slice3A_1240[0] : i32 from vector<1xi32>
    %broadcast_in_dim3A_1242 = vector.broadcast %squeeze3A_1241 : i32 to vector<16xi32>
    %eq3A_1243 = arith.cmpi eq, %select_n3A_95, %broadcast_in_dim3A_1242 : vector<16xi32>
    %lt3A_1244 = arith.constant 4 : i32
    %lt3A_1245 = vector.broadcast %lt3A_1244 : i32 to vector<16xi32>
    %lt3A_1246 = arith.cmpi slt, %iota3A, %lt3A_1245 : vector<16xi32>
    %and3A_1247 = arith.andi %eq3A_1243, %lt3A_1246 : vector<16xi1>
    %convert_element_type3A_1248 = arith.extui %and3A_1247 : vector<16xi1> to vector<16xi32>
    %or3A_1249 = arith.ori %or3A_1237, %convert_element_type3A_1248 : vector<16xi32>
    %get3A_1250 = arith.constant 5 : index
    %get3A_1251 = tpu.vector_load %arg6[%get3A_1250] {strides = array<i32>} : memref<96xi32, #tpu.memory_space<vmem>>, vector<16xi32>,
    %slice3A_1252 = vector.extract_strided_slice %get3A_1251 {offsets = [0], sizes = [1], strides = [1]} : vector<16xi32> to vector<1xi32>
    %squeeze3A_1253 = vector.extract %slice3A_1252[0] : i32 from vector<1xi32>
    %broadcast_in_dim3A_1254 = vector.broadcast %squeeze3A_1253 : i32 to vector<16xi32>
    %eq3A_1255 = arith.cmpi eq, %select_n3A_95, %broadcast_in_dim3A_1254 : vector<16xi32>
    %lt3A_1256 = arith.constant 5 : i32
    %lt3A_1257 = vector.broadcast %lt3A_1256 : i32 to vector<16xi32>
    %lt3A_1258 = arith.cmpi slt, %iota3A, %lt3A_1257 : vector<16xi32>
    %and3A_1259 = arith.andi %eq3A_1255, %lt3A_1258 : vector<16xi1>
    %convert_element_type3A_1260 = arith.extui %and3A_1259 : vector<16xi1> to vector<16xi32>
    %or3A_1261 = arith.ori %or3A_1249, %convert_element_type3A_1260 : vector<16xi32>
    %get3A_1262 = arith.constant 6 : index
    %get3A_1263 = tpu.vector_load %arg6[%get3A_1262] {strides = array<i32>} : memref<96xi32, #tpu.memory_space<vmem>>, vector<16xi32>,
    %slice3A_1264 = vector.extract_strided_slice %get3A_1263 {offsets = [0], sizes = [1], strides = [1]} : vector<16xi32> to vector<1xi32>
    %squeeze3A_1265 = vector.extract %slice3A_1264[0] : i32 from vector<1xi32>
    %broadcast_in_dim3A_1266 = vector.broadcast %squeeze3A_1265 : i32 to vector<16xi32>
    %eq3A_1267 = arith.cmpi eq, %select_n3A_95, %broadcast_in_dim3A_1266 : vector<16xi32>
    %lt3A_1268 = arith.constant 6 : i32
    %lt3A_1269 = vector.broadcast %lt3A_1268 : i32 to vector<16xi32>
    %lt3A_1270 = arith.cmpi slt, %iota3A, %lt3A_1269 : vector<16xi32>
    %and3A_1271 = arith.andi %eq3A_1267, %lt3A_1270 : vector<16xi1>
    %convert_element_type3A_1272 = arith.extui %and3A_1271 : vector<16xi1> to vector<16xi32>
    %or3A_1273 = arith.ori %or3A_1261, %convert_element_type3A_1272 : vector<16xi32>
    %get3A_1274 = arith.constant 7 : index
    %get3A_1275 = tpu.vector_load %arg6[%get3A_1274] {strides = array<i32>} : memref<96xi32, #tpu.memory_space<vmem>>, vector<16xi32>,
    %slice3A_1276 = vector.extract_strided_slice %get3A_1275 {offsets = [0], sizes = [1], strides = [1]} : vector<16xi32> to vector<1xi32>
    %squeeze3A_1277 = vector.extract %slice3A_1276[0] : i32 from vector<1xi32>
    %broadcast_in_dim3A_1278 = vector.broadcast %squeeze3A_1277 : i32 to vector<16xi32>
    %eq3A_1279 = arith.cmpi eq, %select_n3A_95, %broadcast_in_dim3A_1278 : vector<16xi32>
    %lt3A_1280 = arith.constant 7 : i32
    %lt3A_1281 = vector.broadcast %lt3A_1280 : i32 to vector<16xi32>
    %lt3A_1282 = arith.cmpi slt, %iota3A, %lt3A_1281 : vector<16xi32>
    %and3A_1283 = arith.andi %eq3A_1279, %lt3A_1282 : vector<16xi1>
    %convert_element_type3A_1284 = arith.extui %and3A_1283 : vector<16xi1> to vector<16xi32>
    %or3A_1285 = arith.ori %or3A_1273, %convert_element_type3A_1284 : vector<16xi32>
    %get3A_1286 = arith.constant 8 : index
    %get3A_1287 = tpu.vector_load %arg6[%get3A_1286] {strides = array<i32>} : memref<96xi32, #tpu.memory_space<vmem>>, vector<16xi32>,
    %slice3A_1288 = vector.extract_strided_slice %get3A_1287 {offsets = [0], sizes = [1], strides = [1]} : vector<16xi32> to vector<1xi32>
    %squeeze3A_1289 = vector.extract %slice3A_1288[0] : i32 from vector<1xi32>
    %broadcast_in_dim3A_1290 = vector.broadcast %squeeze3A_1289 : i32 to vector<16xi32>
    %eq3A_1291 = arith.cmpi eq, %select_n3A_95, %broadcast_in_dim3A_1290 : vector<16xi32>
    %lt3A_1292 = arith.constant 8 : i32
    %lt3A_1293 = vector.broadcast %lt3A_1292 : i32 to vector<16xi32>
    %lt3A_1294 = arith.cmpi slt, %iota3A, %lt3A_1293 : vector<16xi32>
    %and3A_1295 = arith.andi %eq3A_1291, %lt3A_1294 : vector<16xi1>
    %convert_element_type3A_1296 = arith.extui %and3A_1295 : vector<16xi1> to vector<16xi32>
    %or3A_1297 = arith.ori %or3A_1285, %convert_element_type3A_1296 : vector<16xi32>
    %get3A_1298 = arith.constant 9 : index
    %get3A_1299 = tpu.vector_load %arg6[%get3A_1298] {strides = array<i32>} : memref<96xi32, #tpu.memory_space<vmem>>, vector<16xi32>,
    %slice3A_1300 = vector.extract_strided_slice %get3A_1299 {offsets = [0], sizes = [1], strides = [1]} : vector<16xi32> to vector<1xi32>
    %squeeze3A_1301 = vector.extract %slice3A_1300[0] : i32 from vector<1xi32>
    %broadcast_in_dim3A_1302 = vector.broadcast %squeeze3A_1301 : i32 to vector<16xi32>
    %eq3A_1303 = arith.cmpi eq, %select_n3A_95, %broadcast_in_dim3A_1302 : vector<16xi32>
    %lt3A_1304 = arith.constant 9 : i32
    %lt3A_1305 = vector.broadcast %lt3A_1304 : i32 to vector<16xi32>
    %lt3A_1306 = arith.cmpi slt, %iota3A, %lt3A_1305 : vector<16xi32>
    %and3A_1307 = arith.andi %eq3A_1303, %lt3A_1306 : vector<16xi1>
    %convert_element_type3A_1308 = arith.extui %and3A_1307 : vector<16xi1> to vector<16xi32>
    %or3A_1309 = arith.ori %or3A_1297, %convert_element_type3A_1308 : vector<16xi32>
    %get3A_1310 = arith.constant 10 : index
    %get3A_1311 = tpu.vector_load %arg6[%get3A_1310] {strides = array<i32>} : memref<96xi32, #tpu.memory_space<vmem>>, vector<16xi32>,
    %slice3A_1312 = vector.extract_strided_slice %get3A_1311 {offsets = [0], sizes = [1], strides = [1]} : vector<16xi32> to vector<1xi32>
    %squeeze3A_1313 = vector.extract %slice3A_1312[0] : i32 from vector<1xi32>
    %broadcast_in_dim3A_1314 = vector.broadcast %squeeze3A_1313 : i32 to vector<16xi32>
    %eq3A_1315 = arith.cmpi eq, %select_n3A_95, %broadcast_in_dim3A_1314 : vector<16xi32>
    %lt3A_1316 = arith.constant 10 : i32
    %lt3A_1317 = vector.broadcast %lt3A_1316 : i32 to vector<16xi32>
    %lt3A_1318 = arith.cmpi slt, %iota3A, %lt3A_1317 : vector<16xi32>
    %and3A_1319 = arith.andi %eq3A_1315, %lt3A_1318 : vector<16xi1>
    %convert_element_type3A_1320 = arith.extui %and3A_1319 : vector<16xi1> to vector<16xi32>
    %or3A_1321 = arith.ori %or3A_1309, %convert_element_type3A_1320 : vector<16xi32>
    %get3A_1322 = arith.constant 11 : index
    %get3A_1323 = tpu.vector_load %arg6[%get3A_1322] {strides = array<i32>} : memref<96xi32, #tpu.memory_space<vmem>>, vector<16xi32>,
    %slice3A_1324 = vector.extract_strided_slice %get3A_1323 {offsets = [0], sizes = [1], strides = [1]} : vector<16xi32> to vector<1xi32>
    %squeeze3A_1325 = vector.extract %slice3A_1324[0] : i32 from vector<1xi32>
    %broadcast_in_dim3A_1326 = vector.broadcast %squeeze3A_1325 : i32 to vector<16xi32>
    %eq3A_1327 = arith.cmpi eq, %select_n3A_95, %broadcast_in_dim3A_1326 : vector<16xi32>
    %lt3A_1328 = arith.constant 11 : i32
    %lt3A_1329 = vector.broadcast %lt3A_1328 : i32 to vector<16xi32>
    %lt3A_1330 = arith.cmpi slt, %iota3A, %lt3A_1329 : vector<16xi32>
    %and3A_1331 = arith.andi %eq3A_1327, %lt3A_1330 : vector<16xi1>
    %convert_element_type3A_1332 = arith.extui %and3A_1331 : vector<16xi1> to vector<16xi32>
    %or3A_1333 = arith.ori %or3A_1321, %convert_element_type3A_1332 : vector<16xi32>
    %get3A_1334 = arith.constant 12 : index
    %get3A_1335 = tpu.vector_load %arg6[%get3A_1334] {strides = array<i32>} : memref<96xi32, #tpu.memory_space<vmem>>, vector<16xi32>,
    %slice3A_1336 = vector.extract_strided_slice %get3A_1335 {offsets = [0], sizes = [1], strides = [1]} : vector<16xi32> to vector<1xi32>
    %squeeze3A_1337 = vector.extract %slice3A_1336[0] : i32 from vector<1xi32>
    %broadcast_in_dim3A_1338 = vector.broadcast %squeeze3A_1337 : i32 to vector<16xi32>
    %eq3A_1339 = arith.cmpi eq, %select_n3A_95, %broadcast_in_dim3A_1338 : vector<16xi32>
    %lt3A_1340 = arith.constant 12 : i32
    %lt3A_1341 = vector.broadcast %lt3A_1340 : i32 to vector<16xi32>
    %lt3A_1342 = arith.cmpi slt, %iota3A, %lt3A_1341 : vector<16xi32>
    %and3A_1343 = arith.andi %eq3A_1339, %lt3A_1342 : vector<16xi1>
    %convert_element_type3A_1344 = arith.extui %and3A_1343 : vector<16xi1> to vector<16xi32>
    %or3A_1345 = arith.ori %or3A_1333, %convert_element_type3A_1344 : vector<16xi32>
    %get3A_1346 = arith.constant 13 : index
    %get3A_1347 = tpu.vector_load %arg6[%get3A_1346] {strides = array<i32>} : memref<96xi32, #tpu.memory_space<vmem>>, vector<16xi32>,
    %slice3A_1348 = vector.extract_strided_slice %get3A_1347 {offsets = [0], sizes = [1], strides = [1]} : vector<16xi32> to vector<1xi32>
    %squeeze3A_1349 = vector.extract %slice3A_1348[0] : i32 from vector<1xi32>
    %broadcast_in_dim3A_1350 = vector.broadcast %squeeze3A_1349 : i32 to vector<16xi32>
    %eq3A_1351 = arith.cmpi eq, %select_n3A_95, %broadcast_in_dim3A_1350 : vector<16xi32>
    %lt3A_1352 = arith.constant 13 : i32
    %lt3A_1353 = vector.broadcast %lt3A_1352 : i32 to vector<16xi32>
    %lt3A_1354 = arith.cmpi slt, %iota3A, %lt3A_1353 : vector<16xi32>
    %and3A_1355 = arith.andi %eq3A_1351, %lt3A_1354 : vector<16xi1>
    %convert_element_type3A_1356 = arith.extui %and3A_1355 : vector<16xi1> to vector<16xi32>
    %or3A_1357 = arith.ori %or3A_1345, %convert_element_type3A_1356 : vector<16xi32>
    %get3A_1358 = arith.constant 14 : index
    %get3A_1359 = tpu.vector_load %arg6[%get3A_1358] {strides = array<i32>} : memref<96xi32, #tpu.memory_space<vmem>>, vector<16xi32>,
    %slice3A_1360 = vector.extract_strided_slice %get3A_1359 {offsets = [0], sizes = [1], strides = [1]} : vector<16xi32> to vector<1xi32>
    %squeeze3A_1361 = vector.extract %slice3A_1360[0] : i32 from vector<1xi32>
    %broadcast_in_dim3A_1362 = vector.broadcast %squeeze3A_1361 : i32 to vector<16xi32>
    %eq3A_1363 = arith.cmpi eq, %select_n3A_95, %broadcast_in_dim3A_1362 : vector<16xi32>
    %lt3A_1364 = arith.constant 14 : i32
    %lt3A_1365 = vector.broadcast %lt3A_1364 : i32 to vector<16xi32>
    %lt3A_1366 = arith.cmpi slt, %iota3A, %lt3A_1365 : vector<16xi32>
    %and3A_1367 = arith.andi %eq3A_1363, %lt3A_1366 : vector<16xi1>
    %convert_element_type3A_1368 = arith.extui %and3A_1367 : vector<16xi1> to vector<16xi32>
    %or3A_1369 = arith.ori %or3A_1357, %convert_element_type3A_1368 : vector<16xi32>
    %get3A_1370 = arith.constant 15 : index
    %get3A_1371 = tpu.vector_load %arg6[%get3A_1370] {strides = array<i32>} : memref<96xi32, #tpu.memory_space<vmem>>, vector<16xi32>,
    %slice3A_1372 = vector.extract_strided_slice %get3A_1371 {offsets = [0], sizes = [1], strides = [1]} : vector<16xi32> to vector<1xi32>
    %squeeze3A_1373 = vector.extract %slice3A_1372[0] : i32 from vector<1xi32>
    %broadcast_in_dim3A_1374 = vector.broadcast %squeeze3A_1373 : i32 to vector<16xi32>
    %eq3A_1375 = arith.cmpi eq, %select_n3A_95, %broadcast_in_dim3A_1374 : vector<16xi32>
    %lt3A_1376 = arith.constant 15 : i32
    %lt3A_1377 = vector.broadcast %lt3A_1376 : i32 to vector<16xi32>
    %lt3A_1378 = arith.cmpi slt, %iota3A, %lt3A_1377 : vector<16xi32>
    %and3A_1379 = arith.andi %eq3A_1375, %lt3A_1378 : vector<16xi1>
    %convert_element_type3A_1380 = arith.extui %and3A_1379 : vector<16xi1> to vector<16xi32>
    %or3A_1381 = arith.ori %or3A_1369, %convert_element_type3A_1380 : vector<16xi32>
    %get3A_1382 = arith.constant 16 : index
    %get3A_1383 = tpu.vector_load %arg6[%get3A_1382] {strides = array<i32>} : memref<96xi32, #tpu.memory_space<vmem>>, vector<16xi32>,
    %slice3A_1384 = vector.extract_strided_slice %get3A_1383 {offsets = [0], sizes = [1], strides = [1]} : vector<16xi32> to vector<1xi32>
    %squeeze3A_1385 = vector.extract %slice3A_1384[0] : i32 from vector<1xi32>
    %broadcast_in_dim3A_1386 = vector.broadcast %squeeze3A_1385 : i32 to vector<16xi32>
    %eq3A_1387 = arith.cmpi eq, %select_n3A_95, %broadcast_in_dim3A_1386 : vector<16xi32>
    %convert_element_type3A_1388 = arith.extui %eq3A_1387 : vector<16xi1> to vector<16xi32>
    %or3A_1389 = arith.ori %or3A_1381, %convert_element_type3A_1388 : vector<16xi32>
    %eq3A_1390 = arith.cmpi eq, %select_n3A_234, %broadcast_in_dim3A_1386 : vector<16xi32>
    %lt3A_1391 = arith.constant 0 : i32
    %lt3A_1392 = vector.broadcast %lt3A_1391 : i32 to vector<16xi32>
    %lt3A_1393 = arith.cmpi slt, %iota3A, %lt3A_1392 : vector<16xi32>
    %and3A_1394 = arith.andi %eq3A_1390, %lt3A_1393 : vector<16xi1>
    %convert_element_type3A_1395 = arith.extui %and3A_1394 : vector<16xi1> to vector<16xi32>
    %or3A_1396 = arith.ori %broadcast_in_dim3A_1199, %convert_element_type3A_1395 : vector<16xi32>
    %get3A_1397 = arith.constant 17 : index
    %get3A_1398 = tpu.vector_load %arg6[%get3A_1397] {strides = array<i32>} : memref<96xi32, #tpu.memory_space<vmem>>, vector<16xi32>,
    %slice3A_1399 = vector.extract_strided_slice %get3A_1398 {offsets = [0], sizes = [1], strides = [1]} : vector<16xi32> to vector<1xi32>
    %squeeze3A_1400 = vector.extract %slice3A_1399[0] : i32 from vector<1xi32>
    %broadcast_in_dim3A_1401 = vector.broadcast %squeeze3A_1400 : i32 to vector<16xi32>
    %eq3A_1402 = arith.cmpi eq, %select_n3A_95, %broadcast_in_dim3A_1401 : vector<16xi32>
    %convert_element_type3A_1403 = arith.extui %eq3A_1402 : vector<16xi1> to vector<16xi32>
    %or3A_1404 = arith.ori %or3A_1389, %convert_element_type3A_1403 : vector<16xi32>
    %eq3A_1405 = arith.cmpi eq, %select_n3A_234, %broadcast_in_dim3A_1401 : vector<16xi32>
    %lt3A_1406 = arith.constant 1 : i32
    %lt3A_1407 = vector.broadcast %lt3A_1406 : i32 to vector<16xi32>
    %lt3A_1408 = arith.cmpi slt, %iota3A, %lt3A_1407 : vector<16xi32>
    %and3A_1409 = arith.andi %eq3A_1405, %lt3A_1408 : vector<16xi1>
    %convert_element_type3A_1410 = arith.extui %and3A_1409 : vector<16xi1> to vector<16xi32>
    %or3A_1411 = arith.ori %or3A_1396, %convert_element_type3A_1410 : vector<16xi32>
    %get3A_1412 = arith.constant 18 : index
    %get3A_1413 = tpu.vector_load %arg6[%get3A_1412] {strides = array<i32>} : memref<96xi32, #tpu.memory_space<vmem>>, vector<16xi32>,
    %slice3A_1414 = vector.extract_strided_slice %get3A_1413 {offsets = [0], sizes = [1], strides = [1]} : vector<16xi32> to vector<1xi32>
    %squeeze3A_1415 = vector.extract %slice3A_1414[0] : i32 from vector<1xi32>
    %broadcast_in_dim3A_1416 = vector.broadcast %squeeze3A_1415 : i32 to vector<16xi32>
    %eq3A_1417 = arith.cmpi eq, %select_n3A_95, %broadcast_in_dim3A_1416 : vector<16xi32>
    %convert_element_type3A_1418 = arith.extui %eq3A_1417 : vector<16xi1> to vector<16xi32>
    %or3A_1419 = arith.ori %or3A_1404, %convert_element_type3A_1418 : vector<16xi32>
    %eq3A_1420 = arith.cmpi eq, %select_n3A_234, %broadcast_in_dim3A_1416 : vector<16xi32>
    %lt3A_1421 = arith.constant 2 : i32
    %lt3A_1422 = vector.broadcast %lt3A_1421 : i32 to vector<16xi32>
    %lt3A_1423 = arith.cmpi slt, %iota3A, %lt3A_1422 : vector<16xi32>
    %and3A_1424 = arith.andi %eq3A_1420, %lt3A_1423 : vector<16xi1>
    %convert_element_type3A_1425 = arith.extui %and3A_1424 : vector<16xi1> to vector<16xi32>
    %or3A_1426 = arith.ori %or3A_1411, %convert_element_type3A_1425 : vector<16xi32>
    %get3A_1427 = arith.constant 19 : index
    %get3A_1428 = tpu.vector_load %arg6[%get3A_1427] {strides = array<i32>} : memref<96xi32, #tpu.memory_space<vmem>>, vector<16xi32>,
    %slice3A_1429 = vector.extract_strided_slice %get3A_1428 {offsets = [0], sizes = [1], strides = [1]} : vector<16xi32> to vector<1xi32>
    %squeeze3A_1430 = vector.extract %slice3A_1429[0] : i32 from vector<1xi32>
    %broadcast_in_dim3A_1431 = vector.broadcast %squeeze3A_1430 : i32 to vector<16xi32>
    %eq3A_1432 = arith.cmpi eq, %select_n3A_95, %broadcast_in_dim3A_1431 : vector<16xi32>
    %convert_element_type3A_1433 = arith.extui %eq3A_1432 : vector<16xi1> to vector<16xi32>
    %or3A_1434 = arith.ori %or3A_1419, %convert_element_type3A_1433 : vector<16xi32>
    %eq3A_1435 = arith.cmpi eq, %select_n3A_234, %broadcast_in_dim3A_1431 : vector<16xi32>
    %lt3A_1436 = arith.constant 3 : i32
    %lt3A_1437 = vector.broadcast %lt3A_1436 : i32 to vector<16xi32>
    %lt3A_1438 = arith.cmpi slt, %iota3A, %lt3A_1437 : vector<16xi32>
    %and3A_1439 = arith.andi %eq3A_1435, %lt3A_1438 : vector<16xi1>
    %convert_element_type3A_1440 = arith.extui %and3A_1439 : vector<16xi1> to vector<16xi32>
    %or3A_1441 = arith.ori %or3A_1426, %convert_element_type3A_1440 : vector<16xi32>
    %get3A_1442 = arith.constant 20 : index
    %get3A_1443 = tpu.vector_load %arg6[%get3A_1442] {strides = array<i32>} : memref<96xi32, #tpu.memory_space<vmem>>, vector<16xi32>,
    %slice3A_1444 = vector.extract_strided_slice %get3A_1443 {offsets = [0], sizes = [1], strides = [1]} : vector<16xi32> to vector<1xi32>
    %squeeze3A_1445 = vector.extract %slice3A_1444[0] : i32 from vector<1xi32>
    %broadcast_in_dim3A_1446 = vector.broadcast %squeeze3A_1445 : i32 to vector<16xi32>
    %eq3A_1447 = arith.cmpi eq, %select_n3A_95, %broadcast_in_dim3A_1446 : vector<16xi32>
    %convert_element_type3A_1448 = arith.extui %eq3A_1447 : vector<16xi1> to vector<16xi32>
    %or3A_1449 = arith.ori %or3A_1434, %convert_element_type3A_1448 : vector<16xi32>
    %eq3A_1450 = arith.cmpi eq, %select_n3A_234, %broadcast_in_dim3A_1446 : vector<16xi32>
    %lt3A_1451 = arith.constant 4 : i32
    %lt3A_1452 = vector.broadcast %lt3A_1451 : i32 to vector<16xi32>
    %lt3A_1453 = arith.cmpi slt, %iota3A, %lt3A_1452 : vector<16xi32>
    %and3A_1454 = arith.andi %eq3A_1450, %lt3A_1453 : vector<16xi1>
    %convert_element_type3A_1455 = arith.extui %and3A_1454 : vector<16xi1> to vector<16xi32>
    %or3A_1456 = arith.ori %or3A_1441, %convert_element_type3A_1455 : vector<16xi32>
    %get3A_1457 = arith.constant 21 : index
    %get3A_1458 = tpu.vector_load %arg6[%get3A_1457] {strides = array<i32>} : memref<96xi32, #tpu.memory_space<vmem>>, vector<16xi32>,
    %slice3A_1459 = vector.extract_strided_slice %get3A_1458 {offsets = [0], sizes = [1], strides = [1]} : vector<16xi32> to vector<1xi32>
    %squeeze3A_1460 = vector.extract %slice3A_1459[0] : i32 from vector<1xi32>
    %broadcast_in_dim3A_1461 = vector.broadcast %squeeze3A_1460 : i32 to vector<16xi32>
    %eq3A_1462 = arith.cmpi eq, %select_n3A_95, %broadcast_in_dim3A_1461 : vector<16xi32>
    %convert_element_type3A_1463 = arith.extui %eq3A_1462 : vector<16xi1> to vector<16xi32>
    %or3A_1464 = arith.ori %or3A_1449, %convert_element_type3A_1463 : vector<16xi32>
    %eq3A_1465 = arith.cmpi eq, %select_n3A_234, %broadcast_in_dim3A_1461 : vector<16xi32>
    %lt3A_1466 = arith.constant 5 : i32
    %lt3A_1467 = vector.broadcast %lt3A_1466 : i32 to vector<16xi32>
    %lt3A_1468 = arith.cmpi slt, %iota3A, %lt3A_1467 : vector<16xi32>
    %and3A_1469 = arith.andi %eq3A_1465, %lt3A_1468 : vector<16xi1>
    %convert_element_type3A_1470 = arith.extui %and3A_1469 : vector<16xi1> to vector<16xi32>
    %or3A_1471 = arith.ori %or3A_1456, %convert_element_type3A_1470 : vector<16xi32>
    %get3A_1472 = arith.constant 22 : index
    %get3A_1473 = tpu.vector_load %arg6[%get3A_1472] {strides = array<i32>} : memref<96xi32, #tpu.memory_space<vmem>>, vector<16xi32>,
    %slice3A_1474 = vector.extract_strided_slice %get3A_1473 {offsets = [0], sizes = [1], strides = [1]} : vector<16xi32> to vector<1xi32>
    %squeeze3A_1475 = vector.extract %slice3A_1474[0] : i32 from vector<1xi32>
    %broadcast_in_dim3A_1476 = vector.broadcast %squeeze3A_1475 : i32 to vector<16xi32>
    %eq3A_1477 = arith.cmpi eq, %select_n3A_95, %broadcast_in_dim3A_1476 : vector<16xi32>
    %convert_element_type3A_1478 = arith.extui %eq3A_1477 : vector<16xi1> to vector<16xi32>
    %or3A_1479 = arith.ori %or3A_1464, %convert_element_type3A_1478 : vector<16xi32>
    %eq3A_1480 = arith.cmpi eq, %select_n3A_234, %broadcast_in_dim3A_1476 : vector<16xi32>
    %lt3A_1481 = arith.constant 6 : i32
    %lt3A_1482 = vector.broadcast %lt3A_1481 : i32 to vector<16xi32>
    %lt3A_1483 = arith.cmpi slt, %iota3A, %lt3A_1482 : vector<16xi32>
    %and3A_1484 = arith.andi %eq3A_1480, %lt3A_1483 : vector<16xi1>
    %convert_element_type3A_1485 = arith.extui %and3A_1484 : vector<16xi1> to vector<16xi32>
    %or3A_1486 = arith.ori %or3A_1471, %convert_element_type3A_1485 : vector<16xi32>
    %get3A_1487 = arith.constant 23 : index
    %get3A_1488 = tpu.vector_load %arg6[%get3A_1487] {strides = array<i32>} : memref<96xi32, #tpu.memory_space<vmem>>, vector<16xi32>,
    %slice3A_1489 = vector.extract_strided_slice %get3A_1488 {offsets = [0], sizes = [1], strides = [1]} : vector<16xi32> to vector<1xi32>
    %squeeze3A_1490 = vector.extract %slice3A_1489[0] : i32 from vector<1xi32>
    %broadcast_in_dim3A_1491 = vector.broadcast %squeeze3A_1490 : i32 to vector<16xi32>
    %eq3A_1492 = arith.cmpi eq, %select_n3A_95, %broadcast_in_dim3A_1491 : vector<16xi32>
    %convert_element_type3A_1493 = arith.extui %eq3A_1492 : vector<16xi1> to vector<16xi32>
    %or3A_1494 = arith.ori %or3A_1479, %convert_element_type3A_1493 : vector<16xi32>
    %eq3A_1495 = arith.cmpi eq, %select_n3A_234, %broadcast_in_dim3A_1491 : vector<16xi32>
    %lt3A_1496 = arith.constant 7 : i32
    %lt3A_1497 = vector.broadcast %lt3A_1496 : i32 to vector<16xi32>
    %lt3A_1498 = arith.cmpi slt, %iota3A, %lt3A_1497 : vector<16xi32>
    %and3A_1499 = arith.andi %eq3A_1495, %lt3A_1498 : vector<16xi1>
    %convert_element_type3A_1500 = arith.extui %and3A_1499 : vector<16xi1> to vector<16xi32>
    %or3A_1501 = arith.ori %or3A_1486, %convert_element_type3A_1500 : vector<16xi32>
    %get3A_1502 = arith.constant 24 : index
    %get3A_1503 = tpu.vector_load %arg6[%get3A_1502] {strides = array<i32>} : memref<96xi32, #tpu.memory_space<vmem>>, vector<16xi32>,
    %slice3A_1504 = vector.extract_strided_slice %get3A_1503 {offsets = [0], sizes = [1], strides = [1]} : vector<16xi32> to vector<1xi32>
    %squeeze3A_1505 = vector.extract %slice3A_1504[0] : i32 from vector<1xi32>
    %broadcast_in_dim3A_1506 = vector.broadcast %squeeze3A_1505 : i32 to vector<16xi32>
    %eq3A_1507 = arith.cmpi eq, %select_n3A_95, %broadcast_in_dim3A_1506 : vector<16xi32>
    %convert_element_type3A_1508 = arith.extui %eq3A_1507 : vector<16xi1> to vector<16xi32>
    %or3A_1509 = arith.ori %or3A_1494, %convert_element_type3A_1508 : vector<16xi32>
    %eq3A_1510 = arith.cmpi eq, %select_n3A_234, %broadcast_in_dim3A_1506 : vector<16xi32>
    %lt3A_1511 = arith.constant 8 : i32
    %lt3A_1512 = vector.broadcast %lt3A_1511 : i32 to vector<16xi32>
    %lt3A_1513 = arith.cmpi slt, %iota3A, %lt3A_1512 : vector<16xi32>
    %and3A_1514 = arith.andi %eq3A_1510, %lt3A_1513 : vector<16xi1>
    %convert_element_type3A_1515 = arith.extui %and3A_1514 : vector<16xi1> to vector<16xi32>
    %or3A_1516 = arith.ori %or3A_1501, %convert_element_type3A_1515 : vector<16xi32>
    %get3A_1517 = arith.constant 25 : index
    %get3A_1518 = tpu.vector_load %arg6[%get3A_1517] {strides = array<i32>} : memref<96xi32, #tpu.memory_space<vmem>>, vector<16xi32>,
    %slice3A_1519 = vector.extract_strided_slice %get3A_1518 {offsets = [0], sizes = [1], strides = [1]} : vector<16xi32> to vector<1xi32>
    %squeeze3A_1520 = vector.extract %slice3A_1519[0] : i32 from vector<1xi32>
    %broadcast_in_dim3A_1521 = vector.broadcast %squeeze3A_1520 : i32 to vector<16xi32>
    %eq3A_1522 = arith.cmpi eq, %select_n3A_95, %broadcast_in_dim3A_1521 : vector<16xi32>
    %convert_element_type3A_1523 = arith.extui %eq3A_1522 : vector<16xi1> to vector<16xi32>
    %or3A_1524 = arith.ori %or3A_1509, %convert_element_type3A_1523 : vector<16xi32>
    %eq3A_1525 = arith.cmpi eq, %select_n3A_234, %broadcast_in_dim3A_1521 : vector<16xi32>
    %lt3A_1526 = arith.constant 9 : i32
    %lt3A_1527 = vector.broadcast %lt3A_1526 : i32 to vector<16xi32>
    %lt3A_1528 = arith.cmpi slt, %iota3A, %lt3A_1527 : vector<16xi32>
    %and3A_1529 = arith.andi %eq3A_1525, %lt3A_1528 : vector<16xi1>
    %convert_element_type3A_1530 = arith.extui %and3A_1529 : vector<16xi1> to vector<16xi32>
    %or3A_1531 = arith.ori %or3A_1516, %convert_element_type3A_1530 : vector<16xi32>
    %get3A_1532 = arith.constant 26 : index
    %get3A_1533 = tpu.vector_load %arg6[%get3A_1532] {strides = array<i32>} : memref<96xi32, #tpu.memory_space<vmem>>, vector<16xi32>,
    %slice3A_1534 = vector.extract_strided_slice %get3A_1533 {offsets = [0], sizes = [1], strides = [1]} : vector<16xi32> to vector<1xi32>
    %squeeze3A_1535 = vector.extract %slice3A_1534[0] : i32 from vector<1xi32>
    %broadcast_in_dim3A_1536 = vector.broadcast %squeeze3A_1535 : i32 to vector<16xi32>
    %eq3A_1537 = arith.cmpi eq, %select_n3A_95, %broadcast_in_dim3A_1536 : vector<16xi32>
    %convert_element_type3A_1538 = arith.extui %eq3A_1537 : vector<16xi1> to vector<16xi32>
    %or3A_1539 = arith.ori %or3A_1524, %convert_element_type3A_1538 : vector<16xi32>
    %eq3A_1540 = arith.cmpi eq, %select_n3A_234, %broadcast_in_dim3A_1536 : vector<16xi32>
    %lt3A_1541 = arith.constant 10 : i32
    %lt3A_1542 = vector.broadcast %lt3A_1541 : i32 to vector<16xi32>
    %lt3A_1543 = arith.cmpi slt, %iota3A, %lt3A_1542 : vector<16xi32>
    %and3A_1544 = arith.andi %eq3A_1540, %lt3A_1543 : vector<16xi1>
    %convert_element_type3A_1545 = arith.extui %and3A_1544 : vector<16xi1> to vector<16xi32>
    %or3A_1546 = arith.ori %or3A_1531, %convert_element_type3A_1545 : vector<16xi32>
    %get3A_1547 = arith.constant 27 : index
    %get3A_1548 = tpu.vector_load %arg6[%get3A_1547] {strides = array<i32>} : memref<96xi32, #tpu.memory_space<vmem>>, vector<16xi32>,
    %slice3A_1549 = vector.extract_strided_slice %get3A_1548 {offsets = [0], sizes = [1], strides = [1]} : vector<16xi32> to vector<1xi32>
    %squeeze3A_1550 = vector.extract %slice3A_1549[0] : i32 from vector<1xi32>
    %broadcast_in_dim3A_1551 = vector.broadcast %squeeze3A_1550 : i32 to vector<16xi32>
    %eq3A_1552 = arith.cmpi eq, %select_n3A_95, %broadcast_in_dim3A_1551 : vector<16xi32>
    %convert_element_type3A_1553 = arith.extui %eq3A_1552 : vector<16xi1> to vector<16xi32>
    %or3A_1554 = arith.ori %or3A_1539, %convert_element_type3A_1553 : vector<16xi32>
    %eq3A_1555 = arith.cmpi eq, %select_n3A_234, %broadcast_in_dim3A_1551 : vector<16xi32>
    %lt3A_1556 = arith.constant 11 : i32
    %lt3A_1557 = vector.broadcast %lt3A_1556 : i32 to vector<16xi32>
    %lt3A_1558 = arith.cmpi slt, %iota3A, %lt3A_1557 : vector<16xi32>
    %and3A_1559 = arith.andi %eq3A_1555, %lt3A_1558 : vector<16xi1>
    %convert_element_type3A_1560 = arith.extui %and3A_1559 : vector<16xi1> to vector<16xi32>
    %or3A_1561 = arith.ori %or3A_1546, %convert_element_type3A_1560 : vector<16xi32>
    %get3A_1562 = arith.constant 28 : index
    %get3A_1563 = tpu.vector_load %arg6[%get3A_1562] {strides = array<i32>} : memref<96xi32, #tpu.memory_space<vmem>>, vector<16xi32>,
    %slice3A_1564 = vector.extract_strided_slice %get3A_1563 {offsets = [0], sizes = [1], strides = [1]} : vector<16xi32> to vector<1xi32>
    %squeeze3A_1565 = vector.extract %slice3A_1564[0] : i32 from vector<1xi32>
    %broadcast_in_dim3A_1566 = vector.broadcast %squeeze3A_1565 : i32 to vector<16xi32>
    %eq3A_1567 = arith.cmpi eq, %select_n3A_95, %broadcast_in_dim3A_1566 : vector<16xi32>
    %convert_element_type3A_1568 = arith.extui %eq3A_1567 : vector<16xi1> to vector<16xi32>
    %or3A_1569 = arith.ori %or3A_1554, %convert_element_type3A_1568 : vector<16xi32>
    %eq3A_1570 = arith.cmpi eq, %select_n3A_234, %broadcast_in_dim3A_1566 : vector<16xi32>
    %lt3A_1571 = arith.constant 12 : i32
    %lt3A_1572 = vector.broadcast %lt3A_1571 : i32 to vector<16xi32>
    %lt3A_1573 = arith.cmpi slt, %iota3A, %lt3A_1572 : vector<16xi32>
    %and3A_1574 = arith.andi %eq3A_1570, %lt3A_1573 : vector<16xi1>
    %convert_element_type3A_1575 = arith.extui %and3A_1574 : vector<16xi1> to vector<16xi32>
    %or3A_1576 = arith.ori %or3A_1561, %convert_element_type3A_1575 : vector<16xi32>
    %get3A_1577 = arith.constant 29 : index
    %get3A_1578 = tpu.vector_load %arg6[%get3A_1577] {strides = array<i32>} : memref<96xi32, #tpu.memory_space<vmem>>, vector<16xi32>,
    %slice3A_1579 = vector.extract_strided_slice %get3A_1578 {offsets = [0], sizes = [1], strides = [1]} : vector<16xi32> to vector<1xi32>
    %squeeze3A_1580 = vector.extract %slice3A_1579[0] : i32 from vector<1xi32>
    %broadcast_in_dim3A_1581 = vector.broadcast %squeeze3A_1580 : i32 to vector<16xi32>
    %eq3A_1582 = arith.cmpi eq, %select_n3A_95, %broadcast_in_dim3A_1581 : vector<16xi32>
    %convert_element_type3A_1583 = arith.extui %eq3A_1582 : vector<16xi1> to vector<16xi32>
    %or3A_1584 = arith.ori %or3A_1569, %convert_element_type3A_1583 : vector<16xi32>
    %eq3A_1585 = arith.cmpi eq, %select_n3A_234, %broadcast_in_dim3A_1581 : vector<16xi32>
    %lt3A_1586 = arith.constant 13 : i32
    %lt3A_1587 = vector.broadcast %lt3A_1586 : i32 to vector<16xi32>
    %lt3A_1588 = arith.cmpi slt, %iota3A, %lt3A_1587 : vector<16xi32>
    %and3A_1589 = arith.andi %eq3A_1585, %lt3A_1588 : vector<16xi1>
    %convert_element_type3A_1590 = arith.extui %and3A_1589 : vector<16xi1> to vector<16xi32>
    %or3A_1591 = arith.ori %or3A_1576, %convert_element_type3A_1590 : vector<16xi32>
    %get3A_1592 = arith.constant 30 : index
    %get3A_1593 = tpu.vector_load %arg6[%get3A_1592] {strides = array<i32>} : memref<96xi32, #tpu.memory_space<vmem>>, vector<16xi32>,
    %slice3A_1594 = vector.extract_strided_slice %get3A_1593 {offsets = [0], sizes = [1], strides = [1]} : vector<16xi32> to vector<1xi32>
    %squeeze3A_1595 = vector.extract %slice3A_1594[0] : i32 from vector<1xi32>
    %broadcast_in_dim3A_1596 = vector.broadcast %squeeze3A_1595 : i32 to vector<16xi32>
    %eq3A_1597 = arith.cmpi eq, %select_n3A_95, %broadcast_in_dim3A_1596 : vector<16xi32>
    %convert_element_type3A_1598 = arith.extui %eq3A_1597 : vector<16xi1> to vector<16xi32>
    %or3A_1599 = arith.ori %or3A_1584, %convert_element_type3A_1598 : vector<16xi32>
    %eq3A_1600 = arith.cmpi eq, %select_n3A_234, %broadcast_in_dim3A_1596 : vector<16xi32>
    %lt3A_1601 = arith.constant 14 : i32
    %lt3A_1602 = vector.broadcast %lt3A_1601 : i32 to vector<16xi32>
    %lt3A_1603 = arith.cmpi slt, %iota3A, %lt3A_1602 : vector<16xi32>
    %and3A_1604 = arith.andi %eq3A_1600, %lt3A_1603 : vector<16xi1>
    %convert_element_type3A_1605 = arith.extui %and3A_1604 : vector<16xi1> to vector<16xi32>
    %or3A_1606 = arith.ori %or3A_1591, %convert_element_type3A_1605 : vector<16xi32>
    %get3A_1607 = arith.constant 31 : index
    %get3A_1608 = tpu.vector_load %arg6[%get3A_1607] {strides = array<i32>} : memref<96xi32, #tpu.memory_space<vmem>>, vector<16xi32>,
    %slice3A_1609 = vector.extract_strided_slice %get3A_1608 {offsets = [0], sizes = [1], strides = [1]} : vector<16xi32> to vector<1xi32>
    %squeeze3A_1610 = vector.extract %slice3A_1609[0] : i32 from vector<1xi32>
    %broadcast_in_dim3A_1611 = vector.broadcast %squeeze3A_1610 : i32 to vector<16xi32>
    %eq3A_1612 = arith.cmpi eq, %select_n3A_95, %broadcast_in_dim3A_1611 : vector<16xi32>
    %convert_element_type3A_1613 = arith.extui %eq3A_1612 : vector<16xi1> to vector<16xi32>
    %or3A_1614 = arith.ori %or3A_1599, %convert_element_type3A_1613 : vector<16xi32>
    %eq3A_1615 = arith.cmpi eq, %select_n3A_234, %broadcast_in_dim3A_1611 : vector<16xi32>
    %lt3A_1616 = arith.constant 15 : i32
    %lt3A_1617 = vector.broadcast %lt3A_1616 : i32 to vector<16xi32>
    %lt3A_1618 = arith.cmpi slt, %iota3A, %lt3A_1617 : vector<16xi32>
    %and3A_1619 = arith.andi %eq3A_1615, %lt3A_1618 : vector<16xi1>
    %convert_element_type3A_1620 = arith.extui %and3A_1619 : vector<16xi1> to vector<16xi32>
    %or3A_1621 = arith.ori %or3A_1606, %convert_element_type3A_1620 : vector<16xi32>
    %get3A_1622 = arith.constant 32 : index
    %get3A_1623 = tpu.vector_load %arg6[%get3A_1622] {strides = array<i32>} : memref<96xi32, #tpu.memory_space<vmem>>, vector<16xi32>,
    %slice3A_1624 = vector.extract_strided_slice %get3A_1623 {offsets = [0], sizes = [1], strides = [1]} : vector<16xi32> to vector<1xi32>
    %squeeze3A_1625 = vector.extract %slice3A_1624[0] : i32 from vector<1xi32>
    %broadcast_in_dim3A_1626 = vector.broadcast %squeeze3A_1625 : i32 to vector<16xi32>
    %eq3A_1627 = arith.cmpi eq, %select_n3A_95, %broadcast_in_dim3A_1626 : vector<16xi32>
    %convert_element_type3A_1628 = arith.extui %eq3A_1627 : vector<16xi1> to vector<16xi32>
    %or3A_1629 = arith.ori %or3A_1614, %convert_element_type3A_1628 : vector<16xi32>
    %eq3A_1630 = arith.cmpi eq, %select_n3A_234, %broadcast_in_dim3A_1626 : vector<16xi32>
    %convert_element_type3A_1631 = arith.extui %eq3A_1630 : vector<16xi1> to vector<16xi32>
    %or3A_1632 = arith.ori %or3A_1621, %convert_element_type3A_1631 : vector<16xi32>
    %eq3A_1633 = arith.cmpi eq, %select_n3A_377, %broadcast_in_dim3A_1626 : vector<16xi32>
    %lt3A_1634 = arith.constant 0 : i32
    %lt3A_1635 = vector.broadcast %lt3A_1634 : i32 to vector<16xi32>
    %lt3A_1636 = arith.cmpi slt, %iota3A, %lt3A_1635 : vector<16xi32>
    %and3A_1637 = arith.andi %eq3A_1633, %lt3A_1636 : vector<16xi1>
    %convert_element_type3A_1638 = arith.extui %and3A_1637 : vector<16xi1> to vector<16xi32>
    %or3A_1639 = arith.ori %broadcast_in_dim3A_1201, %convert_element_type3A_1638 : vector<16xi32>
    %get3A_1640 = arith.constant 33 : index
    %get3A_1641 = tpu.vector_load %arg6[%get3A_1640] {strides = array<i32>} : memref<96xi32, #tpu.memory_space<vmem>>, vector<16xi32>,
    %slice3A_1642 = vector.extract_strided_slice %get3A_1641 {offsets = [0], sizes = [1], strides = [1]} : vector<16xi32> to vector<1xi32>
    %squeeze3A_1643 = vector.extract %slice3A_1642[0] : i32 from vector<1xi32>
    %broadcast_in_dim3A_1644 = vector.broadcast %squeeze3A_1643 : i32 to vector<16xi32>
    %eq3A_1645 = arith.cmpi eq, %select_n3A_95, %broadcast_in_dim3A_1644 : vector<16xi32>
    %convert_element_type3A_1646 = arith.extui %eq3A_1645 : vector<16xi1> to vector<16xi32>
    %or3A_1647 = arith.ori %or3A_1629, %convert_element_type3A_1646 : vector<16xi32>
    %eq3A_1648 = arith.cmpi eq, %select_n3A_234, %broadcast_in_dim3A_1644 : vector<16xi32>
    %convert_element_type3A_1649 = arith.extui %eq3A_1648 : vector<16xi1> to vector<16xi32>
    %or3A_1650 = arith.ori %or3A_1632, %convert_element_type3A_1649 : vector<16xi32>
    %eq3A_1651 = arith.cmpi eq, %select_n3A_377, %broadcast_in_dim3A_1644 : vector<16xi32>
    %lt3A_1652 = arith.constant 1 : i32
    %lt3A_1653 = vector.broadcast %lt3A_1652 : i32 to vector<16xi32>
    %lt3A_1654 = arith.cmpi slt, %iota3A, %lt3A_1653 : vector<16xi32>
    %and3A_1655 = arith.andi %eq3A_1651, %lt3A_1654 : vector<16xi1>
    %convert_element_type3A_1656 = arith.extui %and3A_1655 : vector<16xi1> to vector<16xi32>
    %or3A_1657 = arith.ori %or3A_1639, %convert_element_type3A_1656 : vector<16xi32>
    %get3A_1658 = arith.constant 34 : index
    %get3A_1659 = tpu.vector_load %arg6[%get3A_1658] {strides = array<i32>} : memref<96xi32, #tpu.memory_space<vmem>>, vector<16xi32>,
    %slice3A_1660 = vector.extract_strided_slice %get3A_1659 {offsets = [0], sizes = [1], strides = [1]} : vector<16xi32> to vector<1xi32>
    %squeeze3A_1661 = vector.extract %slice3A_1660[0] : i32 from vector<1xi32>
    %broadcast_in_dim3A_1662 = vector.broadcast %squeeze3A_1661 : i32 to vector<16xi32>
    %eq3A_1663 = arith.cmpi eq, %select_n3A_95, %broadcast_in_dim3A_1662 : vector<16xi32>
    %convert_element_type3A_1664 = arith.extui %eq3A_1663 : vector<16xi1> to vector<16xi32>
    %or3A_1665 = arith.ori %or3A_1647, %convert_element_type3A_1664 : vector<16xi32>
    %eq3A_1666 = arith.cmpi eq, %select_n3A_234, %broadcast_in_dim3A_1662 : vector<16xi32>
    %convert_element_type3A_1667 = arith.extui %eq3A_1666 : vector<16xi1> to vector<16xi32>
    %or3A_1668 = arith.ori %or3A_1650, %convert_element_type3A_1667 : vector<16xi32>
    %eq3A_1669 = arith.cmpi eq, %select_n3A_377, %broadcast_in_dim3A_1662 : vector<16xi32>
    %lt3A_1670 = arith.constant 2 : i32
    %lt3A_1671 = vector.broadcast %lt3A_1670 : i32 to vector<16xi32>
    %lt3A_1672 = arith.cmpi slt, %iota3A, %lt3A_1671 : vector<16xi32>
    %and3A_1673 = arith.andi %eq3A_1669, %lt3A_1672 : vector<16xi1>
    %convert_element_type3A_1674 = arith.extui %and3A_1673 : vector<16xi1> to vector<16xi32>
    %or3A_1675 = arith.ori %or3A_1657, %convert_element_type3A_1674 : vector<16xi32>
    %get3A_1676 = arith.constant 35 : index
    %get3A_1677 = tpu.vector_load %arg6[%get3A_1676] {strides = array<i32>} : memref<96xi32, #tpu.memory_space<vmem>>, vector<16xi32>,
    %slice3A_1678 = vector.extract_strided_slice %get3A_1677 {offsets = [0], sizes = [1], strides = [1]} : vector<16xi32> to vector<1xi32>
    %squeeze3A_1679 = vector.extract %slice3A_1678[0] : i32 from vector<1xi32>
    %broadcast_in_dim3A_1680 = vector.broadcast %squeeze3A_1679 : i32 to vector<16xi32>
    %eq3A_1681 = arith.cmpi eq, %select_n3A_95, %broadcast_in_dim3A_1680 : vector<16xi32>
    %convert_element_type3A_1682 = arith.extui %eq3A_1681 : vector<16xi1> to vector<16xi32>
    %or3A_1683 = arith.ori %or3A_1665, %convert_element_type3A_1682 : vector<16xi32>
    %eq3A_1684 = arith.cmpi eq, %select_n3A_234, %broadcast_in_dim3A_1680 : vector<16xi32>
    %convert_element_type3A_1685 = arith.extui %eq3A_1684 : vector<16xi1> to vector<16xi32>
    %or3A_1686 = arith.ori %or3A_1668, %convert_element_type3A_1685 : vector<16xi32>
    %eq3A_1687 = arith.cmpi eq, %select_n3A_377, %broadcast_in_dim3A_1680 : vector<16xi32>
    %lt3A_1688 = arith.constant 3 : i32
    %lt3A_1689 = vector.broadcast %lt3A_1688 : i32 to vector<16xi32>
    %lt3A_1690 = arith.cmpi slt, %iota3A, %lt3A_1689 : vector<16xi32>
    %and3A_1691 = arith.andi %eq3A_1687, %lt3A_1690 : vector<16xi1>
    %convert_element_type3A_1692 = arith.extui %and3A_1691 : vector<16xi1> to vector<16xi32>
    %or3A_1693 = arith.ori %or3A_1675, %convert_element_type3A_1692 : vector<16xi32>
    %get3A_1694 = arith.constant 36 : index
    %get3A_1695 = tpu.vector_load %arg6[%get3A_1694] {strides = array<i32>} : memref<96xi32, #tpu.memory_space<vmem>>, vector<16xi32>,
    %slice3A_1696 = vector.extract_strided_slice %get3A_1695 {offsets = [0], sizes = [1], strides = [1]} : vector<16xi32> to vector<1xi32>
    %squeeze3A_1697 = vector.extract %slice3A_1696[0] : i32 from vector<1xi32>
    %broadcast_in_dim3A_1698 = vector.broadcast %squeeze3A_1697 : i32 to vector<16xi32>
    %eq3A_1699 = arith.cmpi eq, %select_n3A_95, %broadcast_in_dim3A_1698 : vector<16xi32>
    %convert_element_type3A_1700 = arith.extui %eq3A_1699 : vector<16xi1> to vector<16xi32>
    %or3A_1701 = arith.ori %or3A_1683, %convert_element_type3A_1700 : vector<16xi32>
    %eq3A_1702 = arith.cmpi eq, %select_n3A_234, %broadcast_in_dim3A_1698 : vector<16xi32>
    %convert_element_type3A_1703 = arith.extui %eq3A_1702 : vector<16xi1> to vector<16xi32>
    %or3A_1704 = arith.ori %or3A_1686, %convert_element_type3A_1703 : vector<16xi32>
    %eq3A_1705 = arith.cmpi eq, %select_n3A_377, %broadcast_in_dim3A_1698 : vector<16xi32>
    %lt3A_1706 = arith.constant 4 : i32
    %lt3A_1707 = vector.broadcast %lt3A_1706 : i32 to vector<16xi32>
    %lt3A_1708 = arith.cmpi slt, %iota3A, %lt3A_1707 : vector<16xi32>
    %and3A_1709 = arith.andi %eq3A_1705, %lt3A_1708 : vector<16xi1>
    %convert_element_type3A_1710 = arith.extui %and3A_1709 : vector<16xi1> to vector<16xi32>
    %or3A_1711 = arith.ori %or3A_1693, %convert_element_type3A_1710 : vector<16xi32>
    %get3A_1712 = arith.constant 37 : index
    %get3A_1713 = tpu.vector_load %arg6[%get3A_1712] {strides = array<i32>} : memref<96xi32, #tpu.memory_space<vmem>>, vector<16xi32>,
    %slice3A_1714 = vector.extract_strided_slice %get3A_1713 {offsets = [0], sizes = [1], strides = [1]} : vector<16xi32> to vector<1xi32>
    %squeeze3A_1715 = vector.extract %slice3A_1714[0] : i32 from vector<1xi32>
    %broadcast_in_dim3A_1716 = vector.broadcast %squeeze3A_1715 : i32 to vector<16xi32>
    %eq3A_1717 = arith.cmpi eq, %select_n3A_95, %broadcast_in_dim3A_1716 : vector<16xi32>
    %convert_element_type3A_1718 = arith.extui %eq3A_1717 : vector<16xi1> to vector<16xi32>
    %or3A_1719 = arith.ori %or3A_1701, %convert_element_type3A_1718 : vector<16xi32>
    %eq3A_1720 = arith.cmpi eq, %select_n3A_234, %broadcast_in_dim3A_1716 : vector<16xi32>
    %convert_element_type3A_1721 = arith.extui %eq3A_1720 : vector<16xi1> to vector<16xi32>
    %or3A_1722 = arith.ori %or3A_1704, %convert_element_type3A_1721 : vector<16xi32>
    %eq3A_1723 = arith.cmpi eq, %select_n3A_377, %broadcast_in_dim3A_1716 : vector<16xi32>
    %lt3A_1724 = arith.constant 5 : i32
    %lt3A_1725 = vector.broadcast %lt3A_1724 : i32 to vector<16xi32>
    %lt3A_1726 = arith.cmpi slt, %iota3A, %lt3A_1725 : vector<16xi32>
    %and3A_1727 = arith.andi %eq3A_1723, %lt3A_1726 : vector<16xi1>
    %convert_element_type3A_1728 = arith.extui %and3A_1727 : vector<16xi1> to vector<16xi32>
    %or3A_1729 = arith.ori %or3A_1711, %convert_element_type3A_1728 : vector<16xi32>
    %get3A_1730 = arith.constant 38 : index
    %get3A_1731 = tpu.vector_load %arg6[%get3A_1730] {strides = array<i32>} : memref<96xi32, #tpu.memory_space<vmem>>, vector<16xi32>,
    %slice3A_1732 = vector.extract_strided_slice %get3A_1731 {offsets = [0], sizes = [1], strides = [1]} : vector<16xi32> to vector<1xi32>
    %squeeze3A_1733 = vector.extract %slice3A_1732[0] : i32 from vector<1xi32>
    %broadcast_in_dim3A_1734 = vector.broadcast %squeeze3A_1733 : i32 to vector<16xi32>
    %eq3A_1735 = arith.cmpi eq, %select_n3A_95, %broadcast_in_dim3A_1734 : vector<16xi32>
    %convert_element_type3A_1736 = arith.extui %eq3A_1735 : vector<16xi1> to vector<16xi32>
    %or3A_1737 = arith.ori %or3A_1719, %convert_element_type3A_1736 : vector<16xi32>
    %eq3A_1738 = arith.cmpi eq, %select_n3A_234, %broadcast_in_dim3A_1734 : vector<16xi32>
    %convert_element_type3A_1739 = arith.extui %eq3A_1738 : vector<16xi1> to vector<16xi32>
    %or3A_1740 = arith.ori %or3A_1722, %convert_element_type3A_1739 : vector<16xi32>
    %eq3A_1741 = arith.cmpi eq, %select_n3A_377, %broadcast_in_dim3A_1734 : vector<16xi32>
    %lt3A_1742 = arith.constant 6 : i32
    %lt3A_1743 = vector.broadcast %lt3A_1742 : i32 to vector<16xi32>
    %lt3A_1744 = arith.cmpi slt, %iota3A, %lt3A_1743 : vector<16xi32>
    %and3A_1745 = arith.andi %eq3A_1741, %lt3A_1744 : vector<16xi1>
    %convert_element_type3A_1746 = arith.extui %and3A_1745 : vector<16xi1> to vector<16xi32>
    %or3A_1747 = arith.ori %or3A_1729, %convert_element_type3A_1746 : vector<16xi32>
    %get3A_1748 = arith.constant 39 : index
    %get3A_1749 = tpu.vector_load %arg6[%get3A_1748] {strides = array<i32>} : memref<96xi32, #tpu.memory_space<vmem>>, vector<16xi32>,
    %slice3A_1750 = vector.extract_strided_slice %get3A_1749 {offsets = [0], sizes = [1], strides = [1]} : vector<16xi32> to vector<1xi32>
    %squeeze3A_1751 = vector.extract %slice3A_1750[0] : i32 from vector<1xi32>
    %broadcast_in_dim3A_1752 = vector.broadcast %squeeze3A_1751 : i32 to vector<16xi32>
    %eq3A_1753 = arith.cmpi eq, %select_n3A_95, %broadcast_in_dim3A_1752 : vector<16xi32>
    %convert_element_type3A_1754 = arith.extui %eq3A_1753 : vector<16xi1> to vector<16xi32>
    %or3A_1755 = arith.ori %or3A_1737, %convert_element_type3A_1754 : vector<16xi32>
    %eq3A_1756 = arith.cmpi eq, %select_n3A_234, %broadcast_in_dim3A_1752 : vector<16xi32>
    %convert_element_type3A_1757 = arith.extui %eq3A_1756 : vector<16xi1> to vector<16xi32>
    %or3A_1758 = arith.ori %or3A_1740, %convert_element_type3A_1757 : vector<16xi32>
    %eq3A_1759 = arith.cmpi eq, %select_n3A_377, %broadcast_in_dim3A_1752 : vector<16xi32>
    %lt3A_1760 = arith.constant 7 : i32
    %lt3A_1761 = vector.broadcast %lt3A_1760 : i32 to vector<16xi32>
    %lt3A_1762 = arith.cmpi slt, %iota3A, %lt3A_1761 : vector<16xi32>
    %and3A_1763 = arith.andi %eq3A_1759, %lt3A_1762 : vector<16xi1>
    %convert_element_type3A_1764 = arith.extui %and3A_1763 : vector<16xi1> to vector<16xi32>
    %or3A_1765 = arith.ori %or3A_1747, %convert_element_type3A_1764 : vector<16xi32>
    %get3A_1766 = arith.constant 40 : index
    %get3A_1767 = tpu.vector_load %arg6[%get3A_1766] {strides = array<i32>} : memref<96xi32, #tpu.memory_space<vmem>>, vector<16xi32>,
    %slice3A_1768 = vector.extract_strided_slice %get3A_1767 {offsets = [0], sizes = [1], strides = [1]} : vector<16xi32> to vector<1xi32>
    %squeeze3A_1769 = vector.extract %slice3A_1768[0] : i32 from vector<1xi32>
    %broadcast_in_dim3A_1770 = vector.broadcast %squeeze3A_1769 : i32 to vector<16xi32>
    %eq3A_1771 = arith.cmpi eq, %select_n3A_95, %broadcast_in_dim3A_1770 : vector<16xi32>
    %convert_element_type3A_1772 = arith.extui %eq3A_1771 : vector<16xi1> to vector<16xi32>
    %or3A_1773 = arith.ori %or3A_1755, %convert_element_type3A_1772 : vector<16xi32>
    %eq3A_1774 = arith.cmpi eq, %select_n3A_234, %broadcast_in_dim3A_1770 : vector<16xi32>
    %convert_element_type3A_1775 = arith.extui %eq3A_1774 : vector<16xi1> to vector<16xi32>
    %or3A_1776 = arith.ori %or3A_1758, %convert_element_type3A_1775 : vector<16xi32>
    %eq3A_1777 = arith.cmpi eq, %select_n3A_377, %broadcast_in_dim3A_1770 : vector<16xi32>
    %lt3A_1778 = arith.constant 8 : i32
    %lt3A_1779 = vector.broadcast %lt3A_1778 : i32 to vector<16xi32>
    %lt3A_1780 = arith.cmpi slt, %iota3A, %lt3A_1779 : vector<16xi32>
    %and3A_1781 = arith.andi %eq3A_1777, %lt3A_1780 : vector<16xi1>
    %convert_element_type3A_1782 = arith.extui %and3A_1781 : vector<16xi1> to vector<16xi32>
    %or3A_1783 = arith.ori %or3A_1765, %convert_element_type3A_1782 : vector<16xi32>
    %get3A_1784 = arith.constant 41 : index
    %get3A_1785 = tpu.vector_load %arg6[%get3A_1784] {strides = array<i32>} : memref<96xi32, #tpu.memory_space<vmem>>, vector<16xi32>,
    %slice3A_1786 = vector.extract_strided_slice %get3A_1785 {offsets = [0], sizes = [1], strides = [1]} : vector<16xi32> to vector<1xi32>
    %squeeze3A_1787 = vector.extract %slice3A_1786[0] : i32 from vector<1xi32>
    %broadcast_in_dim3A_1788 = vector.broadcast %squeeze3A_1787 : i32 to vector<16xi32>
    %eq3A_1789 = arith.cmpi eq, %select_n3A_95, %broadcast_in_dim3A_1788 : vector<16xi32>
    %convert_element_type3A_1790 = arith.extui %eq3A_1789 : vector<16xi1> to vector<16xi32>
    %or3A_1791 = arith.ori %or3A_1773, %convert_element_type3A_1790 : vector<16xi32>
    %eq3A_1792 = arith.cmpi eq, %select_n3A_234, %broadcast_in_dim3A_1788 : vector<16xi32>
    %convert_element_type3A_1793 = arith.extui %eq3A_1792 : vector<16xi1> to vector<16xi32>
    %or3A_1794 = arith.ori %or3A_1776, %convert_element_type3A_1793 : vector<16xi32>
    %eq3A_1795 = arith.cmpi eq, %select_n3A_377, %broadcast_in_dim3A_1788 : vector<16xi32>
    %lt3A_1796 = arith.constant 9 : i32
    %lt3A_1797 = vector.broadcast %lt3A_1796 : i32 to vector<16xi32>
    %lt3A_1798 = arith.cmpi slt, %iota3A, %lt3A_1797 : vector<16xi32>
    %and3A_1799 = arith.andi %eq3A_1795, %lt3A_1798 : vector<16xi1>
    %convert_element_type3A_1800 = arith.extui %and3A_1799 : vector<16xi1> to vector<16xi32>
    %or3A_1801 = arith.ori %or3A_1783, %convert_element_type3A_1800 : vector<16xi32>
    %get3A_1802 = arith.constant 42 : index
    %get3A_1803 = tpu.vector_load %arg6[%get3A_1802] {strides = array<i32>} : memref<96xi32, #tpu.memory_space<vmem>>, vector<16xi32>,
    %slice3A_1804 = vector.extract_strided_slice %get3A_1803 {offsets = [0], sizes = [1], strides = [1]} : vector<16xi32> to vector<1xi32>
    %squeeze3A_1805 = vector.extract %slice3A_1804[0] : i32 from vector<1xi32>
    %broadcast_in_dim3A_1806 = vector.broadcast %squeeze3A_1805 : i32 to vector<16xi32>
    %eq3A_1807 = arith.cmpi eq, %select_n3A_95, %broadcast_in_dim3A_1806 : vector<16xi32>
    %convert_element_type3A_1808 = arith.extui %eq3A_1807 : vector<16xi1> to vector<16xi32>
    %or3A_1809 = arith.ori %or3A_1791, %convert_element_type3A_1808 : vector<16xi32>
    %eq3A_1810 = arith.cmpi eq, %select_n3A_234, %broadcast_in_dim3A_1806 : vector<16xi32>
    %convert_element_type3A_1811 = arith.extui %eq3A_1810 : vector<16xi1> to vector<16xi32>
    %or3A_1812 = arith.ori %or3A_1794, %convert_element_type3A_1811 : vector<16xi32>
    %eq3A_1813 = arith.cmpi eq, %select_n3A_377, %broadcast_in_dim3A_1806 : vector<16xi32>
    %lt3A_1814 = arith.constant 10 : i32
    %lt3A_1815 = vector.broadcast %lt3A_1814 : i32 to vector<16xi32>
    %lt3A_1816 = arith.cmpi slt, %iota3A, %lt3A_1815 : vector<16xi32>
    %and3A_1817 = arith.andi %eq3A_1813, %lt3A_1816 : vector<16xi1>
    %convert_element_type3A_1818 = arith.extui %and3A_1817 : vector<16xi1> to vector<16xi32>
    %or3A_1819 = arith.ori %or3A_1801, %convert_element_type3A_1818 : vector<16xi32>
    %get3A_1820 = arith.constant 43 : index
    %get3A_1821 = tpu.vector_load %arg6[%get3A_1820] {strides = array<i32>} : memref<96xi32, #tpu.memory_space<vmem>>, vector<16xi32>,
    %slice3A_1822 = vector.extract_strided_slice %get3A_1821 {offsets = [0], sizes = [1], strides = [1]} : vector<16xi32> to vector<1xi32>
    %squeeze3A_1823 = vector.extract %slice3A_1822[0] : i32 from vector<1xi32>
    %broadcast_in_dim3A_1824 = vector.broadcast %squeeze3A_1823 : i32 to vector<16xi32>
    %eq3A_1825 = arith.cmpi eq, %select_n3A_95, %broadcast_in_dim3A_1824 : vector<16xi32>
    %convert_element_type3A_1826 = arith.extui %eq3A_1825 : vector<16xi1> to vector<16xi32>
    %or3A_1827 = arith.ori %or3A_1809, %convert_element_type3A_1826 : vector<16xi32>
    %eq3A_1828 = arith.cmpi eq, %select_n3A_234, %broadcast_in_dim3A_1824 : vector<16xi32>
    %convert_element_type3A_1829 = arith.extui %eq3A_1828 : vector<16xi1> to vector<16xi32>
    %or3A_1830 = arith.ori %or3A_1812, %convert_element_type3A_1829 : vector<16xi32>
    %eq3A_1831 = arith.cmpi eq, %select_n3A_377, %broadcast_in_dim3A_1824 : vector<16xi32>
    %lt3A_1832 = arith.constant 11 : i32
    %lt3A_1833 = vector.broadcast %lt3A_1832 : i32 to vector<16xi32>
    %lt3A_1834 = arith.cmpi slt, %iota3A, %lt3A_1833 : vector<16xi32>
    %and3A_1835 = arith.andi %eq3A_1831, %lt3A_1834 : vector<16xi1>
    %convert_element_type3A_1836 = arith.extui %and3A_1835 : vector<16xi1> to vector<16xi32>
    %or3A_1837 = arith.ori %or3A_1819, %convert_element_type3A_1836 : vector<16xi32>
    %get3A_1838 = arith.constant 44 : index
    %get3A_1839 = tpu.vector_load %arg6[%get3A_1838] {strides = array<i32>} : memref<96xi32, #tpu.memory_space<vmem>>, vector<16xi32>,
    %slice3A_1840 = vector.extract_strided_slice %get3A_1839 {offsets = [0], sizes = [1], strides = [1]} : vector<16xi32> to vector<1xi32>
    %squeeze3A_1841 = vector.extract %slice3A_1840[0] : i32 from vector<1xi32>
    %broadcast_in_dim3A_1842 = vector.broadcast %squeeze3A_1841 : i32 to vector<16xi32>
    %eq3A_1843 = arith.cmpi eq, %select_n3A_95, %broadcast_in_dim3A_1842 : vector<16xi32>
    %convert_element_type3A_1844 = arith.extui %eq3A_1843 : vector<16xi1> to vector<16xi32>
    %or3A_1845 = arith.ori %or3A_1827, %convert_element_type3A_1844 : vector<16xi32>
    %eq3A_1846 = arith.cmpi eq, %select_n3A_234, %broadcast_in_dim3A_1842 : vector<16xi32>
    %convert_element_type3A_1847 = arith.extui %eq3A_1846 : vector<16xi1> to vector<16xi32>
    %or3A_1848 = arith.ori %or3A_1830, %convert_element_type3A_1847 : vector<16xi32>
    %eq3A_1849 = arith.cmpi eq, %select_n3A_377, %broadcast_in_dim3A_1842 : vector<16xi32>
    %lt3A_1850 = arith.constant 12 : i32
    %lt3A_1851 = vector.broadcast %lt3A_1850 : i32 to vector<16xi32>
    %lt3A_1852 = arith.cmpi slt, %iota3A, %lt3A_1851 : vector<16xi32>
    %and3A_1853 = arith.andi %eq3A_1849, %lt3A_1852 : vector<16xi1>
    %convert_element_type3A_1854 = arith.extui %and3A_1853 : vector<16xi1> to vector<16xi32>
    %or3A_1855 = arith.ori %or3A_1837, %convert_element_type3A_1854 : vector<16xi32>
    %get3A_1856 = arith.constant 45 : index
    %get3A_1857 = tpu.vector_load %arg6[%get3A_1856] {strides = array<i32>} : memref<96xi32, #tpu.memory_space<vmem>>, vector<16xi32>,
    %slice3A_1858 = vector.extract_strided_slice %get3A_1857 {offsets = [0], sizes = [1], strides = [1]} : vector<16xi32> to vector<1xi32>
    %squeeze3A_1859 = vector.extract %slice3A_1858[0] : i32 from vector<1xi32>
    %broadcast_in_dim3A_1860 = vector.broadcast %squeeze3A_1859 : i32 to vector<16xi32>
    %eq3A_1861 = arith.cmpi eq, %select_n3A_95, %broadcast_in_dim3A_1860 : vector<16xi32>
    %convert_element_type3A_1862 = arith.extui %eq3A_1861 : vector<16xi1> to vector<16xi32>
    %or3A_1863 = arith.ori %or3A_1845, %convert_element_type3A_1862 : vector<16xi32>
    %eq3A_1864 = arith.cmpi eq, %select_n3A_234, %broadcast_in_dim3A_1860 : vector<16xi32>
    %convert_element_type3A_1865 = arith.extui %eq3A_1864 : vector<16xi1> to vector<16xi32>
    %or3A_1866 = arith.ori %or3A_1848, %convert_element_type3A_1865 : vector<16xi32>
    %eq3A_1867 = arith.cmpi eq, %select_n3A_377, %broadcast_in_dim3A_1860 : vector<16xi32>
    %lt3A_1868 = arith.constant 13 : i32
    %lt3A_1869 = vector.broadcast %lt3A_1868 : i32 to vector<16xi32>
    %lt3A_1870 = arith.cmpi slt, %iota3A, %lt3A_1869 : vector<16xi32>
    %and3A_1871 = arith.andi %eq3A_1867, %lt3A_1870 : vector<16xi1>
    %convert_element_type3A_1872 = arith.extui %and3A_1871 : vector<16xi1> to vector<16xi32>
    %or3A_1873 = arith.ori %or3A_1855, %convert_element_type3A_1872 : vector<16xi32>
    %get3A_1874 = arith.constant 46 : index
    %get3A_1875 = tpu.vector_load %arg6[%get3A_1874] {strides = array<i32>} : memref<96xi32, #tpu.memory_space<vmem>>, vector<16xi32>,
    %slice3A_1876 = vector.extract_strided_slice %get3A_1875 {offsets = [0], sizes = [1], strides = [1]} : vector<16xi32> to vector<1xi32>
    %squeeze3A_1877 = vector.extract %slice3A_1876[0] : i32 from vector<1xi32>
    %broadcast_in_dim3A_1878 = vector.broadcast %squeeze3A_1877 : i32 to vector<16xi32>
    %eq3A_1879 = arith.cmpi eq, %select_n3A_95, %broadcast_in_dim3A_1878 : vector<16xi32>
    %convert_element_type3A_1880 = arith.extui %eq3A_1879 : vector<16xi1> to vector<16xi32>
    %or3A_1881 = arith.ori %or3A_1863, %convert_element_type3A_1880 : vector<16xi32>
    %eq3A_1882 = arith.cmpi eq, %select_n3A_234, %broadcast_in_dim3A_1878 : vector<16xi32>
    %convert_element_type3A_1883 = arith.extui %eq3A_1882 : vector<16xi1> to vector<16xi32>
    %or3A_1884 = arith.ori %or3A_1866, %convert_element_type3A_1883 : vector<16xi32>
    %eq3A_1885 = arith.cmpi eq, %select_n3A_377, %broadcast_in_dim3A_1878 : vector<16xi32>
    %lt3A_1886 = arith.constant 14 : i32
    %lt3A_1887 = vector.broadcast %lt3A_1886 : i32 to vector<16xi32>
    %lt3A_1888 = arith.cmpi slt, %iota3A, %lt3A_1887 : vector<16xi32>
    %and3A_1889 = arith.andi %eq3A_1885, %lt3A_1888 : vector<16xi1>
    %convert_element_type3A_1890 = arith.extui %and3A_1889 : vector<16xi1> to vector<16xi32>
    %or3A_1891 = arith.ori %or3A_1873, %convert_element_type3A_1890 : vector<16xi32>
    %get3A_1892 = arith.constant 47 : index
    %get3A_1893 = tpu.vector_load %arg6[%get3A_1892] {strides = array<i32>} : memref<96xi32, #tpu.memory_space<vmem>>, vector<16xi32>,
    %slice3A_1894 = vector.extract_strided_slice %get3A_1893 {offsets = [0], sizes = [1], strides = [1]} : vector<16xi32> to vector<1xi32>
    %squeeze3A_1895 = vector.extract %slice3A_1894[0] : i32 from vector<1xi32>
    %broadcast_in_dim3A_1896 = vector.broadcast %squeeze3A_1895 : i32 to vector<16xi32>
    %eq3A_1897 = arith.cmpi eq, %select_n3A_95, %broadcast_in_dim3A_1896 : vector<16xi32>
    %convert_element_type3A_1898 = arith.extui %eq3A_1897 : vector<16xi1> to vector<16xi32>
    %or3A_1899 = arith.ori %or3A_1881, %convert_element_type3A_1898 : vector<16xi32>
    %eq3A_1900 = arith.cmpi eq, %select_n3A_234, %broadcast_in_dim3A_1896 : vector<16xi32>
    %convert_element_type3A_1901 = arith.extui %eq3A_1900 : vector<16xi1> to vector<16xi32>
    %or3A_1902 = arith.ori %or3A_1884, %convert_element_type3A_1901 : vector<16xi32>
    %eq3A_1903 = arith.cmpi eq, %select_n3A_377, %broadcast_in_dim3A_1896 : vector<16xi32>
    %lt3A_1904 = arith.constant 15 : i32
    %lt3A_1905 = vector.broadcast %lt3A_1904 : i32 to vector<16xi32>
    %lt3A_1906 = arith.cmpi slt, %iota3A, %lt3A_1905 : vector<16xi32>
    %and3A_1907 = arith.andi %eq3A_1903, %lt3A_1906 : vector<16xi1>
    %convert_element_type3A_1908 = arith.extui %and3A_1907 : vector<16xi1> to vector<16xi32>
    %or3A_1909 = arith.ori %or3A_1891, %convert_element_type3A_1908 : vector<16xi32>
    %get3A_1910 = arith.constant 48 : index
    %get3A_1911 = tpu.vector_load %arg6[%get3A_1910] {strides = array<i32>} : memref<96xi32, #tpu.memory_space<vmem>>, vector<16xi32>,
    %slice3A_1912 = vector.extract_strided_slice %get3A_1911 {offsets = [0], sizes = [1], strides = [1]} : vector<16xi32> to vector<1xi32>
    %squeeze3A_1913 = vector.extract %slice3A_1912[0] : i32 from vector<1xi32>
    %broadcast_in_dim3A_1914 = vector.broadcast %squeeze3A_1913 : i32 to vector<16xi32>
    %eq3A_1915 = arith.cmpi eq, %select_n3A_95, %broadcast_in_dim3A_1914 : vector<16xi32>
    %convert_element_type3A_1916 = arith.extui %eq3A_1915 : vector<16xi1> to vector<16xi32>
    %or3A_1917 = arith.ori %or3A_1899, %convert_element_type3A_1916 : vector<16xi32>
    %eq3A_1918 = arith.cmpi eq, %select_n3A_234, %broadcast_in_dim3A_1914 : vector<16xi32>
    %convert_element_type3A_1919 = arith.extui %eq3A_1918 : vector<16xi1> to vector<16xi32>
    %or3A_1920 = arith.ori %or3A_1902, %convert_element_type3A_1919 : vector<16xi32>
    %eq3A_1921 = arith.cmpi eq, %select_n3A_377, %broadcast_in_dim3A_1914 : vector<16xi32>
    %convert_element_type3A_1922 = arith.extui %eq3A_1921 : vector<16xi1> to vector<16xi32>
    %or3A_1923 = arith.ori %or3A_1909, %convert_element_type3A_1922 : vector<16xi32>
    %eq3A_1924 = arith.cmpi eq, %select_n3A_520, %broadcast_in_dim3A_1914 : vector<16xi32>
    %lt3A_1925 = arith.constant 0 : i32
    %lt3A_1926 = vector.broadcast %lt3A_1925 : i32 to vector<16xi32>
    %lt3A_1927 = arith.cmpi slt, %iota3A, %lt3A_1926 : vector<16xi32>
    %and3A_1928 = arith.andi %eq3A_1924, %lt3A_1927 : vector<16xi1>
    %convert_element_type3A_1929 = arith.extui %and3A_1928 : vector<16xi1> to vector<16xi32>
    %or3A_1930 = arith.ori %broadcast_in_dim3A_1203, %convert_element_type3A_1929 : vector<16xi32>
    %get3A_1931 = arith.constant 49 : index
    %get3A_1932 = tpu.vector_load %arg6[%get3A_1931] {strides = array<i32>} : memref<96xi32, #tpu.memory_space<vmem>>, vector<16xi32>,
    %slice3A_1933 = vector.extract_strided_slice %get3A_1932 {offsets = [0], sizes = [1], strides = [1]} : vector<16xi32> to vector<1xi32>
    %squeeze3A_1934 = vector.extract %slice3A_1933[0] : i32 from vector<1xi32>
    %broadcast_in_dim3A_1935 = vector.broadcast %squeeze3A_1934 : i32 to vector<16xi32>
    %eq3A_1936 = arith.cmpi eq, %select_n3A_95, %broadcast_in_dim3A_1935 : vector<16xi32>
    %convert_element_type3A_1937 = arith.extui %eq3A_1936 : vector<16xi1> to vector<16xi32>
    %or3A_1938 = arith.ori %or3A_1917, %convert_element_type3A_1937 : vector<16xi32>
    %eq3A_1939 = arith.cmpi eq, %select_n3A_234, %broadcast_in_dim3A_1935 : vector<16xi32>
    %convert_element_type3A_1940 = arith.extui %eq3A_1939 : vector<16xi1> to vector<16xi32>
    %or3A_1941 = arith.ori %or3A_1920, %convert_element_type3A_1940 : vector<16xi32>
    %eq3A_1942 = arith.cmpi eq, %select_n3A_377, %broadcast_in_dim3A_1935 : vector<16xi32>
    %convert_element_type3A_1943 = arith.extui %eq3A_1942 : vector<16xi1> to vector<16xi32>
    %or3A_1944 = arith.ori %or3A_1923, %convert_element_type3A_1943 : vector<16xi32>
    %eq3A_1945 = arith.cmpi eq, %select_n3A_520, %broadcast_in_dim3A_1935 : vector<16xi32>
    %lt3A_1946 = arith.constant 1 : i32
    %lt3A_1947 = vector.broadcast %lt3A_1946 : i32 to vector<16xi32>
    %lt3A_1948 = arith.cmpi slt, %iota3A, %lt3A_1947 : vector<16xi32>
    %and3A_1949 = arith.andi %eq3A_1945, %lt3A_1948 : vector<16xi1>
    %convert_element_type3A_1950 = arith.extui %and3A_1949 : vector<16xi1> to vector<16xi32>
    %or3A_1951 = arith.ori %or3A_1930, %convert_element_type3A_1950 : vector<16xi32>
    %get3A_1952 = arith.constant 50 : index
    %get3A_1953 = tpu.vector_load %arg6[%get3A_1952] {strides = array<i32>} : memref<96xi32, #tpu.memory_space<vmem>>, vector<16xi32>,
    %slice3A_1954 = vector.extract_strided_slice %get3A_1953 {offsets = [0], sizes = [1], strides = [1]} : vector<16xi32> to vector<1xi32>
    %squeeze3A_1955 = vector.extract %slice3A_1954[0] : i32 from vector<1xi32>
    %broadcast_in_dim3A_1956 = vector.broadcast %squeeze3A_1955 : i32 to vector<16xi32>
    %eq3A_1957 = arith.cmpi eq, %select_n3A_95, %broadcast_in_dim3A_1956 : vector<16xi32>
    %convert_element_type3A_1958 = arith.extui %eq3A_1957 : vector<16xi1> to vector<16xi32>
    %or3A_1959 = arith.ori %or3A_1938, %convert_element_type3A_1958 : vector<16xi32>
    %eq3A_1960 = arith.cmpi eq, %select_n3A_234, %broadcast_in_dim3A_1956 : vector<16xi32>
    %convert_element_type3A_1961 = arith.extui %eq3A_1960 : vector<16xi1> to vector<16xi32>
    %or3A_1962 = arith.ori %or3A_1941, %convert_element_type3A_1961 : vector<16xi32>
    %eq3A_1963 = arith.cmpi eq, %select_n3A_377, %broadcast_in_dim3A_1956 : vector<16xi32>
    %convert_element_type3A_1964 = arith.extui %eq3A_1963 : vector<16xi1> to vector<16xi32>
    %or3A_1965 = arith.ori %or3A_1944, %convert_element_type3A_1964 : vector<16xi32>
    %eq3A_1966 = arith.cmpi eq, %select_n3A_520, %broadcast_in_dim3A_1956 : vector<16xi32>
    %lt3A_1967 = arith.constant 2 : i32
    %lt3A_1968 = vector.broadcast %lt3A_1967 : i32 to vector<16xi32>
    %lt3A_1969 = arith.cmpi slt, %iota3A, %lt3A_1968 : vector<16xi32>
    %and3A_1970 = arith.andi %eq3A_1966, %lt3A_1969 : vector<16xi1>
    %convert_element_type3A_1971 = arith.extui %and3A_1970 : vector<16xi1> to vector<16xi32>
    %or3A_1972 = arith.ori %or3A_1951, %convert_element_type3A_1971 : vector<16xi32>
    %get3A_1973 = arith.constant 51 : index
    %get3A_1974 = tpu.vector_load %arg6[%get3A_1973] {strides = array<i32>} : memref<96xi32, #tpu.memory_space<vmem>>, vector<16xi32>,
    %slice3A_1975 = vector.extract_strided_slice %get3A_1974 {offsets = [0], sizes = [1], strides = [1]} : vector<16xi32> to vector<1xi32>
    %squeeze3A_1976 = vector.extract %slice3A_1975[0] : i32 from vector<1xi32>
    %broadcast_in_dim3A_1977 = vector.broadcast %squeeze3A_1976 : i32 to vector<16xi32>
    %eq3A_1978 = arith.cmpi eq, %select_n3A_95, %broadcast_in_dim3A_1977 : vector<16xi32>
    %convert_element_type3A_1979 = arith.extui %eq3A_1978 : vector<16xi1> to vector<16xi32>
    %or3A_1980 = arith.ori %or3A_1959, %convert_element_type3A_1979 : vector<16xi32>
    %eq3A_1981 = arith.cmpi eq, %select_n3A_234, %broadcast_in_dim3A_1977 : vector<16xi32>
    %convert_element_type3A_1982 = arith.extui %eq3A_1981 : vector<16xi1> to vector<16xi32>
    %or3A_1983 = arith.ori %or3A_1962, %convert_element_type3A_1982 : vector<16xi32>
    %eq3A_1984 = arith.cmpi eq, %select_n3A_377, %broadcast_in_dim3A_1977 : vector<16xi32>
    %convert_element_type3A_1985 = arith.extui %eq3A_1984 : vector<16xi1> to vector<16xi32>
    %or3A_1986 = arith.ori %or3A_1965, %convert_element_type3A_1985 : vector<16xi32>
    %eq3A_1987 = arith.cmpi eq, %select_n3A_520, %broadcast_in_dim3A_1977 : vector<16xi32>
    %lt3A_1988 = arith.constant 3 : i32
    %lt3A_1989 = vector.broadcast %lt3A_1988 : i32 to vector<16xi32>
    %lt3A_1990 = arith.cmpi slt, %iota3A, %lt3A_1989 : vector<16xi32>
    %and3A_1991 = arith.andi %eq3A_1987, %lt3A_1990 : vector<16xi1>
    %convert_element_type3A_1992 = arith.extui %and3A_1991 : vector<16xi1> to vector<16xi32>
    %or3A_1993 = arith.ori %or3A_1972, %convert_element_type3A_1992 : vector<16xi32>
    %get3A_1994 = arith.constant 52 : index
    %get3A_1995 = tpu.vector_load %arg6[%get3A_1994] {strides = array<i32>} : memref<96xi32, #tpu.memory_space<vmem>>, vector<16xi32>,
    %slice3A_1996 = vector.extract_strided_slice %get3A_1995 {offsets = [0], sizes = [1], strides = [1]} : vector<16xi32> to vector<1xi32>
    %squeeze3A_1997 = vector.extract %slice3A_1996[0] : i32 from vector<1xi32>
    %broadcast_in_dim3A_1998 = vector.broadcast %squeeze3A_1997 : i32 to vector<16xi32>
    %eq3A_1999 = arith.cmpi eq, %select_n3A_95, %broadcast_in_dim3A_1998 : vector<16xi32>
    %convert_element_type3A_2000 = arith.extui %eq3A_1999 : vector<16xi1> to vector<16xi32>
    %or3A_2001 = arith.ori %or3A_1980, %convert_element_type3A_2000 : vector<16xi32>
    %eq3A_2002 = arith.cmpi eq, %select_n3A_234, %broadcast_in_dim3A_1998 : vector<16xi32>
    %convert_element_type3A_2003 = arith.extui %eq3A_2002 : vector<16xi1> to vector<16xi32>
    %or3A_2004 = arith.ori %or3A_1983, %convert_element_type3A_2003 : vector<16xi32>
    %eq3A_2005 = arith.cmpi eq, %select_n3A_377, %broadcast_in_dim3A_1998 : vector<16xi32>
    %convert_element_type3A_2006 = arith.extui %eq3A_2005 : vector<16xi1> to vector<16xi32>
    %or3A_2007 = arith.ori %or3A_1986, %convert_element_type3A_2006 : vector<16xi32>
    %eq3A_2008 = arith.cmpi eq, %select_n3A_520, %broadcast_in_dim3A_1998 : vector<16xi32>
    %lt3A_2009 = arith.constant 4 : i32
    %lt3A_2010 = vector.broadcast %lt3A_2009 : i32 to vector<16xi32>
    %lt3A_2011 = arith.cmpi slt, %iota3A, %lt3A_2010 : vector<16xi32>
    %and3A_2012 = arith.andi %eq3A_2008, %lt3A_2011 : vector<16xi1>
    %convert_element_type3A_2013 = arith.extui %and3A_2012 : vector<16xi1> to vector<16xi32>
    %or3A_2014 = arith.ori %or3A_1993, %convert_element_type3A_2013 : vector<16xi32>
    %get3A_2015 = arith.constant 53 : index
    %get3A_2016 = tpu.vector_load %arg6[%get3A_2015] {strides = array<i32>} : memref<96xi32, #tpu.memory_space<vmem>>, vector<16xi32>,
    %slice3A_2017 = vector.extract_strided_slice %get3A_2016 {offsets = [0], sizes = [1], strides = [1]} : vector<16xi32> to vector<1xi32>
    %squeeze3A_2018 = vector.extract %slice3A_2017[0] : i32 from vector<1xi32>
    %broadcast_in_dim3A_2019 = vector.broadcast %squeeze3A_2018 : i32 to vector<16xi32>
    %eq3A_2020 = arith.cmpi eq, %select_n3A_95, %broadcast_in_dim3A_2019 : vector<16xi32>
    %convert_element_type3A_2021 = arith.extui %eq3A_2020 : vector<16xi1> to vector<16xi32>
    %or3A_2022 = arith.ori %or3A_2001, %convert_element_type3A_2021 : vector<16xi32>
    %eq3A_2023 = arith.cmpi eq, %select_n3A_234, %broadcast_in_dim3A_2019 : vector<16xi32>
    %convert_element_type3A_2024 = arith.extui %eq3A_2023 : vector<16xi1> to vector<16xi32>
    %or3A_2025 = arith.ori %or3A_2004, %convert_element_type3A_2024 : vector<16xi32>
    %eq3A_2026 = arith.cmpi eq, %select_n3A_377, %broadcast_in_dim3A_2019 : vector<16xi32>
    %convert_element_type3A_2027 = arith.extui %eq3A_2026 : vector<16xi1> to vector<16xi32>
    %or3A_2028 = arith.ori %or3A_2007, %convert_element_type3A_2027 : vector<16xi32>
    %eq3A_2029 = arith.cmpi eq, %select_n3A_520, %broadcast_in_dim3A_2019 : vector<16xi32>
    %lt3A_2030 = arith.constant 5 : i32
    %lt3A_2031 = vector.broadcast %lt3A_2030 : i32 to vector<16xi32>
    %lt3A_2032 = arith.cmpi slt, %iota3A, %lt3A_2031 : vector<16xi32>
    %and3A_2033 = arith.andi %eq3A_2029, %lt3A_2032 : vector<16xi1>
    %convert_element_type3A_2034 = arith.extui %and3A_2033 : vector<16xi1> to vector<16xi32>
    %or3A_2035 = arith.ori %or3A_2014, %convert_element_type3A_2034 : vector<16xi32>
    %get3A_2036 = arith.constant 54 : index
    %get3A_2037 = tpu.vector_load %arg6[%get3A_2036] {strides = array<i32>} : memref<96xi32, #tpu.memory_space<vmem>>, vector<16xi32>,
    %slice3A_2038 = vector.extract_strided_slice %get3A_2037 {offsets = [0], sizes = [1], strides = [1]} : vector<16xi32> to vector<1xi32>
    %squeeze3A_2039 = vector.extract %slice3A_2038[0] : i32 from vector<1xi32>
    %broadcast_in_dim3A_2040 = vector.broadcast %squeeze3A_2039 : i32 to vector<16xi32>
    %eq3A_2041 = arith.cmpi eq, %select_n3A_95, %broadcast_in_dim3A_2040 : vector<16xi32>
    %convert_element_type3A_2042 = arith.extui %eq3A_2041 : vector<16xi1> to vector<16xi32>
    %or3A_2043 = arith.ori %or3A_2022, %convert_element_type3A_2042 : vector<16xi32>
    %eq3A_2044 = arith.cmpi eq, %select_n3A_234, %broadcast_in_dim3A_2040 : vector<16xi32>
    %convert_element_type3A_2045 = arith.extui %eq3A_2044 : vector<16xi1> to vector<16xi32>
    %or3A_2046 = arith.ori %or3A_2025, %convert_element_type3A_2045 : vector<16xi32>
    %eq3A_2047 = arith.cmpi eq, %select_n3A_377, %broadcast_in_dim3A_2040 : vector<16xi32>
    %convert_element_type3A_2048 = arith.extui %eq3A_2047 : vector<16xi1> to vector<16xi32>
    %or3A_2049 = arith.ori %or3A_2028, %convert_element_type3A_2048 : vector<16xi32>
    %eq3A_2050 = arith.cmpi eq, %select_n3A_520, %broadcast_in_dim3A_2040 : vector<16xi32>
    %lt3A_2051 = arith.constant 6 : i32
    %lt3A_2052 = vector.broadcast %lt3A_2051 : i32 to vector<16xi32>
    %lt3A_2053 = arith.cmpi slt, %iota3A, %lt3A_2052 : vector<16xi32>
    %and3A_2054 = arith.andi %eq3A_2050, %lt3A_2053 : vector<16xi1>
    %convert_element_type3A_2055 = arith.extui %and3A_2054 : vector<16xi1> to vector<16xi32>
    %or3A_2056 = arith.ori %or3A_2035, %convert_element_type3A_2055 : vector<16xi32>
    %get3A_2057 = arith.constant 55 : index
    %get3A_2058 = tpu.vector_load %arg6[%get3A_2057] {strides = array<i32>} : memref<96xi32, #tpu.memory_space<vmem>>, vector<16xi32>,
    %slice3A_2059 = vector.extract_strided_slice %get3A_2058 {offsets = [0], sizes = [1], strides = [1]} : vector<16xi32> to vector<1xi32>
    %squeeze3A_2060 = vector.extract %slice3A_2059[0] : i32 from vector<1xi32>
    %broadcast_in_dim3A_2061 = vector.broadcast %squeeze3A_2060 : i32 to vector<16xi32>
    %eq3A_2062 = arith.cmpi eq, %select_n3A_95, %broadcast_in_dim3A_2061 : vector<16xi32>
    %convert_element_type3A_2063 = arith.extui %eq3A_2062 : vector<16xi1> to vector<16xi32>
    %or3A_2064 = arith.ori %or3A_2043, %convert_element_type3A_2063 : vector<16xi32>
    %eq3A_2065 = arith.cmpi eq, %select_n3A_234, %broadcast_in_dim3A_2061 : vector<16xi32>
    %convert_element_type3A_2066 = arith.extui %eq3A_2065 : vector<16xi1> to vector<16xi32>
    %or3A_2067 = arith.ori %or3A_2046, %convert_element_type3A_2066 : vector<16xi32>
    %eq3A_2068 = arith.cmpi eq, %select_n3A_377, %broadcast_in_dim3A_2061 : vector<16xi32>
    %convert_element_type3A_2069 = arith.extui %eq3A_2068 : vector<16xi1> to vector<16xi32>
    %or3A_2070 = arith.ori %or3A_2049, %convert_element_type3A_2069 : vector<16xi32>
    %eq3A_2071 = arith.cmpi eq, %select_n3A_520, %broadcast_in_dim3A_2061 : vector<16xi32>
    %lt3A_2072 = arith.constant 7 : i32
    %lt3A_2073 = vector.broadcast %lt3A_2072 : i32 to vector<16xi32>
    %lt3A_2074 = arith.cmpi slt, %iota3A, %lt3A_2073 : vector<16xi32>
    %and3A_2075 = arith.andi %eq3A_2071, %lt3A_2074 : vector<16xi1>
    %convert_element_type3A_2076 = arith.extui %and3A_2075 : vector<16xi1> to vector<16xi32>
    %or3A_2077 = arith.ori %or3A_2056, %convert_element_type3A_2076 : vector<16xi32>
    %get3A_2078 = arith.constant 56 : index
    %get3A_2079 = tpu.vector_load %arg6[%get3A_2078] {strides = array<i32>} : memref<96xi32, #tpu.memory_space<vmem>>, vector<16xi32>,
    %slice3A_2080 = vector.extract_strided_slice %get3A_2079 {offsets = [0], sizes = [1], strides = [1]} : vector<16xi32> to vector<1xi32>
    %squeeze3A_2081 = vector.extract %slice3A_2080[0] : i32 from vector<1xi32>
    %broadcast_in_dim3A_2082 = vector.broadcast %squeeze3A_2081 : i32 to vector<16xi32>
    %eq3A_2083 = arith.cmpi eq, %select_n3A_95, %broadcast_in_dim3A_2082 : vector<16xi32>
    %convert_element_type3A_2084 = arith.extui %eq3A_2083 : vector<16xi1> to vector<16xi32>
    %or3A_2085 = arith.ori %or3A_2064, %convert_element_type3A_2084 : vector<16xi32>
    %eq3A_2086 = arith.cmpi eq, %select_n3A_234, %broadcast_in_dim3A_2082 : vector<16xi32>
    %convert_element_type3A_2087 = arith.extui %eq3A_2086 : vector<16xi1> to vector<16xi32>
    %or3A_2088 = arith.ori %or3A_2067, %convert_element_type3A_2087 : vector<16xi32>
    %eq3A_2089 = arith.cmpi eq, %select_n3A_377, %broadcast_in_dim3A_2082 : vector<16xi32>
    %convert_element_type3A_2090 = arith.extui %eq3A_2089 : vector<16xi1> to vector<16xi32>
    %or3A_2091 = arith.ori %or3A_2070, %convert_element_type3A_2090 : vector<16xi32>
    %eq3A_2092 = arith.cmpi eq, %select_n3A_520, %broadcast_in_dim3A_2082 : vector<16xi32>
    %lt3A_2093 = arith.constant 8 : i32
    %lt3A_2094 = vector.broadcast %lt3A_2093 : i32 to vector<16xi32>
    %lt3A_2095 = arith.cmpi slt, %iota3A, %lt3A_2094 : vector<16xi32>
    %and3A_2096 = arith.andi %eq3A_2092, %lt3A_2095 : vector<16xi1>
    %convert_element_type3A_2097 = arith.extui %and3A_2096 : vector<16xi1> to vector<16xi32>
    %or3A_2098 = arith.ori %or3A_2077, %convert_element_type3A_2097 : vector<16xi32>
    %get3A_2099 = arith.constant 57 : index
    %get3A_2100 = tpu.vector_load %arg6[%get3A_2099] {strides = array<i32>} : memref<96xi32, #tpu.memory_space<vmem>>, vector<16xi32>,
    %slice3A_2101 = vector.extract_strided_slice %get3A_2100 {offsets = [0], sizes = [1], strides = [1]} : vector<16xi32> to vector<1xi32>
    %squeeze3A_2102 = vector.extract %slice3A_2101[0] : i32 from vector<1xi32>
    %broadcast_in_dim3A_2103 = vector.broadcast %squeeze3A_2102 : i32 to vector<16xi32>
    %eq3A_2104 = arith.cmpi eq, %select_n3A_95, %broadcast_in_dim3A_2103 : vector<16xi32>
    %convert_element_type3A_2105 = arith.extui %eq3A_2104 : vector<16xi1> to vector<16xi32>
    %or3A_2106 = arith.ori %or3A_2085, %convert_element_type3A_2105 : vector<16xi32>
    %eq3A_2107 = arith.cmpi eq, %select_n3A_234, %broadcast_in_dim3A_2103 : vector<16xi32>
    %convert_element_type3A_2108 = arith.extui %eq3A_2107 : vector<16xi1> to vector<16xi32>
    %or3A_2109 = arith.ori %or3A_2088, %convert_element_type3A_2108 : vector<16xi32>
    %eq3A_2110 = arith.cmpi eq, %select_n3A_377, %broadcast_in_dim3A_2103 : vector<16xi32>
    %convert_element_type3A_2111 = arith.extui %eq3A_2110 : vector<16xi1> to vector<16xi32>
    %or3A_2112 = arith.ori %or3A_2091, %convert_element_type3A_2111 : vector<16xi32>
    %eq3A_2113 = arith.cmpi eq, %select_n3A_520, %broadcast_in_dim3A_2103 : vector<16xi32>
    %lt3A_2114 = arith.constant 9 : i32
    %lt3A_2115 = vector.broadcast %lt3A_2114 : i32 to vector<16xi32>
    %lt3A_2116 = arith.cmpi slt, %iota3A, %lt3A_2115 : vector<16xi32>
    %and3A_2117 = arith.andi %eq3A_2113, %lt3A_2116 : vector<16xi1>
    %convert_element_type3A_2118 = arith.extui %and3A_2117 : vector<16xi1> to vector<16xi32>
    %or3A_2119 = arith.ori %or3A_2098, %convert_element_type3A_2118 : vector<16xi32>
    %get3A_2120 = arith.constant 58 : index
    %get3A_2121 = tpu.vector_load %arg6[%get3A_2120] {strides = array<i32>} : memref<96xi32, #tpu.memory_space<vmem>>, vector<16xi32>,
    %slice3A_2122 = vector.extract_strided_slice %get3A_2121 {offsets = [0], sizes = [1], strides = [1]} : vector<16xi32> to vector<1xi32>
    %squeeze3A_2123 = vector.extract %slice3A_2122[0] : i32 from vector<1xi32>
    %broadcast_in_dim3A_2124 = vector.broadcast %squeeze3A_2123 : i32 to vector<16xi32>
    %eq3A_2125 = arith.cmpi eq, %select_n3A_95, %broadcast_in_dim3A_2124 : vector<16xi32>
    %convert_element_type3A_2126 = arith.extui %eq3A_2125 : vector<16xi1> to vector<16xi32>
    %or3A_2127 = arith.ori %or3A_2106, %convert_element_type3A_2126 : vector<16xi32>
    %eq3A_2128 = arith.cmpi eq, %select_n3A_234, %broadcast_in_dim3A_2124 : vector<16xi32>
    %convert_element_type3A_2129 = arith.extui %eq3A_2128 : vector<16xi1> to vector<16xi32>
    %or3A_2130 = arith.ori %or3A_2109, %convert_element_type3A_2129 : vector<16xi32>
    %eq3A_2131 = arith.cmpi eq, %select_n3A_377, %broadcast_in_dim3A_2124 : vector<16xi32>
    %convert_element_type3A_2132 = arith.extui %eq3A_2131 : vector<16xi1> to vector<16xi32>
    %or3A_2133 = arith.ori %or3A_2112, %convert_element_type3A_2132 : vector<16xi32>
    %eq3A_2134 = arith.cmpi eq, %select_n3A_520, %broadcast_in_dim3A_2124 : vector<16xi32>
    %lt3A_2135 = arith.constant 10 : i32
    %lt3A_2136 = vector.broadcast %lt3A_2135 : i32 to vector<16xi32>
    %lt3A_2137 = arith.cmpi slt, %iota3A, %lt3A_2136 : vector<16xi32>
    %and3A_2138 = arith.andi %eq3A_2134, %lt3A_2137 : vector<16xi1>
    %convert_element_type3A_2139 = arith.extui %and3A_2138 : vector<16xi1> to vector<16xi32>
    %or3A_2140 = arith.ori %or3A_2119, %convert_element_type3A_2139 : vector<16xi32>
    %get3A_2141 = arith.constant 59 : index
    %get3A_2142 = tpu.vector_load %arg6[%get3A_2141] {strides = array<i32>} : memref<96xi32, #tpu.memory_space<vmem>>, vector<16xi32>,
    %slice3A_2143 = vector.extract_strided_slice %get3A_2142 {offsets = [0], sizes = [1], strides = [1]} : vector<16xi32> to vector<1xi32>
    %squeeze3A_2144 = vector.extract %slice3A_2143[0] : i32 from vector<1xi32>
    %broadcast_in_dim3A_2145 = vector.broadcast %squeeze3A_2144 : i32 to vector<16xi32>
    %eq3A_2146 = arith.cmpi eq, %select_n3A_95, %broadcast_in_dim3A_2145 : vector<16xi32>
    %convert_element_type3A_2147 = arith.extui %eq3A_2146 : vector<16xi1> to vector<16xi32>
    %or3A_2148 = arith.ori %or3A_2127, %convert_element_type3A_2147 : vector<16xi32>
    %eq3A_2149 = arith.cmpi eq, %select_n3A_234, %broadcast_in_dim3A_2145 : vector<16xi32>
    %convert_element_type3A_2150 = arith.extui %eq3A_2149 : vector<16xi1> to vector<16xi32>
    %or3A_2151 = arith.ori %or3A_2130, %convert_element_type3A_2150 : vector<16xi32>
    %eq3A_2152 = arith.cmpi eq, %select_n3A_377, %broadcast_in_dim3A_2145 : vector<16xi32>
    %convert_element_type3A_2153 = arith.extui %eq3A_2152 : vector<16xi1> to vector<16xi32>
    %or3A_2154 = arith.ori %or3A_2133, %convert_element_type3A_2153 : vector<16xi32>
    %eq3A_2155 = arith.cmpi eq, %select_n3A_520, %broadcast_in_dim3A_2145 : vector<16xi32>
    %lt3A_2156 = arith.constant 11 : i32
    %lt3A_2157 = vector.broadcast %lt3A_2156 : i32 to vector<16xi32>
    %lt3A_2158 = arith.cmpi slt, %iota3A, %lt3A_2157 : vector<16xi32>
    %and3A_2159 = arith.andi %eq3A_2155, %lt3A_2158 : vector<16xi1>
    %convert_element_type3A_2160 = arith.extui %and3A_2159 : vector<16xi1> to vector<16xi32>
    %or3A_2161 = arith.ori %or3A_2140, %convert_element_type3A_2160 : vector<16xi32>
    %get3A_2162 = arith.constant 60 : index
    %get3A_2163 = tpu.vector_load %arg6[%get3A_2162] {strides = array<i32>} : memref<96xi32, #tpu.memory_space<vmem>>, vector<16xi32>,
    %slice3A_2164 = vector.extract_strided_slice %get3A_2163 {offsets = [0], sizes = [1], strides = [1]} : vector<16xi32> to vector<1xi32>
    %squeeze3A_2165 = vector.extract %slice3A_2164[0] : i32 from vector<1xi32>
    %broadcast_in_dim3A_2166 = vector.broadcast %squeeze3A_2165 : i32 to vector<16xi32>
    %eq3A_2167 = arith.cmpi eq, %select_n3A_95, %broadcast_in_dim3A_2166 : vector<16xi32>
    %convert_element_type3A_2168 = arith.extui %eq3A_2167 : vector<16xi1> to vector<16xi32>
    %or3A_2169 = arith.ori %or3A_2148, %convert_element_type3A_2168 : vector<16xi32>
    %eq3A_2170 = arith.cmpi eq, %select_n3A_234, %broadcast_in_dim3A_2166 : vector<16xi32>
    %convert_element_type3A_2171 = arith.extui %eq3A_2170 : vector<16xi1> to vector<16xi32>
    %or3A_2172 = arith.ori %or3A_2151, %convert_element_type3A_2171 : vector<16xi32>
    %eq3A_2173 = arith.cmpi eq, %select_n3A_377, %broadcast_in_dim3A_2166 : vector<16xi32>
    %convert_element_type3A_2174 = arith.extui %eq3A_2173 : vector<16xi1> to vector<16xi32>
    %or3A_2175 = arith.ori %or3A_2154, %convert_element_type3A_2174 : vector<16xi32>
    %eq3A_2176 = arith.cmpi eq, %select_n3A_520, %broadcast_in_dim3A_2166 : vector<16xi32>
    %lt3A_2177 = arith.constant 12 : i32
    %lt3A_2178 = vector.broadcast %lt3A_2177 : i32 to vector<16xi32>
    %lt3A_2179 = arith.cmpi slt, %iota3A, %lt3A_2178 : vector<16xi32>
    %and3A_2180 = arith.andi %eq3A_2176, %lt3A_2179 : vector<16xi1>
    %convert_element_type3A_2181 = arith.extui %and3A_2180 : vector<16xi1> to vector<16xi32>
    %or3A_2182 = arith.ori %or3A_2161, %convert_element_type3A_2181 : vector<16xi32>
    %get3A_2183 = arith.constant 61 : index
    %get3A_2184 = tpu.vector_load %arg6[%get3A_2183] {strides = array<i32>} : memref<96xi32, #tpu.memory_space<vmem>>, vector<16xi32>,
    %slice3A_2185 = vector.extract_strided_slice %get3A_2184 {offsets = [0], sizes = [1], strides = [1]} : vector<16xi32> to vector<1xi32>
    %squeeze3A_2186 = vector.extract %slice3A_2185[0] : i32 from vector<1xi32>
    %broadcast_in_dim3A_2187 = vector.broadcast %squeeze3A_2186 : i32 to vector<16xi32>
    %eq3A_2188 = arith.cmpi eq, %select_n3A_95, %broadcast_in_dim3A_2187 : vector<16xi32>
    %convert_element_type3A_2189 = arith.extui %eq3A_2188 : vector<16xi1> to vector<16xi32>
    %or3A_2190 = arith.ori %or3A_2169, %convert_element_type3A_2189 : vector<16xi32>
    %eq3A_2191 = arith.cmpi eq, %select_n3A_234, %broadcast_in_dim3A_2187 : vector<16xi32>
    %convert_element_type3A_2192 = arith.extui %eq3A_2191 : vector<16xi1> to vector<16xi32>
    %or3A_2193 = arith.ori %or3A_2172, %convert_element_type3A_2192 : vector<16xi32>
    %eq3A_2194 = arith.cmpi eq, %select_n3A_377, %broadcast_in_dim3A_2187 : vector<16xi32>
    %convert_element_type3A_2195 = arith.extui %eq3A_2194 : vector<16xi1> to vector<16xi32>
    %or3A_2196 = arith.ori %or3A_2175, %convert_element_type3A_2195 : vector<16xi32>
    %eq3A_2197 = arith.cmpi eq, %select_n3A_520, %broadcast_in_dim3A_2187 : vector<16xi32>
    %lt3A_2198 = arith.constant 13 : i32
    %lt3A_2199 = vector.broadcast %lt3A_2198 : i32 to vector<16xi32>
    %lt3A_2200 = arith.cmpi slt, %iota3A, %lt3A_2199 : vector<16xi32>
    %and3A_2201 = arith.andi %eq3A_2197, %lt3A_2200 : vector<16xi1>
    %convert_element_type3A_2202 = arith.extui %and3A_2201 : vector<16xi1> to vector<16xi32>
    %or3A_2203 = arith.ori %or3A_2182, %convert_element_type3A_2202 : vector<16xi32>
    %get3A_2204 = arith.constant 62 : index
    %get3A_2205 = tpu.vector_load %arg6[%get3A_2204] {strides = array<i32>} : memref<96xi32, #tpu.memory_space<vmem>>, vector<16xi32>,
    %slice3A_2206 = vector.extract_strided_slice %get3A_2205 {offsets = [0], sizes = [1], strides = [1]} : vector<16xi32> to vector<1xi32>
    %squeeze3A_2207 = vector.extract %slice3A_2206[0] : i32 from vector<1xi32>
    %broadcast_in_dim3A_2208 = vector.broadcast %squeeze3A_2207 : i32 to vector<16xi32>
    %eq3A_2209 = arith.cmpi eq, %select_n3A_95, %broadcast_in_dim3A_2208 : vector<16xi32>
    %convert_element_type3A_2210 = arith.extui %eq3A_2209 : vector<16xi1> to vector<16xi32>
    %or3A_2211 = arith.ori %or3A_2190, %convert_element_type3A_2210 : vector<16xi32>
    %eq3A_2212 = arith.cmpi eq, %select_n3A_234, %broadcast_in_dim3A_2208 : vector<16xi32>
    %convert_element_type3A_2213 = arith.extui %eq3A_2212 : vector<16xi1> to vector<16xi32>
    %or3A_2214 = arith.ori %or3A_2193, %convert_element_type3A_2213 : vector<16xi32>
    %eq3A_2215 = arith.cmpi eq, %select_n3A_377, %broadcast_in_dim3A_2208 : vector<16xi32>
    %convert_element_type3A_2216 = arith.extui %eq3A_2215 : vector<16xi1> to vector<16xi32>
    %or3A_2217 = arith.ori %or3A_2196, %convert_element_type3A_2216 : vector<16xi32>
    %eq3A_2218 = arith.cmpi eq, %select_n3A_520, %broadcast_in_dim3A_2208 : vector<16xi32>
    %lt3A_2219 = arith.constant 14 : i32
    %lt3A_2220 = vector.broadcast %lt3A_2219 : i32 to vector<16xi32>
    %lt3A_2221 = arith.cmpi slt, %iota3A, %lt3A_2220 : vector<16xi32>
    %and3A_2222 = arith.andi %eq3A_2218, %lt3A_2221 : vector<16xi1>
    %convert_element_type3A_2223 = arith.extui %and3A_2222 : vector<16xi1> to vector<16xi32>
    %or3A_2224 = arith.ori %or3A_2203, %convert_element_type3A_2223 : vector<16xi32>
    %get3A_2225 = arith.constant 63 : index
    %get3A_2226 = tpu.vector_load %arg6[%get3A_2225] {strides = array<i32>} : memref<96xi32, #tpu.memory_space<vmem>>, vector<16xi32>,
    %slice3A_2227 = vector.extract_strided_slice %get3A_2226 {offsets = [0], sizes = [1], strides = [1]} : vector<16xi32> to vector<1xi32>
    %squeeze3A_2228 = vector.extract %slice3A_2227[0] : i32 from vector<1xi32>
    %broadcast_in_dim3A_2229 = vector.broadcast %squeeze3A_2228 : i32 to vector<16xi32>
    %eq3A_2230 = arith.cmpi eq, %select_n3A_95, %broadcast_in_dim3A_2229 : vector<16xi32>
    %convert_element_type3A_2231 = arith.extui %eq3A_2230 : vector<16xi1> to vector<16xi32>
    %or3A_2232 = arith.ori %or3A_2211, %convert_element_type3A_2231 : vector<16xi32>
    %eq3A_2233 = arith.cmpi eq, %select_n3A_234, %broadcast_in_dim3A_2229 : vector<16xi32>
    %convert_element_type3A_2234 = arith.extui %eq3A_2233 : vector<16xi1> to vector<16xi32>
    %or3A_2235 = arith.ori %or3A_2214, %convert_element_type3A_2234 : vector<16xi32>
    %eq3A_2236 = arith.cmpi eq, %select_n3A_377, %broadcast_in_dim3A_2229 : vector<16xi32>
    %convert_element_type3A_2237 = arith.extui %eq3A_2236 : vector<16xi1> to vector<16xi32>
    %or3A_2238 = arith.ori %or3A_2217, %convert_element_type3A_2237 : vector<16xi32>
    %eq3A_2239 = arith.cmpi eq, %select_n3A_520, %broadcast_in_dim3A_2229 : vector<16xi32>
    %lt3A_2240 = arith.constant 15 : i32
    %lt3A_2241 = vector.broadcast %lt3A_2240 : i32 to vector<16xi32>
    %lt3A_2242 = arith.cmpi slt, %iota3A, %lt3A_2241 : vector<16xi32>
    %and3A_2243 = arith.andi %eq3A_2239, %lt3A_2242 : vector<16xi1>
    %convert_element_type3A_2244 = arith.extui %and3A_2243 : vector<16xi1> to vector<16xi32>
    %or3A_2245 = arith.ori %or3A_2224, %convert_element_type3A_2244 : vector<16xi32>
    %get3A_2246 = arith.constant 64 : index
    %get3A_2247 = tpu.vector_load %arg6[%get3A_2246] {strides = array<i32>} : memref<96xi32, #tpu.memory_space<vmem>>, vector<16xi32>,
    %slice3A_2248 = vector.extract_strided_slice %get3A_2247 {offsets = [0], sizes = [1], strides = [1]} : vector<16xi32> to vector<1xi32>
    %squeeze3A_2249 = vector.extract %slice3A_2248[0] : i32 from vector<1xi32>
    %broadcast_in_dim3A_2250 = vector.broadcast %squeeze3A_2249 : i32 to vector<16xi32>
    %eq3A_2251 = arith.cmpi eq, %select_n3A_95, %broadcast_in_dim3A_2250 : vector<16xi32>
    %convert_element_type3A_2252 = arith.extui %eq3A_2251 : vector<16xi1> to vector<16xi32>
    %or3A_2253 = arith.ori %or3A_2232, %convert_element_type3A_2252 : vector<16xi32>
    %eq3A_2254 = arith.cmpi eq, %select_n3A_234, %broadcast_in_dim3A_2250 : vector<16xi32>
    %convert_element_type3A_2255 = arith.extui %eq3A_2254 : vector<16xi1> to vector<16xi32>
    %or3A_2256 = arith.ori %or3A_2235, %convert_element_type3A_2255 : vector<16xi32>
    %eq3A_2257 = arith.cmpi eq, %select_n3A_377, %broadcast_in_dim3A_2250 : vector<16xi32>
    %convert_element_type3A_2258 = arith.extui %eq3A_2257 : vector<16xi1> to vector<16xi32>
    %or3A_2259 = arith.ori %or3A_2238, %convert_element_type3A_2258 : vector<16xi32>
    %eq3A_2260 = arith.cmpi eq, %select_n3A_520, %broadcast_in_dim3A_2250 : vector<16xi32>
    %convert_element_type3A_2261 = arith.extui %eq3A_2260 : vector<16xi1> to vector<16xi32>
    %or3A_2262 = arith.ori %or3A_2245, %convert_element_type3A_2261 : vector<16xi32>
    %eq3A_2263 = arith.cmpi eq, %select_n3A_663, %broadcast_in_dim3A_2250 : vector<16xi32>
    %lt3A_2264 = arith.constant 0 : i32
    %lt3A_2265 = vector.broadcast %lt3A_2264 : i32 to vector<16xi32>
    %lt3A_2266 = arith.cmpi slt, %iota3A, %lt3A_2265 : vector<16xi32>
    %and3A_2267 = arith.andi %eq3A_2263, %lt3A_2266 : vector<16xi1>
    %convert_element_type3A_2268 = arith.extui %and3A_2267 : vector<16xi1> to vector<16xi32>
    %or3A_2269 = arith.ori %broadcast_in_dim3A_1205, %convert_element_type3A_2268 : vector<16xi32>
    %get3A_2270 = arith.constant 65 : index
    %get3A_2271 = tpu.vector_load %arg6[%get3A_2270] {strides = array<i32>} : memref<96xi32, #tpu.memory_space<vmem>>, vector<16xi32>,
    %slice3A_2272 = vector.extract_strided_slice %get3A_2271 {offsets = [0], sizes = [1], strides = [1]} : vector<16xi32> to vector<1xi32>
    %squeeze3A_2273 = vector.extract %slice3A_2272[0] : i32 from vector<1xi32>
    %broadcast_in_dim3A_2274 = vector.broadcast %squeeze3A_2273 : i32 to vector<16xi32>
    %eq3A_2275 = arith.cmpi eq, %select_n3A_95, %broadcast_in_dim3A_2274 : vector<16xi32>
    %convert_element_type3A_2276 = arith.extui %eq3A_2275 : vector<16xi1> to vector<16xi32>
    %or3A_2277 = arith.ori %or3A_2253, %convert_element_type3A_2276 : vector<16xi32>
    %eq3A_2278 = arith.cmpi eq, %select_n3A_234, %broadcast_in_dim3A_2274 : vector<16xi32>
    %convert_element_type3A_2279 = arith.extui %eq3A_2278 : vector<16xi1> to vector<16xi32>
    %or3A_2280 = arith.ori %or3A_2256, %convert_element_type3A_2279 : vector<16xi32>
    %eq3A_2281 = arith.cmpi eq, %select_n3A_377, %broadcast_in_dim3A_2274 : vector<16xi32>
    %convert_element_type3A_2282 = arith.extui %eq3A_2281 : vector<16xi1> to vector<16xi32>
    %or3A_2283 = arith.ori %or3A_2259, %convert_element_type3A_2282 : vector<16xi32>
    %eq3A_2284 = arith.cmpi eq, %select_n3A_520, %broadcast_in_dim3A_2274 : vector<16xi32>
    %convert_element_type3A_2285 = arith.extui %eq3A_2284 : vector<16xi1> to vector<16xi32>
    %or3A_2286 = arith.ori %or3A_2262, %convert_element_type3A_2285 : vector<16xi32>
    %eq3A_2287 = arith.cmpi eq, %select_n3A_663, %broadcast_in_dim3A_2274 : vector<16xi32>
    %lt3A_2288 = arith.constant 1 : i32
    %lt3A_2289 = vector.broadcast %lt3A_2288 : i32 to vector<16xi32>
    %lt3A_2290 = arith.cmpi slt, %iota3A, %lt3A_2289 : vector<16xi32>
    %and3A_2291 = arith.andi %eq3A_2287, %lt3A_2290 : vector<16xi1>
    %convert_element_type3A_2292 = arith.extui %and3A_2291 : vector<16xi1> to vector<16xi32>
    %or3A_2293 = arith.ori %or3A_2269, %convert_element_type3A_2292 : vector<16xi32>
    %get3A_2294 = arith.constant 66 : index
    %get3A_2295 = tpu.vector_load %arg6[%get3A_2294] {strides = array<i32>} : memref<96xi32, #tpu.memory_space<vmem>>, vector<16xi32>,
    %slice3A_2296 = vector.extract_strided_slice %get3A_2295 {offsets = [0], sizes = [1], strides = [1]} : vector<16xi32> to vector<1xi32>
    %squeeze3A_2297 = vector.extract %slice3A_2296[0] : i32 from vector<1xi32>
    %broadcast_in_dim3A_2298 = vector.broadcast %squeeze3A_2297 : i32 to vector<16xi32>
    %eq3A_2299 = arith.cmpi eq, %select_n3A_95, %broadcast_in_dim3A_2298 : vector<16xi32>
    %convert_element_type3A_2300 = arith.extui %eq3A_2299 : vector<16xi1> to vector<16xi32>
    %or3A_2301 = arith.ori %or3A_2277, %convert_element_type3A_2300 : vector<16xi32>
    %eq3A_2302 = arith.cmpi eq, %select_n3A_234, %broadcast_in_dim3A_2298 : vector<16xi32>
    %convert_element_type3A_2303 = arith.extui %eq3A_2302 : vector<16xi1> to vector<16xi32>
    %or3A_2304 = arith.ori %or3A_2280, %convert_element_type3A_2303 : vector<16xi32>
    %eq3A_2305 = arith.cmpi eq, %select_n3A_377, %broadcast_in_dim3A_2298 : vector<16xi32>
    %convert_element_type3A_2306 = arith.extui %eq3A_2305 : vector<16xi1> to vector<16xi32>
    %or3A_2307 = arith.ori %or3A_2283, %convert_element_type3A_2306 : vector<16xi32>
    %eq3A_2308 = arith.cmpi eq, %select_n3A_520, %broadcast_in_dim3A_2298 : vector<16xi32>
    %convert_element_type3A_2309 = arith.extui %eq3A_2308 : vector<16xi1> to vector<16xi32>
    %or3A_2310 = arith.ori %or3A_2286, %convert_element_type3A_2309 : vector<16xi32>
    %eq3A_2311 = arith.cmpi eq, %select_n3A_663, %broadcast_in_dim3A_2298 : vector<16xi32>
    %lt3A_2312 = arith.constant 2 : i32
    %lt3A_2313 = vector.broadcast %lt3A_2312 : i32 to vector<16xi32>
    %lt3A_2314 = arith.cmpi slt, %iota3A, %lt3A_2313 : vector<16xi32>
    %and3A_2315 = arith.andi %eq3A_2311, %lt3A_2314 : vector<16xi1>
    %convert_element_type3A_2316 = arith.extui %and3A_2315 : vector<16xi1> to vector<16xi32>
    %or3A_2317 = arith.ori %or3A_2293, %convert_element_type3A_2316 : vector<16xi32>
    %get3A_2318 = arith.constant 67 : index
    %get3A_2319 = tpu.vector_load %arg6[%get3A_2318] {strides = array<i32>} : memref<96xi32, #tpu.memory_space<vmem>>, vector<16xi32>,
    %slice3A_2320 = vector.extract_strided_slice %get3A_2319 {offsets = [0], sizes = [1], strides = [1]} : vector<16xi32> to vector<1xi32>
    %squeeze3A_2321 = vector.extract %slice3A_2320[0] : i32 from vector<1xi32>
    %broadcast_in_dim3A_2322 = vector.broadcast %squeeze3A_2321 : i32 to vector<16xi32>
    %eq3A_2323 = arith.cmpi eq, %select_n3A_95, %broadcast_in_dim3A_2322 : vector<16xi32>
    %convert_element_type3A_2324 = arith.extui %eq3A_2323 : vector<16xi1> to vector<16xi32>
    %or3A_2325 = arith.ori %or3A_2301, %convert_element_type3A_2324 : vector<16xi32>
    %eq3A_2326 = arith.cmpi eq, %select_n3A_234, %broadcast_in_dim3A_2322 : vector<16xi32>
    %convert_element_type3A_2327 = arith.extui %eq3A_2326 : vector<16xi1> to vector<16xi32>
    %or3A_2328 = arith.ori %or3A_2304, %convert_element_type3A_2327 : vector<16xi32>
    %eq3A_2329 = arith.cmpi eq, %select_n3A_377, %broadcast_in_dim3A_2322 : vector<16xi32>
    %convert_element_type3A_2330 = arith.extui %eq3A_2329 : vector<16xi1> to vector<16xi32>
    %or3A_2331 = arith.ori %or3A_2307, %convert_element_type3A_2330 : vector<16xi32>
    %eq3A_2332 = arith.cmpi eq, %select_n3A_520, %broadcast_in_dim3A_2322 : vector<16xi32>
    %convert_element_type3A_2333 = arith.extui %eq3A_2332 : vector<16xi1> to vector<16xi32>
    %or3A_2334 = arith.ori %or3A_2310, %convert_element_type3A_2333 : vector<16xi32>
    %eq3A_2335 = arith.cmpi eq, %select_n3A_663, %broadcast_in_dim3A_2322 : vector<16xi32>
    %lt3A_2336 = arith.constant 3 : i32
    %lt3A_2337 = vector.broadcast %lt3A_2336 : i32 to vector<16xi32>
    %lt3A_2338 = arith.cmpi slt, %iota3A, %lt3A_2337 : vector<16xi32>
    %and3A_2339 = arith.andi %eq3A_2335, %lt3A_2338 : vector<16xi1>
    %convert_element_type3A_2340 = arith.extui %and3A_2339 : vector<16xi1> to vector<16xi32>
    %or3A_2341 = arith.ori %or3A_2317, %convert_element_type3A_2340 : vector<16xi32>
    %eq3A_2342 = arith.constant 0 : i32
    %eq3A_2343 = vector.broadcast %eq3A_2342 : i32 to vector<16xi32>
    %eq3A_2344 = arith.cmpi eq, %or3A_2325, %eq3A_2343 : vector<16xi32>
    %and3A_2345 = arith.andi %and3A_124, %eq3A_2344 : vector<16xi1>
    %eq3A_2346 = arith.constant 0 : i32
    %eq3A_2347 = vector.broadcast %eq3A_2346 : i32 to vector<16xi32>
    %eq3A_2348 = arith.cmpi eq, %or3A_2328, %eq3A_2347 : vector<16xi32>
    %and3A_2349 = arith.andi %and3A_267, %eq3A_2348 : vector<16xi1>
    %eq3A_2350 = arith.constant 0 : i32
    %eq3A_2351 = vector.broadcast %eq3A_2350 : i32 to vector<16xi32>
    %eq3A_2352 = arith.cmpi eq, %or3A_2331, %eq3A_2351 : vector<16xi32>
    %and3A_2353 = arith.andi %and3A_410, %eq3A_2352 : vector<16xi1>
    %eq3A_2354 = arith.constant 0 : i32
    %eq3A_2355 = vector.broadcast %eq3A_2354 : i32 to vector<16xi32>
    %eq3A_2356 = arith.cmpi eq, %or3A_2334, %eq3A_2355 : vector<16xi32>
    %and3A_2357 = arith.andi %and3A_553, %eq3A_2356 : vector<16xi1>
    %eq3A_2358 = arith.constant 0 : i32
    %eq3A_2359 = vector.broadcast %eq3A_2358 : i32 to vector<16xi32>
    %eq3A_2360 = arith.cmpi eq, %or3A_2341, %eq3A_2359 : vector<16xi32>
    %and3A_2361 = arith.andi %and3A_696, %eq3A_2360 : vector<16xi1>
    %broadcast_in_dim3A_2362 = arith.constant 0.000000e+00 : f32
    %broadcast_in_dim3A_2363 = vector.broadcast %broadcast_in_dim3A_2362 : f32 to vector<16xf32>
    %jit3A_2364 = arith.constant 1.000000e+00 : f32
    %jit3A_2365 = arith.constant 0.000000e+00 : f32
    %broadcast_in_dim3A_2366 = vector.broadcast %jit3A_2364 : f32 to vector<16xf32>
    %broadcast_in_dim3A_2367 = vector.broadcast %jit3A_2365 : f32 to vector<16xf32>
    %select_n3A_2368 = arith.select %and3A_2345, %broadcast_in_dim3A_2366, %broadcast_in_dim3A_2367 : vector<16xi1>, vector<16xf32>
    %add3A_2369 = arith.addf %broadcast_in_dim3A_2363, %select_n3A_2368 : vector<16xf32>
    %jit3A_2370 = arith.constant 1.000000e+00 : f32
    %jit3A_2371 = arith.constant 0.000000e+00 : f32
    %broadcast_in_dim3A_2372 = vector.broadcast %jit3A_2370 : f32 to vector<16xf32>
    %broadcast_in_dim3A_2373 = vector.broadcast %jit3A_2371 : f32 to vector<16xf32>
    %select_n3A_2374 = arith.select %and3A_2349, %broadcast_in_dim3A_2372, %broadcast_in_dim3A_2373 : vector<16xi1>, vector<16xf32>
    %add3A_2375 = arith.addf %add3A_2369, %select_n3A_2374 : vector<16xf32>
    %jit3A_2376 = arith.constant 1.000000e+00 : f32
    %jit3A_2377 = arith.constant 0.000000e+00 : f32
    %broadcast_in_dim3A_2378 = vector.broadcast %jit3A_2376 : f32 to vector<16xf32>
    %broadcast_in_dim3A_2379 = vector.broadcast %jit3A_2377 : f32 to vector<16xf32>
    %select_n3A_2380 = arith.select %and3A_2353, %broadcast_in_dim3A_2378, %broadcast_in_dim3A_2379 : vector<16xi1>, vector<16xf32>
    %add3A_2381 = arith.addf %add3A_2375, %select_n3A_2380 : vector<16xf32>
    %jit3A_2382 = arith.constant 1.000000e+00 : f32
    %jit3A_2383 = arith.constant 0.000000e+00 : f32
    %broadcast_in_dim3A_2384 = vector.broadcast %jit3A_2382 : f32 to vector<16xf32>
    %broadcast_in_dim3A_2385 = vector.broadcast %jit3A_2383 : f32 to vector<16xf32>
    %select_n3A_2386 = arith.select %and3A_2357, %broadcast_in_dim3A_2384, %broadcast_in_dim3A_2385 : vector<16xi1>, vector<16xf32>
    %add3A_2387 = arith.addf %add3A_2381, %select_n3A_2386 : vector<16xf32>
    %jit3A_2388 = arith.constant 1.000000e+00 : f32
    %jit3A_2389 = arith.constant 0.000000e+00 : f32
    %broadcast_in_dim3A_2390 = vector.broadcast %jit3A_2388 : f32 to vector<16xf32>
    %broadcast_in_dim3A_2391 = vector.broadcast %jit3A_2389 : f32 to vector<16xf32>
    %select_n3A_2392 = arith.select %and3A_2361, %broadcast_in_dim3A_2390, %broadcast_in_dim3A_2391 : vector<16xi1>, vector<16xf32>
    %add3A_2393 = arith.addf %add3A_2387, %select_n3A_2392 : vector<16xf32>
    %broadcast_in_dim3A_2394 = arith.constant 0.000000e+00 : f32
    %broadcast_in_dim3A_2395 = vector.broadcast %broadcast_in_dim3A_2394 : f32 to vector<16xf32>
    %dma_wait3A = arith.constant 0 : i32
    %dma_wait3A_2396 = arith.constant 0 : i32
    %dma_wait3A_2397 = arith.constant 0 : i32
    %dma_wait3A_2398 = arith.constant 0 : i32
    %dma_wait3A_2399 = arith.constant 0 : i32
    %dma_wait3A_2400 = tpu.memref_slice %arg8[%dma_wait3A_2396, %dma_wait3A_2398, %dma_wait3A_2399] : memref<10x80x16xf32, #tpu.memory_space<vmem>> -> memref<1x72x16xf32, #tpu.memory_space<vmem>>
    %dma_wait3A_2401 = tpu.memref_squeeze %dma_wait3A_2400 : memref<1x72x16xf32, #tpu.memory_space<vmem>> -> memref<72x16xf32, #tpu.memory_space<vmem>>
    %dma_wait3A_2402 = arith.constant 0 : i32
    %dma_wait3A_2403 = tpu.memref_slice %arg7[%dma_wait3A, %dma_wait3A_2402] : memref<10x80xi32, #tpu.memory_space<vmem>> -> memref<1x72xi32, #tpu.memory_space<vmem>>
    %dma_wait3A_2404 = tpu.memref_squeeze %dma_wait3A_2403 : memref<1x72xi32, #tpu.memory_space<vmem>> -> memref<72xi32, #tpu.memory_space<vmem>>
    %dma_wait3A_2405 = arith.constant 0 : i32
    %dma_wait3A_2406 = arith.constant 0 : i32
    %dma_wait3A_2407 = tpu.memref_slice %arg2[%dma_wait3A_2405, %dma_wait3A_2406] : memref<368640x16xf32, #tpu.memory_space<hbm>> -> memref<368640x16xf32, #tpu.memory_space<hbm>>
    %dma_wait3A_2408 = tpu.memref_slice %arg10[%dma_wait3A_2397] : memref<10x!tpu.dma_semaphore, #tpu.memory_space<semaphore_mem>> -> memref<1x!tpu.dma_semaphore, #tpu.memory_space<semaphore_mem>>
    %dma_wait3A_2409 = tpu.memref_squeeze %dma_wait3A_2408 : memref<1x!tpu.dma_semaphore, #tpu.memory_space<semaphore_mem>> -> memref<!tpu.dma_semaphore, #tpu.memory_space<semaphore_mem>>
    tpu.wait_indirect_dma semaphore(%dma_wait3A_2409 : memref<!tpu.dma_semaphore, #tpu.memory_space<semaphore_mem>>) src(%dma_wait3A_2407 : memref<368640x16xf32, #tpu.memory_space<hbm>>) dst(%dma_wait3A_2401 : memref<72x16xf32, #tpu.memory_space<vmem>>)
    %dma_wait3A_2410 = arith.constant 1 : i32
    %dma_wait3A_2411 = arith.constant 1 : i32
    %dma_wait3A_2412 = arith.constant 1 : i32
    %dma_wait3A_2413 = arith.constant 0 : i32
    %dma_wait3A_2414 = arith.constant 0 : i32
    %dma_wait3A_2415 = tpu.memref_slice %arg8[%dma_wait3A_2411, %dma_wait3A_2413, %dma_wait3A_2414] : memref<10x80x16xf32, #tpu.memory_space<vmem>> -> memref<1x72x16xf32, #tpu.memory_space<vmem>>
    %dma_wait3A_2416 = tpu.memref_squeeze %dma_wait3A_2415 : memref<1x72x16xf32, #tpu.memory_space<vmem>> -> memref<72x16xf32, #tpu.memory_space<vmem>>
    %dma_wait3A_2417 = arith.constant 0 : i32
    %dma_wait3A_2418 = tpu.memref_slice %arg7[%dma_wait3A_2410, %dma_wait3A_2417] : memref<10x80xi32, #tpu.memory_space<vmem>> -> memref<1x72xi32, #tpu.memory_space<vmem>>
    %dma_wait3A_2419 = tpu.memref_squeeze %dma_wait3A_2418 : memref<1x72xi32, #tpu.memory_space<vmem>> -> memref<72xi32, #tpu.memory_space<vmem>>
    %dma_wait3A_2420 = arith.constant 0 : i32
    %dma_wait3A_2421 = arith.constant 0 : i32
    %dma_wait3A_2422 = tpu.memref_slice %arg2[%dma_wait3A_2420, %dma_wait3A_2421] : memref<368640x16xf32, #tpu.memory_space<hbm>> -> memref<368640x16xf32, #tpu.memory_space<hbm>>
    %dma_wait3A_2423 = tpu.memref_slice %arg10[%dma_wait3A_2412] : memref<10x!tpu.dma_semaphore, #tpu.memory_space<semaphore_mem>> -> memref<1x!tpu.dma_semaphore, #tpu.memory_space<semaphore_mem>>
    %dma_wait3A_2424 = tpu.memref_squeeze %dma_wait3A_2423 : memref<1x!tpu.dma_semaphore, #tpu.memory_space<semaphore_mem>> -> memref<!tpu.dma_semaphore, #tpu.memory_space<semaphore_mem>>
    tpu.wait_indirect_dma semaphore(%dma_wait3A_2424 : memref<!tpu.dma_semaphore, #tpu.memory_space<semaphore_mem>>) src(%dma_wait3A_2422 : memref<368640x16xf32, #tpu.memory_space<hbm>>) dst(%dma_wait3A_2416 : memref<72x16xf32, #tpu.memory_space<vmem>>)
    %broadcast_in_dim3A_2425 = arith.constant 0.000000e+00 : f32
    %broadcast_in_dim3A_2426 = vector.broadcast %broadcast_in_dim3A_2425 : f32 to vector<16xf32>
    %add3A_2427 = arith.constant 0 : i32
    %add3A_2428 = vector.broadcast %add3A_2427 : i32 to vector<16xi32>
    %add3A_2429 = arith.addi %iota3A, %add3A_2428 : vector<16xi32>
    %broadcast_in_dim3A_2430 = arith.constant 0 : i32
    %broadcast_in_dim3A_2431 = vector.broadcast %broadcast_in_dim3A_2430 : i32 to vector<16xi32>
    %gather3A_2432 = tpu.vector_load_idx %arg8[%broadcast_in_dim3A_2431, %add3A_2429, %select_n3A_123] : memref<10x80x16xf32, #tpu.memory_space<vmem>>[vector<16xi32>, vector<16xi32>, vector<16xi32>], vector<16xf32>,
    %broadcast_in_dim3A_2433 = arith.constant 1 : i32
    %broadcast_in_dim3A_2434 = vector.broadcast %broadcast_in_dim3A_2433 : i32 to vector<16xi32>
    %gather3A_2435 = tpu.vector_load_idx %arg8[%broadcast_in_dim3A_2434, %add3A_2429, %select_n3A_123] : memref<10x80x16xf32, #tpu.memory_space<vmem>>[vector<16xi32>, vector<16xi32>, vector<16xi32>], vector<16xf32>,
    %sub3A_2436 = arith.subf %gather3A_2432, %convert_element_type3A : vector<16xf32>
    %sub3A_2437 = arith.subf %gather3A_2435, %convert_element_type3A_101 : vector<16xf32>
    %mul3A_2438 = arith.mulf %sub3A_2436, %sub3A_2436 : vector<16xf32>
    %mul3A_2439 = arith.mulf %sub3A_2437, %sub3A_2437 : vector<16xf32>
    %add3A_2440 = arith.addf %mul3A_2438, %mul3A_2439 : vector<16xf32>
    %bitcast3A = vector.bitcast %add3A_2440 : vector<16xf32> to vector<16xi32>
    %broadcast_in_dim3A_2441 = arith.constant 1597463007 : i32
    %broadcast_in_dim3A_2442 = vector.broadcast %broadcast_in_dim3A_2441 : i32 to vector<16xi32>
    %shift_right_arithmetic3A_2443 = arith.constant 1 : i32
    %shift_right_arithmetic3A_2444 = vector.broadcast %shift_right_arithmetic3A_2443 : i32 to vector<16xi32>
    %shift_right_arithmetic3A_2445 = arith.shrsi %bitcast3A, %shift_right_arithmetic3A_2444 : vector<16xi32>
    %sub3A_2446 = arith.subi %broadcast_in_dim3A_2442, %shift_right_arithmetic3A_2445 : vector<16xi32>
    %bitcast3A_2447 = vector.bitcast %sub3A_2446 : vector<16xi32> to vector<16xf32>
    %mul3A_2448 = arith.constant 5.000000e-01 : f32
    %mul3A_2449 = vector.broadcast %mul3A_2448 : f32 to vector<16xf32>
    %mul3A_2450 = arith.mulf %mul3A_2449, %add3A_2440 : vector<16xf32>
    %mul3A_2451 = arith.mulf %mul3A_2450, %bitcast3A_2447 : vector<16xf32>
    %mul3A_2452 = arith.mulf %mul3A_2451, %bitcast3A_2447 : vector<16xf32>
    %sub3A_2453 = arith.constant 1.500000e+00 : f32
    %sub3A_2454 = vector.broadcast %sub3A_2453 : f32 to vector<16xf32>
    %sub3A_2455 = arith.subf %sub3A_2454, %mul3A_2452 : vector<16xf32>
    %mul3A_2456 = arith.mulf %bitcast3A_2447, %sub3A_2455 : vector<16xf32>
    %mul3A_2457 = arith.constant 5.000000e-01 : f32
    %mul3A_2458 = vector.broadcast %mul3A_2457 : f32 to vector<16xf32>
    %mul3A_2459 = arith.mulf %mul3A_2458, %add3A_2440 : vector<16xf32>
    %mul3A_2460 = arith.mulf %mul3A_2459, %mul3A_2456 : vector<16xf32>
    %mul3A_2461 = arith.mulf %mul3A_2460, %mul3A_2456 : vector<16xf32>
    %sub3A_2462 = arith.constant 1.500000e+00 : f32
    %sub3A_2463 = vector.broadcast %sub3A_2462 : f32 to vector<16xf32>
    %sub3A_2464 = arith.subf %sub3A_2463, %mul3A_2461 : vector<16xf32>
    %mul3A_2465 = arith.mulf %mul3A_2456, %sub3A_2464 : vector<16xf32>
    %mul3A_2466 = arith.constant 5.000000e-01 : f32
    %mul3A_2467 = vector.broadcast %mul3A_2466 : f32 to vector<16xf32>
    %mul3A_2468 = arith.mulf %mul3A_2467, %add3A_2440 : vector<16xf32>
    %mul3A_2469 = arith.mulf %mul3A_2468, %mul3A_2465 : vector<16xf32>
    %mul3A_2470 = arith.mulf %mul3A_2469, %mul3A_2465 : vector<16xf32>
    %sub3A_2471 = arith.constant 1.500000e+00 : f32
    %sub3A_2472 = vector.broadcast %sub3A_2471 : f32 to vector<16xf32>
    %sub3A_2473 = arith.subf %sub3A_2472, %mul3A_2470 : vector<16xf32>
    %mul3A_2474 = arith.mulf %mul3A_2465, %sub3A_2473 : vector<16xf32>
    %mul3A_2475 = arith.mulf %add3A_2440, %mul3A_2474 : vector<16xf32>
    %jit3A_2476 = arith.constant 0.000000e+00 : f32
    %broadcast_in_dim3A_2477 = vector.broadcast %jit3A_2476 : f32 to vector<16xf32>
    %select_n3A_2478 = arith.select %and3A_2345, %mul3A_2475, %broadcast_in_dim3A_2477 : vector<16xi1>, vector<16xf32>
    %add3A_2479 = arith.addf %broadcast_in_dim3A_2426, %select_n3A_2478 : vector<16xf32>
    %add3A_2480 = arith.constant 16 : i32
    %add3A_2481 = vector.broadcast %add3A_2480 : i32 to vector<16xi32>
    %add3A_2482 = arith.addi %iota3A, %add3A_2481 : vector<16xi32>
    %broadcast_in_dim3A_2483 = arith.constant 0 : i32
    %broadcast_in_dim3A_2484 = vector.broadcast %broadcast_in_dim3A_2483 : i32 to vector<16xi32>
    %gather3A_2485 = tpu.vector_load_idx %arg8[%broadcast_in_dim3A_2484, %add3A_2482, %select_n3A_266] : memref<10x80x16xf32, #tpu.memory_space<vmem>>[vector<16xi32>, vector<16xi32>, vector<16xi32>], vector<16xf32>,
    %broadcast_in_dim3A_2486 = arith.constant 1 : i32
    %broadcast_in_dim3A_2487 = vector.broadcast %broadcast_in_dim3A_2486 : i32 to vector<16xi32>
    %gather3A_2488 = tpu.vector_load_idx %arg8[%broadcast_in_dim3A_2487, %add3A_2482, %select_n3A_266] : memref<10x80x16xf32, #tpu.memory_space<vmem>>[vector<16xi32>, vector<16xi32>, vector<16xi32>], vector<16xf32>,
    %sub3A_2489 = arith.subf %gather3A_2485, %convert_element_type3A_241 : vector<16xf32>
    %sub3A_2490 = arith.subf %gather3A_2488, %convert_element_type3A_243 : vector<16xf32>
    %mul3A_2491 = arith.mulf %sub3A_2489, %sub3A_2489 : vector<16xf32>
    %mul3A_2492 = arith.mulf %sub3A_2490, %sub3A_2490 : vector<16xf32>
    %add3A_2493 = arith.addf %mul3A_2491, %mul3A_2492 : vector<16xf32>
    %bitcast3A_2494 = vector.bitcast %add3A_2493 : vector<16xf32> to vector<16xi32>
    %broadcast_in_dim3A_2495 = arith.constant 1597463007 : i32
    %broadcast_in_dim3A_2496 = vector.broadcast %broadcast_in_dim3A_2495 : i32 to vector<16xi32>
    %shift_right_arithmetic3A_2497 = arith.constant 1 : i32
    %shift_right_arithmetic3A_2498 = vector.broadcast %shift_right_arithmetic3A_2497 : i32 to vector<16xi32>
    %shift_right_arithmetic3A_2499 = arith.shrsi %bitcast3A_2494, %shift_right_arithmetic3A_2498 : vector<16xi32>
    %sub3A_2500 = arith.subi %broadcast_in_dim3A_2496, %shift_right_arithmetic3A_2499 : vector<16xi32>
    %bitcast3A_2501 = vector.bitcast %sub3A_2500 : vector<16xi32> to vector<16xf32>
    %mul3A_2502 = arith.constant 5.000000e-01 : f32
    %mul3A_2503 = vector.broadcast %mul3A_2502 : f32 to vector<16xf32>
    %mul3A_2504 = arith.mulf %mul3A_2503, %add3A_2493 : vector<16xf32>
    %mul3A_2505 = arith.mulf %mul3A_2504, %bitcast3A_2501 : vector<16xf32>
    %mul3A_2506 = arith.mulf %mul3A_2505, %bitcast3A_2501 : vector<16xf32>
    %sub3A_2507 = arith.constant 1.500000e+00 : f32
    %sub3A_2508 = vector.broadcast %sub3A_2507 : f32 to vector<16xf32>
    %sub3A_2509 = arith.subf %sub3A_2508, %mul3A_2506 : vector<16xf32>
    %mul3A_2510 = arith.mulf %bitcast3A_2501, %sub3A_2509 : vector<16xf32>
    %mul3A_2511 = arith.constant 5.000000e-01 : f32
    %mul3A_2512 = vector.broadcast %mul3A_2511 : f32 to vector<16xf32>
    %mul3A_2513 = arith.mulf %mul3A_2512, %add3A_2493 : vector<16xf32>
    %mul3A_2514 = arith.mulf %mul3A_2513, %mul3A_2510 : vector<16xf32>
    %mul3A_2515 = arith.mulf %mul3A_2514, %mul3A_2510 : vector<16xf32>
    %sub3A_2516 = arith.constant 1.500000e+00 : f32
    %sub3A_2517 = vector.broadcast %sub3A_2516 : f32 to vector<16xf32>
    %sub3A_2518 = arith.subf %sub3A_2517, %mul3A_2515 : vector<16xf32>
    %mul3A_2519 = arith.mulf %mul3A_2510, %sub3A_2518 : vector<16xf32>
    %mul3A_2520 = arith.constant 5.000000e-01 : f32
    %mul3A_2521 = vector.broadcast %mul3A_2520 : f32 to vector<16xf32>
    %mul3A_2522 = arith.mulf %mul3A_2521, %add3A_2493 : vector<16xf32>
    %mul3A_2523 = arith.mulf %mul3A_2522, %mul3A_2519 : vector<16xf32>
    %mul3A_2524 = arith.mulf %mul3A_2523, %mul3A_2519 : vector<16xf32>
    %sub3A_2525 = arith.constant 1.500000e+00 : f32
    %sub3A_2526 = vector.broadcast %sub3A_2525 : f32 to vector<16xf32>
    %sub3A_2527 = arith.subf %sub3A_2526, %mul3A_2524 : vector<16xf32>
    %mul3A_2528 = arith.mulf %mul3A_2519, %sub3A_2527 : vector<16xf32>
    %mul3A_2529 = arith.mulf %add3A_2493, %mul3A_2528 : vector<16xf32>
    %jit3A_2530 = arith.constant 0.000000e+00 : f32
    %broadcast_in_dim3A_2531 = vector.broadcast %jit3A_2530 : f32 to vector<16xf32>
    %select_n3A_2532 = arith.select %and3A_2349, %mul3A_2529, %broadcast_in_dim3A_2531 : vector<16xi1>, vector<16xf32>
    %add3A_2533 = arith.addf %add3A_2479, %select_n3A_2532 : vector<16xf32>
    %add3A_2534 = arith.constant 32 : i32
    %add3A_2535 = vector.broadcast %add3A_2534 : i32 to vector<16xi32>
    %add3A_2536 = arith.addi %iota3A, %add3A_2535 : vector<16xi32>
    %broadcast_in_dim3A_2537 = arith.constant 0 : i32
    %broadcast_in_dim3A_2538 = vector.broadcast %broadcast_in_dim3A_2537 : i32 to vector<16xi32>
    %gather3A_2539 = tpu.vector_load_idx %arg8[%broadcast_in_dim3A_2538, %add3A_2536, %select_n3A_409] : memref<10x80x16xf32, #tpu.memory_space<vmem>>[vector<16xi32>, vector<16xi32>, vector<16xi32>], vector<16xf32>,
    %broadcast_in_dim3A_2540 = arith.constant 1 : i32
    %broadcast_in_dim3A_2541 = vector.broadcast %broadcast_in_dim3A_2540 : i32 to vector<16xi32>
    %gather3A_2542 = tpu.vector_load_idx %arg8[%broadcast_in_dim3A_2541, %add3A_2536, %select_n3A_409] : memref<10x80x16xf32, #tpu.memory_space<vmem>>[vector<16xi32>, vector<16xi32>, vector<16xi32>], vector<16xf32>,
    %sub3A_2543 = arith.subf %gather3A_2539, %convert_element_type3A_384 : vector<16xf32>
    %sub3A_2544 = arith.subf %gather3A_2542, %convert_element_type3A_386 : vector<16xf32>
    %mul3A_2545 = arith.mulf %sub3A_2543, %sub3A_2543 : vector<16xf32>
    %mul3A_2546 = arith.mulf %sub3A_2544, %sub3A_2544 : vector<16xf32>
    %add3A_2547 = arith.addf %mul3A_2545, %mul3A_2546 : vector<16xf32>
    %bitcast3A_2548 = vector.bitcast %add3A_2547 : vector<16xf32> to vector<16xi32>
    %broadcast_in_dim3A_2549 = arith.constant 1597463007 : i32
    %broadcast_in_dim3A_2550 = vector.broadcast %broadcast_in_dim3A_2549 : i32 to vector<16xi32>
    %shift_right_arithmetic3A_2551 = arith.constant 1 : i32
    %shift_right_arithmetic3A_2552 = vector.broadcast %shift_right_arithmetic3A_2551 : i32 to vector<16xi32>
    %shift_right_arithmetic3A_2553 = arith.shrsi %bitcast3A_2548, %shift_right_arithmetic3A_2552 : vector<16xi32>
    %sub3A_2554 = arith.subi %broadcast_in_dim3A_2550, %shift_right_arithmetic3A_2553 : vector<16xi32>
    %bitcast3A_2555 = vector.bitcast %sub3A_2554 : vector<16xi32> to vector<16xf32>
    %mul3A_2556 = arith.constant 5.000000e-01 : f32
    %mul3A_2557 = vector.broadcast %mul3A_2556 : f32 to vector<16xf32>
    %mul3A_2558 = arith.mulf %mul3A_2557, %add3A_2547 : vector<16xf32>
    %mul3A_2559 = arith.mulf %mul3A_2558, %bitcast3A_2555 : vector<16xf32>
    %mul3A_2560 = arith.mulf %mul3A_2559, %bitcast3A_2555 : vector<16xf32>
    %sub3A_2561 = arith.constant 1.500000e+00 : f32
    %sub3A_2562 = vector.broadcast %sub3A_2561 : f32 to vector<16xf32>
    %sub3A_2563 = arith.subf %sub3A_2562, %mul3A_2560 : vector<16xf32>
    %mul3A_2564 = arith.mulf %bitcast3A_2555, %sub3A_2563 : vector<16xf32>
    %mul3A_2565 = arith.constant 5.000000e-01 : f32
    %mul3A_2566 = vector.broadcast %mul3A_2565 : f32 to vector<16xf32>
    %mul3A_2567 = arith.mulf %mul3A_2566, %add3A_2547 : vector<16xf32>
    %mul3A_2568 = arith.mulf %mul3A_2567, %mul3A_2564 : vector<16xf32>
    %mul3A_2569 = arith.mulf %mul3A_2568, %mul3A_2564 : vector<16xf32>
    %sub3A_2570 = arith.constant 1.500000e+00 : f32
    %sub3A_2571 = vector.broadcast %sub3A_2570 : f32 to vector<16xf32>
    %sub3A_2572 = arith.subf %sub3A_2571, %mul3A_2569 : vector<16xf32>
    %mul3A_2573 = arith.mulf %mul3A_2564, %sub3A_2572 : vector<16xf32>
    %mul3A_2574 = arith.constant 5.000000e-01 : f32
    %mul3A_2575 = vector.broadcast %mul3A_2574 : f32 to vector<16xf32>
    %mul3A_2576 = arith.mulf %mul3A_2575, %add3A_2547 : vector<16xf32>
    %mul3A_2577 = arith.mulf %mul3A_2576, %mul3A_2573 : vector<16xf32>
    %mul3A_2578 = arith.mulf %mul3A_2577, %mul3A_2573 : vector<16xf32>
    %sub3A_2579 = arith.constant 1.500000e+00 : f32
    %sub3A_2580 = vector.broadcast %sub3A_2579 : f32 to vector<16xf32>
    %sub3A_2581 = arith.subf %sub3A_2580, %mul3A_2578 : vector<16xf32>
    %mul3A_2582 = arith.mulf %mul3A_2573, %sub3A_2581 : vector<16xf32>
    %mul3A_2583 = arith.mulf %add3A_2547, %mul3A_2582 : vector<16xf32>
    %jit3A_2584 = arith.constant 0.000000e+00 : f32
    %broadcast_in_dim3A_2585 = vector.broadcast %jit3A_2584 : f32 to vector<16xf32>
    %select_n3A_2586 = arith.select %and3A_2353, %mul3A_2583, %broadcast_in_dim3A_2585 : vector<16xi1>, vector<16xf32>
    %add3A_2587 = arith.addf %add3A_2533, %select_n3A_2586 : vector<16xf32>
    %add3A_2588 = arith.constant 48 : i32
    %add3A_2589 = vector.broadcast %add3A_2588 : i32 to vector<16xi32>
    %add3A_2590 = arith.addi %iota3A, %add3A_2589 : vector<16xi32>
    %broadcast_in_dim3A_2591 = arith.constant 0 : i32
    %broadcast_in_dim3A_2592 = vector.broadcast %broadcast_in_dim3A_2591 : i32 to vector<16xi32>
    %gather3A_2593 = tpu.vector_load_idx %arg8[%broadcast_in_dim3A_2592, %add3A_2590, %select_n3A_552] : memref<10x80x16xf32, #tpu.memory_space<vmem>>[vector<16xi32>, vector<16xi32>, vector<16xi32>], vector<16xf32>,
    %broadcast_in_dim3A_2594 = arith.constant 1 : i32
    %broadcast_in_dim3A_2595 = vector.broadcast %broadcast_in_dim3A_2594 : i32 to vector<16xi32>
    %gather3A_2596 = tpu.vector_load_idx %arg8[%broadcast_in_dim3A_2595, %add3A_2590, %select_n3A_552] : memref<10x80x16xf32, #tpu.memory_space<vmem>>[vector<16xi32>, vector<16xi32>, vector<16xi32>], vector<16xf32>,
    %sub3A_2597 = arith.subf %gather3A_2593, %convert_element_type3A_527 : vector<16xf32>
    %sub3A_2598 = arith.subf %gather3A_2596, %convert_element_type3A_529 : vector<16xf32>
    %mul3A_2599 = arith.mulf %sub3A_2597, %sub3A_2597 : vector<16xf32>
    %mul3A_2600 = arith.mulf %sub3A_2598, %sub3A_2598 : vector<16xf32>
    %add3A_2601 = arith.addf %mul3A_2599, %mul3A_2600 : vector<16xf32>
    %bitcast3A_2602 = vector.bitcast %add3A_2601 : vector<16xf32> to vector<16xi32>
    %broadcast_in_dim3A_2603 = arith.constant 1597463007 : i32
    %broadcast_in_dim3A_2604 = vector.broadcast %broadcast_in_dim3A_2603 : i32 to vector<16xi32>
    %shift_right_arithmetic3A_2605 = arith.constant 1 : i32
    %shift_right_arithmetic3A_2606 = vector.broadcast %shift_right_arithmetic3A_2605 : i32 to vector<16xi32>
    %shift_right_arithmetic3A_2607 = arith.shrsi %bitcast3A_2602, %shift_right_arithmetic3A_2606 : vector<16xi32>
    %sub3A_2608 = arith.subi %broadcast_in_dim3A_2604, %shift_right_arithmetic3A_2607 : vector<16xi32>
    %bitcast3A_2609 = vector.bitcast %sub3A_2608 : vector<16xi32> to vector<16xf32>
    %mul3A_2610 = arith.constant 5.000000e-01 : f32
    %mul3A_2611 = vector.broadcast %mul3A_2610 : f32 to vector<16xf32>
    %mul3A_2612 = arith.mulf %mul3A_2611, %add3A_2601 : vector<16xf32>
    %mul3A_2613 = arith.mulf %mul3A_2612, %bitcast3A_2609 : vector<16xf32>
    %mul3A_2614 = arith.mulf %mul3A_2613, %bitcast3A_2609 : vector<16xf32>
    %sub3A_2615 = arith.constant 1.500000e+00 : f32
    %sub3A_2616 = vector.broadcast %sub3A_2615 : f32 to vector<16xf32>
    %sub3A_2617 = arith.subf %sub3A_2616, %mul3A_2614 : vector<16xf32>
    %mul3A_2618 = arith.mulf %bitcast3A_2609, %sub3A_2617 : vector<16xf32>
    %mul3A_2619 = arith.constant 5.000000e-01 : f32
    %mul3A_2620 = vector.broadcast %mul3A_2619 : f32 to vector<16xf32>
    %mul3A_2621 = arith.mulf %mul3A_2620, %add3A_2601 : vector<16xf32>
    %mul3A_2622 = arith.mulf %mul3A_2621, %mul3A_2618 : vector<16xf32>
    %mul3A_2623 = arith.mulf %mul3A_2622, %mul3A_2618 : vector<16xf32>
    %sub3A_2624 = arith.constant 1.500000e+00 : f32
    %sub3A_2625 = vector.broadcast %sub3A_2624 : f32 to vector<16xf32>
    %sub3A_2626 = arith.subf %sub3A_2625, %mul3A_2623 : vector<16xf32>
    %mul3A_2627 = arith.mulf %mul3A_2618, %sub3A_2626 : vector<16xf32>
    %mul3A_2628 = arith.constant 5.000000e-01 : f32
    %mul3A_2629 = vector.broadcast %mul3A_2628 : f32 to vector<16xf32>
    %mul3A_2630 = arith.mulf %mul3A_2629, %add3A_2601 : vector<16xf32>
    %mul3A_2631 = arith.mulf %mul3A_2630, %mul3A_2627 : vector<16xf32>
    %mul3A_2632 = arith.mulf %mul3A_2631, %mul3A_2627 : vector<16xf32>
    %sub3A_2633 = arith.constant 1.500000e+00 : f32
    %sub3A_2634 = vector.broadcast %sub3A_2633 : f32 to vector<16xf32>
    %sub3A_2635 = arith.subf %sub3A_2634, %mul3A_2632 : vector<16xf32>
    %mul3A_2636 = arith.mulf %mul3A_2627, %sub3A_2635 : vector<16xf32>
    %mul3A_2637 = arith.mulf %add3A_2601, %mul3A_2636 : vector<16xf32>
    %jit3A_2638 = arith.constant 0.000000e+00 : f32
    %broadcast_in_dim3A_2639 = vector.broadcast %jit3A_2638 : f32 to vector<16xf32>
    %select_n3A_2640 = arith.select %and3A_2357, %mul3A_2637, %broadcast_in_dim3A_2639 : vector<16xi1>, vector<16xf32>
    %add3A_2641 = arith.addf %add3A_2587, %select_n3A_2640 : vector<16xf32>
    %add3A_2642 = arith.constant 64 : i32
    %add3A_2643 = vector.broadcast %add3A_2642 : i32 to vector<16xi32>
    %add3A_2644 = arith.addi %iota3A, %add3A_2643 : vector<16xi32>
    %broadcast_in_dim3A_2645 = arith.constant 0 : i32
    %broadcast_in_dim3A_2646 = vector.broadcast %broadcast_in_dim3A_2645 : i32 to vector<16xi32>
    %gather3A_2647 = tpu.vector_load_idx %arg8[%broadcast_in_dim3A_2646, %add3A_2644, %select_n3A_695] : memref<10x80x16xf32, #tpu.memory_space<vmem>>[vector<16xi32>, vector<16xi32>, vector<16xi32>], vector<16xf32>,
    %broadcast_in_dim3A_2648 = arith.constant 1 : i32
    %broadcast_in_dim3A_2649 = vector.broadcast %broadcast_in_dim3A_2648 : i32 to vector<16xi32>
    %gather3A_2650 = tpu.vector_load_idx %arg8[%broadcast_in_dim3A_2649, %add3A_2644, %select_n3A_695] : memref<10x80x16xf32, #tpu.memory_space<vmem>>[vector<16xi32>, vector<16xi32>, vector<16xi32>], vector<16xf32>,
    %sub3A_2651 = arith.subf %gather3A_2647, %convert_element_type3A_670 : vector<16xf32>
    %sub3A_2652 = arith.subf %gather3A_2650, %convert_element_type3A_672 : vector<16xf32>
    %mul3A_2653 = arith.mulf %sub3A_2651, %sub3A_2651 : vector<16xf32>
    %mul3A_2654 = arith.mulf %sub3A_2652, %sub3A_2652 : vector<16xf32>
    %add3A_2655 = arith.addf %mul3A_2653, %mul3A_2654 : vector<16xf32>
    %bitcast3A_2656 = vector.bitcast %add3A_2655 : vector<16xf32> to vector<16xi32>
    %broadcast_in_dim3A_2657 = arith.constant 1597463007 : i32
    %broadcast_in_dim3A_2658 = vector.broadcast %broadcast_in_dim3A_2657 : i32 to vector<16xi32>
    %shift_right_arithmetic3A_2659 = arith.constant 1 : i32
    %shift_right_arithmetic3A_2660 = vector.broadcast %shift_right_arithmetic3A_2659 : i32 to vector<16xi32>
    %shift_right_arithmetic3A_2661 = arith.shrsi %bitcast3A_2656, %shift_right_arithmetic3A_2660 : vector<16xi32>
    %sub3A_2662 = arith.subi %broadcast_in_dim3A_2658, %shift_right_arithmetic3A_2661 : vector<16xi32>
    %bitcast3A_2663 = vector.bitcast %sub3A_2662 : vector<16xi32> to vector<16xf32>
    %mul3A_2664 = arith.constant 5.000000e-01 : f32
    %mul3A_2665 = vector.broadcast %mul3A_2664 : f32 to vector<16xf32>
    %mul3A_2666 = arith.mulf %mul3A_2665, %add3A_2655 : vector<16xf32>
    %mul3A_2667 = arith.mulf %mul3A_2666, %bitcast3A_2663 : vector<16xf32>
    %mul3A_2668 = arith.mulf %mul3A_2667, %bitcast3A_2663 : vector<16xf32>
    %sub3A_2669 = arith.constant 1.500000e+00 : f32
    %sub3A_2670 = vector.broadcast %sub3A_2669 : f32 to vector<16xf32>
    %sub3A_2671 = arith.subf %sub3A_2670, %mul3A_2668 : vector<16xf32>
    %mul3A_2672 = arith.mulf %bitcast3A_2663, %sub3A_2671 : vector<16xf32>
    %mul3A_2673 = arith.constant 5.000000e-01 : f32
    %mul3A_2674 = vector.broadcast %mul3A_2673 : f32 to vector<16xf32>
    %mul3A_2675 = arith.mulf %mul3A_2674, %add3A_2655 : vector<16xf32>
    %mul3A_2676 = arith.mulf %mul3A_2675, %mul3A_2672 : vector<16xf32>
    %mul3A_2677 = arith.mulf %mul3A_2676, %mul3A_2672 : vector<16xf32>
    %sub3A_2678 = arith.constant 1.500000e+00 : f32
    %sub3A_2679 = vector.broadcast %sub3A_2678 : f32 to vector<16xf32>
    %sub3A_2680 = arith.subf %sub3A_2679, %mul3A_2677 : vector<16xf32>
    %mul3A_2681 = arith.mulf %mul3A_2672, %sub3A_2680 : vector<16xf32>
    %mul3A_2682 = arith.constant 5.000000e-01 : f32
    %mul3A_2683 = vector.broadcast %mul3A_2682 : f32 to vector<16xf32>
    %mul3A_2684 = arith.mulf %mul3A_2683, %add3A_2655 : vector<16xf32>
    %mul3A_2685 = arith.mulf %mul3A_2684, %mul3A_2681 : vector<16xf32>
    %mul3A_2686 = arith.mulf %mul3A_2685, %mul3A_2681 : vector<16xf32>
    %sub3A_2687 = arith.constant 1.500000e+00 : f32
    %sub3A_2688 = vector.broadcast %sub3A_2687 : f32 to vector<16xf32>
    %sub3A_2689 = arith.subf %sub3A_2688, %mul3A_2686 : vector<16xf32>
    %mul3A_2690 = arith.mulf %mul3A_2681, %sub3A_2689 : vector<16xf32>
    %mul3A_2691 = arith.mulf %add3A_2655, %mul3A_2690 : vector<16xf32>
    %jit3A_2692 = arith.constant 0.000000e+00 : f32
    %broadcast_in_dim3A_2693 = vector.broadcast %jit3A_2692 : f32 to vector<16xf32>
    %select_n3A_2694 = arith.select %and3A_2361, %mul3A_2691, %broadcast_in_dim3A_2693 : vector<16xi1>, vector<16xf32>
    %add3A_2695 = arith.addf %add3A_2641, %select_n3A_2694 : vector<16xf32>
    %mul3A_2696 = arith.constant 4.096000e-01 : f32
    %mul3A_2697 = vector.broadcast %mul3A_2696 : f32 to vector<16xf32>
    %mul3A_2698 = arith.mulf %mul3A_2697, %add3A_2695 : vector<16xf32>
    %add3A_2699 = arith.addf %broadcast_in_dim3A_2395, %mul3A_2698 : vector<16xf32>
    %dma_wait3A_2700 = arith.constant 2 : i32
    %dma_wait3A_2701 = arith.constant 2 : i32
    %dma_wait3A_2702 = arith.constant 2 : i32
    %dma_wait3A_2703 = arith.constant 0 : i32
    %dma_wait3A_2704 = arith.constant 0 : i32
    %dma_wait3A_2705 = tpu.memref_slice %arg8[%dma_wait3A_2701, %dma_wait3A_2703, %dma_wait3A_2704] : memref<10x80x16xf32, #tpu.memory_space<vmem>> -> memref<1x72x16xf32, #tpu.memory_space<vmem>>
    %dma_wait3A_2706 = tpu.memref_squeeze %dma_wait3A_2705 : memref<1x72x16xf32, #tpu.memory_space<vmem>> -> memref<72x16xf32, #tpu.memory_space<vmem>>
    %dma_wait3A_2707 = arith.constant 0 : i32
    %dma_wait3A_2708 = tpu.memref_slice %arg7[%dma_wait3A_2700, %dma_wait3A_2707] : memref<10x80xi32, #tpu.memory_space<vmem>> -> memref<1x72xi32, #tpu.memory_space<vmem>>
    %dma_wait3A_2709 = tpu.memref_squeeze %dma_wait3A_2708 : memref<1x72xi32, #tpu.memory_space<vmem>> -> memref<72xi32, #tpu.memory_space<vmem>>
    %dma_wait3A_2710 = arith.constant 0 : i32
    %dma_wait3A_2711 = arith.constant 0 : i32
    %dma_wait3A_2712 = tpu.memref_slice %arg2[%dma_wait3A_2710, %dma_wait3A_2711] : memref<368640x16xf32, #tpu.memory_space<hbm>> -> memref<368640x16xf32, #tpu.memory_space<hbm>>
    %dma_wait3A_2713 = tpu.memref_slice %arg10[%dma_wait3A_2702] : memref<10x!tpu.dma_semaphore, #tpu.memory_space<semaphore_mem>> -> memref<1x!tpu.dma_semaphore, #tpu.memory_space<semaphore_mem>>
    %dma_wait3A_2714 = tpu.memref_squeeze %dma_wait3A_2713 : memref<1x!tpu.dma_semaphore, #tpu.memory_space<semaphore_mem>> -> memref<!tpu.dma_semaphore, #tpu.memory_space<semaphore_mem>>
    tpu.wait_indirect_dma semaphore(%dma_wait3A_2714 : memref<!tpu.dma_semaphore, #tpu.memory_space<semaphore_mem>>) src(%dma_wait3A_2712 : memref<368640x16xf32, #tpu.memory_space<hbm>>) dst(%dma_wait3A_2706 : memref<72x16xf32, #tpu.memory_space<vmem>>)
    %dma_wait3A_2715 = arith.constant 3 : i32
    %dma_wait3A_2716 = arith.constant 3 : i32
    %dma_wait3A_2717 = arith.constant 3 : i32
    %dma_wait3A_2718 = arith.constant 0 : i32
    %dma_wait3A_2719 = arith.constant 0 : i32
    %dma_wait3A_2720 = tpu.memref_slice %arg8[%dma_wait3A_2716, %dma_wait3A_2718, %dma_wait3A_2719] : memref<10x80x16xf32, #tpu.memory_space<vmem>> -> memref<1x72x16xf32, #tpu.memory_space<vmem>>
    %dma_wait3A_2721 = tpu.memref_squeeze %dma_wait3A_2720 : memref<1x72x16xf32, #tpu.memory_space<vmem>> -> memref<72x16xf32, #tpu.memory_space<vmem>>
    %dma_wait3A_2722 = arith.constant 0 : i32
    %dma_wait3A_2723 = tpu.memref_slice %arg7[%dma_wait3A_2715, %dma_wait3A_2722] : memref<10x80xi32, #tpu.memory_space<vmem>> -> memref<1x72xi32, #tpu.memory_space<vmem>>
    %dma_wait3A_2724 = tpu.memref_squeeze %dma_wait3A_2723 : memref<1x72xi32, #tpu.memory_space<vmem>> -> memref<72xi32, #tpu.memory_space<vmem>>
    %dma_wait3A_2725 = arith.constant 0 : i32
    %dma_wait3A_2726 = arith.constant 0 : i32
    %dma_wait3A_2727 = tpu.memref_slice %arg2[%dma_wait3A_2725, %dma_wait3A_2726] : memref<368640x16xf32, #tpu.memory_space<hbm>> -> memref<368640x16xf32, #tpu.memory_space<hbm>>
    %dma_wait3A_2728 = tpu.memref_slice %arg10[%dma_wait3A_2717] : memref<10x!tpu.dma_semaphore, #tpu.memory_space<semaphore_mem>> -> memref<1x!tpu.dma_semaphore, #tpu.memory_space<semaphore_mem>>
    %dma_wait3A_2729 = tpu.memref_squeeze %dma_wait3A_2728 : memref<1x!tpu.dma_semaphore, #tpu.memory_space<semaphore_mem>> -> memref<!tpu.dma_semaphore, #tpu.memory_space<semaphore_mem>>
    tpu.wait_indirect_dma semaphore(%dma_wait3A_2729 : memref<!tpu.dma_semaphore, #tpu.memory_space<semaphore_mem>>) src(%dma_wait3A_2727 : memref<368640x16xf32, #tpu.memory_space<hbm>>) dst(%dma_wait3A_2721 : memref<72x16xf32, #tpu.memory_space<vmem>>)
    %broadcast_in_dim3A_2730 = arith.constant 0.000000e+00 : f32
    %broadcast_in_dim3A_2731 = vector.broadcast %broadcast_in_dim3A_2730 : f32 to vector<16xf32>
    %add3A_2732 = arith.constant 0 : i32
    %add3A_2733 = vector.broadcast %add3A_2732 : i32 to vector<16xi32>
    %add3A_2734 = arith.addi %iota3A, %add3A_2733 : vector<16xi32>
    %broadcast_in_dim3A_2735 = arith.constant 2 : i32
    %broadcast_in_dim3A_2736 = vector.broadcast %broadcast_in_dim3A_2735 : i32 to vector<16xi32>
    %gather3A_2737 = tpu.vector_load_idx %arg8[%broadcast_in_dim3A_2736, %add3A_2734, %select_n3A_123] : memref<10x80x16xf32, #tpu.memory_space<vmem>>[vector<16xi32>, vector<16xi32>, vector<16xi32>], vector<16xf32>,
    %broadcast_in_dim3A_2738 = arith.constant 3 : i32
    %broadcast_in_dim3A_2739 = vector.broadcast %broadcast_in_dim3A_2738 : i32 to vector<16xi32>
    %gather3A_2740 = tpu.vector_load_idx %arg8[%broadcast_in_dim3A_2739, %add3A_2734, %select_n3A_123] : memref<10x80x16xf32, #tpu.memory_space<vmem>>[vector<16xi32>, vector<16xi32>, vector<16xi32>], vector<16xf32>,
    %sub3A_2741 = arith.subf %gather3A_2737, %convert_element_type3A : vector<16xf32>
    %sub3A_2742 = arith.subf %gather3A_2740, %convert_element_type3A_101 : vector<16xf32>
    %mul3A_2743 = arith.mulf %sub3A_2741, %sub3A_2741 : vector<16xf32>
    %mul3A_2744 = arith.mulf %sub3A_2742, %sub3A_2742 : vector<16xf32>
    %add3A_2745 = arith.addf %mul3A_2743, %mul3A_2744 : vector<16xf32>
    %bitcast3A_2746 = vector.bitcast %add3A_2745 : vector<16xf32> to vector<16xi32>
    %broadcast_in_dim3A_2747 = arith.constant 1597463007 : i32
    %broadcast_in_dim3A_2748 = vector.broadcast %broadcast_in_dim3A_2747 : i32 to vector<16xi32>
    %shift_right_arithmetic3A_2749 = arith.constant 1 : i32
    %shift_right_arithmetic3A_2750 = vector.broadcast %shift_right_arithmetic3A_2749 : i32 to vector<16xi32>
    %shift_right_arithmetic3A_2751 = arith.shrsi %bitcast3A_2746, %shift_right_arithmetic3A_2750 : vector<16xi32>
    %sub3A_2752 = arith.subi %broadcast_in_dim3A_2748, %shift_right_arithmetic3A_2751 : vector<16xi32>
    %bitcast3A_2753 = vector.bitcast %sub3A_2752 : vector<16xi32> to vector<16xf32>
    %mul3A_2754 = arith.constant 5.000000e-01 : f32
    %mul3A_2755 = vector.broadcast %mul3A_2754 : f32 to vector<16xf32>
    %mul3A_2756 = arith.mulf %mul3A_2755, %add3A_2745 : vector<16xf32>
    %mul3A_2757 = arith.mulf %mul3A_2756, %bitcast3A_2753 : vector<16xf32>
    %mul3A_2758 = arith.mulf %mul3A_2757, %bitcast3A_2753 : vector<16xf32>
    %sub3A_2759 = arith.constant 1.500000e+00 : f32
    %sub3A_2760 = vector.broadcast %sub3A_2759 : f32 to vector<16xf32>
    %sub3A_2761 = arith.subf %sub3A_2760, %mul3A_2758 : vector<16xf32>
    %mul3A_2762 = arith.mulf %bitcast3A_2753, %sub3A_2761 : vector<16xf32>
    %mul3A_2763 = arith.constant 5.000000e-01 : f32
    %mul3A_2764 = vector.broadcast %mul3A_2763 : f32 to vector<16xf32>
    %mul3A_2765 = arith.mulf %mul3A_2764, %add3A_2745 : vector<16xf32>
    %mul3A_2766 = arith.mulf %mul3A_2765, %mul3A_2762 : vector<16xf32>
    %mul3A_2767 = arith.mulf %mul3A_2766, %mul3A_2762 : vector<16xf32>
    %sub3A_2768 = arith.constant 1.500000e+00 : f32
    %sub3A_2769 = vector.broadcast %sub3A_2768 : f32 to vector<16xf32>
    %sub3A_2770 = arith.subf %sub3A_2769, %mul3A_2767 : vector<16xf32>
    %mul3A_2771 = arith.mulf %mul3A_2762, %sub3A_2770 : vector<16xf32>
    %mul3A_2772 = arith.constant 5.000000e-01 : f32
    %mul3A_2773 = vector.broadcast %mul3A_2772 : f32 to vector<16xf32>
    %mul3A_2774 = arith.mulf %mul3A_2773, %add3A_2745 : vector<16xf32>
    %mul3A_2775 = arith.mulf %mul3A_2774, %mul3A_2771 : vector<16xf32>
    %mul3A_2776 = arith.mulf %mul3A_2775, %mul3A_2771 : vector<16xf32>
    %sub3A_2777 = arith.constant 1.500000e+00 : f32
    %sub3A_2778 = vector.broadcast %sub3A_2777 : f32 to vector<16xf32>
    %sub3A_2779 = arith.subf %sub3A_2778, %mul3A_2776 : vector<16xf32>
    %mul3A_2780 = arith.mulf %mul3A_2771, %sub3A_2779 : vector<16xf32>
    %mul3A_2781 = arith.mulf %add3A_2745, %mul3A_2780 : vector<16xf32>
    %jit3A_2782 = arith.constant 0.000000e+00 : f32
    %broadcast_in_dim3A_2783 = vector.broadcast %jit3A_2782 : f32 to vector<16xf32>
    %select_n3A_2784 = arith.select %and3A_2345, %mul3A_2781, %broadcast_in_dim3A_2783 : vector<16xi1>, vector<16xf32>
    %add3A_2785 = arith.addf %broadcast_in_dim3A_2731, %select_n3A_2784 : vector<16xf32>
    %add3A_2786 = arith.constant 16 : i32
    %add3A_2787 = vector.broadcast %add3A_2786 : i32 to vector<16xi32>
    %add3A_2788 = arith.addi %iota3A, %add3A_2787 : vector<16xi32>
    %broadcast_in_dim3A_2789 = arith.constant 2 : i32
    %broadcast_in_dim3A_2790 = vector.broadcast %broadcast_in_dim3A_2789 : i32 to vector<16xi32>
    %gather3A_2791 = tpu.vector_load_idx %arg8[%broadcast_in_dim3A_2790, %add3A_2788, %select_n3A_266] : memref<10x80x16xf32, #tpu.memory_space<vmem>>[vector<16xi32>, vector<16xi32>, vector<16xi32>], vector<16xf32>,
    %broadcast_in_dim3A_2792 = arith.constant 3 : i32
    %broadcast_in_dim3A_2793 = vector.broadcast %broadcast_in_dim3A_2792 : i32 to vector<16xi32>
    %gather3A_2794 = tpu.vector_load_idx %arg8[%broadcast_in_dim3A_2793, %add3A_2788, %select_n3A_266] : memref<10x80x16xf32, #tpu.memory_space<vmem>>[vector<16xi32>, vector<16xi32>, vector<16xi32>], vector<16xf32>,
    %sub3A_2795 = arith.subf %gather3A_2791, %convert_element_type3A_241 : vector<16xf32>
    %sub3A_2796 = arith.subf %gather3A_2794, %convert_element_type3A_243 : vector<16xf32>
    %mul3A_2797 = arith.mulf %sub3A_2795, %sub3A_2795 : vector<16xf32>
    %mul3A_2798 = arith.mulf %sub3A_2796, %sub3A_2796 : vector<16xf32>
    %add3A_2799 = arith.addf %mul3A_2797, %mul3A_2798 : vector<16xf32>
    %bitcast3A_2800 = vector.bitcast %add3A_2799 : vector<16xf32> to vector<16xi32>
    %broadcast_in_dim3A_2801 = arith.constant 1597463007 : i32
    %broadcast_in_dim3A_2802 = vector.broadcast %broadcast_in_dim3A_2801 : i32 to vector<16xi32>
    %shift_right_arithmetic3A_2803 = arith.constant 1 : i32
    %shift_right_arithmetic3A_2804 = vector.broadcast %shift_right_arithmetic3A_2803 : i32 to vector<16xi32>
    %shift_right_arithmetic3A_2805 = arith.shrsi %bitcast3A_2800, %shift_right_arithmetic3A_2804 : vector<16xi32>
    %sub3A_2806 = arith.subi %broadcast_in_dim3A_2802, %shift_right_arithmetic3A_2805 : vector<16xi32>
    %bitcast3A_2807 = vector.bitcast %sub3A_2806 : vector<16xi32> to vector<16xf32>
    %mul3A_2808 = arith.constant 5.000000e-01 : f32
    %mul3A_2809 = vector.broadcast %mul3A_2808 : f32 to vector<16xf32>
    %mul3A_2810 = arith.mulf %mul3A_2809, %add3A_2799 : vector<16xf32>
    %mul3A_2811 = arith.mulf %mul3A_2810, %bitcast3A_2807 : vector<16xf32>
    %mul3A_2812 = arith.mulf %mul3A_2811, %bitcast3A_2807 : vector<16xf32>
    %sub3A_2813 = arith.constant 1.500000e+00 : f32
    %sub3A_2814 = vector.broadcast %sub3A_2813 : f32 to vector<16xf32>
    %sub3A_2815 = arith.subf %sub3A_2814, %mul3A_2812 : vector<16xf32>
    %mul3A_2816 = arith.mulf %bitcast3A_2807, %sub3A_2815 : vector<16xf32>
    %mul3A_2817 = arith.constant 5.000000e-01 : f32
    %mul3A_2818 = vector.broadcast %mul3A_2817 : f32 to vector<16xf32>
    %mul3A_2819 = arith.mulf %mul3A_2818, %add3A_2799 : vector<16xf32>
    %mul3A_2820 = arith.mulf %mul3A_2819, %mul3A_2816 : vector<16xf32>
    %mul3A_2821 = arith.mulf %mul3A_2820, %mul3A_2816 : vector<16xf32>
    %sub3A_2822 = arith.constant 1.500000e+00 : f32
    %sub3A_2823 = vector.broadcast %sub3A_2822 : f32 to vector<16xf32>
    %sub3A_2824 = arith.subf %sub3A_2823, %mul3A_2821 : vector<16xf32>
    %mul3A_2825 = arith.mulf %mul3A_2816, %sub3A_2824 : vector<16xf32>
    %mul3A_2826 = arith.constant 5.000000e-01 : f32
    %mul3A_2827 = vector.broadcast %mul3A_2826 : f32 to vector<16xf32>
    %mul3A_2828 = arith.mulf %mul3A_2827, %add3A_2799 : vector<16xf32>
    %mul3A_2829 = arith.mulf %mul3A_2828, %mul3A_2825 : vector<16xf32>
    %mul3A_2830 = arith.mulf %mul3A_2829, %mul3A_2825 : vector<16xf32>
    %sub3A_2831 = arith.constant 1.500000e+00 : f32
    %sub3A_2832 = vector.broadcast %sub3A_2831 : f32 to vector<16xf32>
    %sub3A_2833 = arith.subf %sub3A_2832, %mul3A_2830 : vector<16xf32>
    %mul3A_2834 = arith.mulf %mul3A_2825, %sub3A_2833 : vector<16xf32>
    %mul3A_2835 = arith.mulf %add3A_2799, %mul3A_2834 : vector<16xf32>
    %jit3A_2836 = arith.constant 0.000000e+00 : f32
    %broadcast_in_dim3A_2837 = vector.broadcast %jit3A_2836 : f32 to vector<16xf32>
    %select_n3A_2838 = arith.select %and3A_2349, %mul3A_2835, %broadcast_in_dim3A_2837 : vector<16xi1>, vector<16xf32>
    %add3A_2839 = arith.addf %add3A_2785, %select_n3A_2838 : vector<16xf32>
    %add3A_2840 = arith.constant 32 : i32
    %add3A_2841 = vector.broadcast %add3A_2840 : i32 to vector<16xi32>
    %add3A_2842 = arith.addi %iota3A, %add3A_2841 : vector<16xi32>
    %broadcast_in_dim3A_2843 = arith.constant 2 : i32
    %broadcast_in_dim3A_2844 = vector.broadcast %broadcast_in_dim3A_2843 : i32 to vector<16xi32>
    %gather3A_2845 = tpu.vector_load_idx %arg8[%broadcast_in_dim3A_2844, %add3A_2842, %select_n3A_409] : memref<10x80x16xf32, #tpu.memory_space<vmem>>[vector<16xi32>, vector<16xi32>, vector<16xi32>], vector<16xf32>,
    %broadcast_in_dim3A_2846 = arith.constant 3 : i32
    %broadcast_in_dim3A_2847 = vector.broadcast %broadcast_in_dim3A_2846 : i32 to vector<16xi32>
    %gather3A_2848 = tpu.vector_load_idx %arg8[%broadcast_in_dim3A_2847, %add3A_2842, %select_n3A_409] : memref<10x80x16xf32, #tpu.memory_space<vmem>>[vector<16xi32>, vector<16xi32>, vector<16xi32>], vector<16xf32>,
    %sub3A_2849 = arith.subf %gather3A_2845, %convert_element_type3A_384 : vector<16xf32>
    %sub3A_2850 = arith.subf %gather3A_2848, %convert_element_type3A_386 : vector<16xf32>
    %mul3A_2851 = arith.mulf %sub3A_2849, %sub3A_2849 : vector<16xf32>
    %mul3A_2852 = arith.mulf %sub3A_2850, %sub3A_2850 : vector<16xf32>
    %add3A_2853 = arith.addf %mul3A_2851, %mul3A_2852 : vector<16xf32>
    %bitcast3A_2854 = vector.bitcast %add3A_2853 : vector<16xf32> to vector<16xi32>
    %broadcast_in_dim3A_2855 = arith.constant 1597463007 : i32
    %broadcast_in_dim3A_2856 = vector.broadcast %broadcast_in_dim3A_2855 : i32 to vector<16xi32>
    %shift_right_arithmetic3A_2857 = arith.constant 1 : i32
    %shift_right_arithmetic3A_2858 = vector.broadcast %shift_right_arithmetic3A_2857 : i32 to vector<16xi32>
    %shift_right_arithmetic3A_2859 = arith.shrsi %bitcast3A_2854, %shift_right_arithmetic3A_2858 : vector<16xi32>
    %sub3A_2860 = arith.subi %broadcast_in_dim3A_2856, %shift_right_arithmetic3A_2859 : vector<16xi32>
    %bitcast3A_2861 = vector.bitcast %sub3A_2860 : vector<16xi32> to vector<16xf32>
    %mul3A_2862 = arith.constant 5.000000e-01 : f32
    %mul3A_2863 = vector.broadcast %mul3A_2862 : f32 to vector<16xf32>
    %mul3A_2864 = arith.mulf %mul3A_2863, %add3A_2853 : vector<16xf32>
    %mul3A_2865 = arith.mulf %mul3A_2864, %bitcast3A_2861 : vector<16xf32>
    %mul3A_2866 = arith.mulf %mul3A_2865, %bitcast3A_2861 : vector<16xf32>
    %sub3A_2867 = arith.constant 1.500000e+00 : f32
    %sub3A_2868 = vector.broadcast %sub3A_2867 : f32 to vector<16xf32>
    %sub3A_2869 = arith.subf %sub3A_2868, %mul3A_2866 : vector<16xf32>
    %mul3A_2870 = arith.mulf %bitcast3A_2861, %sub3A_2869 : vector<16xf32>
    %mul3A_2871 = arith.constant 5.000000e-01 : f32
    %mul3A_2872 = vector.broadcast %mul3A_2871 : f32 to vector<16xf32>
    %mul3A_2873 = arith.mulf %mul3A_2872, %add3A_2853 : vector<16xf32>
    %mul3A_2874 = arith.mulf %mul3A_2873, %mul3A_2870 : vector<16xf32>
    %mul3A_2875 = arith.mulf %mul3A_2874, %mul3A_2870 : vector<16xf32>
    %sub3A_2876 = arith.constant 1.500000e+00 : f32
    %sub3A_2877 = vector.broadcast %sub3A_2876 : f32 to vector<16xf32>
    %sub3A_2878 = arith.subf %sub3A_2877, %mul3A_2875 : vector<16xf32>
    %mul3A_2879 = arith.mulf %mul3A_2870, %sub3A_2878 : vector<16xf32>
    %mul3A_2880 = arith.constant 5.000000e-01 : f32
    %mul3A_2881 = vector.broadcast %mul3A_2880 : f32 to vector<16xf32>
    %mul3A_2882 = arith.mulf %mul3A_2881, %add3A_2853 : vector<16xf32>
    %mul3A_2883 = arith.mulf %mul3A_2882, %mul3A_2879 : vector<16xf32>
    %mul3A_2884 = arith.mulf %mul3A_2883, %mul3A_2879 : vector<16xf32>
    %sub3A_2885 = arith.constant 1.500000e+00 : f32
    %sub3A_2886 = vector.broadcast %sub3A_2885 : f32 to vector<16xf32>
    %sub3A_2887 = arith.subf %sub3A_2886, %mul3A_2884 : vector<16xf32>
    %mul3A_2888 = arith.mulf %mul3A_2879, %sub3A_2887 : vector<16xf32>
    %mul3A_2889 = arith.mulf %add3A_2853, %mul3A_2888 : vector<16xf32>
    %jit3A_2890 = arith.constant 0.000000e+00 : f32
    %broadcast_in_dim3A_2891 = vector.broadcast %jit3A_2890 : f32 to vector<16xf32>
    %select_n3A_2892 = arith.select %and3A_2353, %mul3A_2889, %broadcast_in_dim3A_2891 : vector<16xi1>, vector<16xf32>
    %add3A_2893 = arith.addf %add3A_2839, %select_n3A_2892 : vector<16xf32>
    %add3A_2894 = arith.constant 48 : i32
    %add3A_2895 = vector.broadcast %add3A_2894 : i32 to vector<16xi32>
    %add3A_2896 = arith.addi %iota3A, %add3A_2895 : vector<16xi32>
    %broadcast_in_dim3A_2897 = arith.constant 2 : i32
    %broadcast_in_dim3A_2898 = vector.broadcast %broadcast_in_dim3A_2897 : i32 to vector<16xi32>
    %gather3A_2899 = tpu.vector_load_idx %arg8[%broadcast_in_dim3A_2898, %add3A_2896, %select_n3A_552] : memref<10x80x16xf32, #tpu.memory_space<vmem>>[vector<16xi32>, vector<16xi32>, vector<16xi32>], vector<16xf32>,
    %broadcast_in_dim3A_2900 = arith.constant 3 : i32
    %broadcast_in_dim3A_2901 = vector.broadcast %broadcast_in_dim3A_2900 : i32 to vector<16xi32>
    %gather3A_2902 = tpu.vector_load_idx %arg8[%broadcast_in_dim3A_2901, %add3A_2896, %select_n3A_552] : memref<10x80x16xf32, #tpu.memory_space<vmem>>[vector<16xi32>, vector<16xi32>, vector<16xi32>], vector<16xf32>,
    %sub3A_2903 = arith.subf %gather3A_2899, %convert_element_type3A_527 : vector<16xf32>
    %sub3A_2904 = arith.subf %gather3A_2902, %convert_element_type3A_529 : vector<16xf32>
    %mul3A_2905 = arith.mulf %sub3A_2903, %sub3A_2903 : vector<16xf32>
    %mul3A_2906 = arith.mulf %sub3A_2904, %sub3A_2904 : vector<16xf32>
    %add3A_2907 = arith.addf %mul3A_2905, %mul3A_2906 : vector<16xf32>
    %bitcast3A_2908 = vector.bitcast %add3A_2907 : vector<16xf32> to vector<16xi32>
    %broadcast_in_dim3A_2909 = arith.constant 1597463007 : i32
    %broadcast_in_dim3A_2910 = vector.broadcast %broadcast_in_dim3A_2909 : i32 to vector<16xi32>
    %shift_right_arithmetic3A_2911 = arith.constant 1 : i32
    %shift_right_arithmetic3A_2912 = vector.broadcast %shift_right_arithmetic3A_2911 : i32 to vector<16xi32>
    %shift_right_arithmetic3A_2913 = arith.shrsi %bitcast3A_2908, %shift_right_arithmetic3A_2912 : vector<16xi32>
    %sub3A_2914 = arith.subi %broadcast_in_dim3A_2910, %shift_right_arithmetic3A_2913 : vector<16xi32>
    %bitcast3A_2915 = vector.bitcast %sub3A_2914 : vector<16xi32> to vector<16xf32>
    %mul3A_2916 = arith.constant 5.000000e-01 : f32
    %mul3A_2917 = vector.broadcast %mul3A_2916 : f32 to vector<16xf32>
    %mul3A_2918 = arith.mulf %mul3A_2917, %add3A_2907 : vector<16xf32>
    %mul3A_2919 = arith.mulf %mul3A_2918, %bitcast3A_2915 : vector<16xf32>
    %mul3A_2920 = arith.mulf %mul3A_2919, %bitcast3A_2915 : vector<16xf32>
    %sub3A_2921 = arith.constant 1.500000e+00 : f32
    %sub3A_2922 = vector.broadcast %sub3A_2921 : f32 to vector<16xf32>
    %sub3A_2923 = arith.subf %sub3A_2922, %mul3A_2920 : vector<16xf32>
    %mul3A_2924 = arith.mulf %bitcast3A_2915, %sub3A_2923 : vector<16xf32>
    %mul3A_2925 = arith.constant 5.000000e-01 : f32
    %mul3A_2926 = vector.broadcast %mul3A_2925 : f32 to vector<16xf32>
    %mul3A_2927 = arith.mulf %mul3A_2926, %add3A_2907 : vector<16xf32>
    %mul3A_2928 = arith.mulf %mul3A_2927, %mul3A_2924 : vector<16xf32>
    %mul3A_2929 = arith.mulf %mul3A_2928, %mul3A_2924 : vector<16xf32>
    %sub3A_2930 = arith.constant 1.500000e+00 : f32
    %sub3A_2931 = vector.broadcast %sub3A_2930 : f32 to vector<16xf32>
    %sub3A_2932 = arith.subf %sub3A_2931, %mul3A_2929 : vector<16xf32>
    %mul3A_2933 = arith.mulf %mul3A_2924, %sub3A_2932 : vector<16xf32>
    %mul3A_2934 = arith.constant 5.000000e-01 : f32
    %mul3A_2935 = vector.broadcast %mul3A_2934 : f32 to vector<16xf32>
    %mul3A_2936 = arith.mulf %mul3A_2935, %add3A_2907 : vector<16xf32>
    %mul3A_2937 = arith.mulf %mul3A_2936, %mul3A_2933 : vector<16xf32>
    %mul3A_2938 = arith.mulf %mul3A_2937, %mul3A_2933 : vector<16xf32>
    %sub3A_2939 = arith.constant 1.500000e+00 : f32
    %sub3A_2940 = vector.broadcast %sub3A_2939 : f32 to vector<16xf32>
    %sub3A_2941 = arith.subf %sub3A_2940, %mul3A_2938 : vector<16xf32>
    %mul3A_2942 = arith.mulf %mul3A_2933, %sub3A_2941 : vector<16xf32>
    %mul3A_2943 = arith.mulf %add3A_2907, %mul3A_2942 : vector<16xf32>
    %jit3A_2944 = arith.constant 0.000000e+00 : f32
    %broadcast_in_dim3A_2945 = vector.broadcast %jit3A_2944 : f32 to vector<16xf32>
    %select_n3A_2946 = arith.select %and3A_2357, %mul3A_2943, %broadcast_in_dim3A_2945 : vector<16xi1>, vector<16xf32>
    %add3A_2947 = arith.addf %add3A_2893, %select_n3A_2946 : vector<16xf32>
    %add3A_2948 = arith.constant 64 : i32
    %add3A_2949 = vector.broadcast %add3A_2948 : i32 to vector<16xi32>
    %add3A_2950 = arith.addi %iota3A, %add3A_2949 : vector<16xi32>
    %broadcast_in_dim3A_2951 = arith.constant 2 : i32
    %broadcast_in_dim3A_2952 = vector.broadcast %broadcast_in_dim3A_2951 : i32 to vector<16xi32>
    %gather3A_2953 = tpu.vector_load_idx %arg8[%broadcast_in_dim3A_2952, %add3A_2950, %select_n3A_695] : memref<10x80x16xf32, #tpu.memory_space<vmem>>[vector<16xi32>, vector<16xi32>, vector<16xi32>], vector<16xf32>,
    %broadcast_in_dim3A_2954 = arith.constant 3 : i32
    %broadcast_in_dim3A_2955 = vector.broadcast %broadcast_in_dim3A_2954 : i32 to vector<16xi32>
    %gather3A_2956 = tpu.vector_load_idx %arg8[%broadcast_in_dim3A_2955, %add3A_2950, %select_n3A_695] : memref<10x80x16xf32, #tpu.memory_space<vmem>>[vector<16xi32>, vector<16xi32>, vector<16xi32>], vector<16xf32>,
    %sub3A_2957 = arith.subf %gather3A_2953, %convert_element_type3A_670 : vector<16xf32>
    %sub3A_2958 = arith.subf %gather3A_2956, %convert_element_type3A_672 : vector<16xf32>
    %mul3A_2959 = arith.mulf %sub3A_2957, %sub3A_2957 : vector<16xf32>
    %mul3A_2960 = arith.mulf %sub3A_2958, %sub3A_2958 : vector<16xf32>
    %add3A_2961 = arith.addf %mul3A_2959, %mul3A_2960 : vector<16xf32>
    %bitcast3A_2962 = vector.bitcast %add3A_2961 : vector<16xf32> to vector<16xi32>
    %broadcast_in_dim3A_2963 = arith.constant 1597463007 : i32
    %broadcast_in_dim3A_2964 = vector.broadcast %broadcast_in_dim3A_2963 : i32 to vector<16xi32>
    %shift_right_arithmetic3A_2965 = arith.constant 1 : i32
    %shift_right_arithmetic3A_2966 = vector.broadcast %shift_right_arithmetic3A_2965 : i32 to vector<16xi32>
    %shift_right_arithmetic3A_2967 = arith.shrsi %bitcast3A_2962, %shift_right_arithmetic3A_2966 : vector<16xi32>
    %sub3A_2968 = arith.subi %broadcast_in_dim3A_2964, %shift_right_arithmetic3A_2967 : vector<16xi32>
    %bitcast3A_2969 = vector.bitcast %sub3A_2968 : vector<16xi32> to vector<16xf32>
    %mul3A_2970 = arith.constant 5.000000e-01 : f32
    %mul3A_2971 = vector.broadcast %mul3A_2970 : f32 to vector<16xf32>
    %mul3A_2972 = arith.mulf %mul3A_2971, %add3A_2961 : vector<16xf32>
    %mul3A_2973 = arith.mulf %mul3A_2972, %bitcast3A_2969 : vector<16xf32>
    %mul3A_2974 = arith.mulf %mul3A_2973, %bitcast3A_2969 : vector<16xf32>
    %sub3A_2975 = arith.constant 1.500000e+00 : f32
    %sub3A_2976 = vector.broadcast %sub3A_2975 : f32 to vector<16xf32>
    %sub3A_2977 = arith.subf %sub3A_2976, %mul3A_2974 : vector<16xf32>
    %mul3A_2978 = arith.mulf %bitcast3A_2969, %sub3A_2977 : vector<16xf32>
    %mul3A_2979 = arith.constant 5.000000e-01 : f32
    %mul3A_2980 = vector.broadcast %mul3A_2979 : f32 to vector<16xf32>
    %mul3A_2981 = arith.mulf %mul3A_2980, %add3A_2961 : vector<16xf32>
    %mul3A_2982 = arith.mulf %mul3A_2981, %mul3A_2978 : vector<16xf32>
    %mul3A_2983 = arith.mulf %mul3A_2982, %mul3A_2978 : vector<16xf32>
    %sub3A_2984 = arith.constant 1.500000e+00 : f32
    %sub3A_2985 = vector.broadcast %sub3A_2984 : f32 to vector<16xf32>
    %sub3A_2986 = arith.subf %sub3A_2985, %mul3A_2983 : vector<16xf32>
    %mul3A_2987 = arith.mulf %mul3A_2978, %sub3A_2986 : vector<16xf32>
    %mul3A_2988 = arith.constant 5.000000e-01 : f32
    %mul3A_2989 = vector.broadcast %mul3A_2988 : f32 to vector<16xf32>
    %mul3A_2990 = arith.mulf %mul3A_2989, %add3A_2961 : vector<16xf32>
    %mul3A_2991 = arith.mulf %mul3A_2990, %mul3A_2987 : vector<16xf32>
    %mul3A_2992 = arith.mulf %mul3A_2991, %mul3A_2987 : vector<16xf32>
    %sub3A_2993 = arith.constant 1.500000e+00 : f32
    %sub3A_2994 = vector.broadcast %sub3A_2993 : f32 to vector<16xf32>
    %sub3A_2995 = arith.subf %sub3A_2994, %mul3A_2992 : vector<16xf32>
    %mul3A_2996 = arith.mulf %mul3A_2987, %sub3A_2995 : vector<16xf32>
    %mul3A_2997 = arith.mulf %add3A_2961, %mul3A_2996 : vector<16xf32>
    %jit3A_2998 = arith.constant 0.000000e+00 : f32
    %broadcast_in_dim3A_2999 = vector.broadcast %jit3A_2998 : f32 to vector<16xf32>
    %select_n3A_3000 = arith.select %and3A_2361, %mul3A_2997, %broadcast_in_dim3A_2999 : vector<16xi1>, vector<16xf32>
    %add3A_3001 = arith.addf %add3A_2947, %select_n3A_3000 : vector<16xf32>
    %mul3A_3002 = arith.constant 5.120000e-01 : f32
    %mul3A_3003 = vector.broadcast %mul3A_3002 : f32 to vector<16xf32>
    %mul3A_3004 = arith.mulf %mul3A_3003, %add3A_3001 : vector<16xf32>
    %add3A_3005 = arith.addf %add3A_2699, %mul3A_3004 : vector<16xf32>
    %dma_wait3A_3006 = arith.constant 4 : i32
    %dma_wait3A_3007 = arith.constant 4 : i32
    %dma_wait3A_3008 = arith.constant 4 : i32
    %dma_wait3A_3009 = arith.constant 0 : i32
    %dma_wait3A_3010 = arith.constant 0 : i32
    %dma_wait3A_3011 = tpu.memref_slice %arg8[%dma_wait3A_3007, %dma_wait3A_3009, %dma_wait3A_3010] : memref<10x80x16xf32, #tpu.memory_space<vmem>> -> memref<1x72x16xf32, #tpu.memory_space<vmem>>
    %dma_wait3A_3012 = tpu.memref_squeeze %dma_wait3A_3011 : memref<1x72x16xf32, #tpu.memory_space<vmem>> -> memref<72x16xf32, #tpu.memory_space<vmem>>
    %dma_wait3A_3013 = arith.constant 0 : i32
    %dma_wait3A_3014 = tpu.memref_slice %arg7[%dma_wait3A_3006, %dma_wait3A_3013] : memref<10x80xi32, #tpu.memory_space<vmem>> -> memref<1x72xi32, #tpu.memory_space<vmem>>
    %dma_wait3A_3015 = tpu.memref_squeeze %dma_wait3A_3014 : memref<1x72xi32, #tpu.memory_space<vmem>> -> memref<72xi32, #tpu.memory_space<vmem>>
    %dma_wait3A_3016 = arith.constant 0 : i32
    %dma_wait3A_3017 = arith.constant 0 : i32
    %dma_wait3A_3018 = tpu.memref_slice %arg2[%dma_wait3A_3016, %dma_wait3A_3017] : memref<368640x16xf32, #tpu.memory_space<hbm>> -> memref<368640x16xf32, #tpu.memory_space<hbm>>
    %dma_wait3A_3019 = tpu.memref_slice %arg10[%dma_wait3A_3008] : memref<10x!tpu.dma_semaphore, #tpu.memory_space<semaphore_mem>> -> memref<1x!tpu.dma_semaphore, #tpu.memory_space<semaphore_mem>>
    %dma_wait3A_3020 = tpu.memref_squeeze %dma_wait3A_3019 : memref<1x!tpu.dma_semaphore, #tpu.memory_space<semaphore_mem>> -> memref<!tpu.dma_semaphore, #tpu.memory_space<semaphore_mem>>
    tpu.wait_indirect_dma semaphore(%dma_wait3A_3020 : memref<!tpu.dma_semaphore, #tpu.memory_space<semaphore_mem>>) src(%dma_wait3A_3018 : memref<368640x16xf32, #tpu.memory_space<hbm>>) dst(%dma_wait3A_3012 : memref<72x16xf32, #tpu.memory_space<vmem>>)
    %dma_wait3A_3021 = arith.constant 5 : i32
    %dma_wait3A_3022 = arith.constant 5 : i32
    %dma_wait3A_3023 = arith.constant 5 : i32
    %dma_wait3A_3024 = arith.constant 0 : i32
    %dma_wait3A_3025 = arith.constant 0 : i32
    %dma_wait3A_3026 = tpu.memref_slice %arg8[%dma_wait3A_3022, %dma_wait3A_3024, %dma_wait3A_3025] : memref<10x80x16xf32, #tpu.memory_space<vmem>> -> memref<1x72x16xf32, #tpu.memory_space<vmem>>
    %dma_wait3A_3027 = tpu.memref_squeeze %dma_wait3A_3026 : memref<1x72x16xf32, #tpu.memory_space<vmem>> -> memref<72x16xf32, #tpu.memory_space<vmem>>
    %dma_wait3A_3028 = arith.constant 0 : i32
    %dma_wait3A_3029 = tpu.memref_slice %arg7[%dma_wait3A_3021, %dma_wait3A_3028] : memref<10x80xi32, #tpu.memory_space<vmem>> -> memref<1x72xi32, #tpu.memory_space<vmem>>
    %dma_wait3A_3030 = tpu.memref_squeeze %dma_wait3A_3029 : memref<1x72xi32, #tpu.memory_space<vmem>> -> memref<72xi32, #tpu.memory_space<vmem>>
    %dma_wait3A_3031 = arith.constant 0 : i32
    %dma_wait3A_3032 = arith.constant 0 : i32
    %dma_wait3A_3033 = tpu.memref_slice %arg2[%dma_wait3A_3031, %dma_wait3A_3032] : memref<368640x16xf32, #tpu.memory_space<hbm>> -> memref<368640x16xf32, #tpu.memory_space<hbm>>
    %dma_wait3A_3034 = tpu.memref_slice %arg10[%dma_wait3A_3023] : memref<10x!tpu.dma_semaphore, #tpu.memory_space<semaphore_mem>> -> memref<1x!tpu.dma_semaphore, #tpu.memory_space<semaphore_mem>>
    %dma_wait3A_3035 = tpu.memref_squeeze %dma_wait3A_3034 : memref<1x!tpu.dma_semaphore, #tpu.memory_space<semaphore_mem>> -> memref<!tpu.dma_semaphore, #tpu.memory_space<semaphore_mem>>
    tpu.wait_indirect_dma semaphore(%dma_wait3A_3035 : memref<!tpu.dma_semaphore, #tpu.memory_space<semaphore_mem>>) src(%dma_wait3A_3033 : memref<368640x16xf32, #tpu.memory_space<hbm>>) dst(%dma_wait3A_3027 : memref<72x16xf32, #tpu.memory_space<vmem>>)
    %broadcast_in_dim3A_3036 = arith.constant 0.000000e+00 : f32
    %broadcast_in_dim3A_3037 = vector.broadcast %broadcast_in_dim3A_3036 : f32 to vector<16xf32>
    %add3A_3038 = arith.constant 0 : i32
    %add3A_3039 = vector.broadcast %add3A_3038 : i32 to vector<16xi32>
    %add3A_3040 = arith.addi %iota3A, %add3A_3039 : vector<16xi32>
    %broadcast_in_dim3A_3041 = arith.constant 4 : i32
    %broadcast_in_dim3A_3042 = vector.broadcast %broadcast_in_dim3A_3041 : i32 to vector<16xi32>
    %gather3A_3043 = tpu.vector_load_idx %arg8[%broadcast_in_dim3A_3042, %add3A_3040, %select_n3A_123] : memref<10x80x16xf32, #tpu.memory_space<vmem>>[vector<16xi32>, vector<16xi32>, vector<16xi32>], vector<16xf32>,
    %broadcast_in_dim3A_3044 = arith.constant 5 : i32
    %broadcast_in_dim3A_3045 = vector.broadcast %broadcast_in_dim3A_3044 : i32 to vector<16xi32>
    %gather3A_3046 = tpu.vector_load_idx %arg8[%broadcast_in_dim3A_3045, %add3A_3040, %select_n3A_123] : memref<10x80x16xf32, #tpu.memory_space<vmem>>[vector<16xi32>, vector<16xi32>, vector<16xi32>], vector<16xf32>,
    %sub3A_3047 = arith.subf %gather3A_3043, %convert_element_type3A : vector<16xf32>
    %sub3A_3048 = arith.subf %gather3A_3046, %convert_element_type3A_101 : vector<16xf32>
    %mul3A_3049 = arith.mulf %sub3A_3047, %sub3A_3047 : vector<16xf32>
    %mul3A_3050 = arith.mulf %sub3A_3048, %sub3A_3048 : vector<16xf32>
    %add3A_3051 = arith.addf %mul3A_3049, %mul3A_3050 : vector<16xf32>
    %bitcast3A_3052 = vector.bitcast %add3A_3051 : vector<16xf32> to vector<16xi32>
    %broadcast_in_dim3A_3053 = arith.constant 1597463007 : i32
    %broadcast_in_dim3A_3054 = vector.broadcast %broadcast_in_dim3A_3053 : i32 to vector<16xi32>
    %shift_right_arithmetic3A_3055 = arith.constant 1 : i32
    %shift_right_arithmetic3A_3056 = vector.broadcast %shift_right_arithmetic3A_3055 : i32 to vector<16xi32>
    %shift_right_arithmetic3A_3057 = arith.shrsi %bitcast3A_3052, %shift_right_arithmetic3A_3056 : vector<16xi32>
    %sub3A_3058 = arith.subi %broadcast_in_dim3A_3054, %shift_right_arithmetic3A_3057 : vector<16xi32>
    %bitcast3A_3059 = vector.bitcast %sub3A_3058 : vector<16xi32> to vector<16xf32>
    %mul3A_3060 = arith.constant 5.000000e-01 : f32
    %mul3A_3061 = vector.broadcast %mul3A_3060 : f32 to vector<16xf32>
    %mul3A_3062 = arith.mulf %mul3A_3061, %add3A_3051 : vector<16xf32>
    %mul3A_3063 = arith.mulf %mul3A_3062, %bitcast3A_3059 : vector<16xf32>
    %mul3A_3064 = arith.mulf %mul3A_3063, %bitcast3A_3059 : vector<16xf32>
    %sub3A_3065 = arith.constant 1.500000e+00 : f32
    %sub3A_3066 = vector.broadcast %sub3A_3065 : f32 to vector<16xf32>
    %sub3A_3067 = arith.subf %sub3A_3066, %mul3A_3064 : vector<16xf32>
    %mul3A_3068 = arith.mulf %bitcast3A_3059, %sub3A_3067 : vector<16xf32>
    %mul3A_3069 = arith.constant 5.000000e-01 : f32
    %mul3A_3070 = vector.broadcast %mul3A_3069 : f32 to vector<16xf32>
    %mul3A_3071 = arith.mulf %mul3A_3070, %add3A_3051 : vector<16xf32>
    %mul3A_3072 = arith.mulf %mul3A_3071, %mul3A_3068 : vector<16xf32>
    %mul3A_3073 = arith.mulf %mul3A_3072, %mul3A_3068 : vector<16xf32>
    %sub3A_3074 = arith.constant 1.500000e+00 : f32
    %sub3A_3075 = vector.broadcast %sub3A_3074 : f32 to vector<16xf32>
    %sub3A_3076 = arith.subf %sub3A_3075, %mul3A_3073 : vector<16xf32>
    %mul3A_3077 = arith.mulf %mul3A_3068, %sub3A_3076 : vector<16xf32>
    %mul3A_3078 = arith.constant 5.000000e-01 : f32
    %mul3A_3079 = vector.broadcast %mul3A_3078 : f32 to vector<16xf32>
    %mul3A_3080 = arith.mulf %mul3A_3079, %add3A_3051 : vector<16xf32>
    %mul3A_3081 = arith.mulf %mul3A_3080, %mul3A_3077 : vector<16xf32>
    %mul3A_3082 = arith.mulf %mul3A_3081, %mul3A_3077 : vector<16xf32>
    %sub3A_3083 = arith.constant 1.500000e+00 : f32
    %sub3A_3084 = vector.broadcast %sub3A_3083 : f32 to vector<16xf32>
    %sub3A_3085 = arith.subf %sub3A_3084, %mul3A_3082 : vector<16xf32>
    %mul3A_3086 = arith.mulf %mul3A_3077, %sub3A_3085 : vector<16xf32>
    %mul3A_3087 = arith.mulf %add3A_3051, %mul3A_3086 : vector<16xf32>
    %jit3A_3088 = arith.constant 0.000000e+00 : f32
    %broadcast_in_dim3A_3089 = vector.broadcast %jit3A_3088 : f32 to vector<16xf32>
    %select_n3A_3090 = arith.select %and3A_2345, %mul3A_3087, %broadcast_in_dim3A_3089 : vector<16xi1>, vector<16xf32>
    %add3A_3091 = arith.addf %broadcast_in_dim3A_3037, %select_n3A_3090 : vector<16xf32>
    %add3A_3092 = arith.constant 16 : i32
    %add3A_3093 = vector.broadcast %add3A_3092 : i32 to vector<16xi32>
    %add3A_3094 = arith.addi %iota3A, %add3A_3093 : vector<16xi32>
    %broadcast_in_dim3A_3095 = arith.constant 4 : i32
    %broadcast_in_dim3A_3096 = vector.broadcast %broadcast_in_dim3A_3095 : i32 to vector<16xi32>
    %gather3A_3097 = tpu.vector_load_idx %arg8[%broadcast_in_dim3A_3096, %add3A_3094, %select_n3A_266] : memref<10x80x16xf32, #tpu.memory_space<vmem>>[vector<16xi32>, vector<16xi32>, vector<16xi32>], vector<16xf32>,
    %broadcast_in_dim3A_3098 = arith.constant 5 : i32
    %broadcast_in_dim3A_3099 = vector.broadcast %broadcast_in_dim3A_3098 : i32 to vector<16xi32>
    %gather3A_3100 = tpu.vector_load_idx %arg8[%broadcast_in_dim3A_3099, %add3A_3094, %select_n3A_266] : memref<10x80x16xf32, #tpu.memory_space<vmem>>[vector<16xi32>, vector<16xi32>, vector<16xi32>], vector<16xf32>,
    %sub3A_3101 = arith.subf %gather3A_3097, %convert_element_type3A_241 : vector<16xf32>
    %sub3A_3102 = arith.subf %gather3A_3100, %convert_element_type3A_243 : vector<16xf32>
    %mul3A_3103 = arith.mulf %sub3A_3101, %sub3A_3101 : vector<16xf32>
    %mul3A_3104 = arith.mulf %sub3A_3102, %sub3A_3102 : vector<16xf32>
    %add3A_3105 = arith.addf %mul3A_3103, %mul3A_3104 : vector<16xf32>
    %bitcast3A_3106 = vector.bitcast %add3A_3105 : vector<16xf32> to vector<16xi32>
    %broadcast_in_dim3A_3107 = arith.constant 1597463007 : i32
    %broadcast_in_dim3A_3108 = vector.broadcast %broadcast_in_dim3A_3107 : i32 to vector<16xi32>
    %shift_right_arithmetic3A_3109 = arith.constant 1 : i32
    %shift_right_arithmetic3A_3110 = vector.broadcast %shift_right_arithmetic3A_3109 : i32 to vector<16xi32>
    %shift_right_arithmetic3A_3111 = arith.shrsi %bitcast3A_3106, %shift_right_arithmetic3A_3110 : vector<16xi32>
    %sub3A_3112 = arith.subi %broadcast_in_dim3A_3108, %shift_right_arithmetic3A_3111 : vector<16xi32>
    %bitcast3A_3113 = vector.bitcast %sub3A_3112 : vector<16xi32> to vector<16xf32>
    %mul3A_3114 = arith.constant 5.000000e-01 : f32
    %mul3A_3115 = vector.broadcast %mul3A_3114 : f32 to vector<16xf32>
    %mul3A_3116 = arith.mulf %mul3A_3115, %add3A_3105 : vector<16xf32>
    %mul3A_3117 = arith.mulf %mul3A_3116, %bitcast3A_3113 : vector<16xf32>
    %mul3A_3118 = arith.mulf %mul3A_3117, %bitcast3A_3113 : vector<16xf32>
    %sub3A_3119 = arith.constant 1.500000e+00 : f32
    %sub3A_3120 = vector.broadcast %sub3A_3119 : f32 to vector<16xf32>
    %sub3A_3121 = arith.subf %sub3A_3120, %mul3A_3118 : vector<16xf32>
    %mul3A_3122 = arith.mulf %bitcast3A_3113, %sub3A_3121 : vector<16xf32>
    %mul3A_3123 = arith.constant 5.000000e-01 : f32
    %mul3A_3124 = vector.broadcast %mul3A_3123 : f32 to vector<16xf32>
    %mul3A_3125 = arith.mulf %mul3A_3124, %add3A_3105 : vector<16xf32>
    %mul3A_3126 = arith.mulf %mul3A_3125, %mul3A_3122 : vector<16xf32>
    %mul3A_3127 = arith.mulf %mul3A_3126, %mul3A_3122 : vector<16xf32>
    %sub3A_3128 = arith.constant 1.500000e+00 : f32
    %sub3A_3129 = vector.broadcast %sub3A_3128 : f32 to vector<16xf32>
    %sub3A_3130 = arith.subf %sub3A_3129, %mul3A_3127 : vector<16xf32>
    %mul3A_3131 = arith.mulf %mul3A_3122, %sub3A_3130 : vector<16xf32>
    %mul3A_3132 = arith.constant 5.000000e-01 : f32
    %mul3A_3133 = vector.broadcast %mul3A_3132 : f32 to vector<16xf32>
    %mul3A_3134 = arith.mulf %mul3A_3133, %add3A_3105 : vector<16xf32>
    %mul3A_3135 = arith.mulf %mul3A_3134, %mul3A_3131 : vector<16xf32>
    %mul3A_3136 = arith.mulf %mul3A_3135, %mul3A_3131 : vector<16xf32>
    %sub3A_3137 = arith.constant 1.500000e+00 : f32
    %sub3A_3138 = vector.broadcast %sub3A_3137 : f32 to vector<16xf32>
    %sub3A_3139 = arith.subf %sub3A_3138, %mul3A_3136 : vector<16xf32>
    %mul3A_3140 = arith.mulf %mul3A_3131, %sub3A_3139 : vector<16xf32>
    %mul3A_3141 = arith.mulf %add3A_3105, %mul3A_3140 : vector<16xf32>
    %jit3A_3142 = arith.constant 0.000000e+00 : f32
    %broadcast_in_dim3A_3143 = vector.broadcast %jit3A_3142 : f32 to vector<16xf32>
    %select_n3A_3144 = arith.select %and3A_2349, %mul3A_3141, %broadcast_in_dim3A_3143 : vector<16xi1>, vector<16xf32>
    %add3A_3145 = arith.addf %add3A_3091, %select_n3A_3144 : vector<16xf32>
    %add3A_3146 = arith.constant 32 : i32
    %add3A_3147 = vector.broadcast %add3A_3146 : i32 to vector<16xi32>
    %add3A_3148 = arith.addi %iota3A, %add3A_3147 : vector<16xi32>
    %broadcast_in_dim3A_3149 = arith.constant 4 : i32
    %broadcast_in_dim3A_3150 = vector.broadcast %broadcast_in_dim3A_3149 : i32 to vector<16xi32>
    %gather3A_3151 = tpu.vector_load_idx %arg8[%broadcast_in_dim3A_3150, %add3A_3148, %select_n3A_409] : memref<10x80x16xf32, #tpu.memory_space<vmem>>[vector<16xi32>, vector<16xi32>, vector<16xi32>], vector<16xf32>,
    %broadcast_in_dim3A_3152 = arith.constant 5 : i32
    %broadcast_in_dim3A_3153 = vector.broadcast %broadcast_in_dim3A_3152 : i32 to vector<16xi32>
    %gather3A_3154 = tpu.vector_load_idx %arg8[%broadcast_in_dim3A_3153, %add3A_3148, %select_n3A_409] : memref<10x80x16xf32, #tpu.memory_space<vmem>>[vector<16xi32>, vector<16xi32>, vector<16xi32>], vector<16xf32>,
    %sub3A_3155 = arith.subf %gather3A_3151, %convert_element_type3A_384 : vector<16xf32>
    %sub3A_3156 = arith.subf %gather3A_3154, %convert_element_type3A_386 : vector<16xf32>
    %mul3A_3157 = arith.mulf %sub3A_3155, %sub3A_3155 : vector<16xf32>
    %mul3A_3158 = arith.mulf %sub3A_3156, %sub3A_3156 : vector<16xf32>
    %add3A_3159 = arith.addf %mul3A_3157, %mul3A_3158 : vector<16xf32>
    %bitcast3A_3160 = vector.bitcast %add3A_3159 : vector<16xf32> to vector<16xi32>
    %broadcast_in_dim3A_3161 = arith.constant 1597463007 : i32
    %broadcast_in_dim3A_3162 = vector.broadcast %broadcast_in_dim3A_3161 : i32 to vector<16xi32>
    %shift_right_arithmetic3A_3163 = arith.constant 1 : i32
    %shift_right_arithmetic3A_3164 = vector.broadcast %shift_right_arithmetic3A_3163 : i32 to vector<16xi32>
    %shift_right_arithmetic3A_3165 = arith.shrsi %bitcast3A_3160, %shift_right_arithmetic3A_3164 : vector<16xi32>
    %sub3A_3166 = arith.subi %broadcast_in_dim3A_3162, %shift_right_arithmetic3A_3165 : vector<16xi32>
    %bitcast3A_3167 = vector.bitcast %sub3A_3166 : vector<16xi32> to vector<16xf32>
    %mul3A_3168 = arith.constant 5.000000e-01 : f32
    %mul3A_3169 = vector.broadcast %mul3A_3168 : f32 to vector<16xf32>
    %mul3A_3170 = arith.mulf %mul3A_3169, %add3A_3159 : vector<16xf32>
    %mul3A_3171 = arith.mulf %mul3A_3170, %bitcast3A_3167 : vector<16xf32>
    %mul3A_3172 = arith.mulf %mul3A_3171, %bitcast3A_3167 : vector<16xf32>
    %sub3A_3173 = arith.constant 1.500000e+00 : f32
    %sub3A_3174 = vector.broadcast %sub3A_3173 : f32 to vector<16xf32>
    %sub3A_3175 = arith.subf %sub3A_3174, %mul3A_3172 : vector<16xf32>
    %mul3A_3176 = arith.mulf %bitcast3A_3167, %sub3A_3175 : vector<16xf32>
    %mul3A_3177 = arith.constant 5.000000e-01 : f32
    %mul3A_3178 = vector.broadcast %mul3A_3177 : f32 to vector<16xf32>
    %mul3A_3179 = arith.mulf %mul3A_3178, %add3A_3159 : vector<16xf32>
    %mul3A_3180 = arith.mulf %mul3A_3179, %mul3A_3176 : vector<16xf32>
    %mul3A_3181 = arith.mulf %mul3A_3180, %mul3A_3176 : vector<16xf32>
    %sub3A_3182 = arith.constant 1.500000e+00 : f32
    %sub3A_3183 = vector.broadcast %sub3A_3182 : f32 to vector<16xf32>
    %sub3A_3184 = arith.subf %sub3A_3183, %mul3A_3181 : vector<16xf32>
    %mul3A_3185 = arith.mulf %mul3A_3176, %sub3A_3184 : vector<16xf32>
    %mul3A_3186 = arith.constant 5.000000e-01 : f32
    %mul3A_3187 = vector.broadcast %mul3A_3186 : f32 to vector<16xf32>
    %mul3A_3188 = arith.mulf %mul3A_3187, %add3A_3159 : vector<16xf32>
    %mul3A_3189 = arith.mulf %mul3A_3188, %mul3A_3185 : vector<16xf32>
    %mul3A_3190 = arith.mulf %mul3A_3189, %mul3A_3185 : vector<16xf32>
    %sub3A_3191 = arith.constant 1.500000e+00 : f32
    %sub3A_3192 = vector.broadcast %sub3A_3191 : f32 to vector<16xf32>
    %sub3A_3193 = arith.subf %sub3A_3192, %mul3A_3190 : vector<16xf32>
    %mul3A_3194 = arith.mulf %mul3A_3185, %sub3A_3193 : vector<16xf32>
    %mul3A_3195 = arith.mulf %add3A_3159, %mul3A_3194 : vector<16xf32>
    %jit3A_3196 = arith.constant 0.000000e+00 : f32
    %broadcast_in_dim3A_3197 = vector.broadcast %jit3A_3196 : f32 to vector<16xf32>
    %select_n3A_3198 = arith.select %and3A_2353, %mul3A_3195, %broadcast_in_dim3A_3197 : vector<16xi1>, vector<16xf32>
    %add3A_3199 = arith.addf %add3A_3145, %select_n3A_3198 : vector<16xf32>
    %add3A_3200 = arith.constant 48 : i32
    %add3A_3201 = vector.broadcast %add3A_3200 : i32 to vector<16xi32>
    %add3A_3202 = arith.addi %iota3A, %add3A_3201 : vector<16xi32>
    %broadcast_in_dim3A_3203 = arith.constant 4 : i32
    %broadcast_in_dim3A_3204 = vector.broadcast %broadcast_in_dim3A_3203 : i32 to vector<16xi32>
    %gather3A_3205 = tpu.vector_load_idx %arg8[%broadcast_in_dim3A_3204, %add3A_3202, %select_n3A_552] : memref<10x80x16xf32, #tpu.memory_space<vmem>>[vector<16xi32>, vector<16xi32>, vector<16xi32>], vector<16xf32>,
    %broadcast_in_dim3A_3206 = arith.constant 5 : i32
    %broadcast_in_dim3A_3207 = vector.broadcast %broadcast_in_dim3A_3206 : i32 to vector<16xi32>
    %gather3A_3208 = tpu.vector_load_idx %arg8[%broadcast_in_dim3A_3207, %add3A_3202, %select_n3A_552] : memref<10x80x16xf32, #tpu.memory_space<vmem>>[vector<16xi32>, vector<16xi32>, vector<16xi32>], vector<16xf32>,
    %sub3A_3209 = arith.subf %gather3A_3205, %convert_element_type3A_527 : vector<16xf32>
    %sub3A_3210 = arith.subf %gather3A_3208, %convert_element_type3A_529 : vector<16xf32>
    %mul3A_3211 = arith.mulf %sub3A_3209, %sub3A_3209 : vector<16xf32>
    %mul3A_3212 = arith.mulf %sub3A_3210, %sub3A_3210 : vector<16xf32>
    %add3A_3213 = arith.addf %mul3A_3211, %mul3A_3212 : vector<16xf32>
    %bitcast3A_3214 = vector.bitcast %add3A_3213 : vector<16xf32> to vector<16xi32>
    %broadcast_in_dim3A_3215 = arith.constant 1597463007 : i32
    %broadcast_in_dim3A_3216 = vector.broadcast %broadcast_in_dim3A_3215 : i32 to vector<16xi32>
    %shift_right_arithmetic3A_3217 = arith.constant 1 : i32
    %shift_right_arithmetic3A_3218 = vector.broadcast %shift_right_arithmetic3A_3217 : i32 to vector<16xi32>
    %shift_right_arithmetic3A_3219 = arith.shrsi %bitcast3A_3214, %shift_right_arithmetic3A_3218 : vector<16xi32>
    %sub3A_3220 = arith.subi %broadcast_in_dim3A_3216, %shift_right_arithmetic3A_3219 : vector<16xi32>
    %bitcast3A_3221 = vector.bitcast %sub3A_3220 : vector<16xi32> to vector<16xf32>
    %mul3A_3222 = arith.constant 5.000000e-01 : f32
    %mul3A_3223 = vector.broadcast %mul3A_3222 : f32 to vector<16xf32>
    %mul3A_3224 = arith.mulf %mul3A_3223, %add3A_3213 : vector<16xf32>
    %mul3A_3225 = arith.mulf %mul3A_3224, %bitcast3A_3221 : vector<16xf32>
    %mul3A_3226 = arith.mulf %mul3A_3225, %bitcast3A_3221 : vector<16xf32>
    %sub3A_3227 = arith.constant 1.500000e+00 : f32
    %sub3A_3228 = vector.broadcast %sub3A_3227 : f32 to vector<16xf32>
    %sub3A_3229 = arith.subf %sub3A_3228, %mul3A_3226 : vector<16xf32>
    %mul3A_3230 = arith.mulf %bitcast3A_3221, %sub3A_3229 : vector<16xf32>
    %mul3A_3231 = arith.constant 5.000000e-01 : f32
    %mul3A_3232 = vector.broadcast %mul3A_3231 : f32 to vector<16xf32>
    %mul3A_3233 = arith.mulf %mul3A_3232, %add3A_3213 : vector<16xf32>
    %mul3A_3234 = arith.mulf %mul3A_3233, %mul3A_3230 : vector<16xf32>
    %mul3A_3235 = arith.mulf %mul3A_3234, %mul3A_3230 : vector<16xf32>
    %sub3A_3236 = arith.constant 1.500000e+00 : f32
    %sub3A_3237 = vector.broadcast %sub3A_3236 : f32 to vector<16xf32>
    %sub3A_3238 = arith.subf %sub3A_3237, %mul3A_3235 : vector<16xf32>
    %mul3A_3239 = arith.mulf %mul3A_3230, %sub3A_3238 : vector<16xf32>
    %mul3A_3240 = arith.constant 5.000000e-01 : f32
    %mul3A_3241 = vector.broadcast %mul3A_3240 : f32 to vector<16xf32>
    %mul3A_3242 = arith.mulf %mul3A_3241, %add3A_3213 : vector<16xf32>
    %mul3A_3243 = arith.mulf %mul3A_3242, %mul3A_3239 : vector<16xf32>
    %mul3A_3244 = arith.mulf %mul3A_3243, %mul3A_3239 : vector<16xf32>
    %sub3A_3245 = arith.constant 1.500000e+00 : f32
    %sub3A_3246 = vector.broadcast %sub3A_3245 : f32 to vector<16xf32>
    %sub3A_3247 = arith.subf %sub3A_3246, %mul3A_3244 : vector<16xf32>
    %mul3A_3248 = arith.mulf %mul3A_3239, %sub3A_3247 : vector<16xf32>
    %mul3A_3249 = arith.mulf %add3A_3213, %mul3A_3248 : vector<16xf32>
    %jit3A_3250 = arith.constant 0.000000e+00 : f32
    %broadcast_in_dim3A_3251 = vector.broadcast %jit3A_3250 : f32 to vector<16xf32>
    %select_n3A_3252 = arith.select %and3A_2357, %mul3A_3249, %broadcast_in_dim3A_3251 : vector<16xi1>, vector<16xf32>
    %add3A_3253 = arith.addf %add3A_3199, %select_n3A_3252 : vector<16xf32>
    %add3A_3254 = arith.constant 64 : i32
    %add3A_3255 = vector.broadcast %add3A_3254 : i32 to vector<16xi32>
    %add3A_3256 = arith.addi %iota3A, %add3A_3255 : vector<16xi32>
    %broadcast_in_dim3A_3257 = arith.constant 4 : i32
    %broadcast_in_dim3A_3258 = vector.broadcast %broadcast_in_dim3A_3257 : i32 to vector<16xi32>
    %gather3A_3259 = tpu.vector_load_idx %arg8[%broadcast_in_dim3A_3258, %add3A_3256, %select_n3A_695] : memref<10x80x16xf32, #tpu.memory_space<vmem>>[vector<16xi32>, vector<16xi32>, vector<16xi32>], vector<16xf32>,
    %broadcast_in_dim3A_3260 = arith.constant 5 : i32
    %broadcast_in_dim3A_3261 = vector.broadcast %broadcast_in_dim3A_3260 : i32 to vector<16xi32>
    %gather3A_3262 = tpu.vector_load_idx %arg8[%broadcast_in_dim3A_3261, %add3A_3256, %select_n3A_695] : memref<10x80x16xf32, #tpu.memory_space<vmem>>[vector<16xi32>, vector<16xi32>, vector<16xi32>], vector<16xf32>,
    %sub3A_3263 = arith.subf %gather3A_3259, %convert_element_type3A_670 : vector<16xf32>
    %sub3A_3264 = arith.subf %gather3A_3262, %convert_element_type3A_672 : vector<16xf32>
    %mul3A_3265 = arith.mulf %sub3A_3263, %sub3A_3263 : vector<16xf32>
    %mul3A_3266 = arith.mulf %sub3A_3264, %sub3A_3264 : vector<16xf32>
    %add3A_3267 = arith.addf %mul3A_3265, %mul3A_3266 : vector<16xf32>
    %bitcast3A_3268 = vector.bitcast %add3A_3267 : vector<16xf32> to vector<16xi32>
    %broadcast_in_dim3A_3269 = arith.constant 1597463007 : i32
    %broadcast_in_dim3A_3270 = vector.broadcast %broadcast_in_dim3A_3269 : i32 to vector<16xi32>
    %shift_right_arithmetic3A_3271 = arith.constant 1 : i32
    %shift_right_arithmetic3A_3272 = vector.broadcast %shift_right_arithmetic3A_3271 : i32 to vector<16xi32>
    %shift_right_arithmetic3A_3273 = arith.shrsi %bitcast3A_3268, %shift_right_arithmetic3A_3272 : vector<16xi32>
    %sub3A_3274 = arith.subi %broadcast_in_dim3A_3270, %shift_right_arithmetic3A_3273 : vector<16xi32>
    %bitcast3A_3275 = vector.bitcast %sub3A_3274 : vector<16xi32> to vector<16xf32>
    %mul3A_3276 = arith.constant 5.000000e-01 : f32
    %mul3A_3277 = vector.broadcast %mul3A_3276 : f32 to vector<16xf32>
    %mul3A_3278 = arith.mulf %mul3A_3277, %add3A_3267 : vector<16xf32>
    %mul3A_3279 = arith.mulf %mul3A_3278, %bitcast3A_3275 : vector<16xf32>
    %mul3A_3280 = arith.mulf %mul3A_3279, %bitcast3A_3275 : vector<16xf32>
    %sub3A_3281 = arith.constant 1.500000e+00 : f32
    %sub3A_3282 = vector.broadcast %sub3A_3281 : f32 to vector<16xf32>
    %sub3A_3283 = arith.subf %sub3A_3282, %mul3A_3280 : vector<16xf32>
    %mul3A_3284 = arith.mulf %bitcast3A_3275, %sub3A_3283 : vector<16xf32>
    %mul3A_3285 = arith.constant 5.000000e-01 : f32
    %mul3A_3286 = vector.broadcast %mul3A_3285 : f32 to vector<16xf32>
    %mul3A_3287 = arith.mulf %mul3A_3286, %add3A_3267 : vector<16xf32>
    %mul3A_3288 = arith.mulf %mul3A_3287, %mul3A_3284 : vector<16xf32>
    %mul3A_3289 = arith.mulf %mul3A_3288, %mul3A_3284 : vector<16xf32>
    %sub3A_3290 = arith.constant 1.500000e+00 : f32
    %sub3A_3291 = vector.broadcast %sub3A_3290 : f32 to vector<16xf32>
    %sub3A_3292 = arith.subf %sub3A_3291, %mul3A_3289 : vector<16xf32>
    %mul3A_3293 = arith.mulf %mul3A_3284, %sub3A_3292 : vector<16xf32>
    %mul3A_3294 = arith.constant 5.000000e-01 : f32
    %mul3A_3295 = vector.broadcast %mul3A_3294 : f32 to vector<16xf32>
    %mul3A_3296 = arith.mulf %mul3A_3295, %add3A_3267 : vector<16xf32>
    %mul3A_3297 = arith.mulf %mul3A_3296, %mul3A_3293 : vector<16xf32>
    %mul3A_3298 = arith.mulf %mul3A_3297, %mul3A_3293 : vector<16xf32>
    %sub3A_3299 = arith.constant 1.500000e+00 : f32
    %sub3A_3300 = vector.broadcast %sub3A_3299 : f32 to vector<16xf32>
    %sub3A_3301 = arith.subf %sub3A_3300, %mul3A_3298 : vector<16xf32>
    %mul3A_3302 = arith.mulf %mul3A_3293, %sub3A_3301 : vector<16xf32>
    %mul3A_3303 = arith.mulf %add3A_3267, %mul3A_3302 : vector<16xf32>
    %jit3A_3304 = arith.constant 0.000000e+00 : f32
    %broadcast_in_dim3A_3305 = vector.broadcast %jit3A_3304 : f32 to vector<16xf32>
    %select_n3A_3306 = arith.select %and3A_2361, %mul3A_3303, %broadcast_in_dim3A_3305 : vector<16xi1>, vector<16xf32>
    %add3A_3307 = arith.addf %add3A_3253, %select_n3A_3306 : vector<16xf32>
    %mul3A_3308 = arith.constant 6.400000e-01 : f32
    %mul3A_3309 = vector.broadcast %mul3A_3308 : f32 to vector<16xf32>
    %mul3A_3310 = arith.mulf %mul3A_3309, %add3A_3307 : vector<16xf32>
    %add3A_3311 = arith.addf %add3A_3005, %mul3A_3310 : vector<16xf32>
    %dma_wait3A_3312 = arith.constant 6 : i32
    %dma_wait3A_3313 = arith.constant 6 : i32
    %dma_wait3A_3314 = arith.constant 6 : i32
    %dma_wait3A_3315 = arith.constant 0 : i32
    %dma_wait3A_3316 = arith.constant 0 : i32
    %dma_wait3A_3317 = tpu.memref_slice %arg8[%dma_wait3A_3313, %dma_wait3A_3315, %dma_wait3A_3316] : memref<10x80x16xf32, #tpu.memory_space<vmem>> -> memref<1x72x16xf32, #tpu.memory_space<vmem>>
    %dma_wait3A_3318 = tpu.memref_squeeze %dma_wait3A_3317 : memref<1x72x16xf32, #tpu.memory_space<vmem>> -> memref<72x16xf32, #tpu.memory_space<vmem>>
    %dma_wait3A_3319 = arith.constant 0 : i32
    %dma_wait3A_3320 = tpu.memref_slice %arg7[%dma_wait3A_3312, %dma_wait3A_3319] : memref<10x80xi32, #tpu.memory_space<vmem>> -> memref<1x72xi32, #tpu.memory_space<vmem>>
    %dma_wait3A_3321 = tpu.memref_squeeze %dma_wait3A_3320 : memref<1x72xi32, #tpu.memory_space<vmem>> -> memref<72xi32, #tpu.memory_space<vmem>>
    %dma_wait3A_3322 = arith.constant 0 : i32
    %dma_wait3A_3323 = arith.constant 0 : i32
    %dma_wait3A_3324 = tpu.memref_slice %arg2[%dma_wait3A_3322, %dma_wait3A_3323] : memref<368640x16xf32, #tpu.memory_space<hbm>> -> memref<368640x16xf32, #tpu.memory_space<hbm>>
    %dma_wait3A_3325 = tpu.memref_slice %arg10[%dma_wait3A_3314] : memref<10x!tpu.dma_semaphore, #tpu.memory_space<semaphore_mem>> -> memref<1x!tpu.dma_semaphore, #tpu.memory_space<semaphore_mem>>
    %dma_wait3A_3326 = tpu.memref_squeeze %dma_wait3A_3325 : memref<1x!tpu.dma_semaphore, #tpu.memory_space<semaphore_mem>> -> memref<!tpu.dma_semaphore, #tpu.memory_space<semaphore_mem>>
    tpu.wait_indirect_dma semaphore(%dma_wait3A_3326 : memref<!tpu.dma_semaphore, #tpu.memory_space<semaphore_mem>>) src(%dma_wait3A_3324 : memref<368640x16xf32, #tpu.memory_space<hbm>>) dst(%dma_wait3A_3318 : memref<72x16xf32, #tpu.memory_space<vmem>>)
    %dma_wait3A_3327 = arith.constant 7 : i32
    %dma_wait3A_3328 = arith.constant 7 : i32
    %dma_wait3A_3329 = arith.constant 7 : i32
    %dma_wait3A_3330 = arith.constant 0 : i32
    %dma_wait3A_3331 = arith.constant 0 : i32
    %dma_wait3A_3332 = tpu.memref_slice %arg8[%dma_wait3A_3328, %dma_wait3A_3330, %dma_wait3A_3331] : memref<10x80x16xf32, #tpu.memory_space<vmem>> -> memref<1x72x16xf32, #tpu.memory_space<vmem>>
    %dma_wait3A_3333 = tpu.memref_squeeze %dma_wait3A_3332 : memref<1x72x16xf32, #tpu.memory_space<vmem>> -> memref<72x16xf32, #tpu.memory_space<vmem>>
    %dma_wait3A_3334 = arith.constant 0 : i32
    %dma_wait3A_3335 = tpu.memref_slice %arg7[%dma_wait3A_3327, %dma_wait3A_3334] : memref<10x80xi32, #tpu.memory_space<vmem>> -> memref<1x72xi32, #tpu.memory_space<vmem>>
    %dma_wait3A_3336 = tpu.memref_squeeze %dma_wait3A_3335 : memref<1x72xi32, #tpu.memory_space<vmem>> -> memref<72xi32, #tpu.memory_space<vmem>>
    %dma_wait3A_3337 = arith.constant 0 : i32
    %dma_wait3A_3338 = arith.constant 0 : i32
    %dma_wait3A_3339 = tpu.memref_slice %arg2[%dma_wait3A_3337, %dma_wait3A_3338] : memref<368640x16xf32, #tpu.memory_space<hbm>> -> memref<368640x16xf32, #tpu.memory_space<hbm>>
    %dma_wait3A_3340 = tpu.memref_slice %arg10[%dma_wait3A_3329] : memref<10x!tpu.dma_semaphore, #tpu.memory_space<semaphore_mem>> -> memref<1x!tpu.dma_semaphore, #tpu.memory_space<semaphore_mem>>
    %dma_wait3A_3341 = tpu.memref_squeeze %dma_wait3A_3340 : memref<1x!tpu.dma_semaphore, #tpu.memory_space<semaphore_mem>> -> memref<!tpu.dma_semaphore, #tpu.memory_space<semaphore_mem>>
    tpu.wait_indirect_dma semaphore(%dma_wait3A_3341 : memref<!tpu.dma_semaphore, #tpu.memory_space<semaphore_mem>>) src(%dma_wait3A_3339 : memref<368640x16xf32, #tpu.memory_space<hbm>>) dst(%dma_wait3A_3333 : memref<72x16xf32, #tpu.memory_space<vmem>>)
    %broadcast_in_dim3A_3342 = arith.constant 0.000000e+00 : f32
    %broadcast_in_dim3A_3343 = vector.broadcast %broadcast_in_dim3A_3342 : f32 to vector<16xf32>
    %add3A_3344 = arith.constant 0 : i32
    %add3A_3345 = vector.broadcast %add3A_3344 : i32 to vector<16xi32>
    %add3A_3346 = arith.addi %iota3A, %add3A_3345 : vector<16xi32>
    %broadcast_in_dim3A_3347 = arith.constant 6 : i32
    %broadcast_in_dim3A_3348 = vector.broadcast %broadcast_in_dim3A_3347 : i32 to vector<16xi32>
    %gather3A_3349 = tpu.vector_load_idx %arg8[%broadcast_in_dim3A_3348, %add3A_3346, %select_n3A_123] : memref<10x80x16xf32, #tpu.memory_space<vmem>>[vector<16xi32>, vector<16xi32>, vector<16xi32>], vector<16xf32>,
    %broadcast_in_dim3A_3350 = arith.constant 7 : i32
    %broadcast_in_dim3A_3351 = vector.broadcast %broadcast_in_dim3A_3350 : i32 to vector<16xi32>
    %gather3A_3352 = tpu.vector_load_idx %arg8[%broadcast_in_dim3A_3351, %add3A_3346, %select_n3A_123] : memref<10x80x16xf32, #tpu.memory_space<vmem>>[vector<16xi32>, vector<16xi32>, vector<16xi32>], vector<16xf32>,
    %sub3A_3353 = arith.subf %gather3A_3349, %convert_element_type3A : vector<16xf32>
    %sub3A_3354 = arith.subf %gather3A_3352, %convert_element_type3A_101 : vector<16xf32>
    %mul3A_3355 = arith.mulf %sub3A_3353, %sub3A_3353 : vector<16xf32>
    %mul3A_3356 = arith.mulf %sub3A_3354, %sub3A_3354 : vector<16xf32>
    %add3A_3357 = arith.addf %mul3A_3355, %mul3A_3356 : vector<16xf32>
    %bitcast3A_3358 = vector.bitcast %add3A_3357 : vector<16xf32> to vector<16xi32>
    %broadcast_in_dim3A_3359 = arith.constant 1597463007 : i32
    %broadcast_in_dim3A_3360 = vector.broadcast %broadcast_in_dim3A_3359 : i32 to vector<16xi32>
    %shift_right_arithmetic3A_3361 = arith.constant 1 : i32
    %shift_right_arithmetic3A_3362 = vector.broadcast %shift_right_arithmetic3A_3361 : i32 to vector<16xi32>
    %shift_right_arithmetic3A_3363 = arith.shrsi %bitcast3A_3358, %shift_right_arithmetic3A_3362 : vector<16xi32>
    %sub3A_3364 = arith.subi %broadcast_in_dim3A_3360, %shift_right_arithmetic3A_3363 : vector<16xi32>
    %bitcast3A_3365 = vector.bitcast %sub3A_3364 : vector<16xi32> to vector<16xf32>
    %mul3A_3366 = arith.constant 5.000000e-01 : f32
    %mul3A_3367 = vector.broadcast %mul3A_3366 : f32 to vector<16xf32>
    %mul3A_3368 = arith.mulf %mul3A_3367, %add3A_3357 : vector<16xf32>
    %mul3A_3369 = arith.mulf %mul3A_3368, %bitcast3A_3365 : vector<16xf32>
    %mul3A_3370 = arith.mulf %mul3A_3369, %bitcast3A_3365 : vector<16xf32>
    %sub3A_3371 = arith.constant 1.500000e+00 : f32
    %sub3A_3372 = vector.broadcast %sub3A_3371 : f32 to vector<16xf32>
    %sub3A_3373 = arith.subf %sub3A_3372, %mul3A_3370 : vector<16xf32>
    %mul3A_3374 = arith.mulf %bitcast3A_3365, %sub3A_3373 : vector<16xf32>
    %mul3A_3375 = arith.constant 5.000000e-01 : f32
    %mul3A_3376 = vector.broadcast %mul3A_3375 : f32 to vector<16xf32>
    %mul3A_3377 = arith.mulf %mul3A_3376, %add3A_3357 : vector<16xf32>
    %mul3A_3378 = arith.mulf %mul3A_3377, %mul3A_3374 : vector<16xf32>
    %mul3A_3379 = arith.mulf %mul3A_3378, %mul3A_3374 : vector<16xf32>
    %sub3A_3380 = arith.constant 1.500000e+00 : f32
    %sub3A_3381 = vector.broadcast %sub3A_3380 : f32 to vector<16xf32>
    %sub3A_3382 = arith.subf %sub3A_3381, %mul3A_3379 : vector<16xf32>
    %mul3A_3383 = arith.mulf %mul3A_3374, %sub3A_3382 : vector<16xf32>
    %mul3A_3384 = arith.constant 5.000000e-01 : f32
    %mul3A_3385 = vector.broadcast %mul3A_3384 : f32 to vector<16xf32>
    %mul3A_3386 = arith.mulf %mul3A_3385, %add3A_3357 : vector<16xf32>
    %mul3A_3387 = arith.mulf %mul3A_3386, %mul3A_3383 : vector<16xf32>
    %mul3A_3388 = arith.mulf %mul3A_3387, %mul3A_3383 : vector<16xf32>
    %sub3A_3389 = arith.constant 1.500000e+00 : f32
    %sub3A_3390 = vector.broadcast %sub3A_3389 : f32 to vector<16xf32>
    %sub3A_3391 = arith.subf %sub3A_3390, %mul3A_3388 : vector<16xf32>
    %mul3A_3392 = arith.mulf %mul3A_3383, %sub3A_3391 : vector<16xf32>
    %mul3A_3393 = arith.mulf %add3A_3357, %mul3A_3392 : vector<16xf32>
    %jit3A_3394 = arith.constant 0.000000e+00 : f32
    %broadcast_in_dim3A_3395 = vector.broadcast %jit3A_3394 : f32 to vector<16xf32>
    %select_n3A_3396 = arith.select %and3A_2345, %mul3A_3393, %broadcast_in_dim3A_3395 : vector<16xi1>, vector<16xf32>
    %add3A_3397 = arith.addf %broadcast_in_dim3A_3343, %select_n3A_3396 : vector<16xf32>
    %add3A_3398 = arith.constant 16 : i32
    %add3A_3399 = vector.broadcast %add3A_3398 : i32 to vector<16xi32>
    %add3A_3400 = arith.addi %iota3A, %add3A_3399 : vector<16xi32>
    %broadcast_in_dim3A_3401 = arith.constant 6 : i32
    %broadcast_in_dim3A_3402 = vector.broadcast %broadcast_in_dim3A_3401 : i32 to vector<16xi32>
    %gather3A_3403 = tpu.vector_load_idx %arg8[%broadcast_in_dim3A_3402, %add3A_3400, %select_n3A_266] : memref<10x80x16xf32, #tpu.memory_space<vmem>>[vector<16xi32>, vector<16xi32>, vector<16xi32>], vector<16xf32>,
    %broadcast_in_dim3A_3404 = arith.constant 7 : i32
    %broadcast_in_dim3A_3405 = vector.broadcast %broadcast_in_dim3A_3404 : i32 to vector<16xi32>
    %gather3A_3406 = tpu.vector_load_idx %arg8[%broadcast_in_dim3A_3405, %add3A_3400, %select_n3A_266] : memref<10x80x16xf32, #tpu.memory_space<vmem>>[vector<16xi32>, vector<16xi32>, vector<16xi32>], vector<16xf32>,
    %sub3A_3407 = arith.subf %gather3A_3403, %convert_element_type3A_241 : vector<16xf32>
    %sub3A_3408 = arith.subf %gather3A_3406, %convert_element_type3A_243 : vector<16xf32>
    %mul3A_3409 = arith.mulf %sub3A_3407, %sub3A_3407 : vector<16xf32>
    %mul3A_3410 = arith.mulf %sub3A_3408, %sub3A_3408 : vector<16xf32>
    %add3A_3411 = arith.addf %mul3A_3409, %mul3A_3410 : vector<16xf32>
    %bitcast3A_3412 = vector.bitcast %add3A_3411 : vector<16xf32> to vector<16xi32>
    %broadcast_in_dim3A_3413 = arith.constant 1597463007 : i32
    %broadcast_in_dim3A_3414 = vector.broadcast %broadcast_in_dim3A_3413 : i32 to vector<16xi32>
    %shift_right_arithmetic3A_3415 = arith.constant 1 : i32
    %shift_right_arithmetic3A_3416 = vector.broadcast %shift_right_arithmetic3A_3415 : i32 to vector<16xi32>
    %shift_right_arithmetic3A_3417 = arith.shrsi %bitcast3A_3412, %shift_right_arithmetic3A_3416 : vector<16xi32>
    %sub3A_3418 = arith.subi %broadcast_in_dim3A_3414, %shift_right_arithmetic3A_3417 : vector<16xi32>
    %bitcast3A_3419 = vector.bitcast %sub3A_3418 : vector<16xi32> to vector<16xf32>
    %mul3A_3420 = arith.constant 5.000000e-01 : f32
    %mul3A_3421 = vector.broadcast %mul3A_3420 : f32 to vector<16xf32>
    %mul3A_3422 = arith.mulf %mul3A_3421, %add3A_3411 : vector<16xf32>
    %mul3A_3423 = arith.mulf %mul3A_3422, %bitcast3A_3419 : vector<16xf32>
    %mul3A_3424 = arith.mulf %mul3A_3423, %bitcast3A_3419 : vector<16xf32>
    %sub3A_3425 = arith.constant 1.500000e+00 : f32
    %sub3A_3426 = vector.broadcast %sub3A_3425 : f32 to vector<16xf32>
    %sub3A_3427 = arith.subf %sub3A_3426, %mul3A_3424 : vector<16xf32>
    %mul3A_3428 = arith.mulf %bitcast3A_3419, %sub3A_3427 : vector<16xf32>
    %mul3A_3429 = arith.constant 5.000000e-01 : f32
    %mul3A_3430 = vector.broadcast %mul3A_3429 : f32 to vector<16xf32>
    %mul3A_3431 = arith.mulf %mul3A_3430, %add3A_3411 : vector<16xf32>
    %mul3A_3432 = arith.mulf %mul3A_3431, %mul3A_3428 : vector<16xf32>
    %mul3A_3433 = arith.mulf %mul3A_3432, %mul3A_3428 : vector<16xf32>
    %sub3A_3434 = arith.constant 1.500000e+00 : f32
    %sub3A_3435 = vector.broadcast %sub3A_3434 : f32 to vector<16xf32>
    %sub3A_3436 = arith.subf %sub3A_3435, %mul3A_3433 : vector<16xf32>
    %mul3A_3437 = arith.mulf %mul3A_3428, %sub3A_3436 : vector<16xf32>
    %mul3A_3438 = arith.constant 5.000000e-01 : f32
    %mul3A_3439 = vector.broadcast %mul3A_3438 : f32 to vector<16xf32>
    %mul3A_3440 = arith.mulf %mul3A_3439, %add3A_3411 : vector<16xf32>
    %mul3A_3441 = arith.mulf %mul3A_3440, %mul3A_3437 : vector<16xf32>
    %mul3A_3442 = arith.mulf %mul3A_3441, %mul3A_3437 : vector<16xf32>
    %sub3A_3443 = arith.constant 1.500000e+00 : f32
    %sub3A_3444 = vector.broadcast %sub3A_3443 : f32 to vector<16xf32>
    %sub3A_3445 = arith.subf %sub3A_3444, %mul3A_3442 : vector<16xf32>
    %mul3A_3446 = arith.mulf %mul3A_3437, %sub3A_3445 : vector<16xf32>
    %mul3A_3447 = arith.mulf %add3A_3411, %mul3A_3446 : vector<16xf32>
    %jit3A_3448 = arith.constant 0.000000e+00 : f32
    %broadcast_in_dim3A_3449 = vector.broadcast %jit3A_3448 : f32 to vector<16xf32>
    %select_n3A_3450 = arith.select %and3A_2349, %mul3A_3447, %broadcast_in_dim3A_3449 : vector<16xi1>, vector<16xf32>
    %add3A_3451 = arith.addf %add3A_3397, %select_n3A_3450 : vector<16xf32>
    %add3A_3452 = arith.constant 32 : i32
    %add3A_3453 = vector.broadcast %add3A_3452 : i32 to vector<16xi32>
    %add3A_3454 = arith.addi %iota3A, %add3A_3453 : vector<16xi32>
    %broadcast_in_dim3A_3455 = arith.constant 6 : i32
    %broadcast_in_dim3A_3456 = vector.broadcast %broadcast_in_dim3A_3455 : i32 to vector<16xi32>
    %gather3A_3457 = tpu.vector_load_idx %arg8[%broadcast_in_dim3A_3456, %add3A_3454, %select_n3A_409] : memref<10x80x16xf32, #tpu.memory_space<vmem>>[vector<16xi32>, vector<16xi32>, vector<16xi32>], vector<16xf32>,
    %broadcast_in_dim3A_3458 = arith.constant 7 : i32
    %broadcast_in_dim3A_3459 = vector.broadcast %broadcast_in_dim3A_3458 : i32 to vector<16xi32>
    %gather3A_3460 = tpu.vector_load_idx %arg8[%broadcast_in_dim3A_3459, %add3A_3454, %select_n3A_409] : memref<10x80x16xf32, #tpu.memory_space<vmem>>[vector<16xi32>, vector<16xi32>, vector<16xi32>], vector<16xf32>,
    %sub3A_3461 = arith.subf %gather3A_3457, %convert_element_type3A_384 : vector<16xf32>
    %sub3A_3462 = arith.subf %gather3A_3460, %convert_element_type3A_386 : vector<16xf32>
    %mul3A_3463 = arith.mulf %sub3A_3461, %sub3A_3461 : vector<16xf32>
    %mul3A_3464 = arith.mulf %sub3A_3462, %sub3A_3462 : vector<16xf32>
    %add3A_3465 = arith.addf %mul3A_3463, %mul3A_3464 : vector<16xf32>
    %bitcast3A_3466 = vector.bitcast %add3A_3465 : vector<16xf32> to vector<16xi32>
    %broadcast_in_dim3A_3467 = arith.constant 1597463007 : i32
    %broadcast_in_dim3A_3468 = vector.broadcast %broadcast_in_dim3A_3467 : i32 to vector<16xi32>
    %shift_right_arithmetic3A_3469 = arith.constant 1 : i32
    %shift_right_arithmetic3A_3470 = vector.broadcast %shift_right_arithmetic3A_3469 : i32 to vector<16xi32>
    %shift_right_arithmetic3A_3471 = arith.shrsi %bitcast3A_3466, %shift_right_arithmetic3A_3470 : vector<16xi32>
    %sub3A_3472 = arith.subi %broadcast_in_dim3A_3468, %shift_right_arithmetic3A_3471 : vector<16xi32>
    %bitcast3A_3473 = vector.bitcast %sub3A_3472 : vector<16xi32> to vector<16xf32>
    %mul3A_3474 = arith.constant 5.000000e-01 : f32
    %mul3A_3475 = vector.broadcast %mul3A_3474 : f32 to vector<16xf32>
    %mul3A_3476 = arith.mulf %mul3A_3475, %add3A_3465 : vector<16xf32>
    %mul3A_3477 = arith.mulf %mul3A_3476, %bitcast3A_3473 : vector<16xf32>
    %mul3A_3478 = arith.mulf %mul3A_3477, %bitcast3A_3473 : vector<16xf32>
    %sub3A_3479 = arith.constant 1.500000e+00 : f32
    %sub3A_3480 = vector.broadcast %sub3A_3479 : f32 to vector<16xf32>
    %sub3A_3481 = arith.subf %sub3A_3480, %mul3A_3478 : vector<16xf32>
    %mul3A_3482 = arith.mulf %bitcast3A_3473, %sub3A_3481 : vector<16xf32>
    %mul3A_3483 = arith.constant 5.000000e-01 : f32
    %mul3A_3484 = vector.broadcast %mul3A_3483 : f32 to vector<16xf32>
    %mul3A_3485 = arith.mulf %mul3A_3484, %add3A_3465 : vector<16xf32>
    %mul3A_3486 = arith.mulf %mul3A_3485, %mul3A_3482 : vector<16xf32>
    %mul3A_3487 = arith.mulf %mul3A_3486, %mul3A_3482 : vector<16xf32>
    %sub3A_3488 = arith.constant 1.500000e+00 : f32
    %sub3A_3489 = vector.broadcast %sub3A_3488 : f32 to vector<16xf32>
    %sub3A_3490 = arith.subf %sub3A_3489, %mul3A_3487 : vector<16xf32>
    %mul3A_3491 = arith.mulf %mul3A_3482, %sub3A_3490 : vector<16xf32>
    %mul3A_3492 = arith.constant 5.000000e-01 : f32
    %mul3A_3493 = vector.broadcast %mul3A_3492 : f32 to vector<16xf32>
    %mul3A_3494 = arith.mulf %mul3A_3493, %add3A_3465 : vector<16xf32>
    %mul3A_3495 = arith.mulf %mul3A_3494, %mul3A_3491 : vector<16xf32>
    %mul3A_3496 = arith.mulf %mul3A_3495, %mul3A_3491 : vector<16xf32>
    %sub3A_3497 = arith.constant 1.500000e+00 : f32
    %sub3A_3498 = vector.broadcast %sub3A_3497 : f32 to vector<16xf32>
    %sub3A_3499 = arith.subf %sub3A_3498, %mul3A_3496 : vector<16xf32>
    %mul3A_3500 = arith.mulf %mul3A_3491, %sub3A_3499 : vector<16xf32>
    %mul3A_3501 = arith.mulf %add3A_3465, %mul3A_3500 : vector<16xf32>
    %jit3A_3502 = arith.constant 0.000000e+00 : f32
    %broadcast_in_dim3A_3503 = vector.broadcast %jit3A_3502 : f32 to vector<16xf32>
    %select_n3A_3504 = arith.select %and3A_2353, %mul3A_3501, %broadcast_in_dim3A_3503 : vector<16xi1>, vector<16xf32>
    %add3A_3505 = arith.addf %add3A_3451, %select_n3A_3504 : vector<16xf32>
    %add3A_3506 = arith.constant 48 : i32
    %add3A_3507 = vector.broadcast %add3A_3506 : i32 to vector<16xi32>
    %add3A_3508 = arith.addi %iota3A, %add3A_3507 : vector<16xi32>
    %broadcast_in_dim3A_3509 = arith.constant 6 : i32
    %broadcast_in_dim3A_3510 = vector.broadcast %broadcast_in_dim3A_3509 : i32 to vector<16xi32>
    %gather3A_3511 = tpu.vector_load_idx %arg8[%broadcast_in_dim3A_3510, %add3A_3508, %select_n3A_552] : memref<10x80x16xf32, #tpu.memory_space<vmem>>[vector<16xi32>, vector<16xi32>, vector<16xi32>], vector<16xf32>,
    %broadcast_in_dim3A_3512 = arith.constant 7 : i32
    %broadcast_in_dim3A_3513 = vector.broadcast %broadcast_in_dim3A_3512 : i32 to vector<16xi32>
    %gather3A_3514 = tpu.vector_load_idx %arg8[%broadcast_in_dim3A_3513, %add3A_3508, %select_n3A_552] : memref<10x80x16xf32, #tpu.memory_space<vmem>>[vector<16xi32>, vector<16xi32>, vector<16xi32>], vector<16xf32>,
    %sub3A_3515 = arith.subf %gather3A_3511, %convert_element_type3A_527 : vector<16xf32>
    %sub3A_3516 = arith.subf %gather3A_3514, %convert_element_type3A_529 : vector<16xf32>
    %mul3A_3517 = arith.mulf %sub3A_3515, %sub3A_3515 : vector<16xf32>
    %mul3A_3518 = arith.mulf %sub3A_3516, %sub3A_3516 : vector<16xf32>
    %add3A_3519 = arith.addf %mul3A_3517, %mul3A_3518 : vector<16xf32>
    %bitcast3A_3520 = vector.bitcast %add3A_3519 : vector<16xf32> to vector<16xi32>
    %broadcast_in_dim3A_3521 = arith.constant 1597463007 : i32
    %broadcast_in_dim3A_3522 = vector.broadcast %broadcast_in_dim3A_3521 : i32 to vector<16xi32>
    %shift_right_arithmetic3A_3523 = arith.constant 1 : i32
    %shift_right_arithmetic3A_3524 = vector.broadcast %shift_right_arithmetic3A_3523 : i32 to vector<16xi32>
    %shift_right_arithmetic3A_3525 = arith.shrsi %bitcast3A_3520, %shift_right_arithmetic3A_3524 : vector<16xi32>
    %sub3A_3526 = arith.subi %broadcast_in_dim3A_3522, %shift_right_arithmetic3A_3525 : vector<16xi32>
    %bitcast3A_3527 = vector.bitcast %sub3A_3526 : vector<16xi32> to vector<16xf32>
    %mul3A_3528 = arith.constant 5.000000e-01 : f32
    %mul3A_3529 = vector.broadcast %mul3A_3528 : f32 to vector<16xf32>
    %mul3A_3530 = arith.mulf %mul3A_3529, %add3A_3519 : vector<16xf32>
    %mul3A_3531 = arith.mulf %mul3A_3530, %bitcast3A_3527 : vector<16xf32>
    %mul3A_3532 = arith.mulf %mul3A_3531, %bitcast3A_3527 : vector<16xf32>
    %sub3A_3533 = arith.constant 1.500000e+00 : f32
    %sub3A_3534 = vector.broadcast %sub3A_3533 : f32 to vector<16xf32>
    %sub3A_3535 = arith.subf %sub3A_3534, %mul3A_3532 : vector<16xf32>
    %mul3A_3536 = arith.mulf %bitcast3A_3527, %sub3A_3535 : vector<16xf32>
    %mul3A_3537 = arith.constant 5.000000e-01 : f32
    %mul3A_3538 = vector.broadcast %mul3A_3537 : f32 to vector<16xf32>
    %mul3A_3539 = arith.mulf %mul3A_3538, %add3A_3519 : vector<16xf32>
    %mul3A_3540 = arith.mulf %mul3A_3539, %mul3A_3536 : vector<16xf32>
    %mul3A_3541 = arith.mulf %mul3A_3540, %mul3A_3536 : vector<16xf32>
    %sub3A_3542 = arith.constant 1.500000e+00 : f32
    %sub3A_3543 = vector.broadcast %sub3A_3542 : f32 to vector<16xf32>
    %sub3A_3544 = arith.subf %sub3A_3543, %mul3A_3541 : vector<16xf32>
    %mul3A_3545 = arith.mulf %mul3A_3536, %sub3A_3544 : vector<16xf32>
    %mul3A_3546 = arith.constant 5.000000e-01 : f32
    %mul3A_3547 = vector.broadcast %mul3A_3546 : f32 to vector<16xf32>
    %mul3A_3548 = arith.mulf %mul3A_3547, %add3A_3519 : vector<16xf32>
    %mul3A_3549 = arith.mulf %mul3A_3548, %mul3A_3545 : vector<16xf32>
    %mul3A_3550 = arith.mulf %mul3A_3549, %mul3A_3545 : vector<16xf32>
    %sub3A_3551 = arith.constant 1.500000e+00 : f32
    %sub3A_3552 = vector.broadcast %sub3A_3551 : f32 to vector<16xf32>
    %sub3A_3553 = arith.subf %sub3A_3552, %mul3A_3550 : vector<16xf32>
    %mul3A_3554 = arith.mulf %mul3A_3545, %sub3A_3553 : vector<16xf32>
    %mul3A_3555 = arith.mulf %add3A_3519, %mul3A_3554 : vector<16xf32>
    %jit3A_3556 = arith.constant 0.000000e+00 : f32
    %broadcast_in_dim3A_3557 = vector.broadcast %jit3A_3556 : f32 to vector<16xf32>
    %select_n3A_3558 = arith.select %and3A_2357, %mul3A_3555, %broadcast_in_dim3A_3557 : vector<16xi1>, vector<16xf32>
    %add3A_3559 = arith.addf %add3A_3505, %select_n3A_3558 : vector<16xf32>
    %add3A_3560 = arith.constant 64 : i32
    %add3A_3561 = vector.broadcast %add3A_3560 : i32 to vector<16xi32>
    %add3A_3562 = arith.addi %iota3A, %add3A_3561 : vector<16xi32>
    %broadcast_in_dim3A_3563 = arith.constant 6 : i32
    %broadcast_in_dim3A_3564 = vector.broadcast %broadcast_in_dim3A_3563 : i32 to vector<16xi32>
    %gather3A_3565 = tpu.vector_load_idx %arg8[%broadcast_in_dim3A_3564, %add3A_3562, %select_n3A_695] : memref<10x80x16xf32, #tpu.memory_space<vmem>>[vector<16xi32>, vector<16xi32>, vector<16xi32>], vector<16xf32>,
    %broadcast_in_dim3A_3566 = arith.constant 7 : i32
    %broadcast_in_dim3A_3567 = vector.broadcast %broadcast_in_dim3A_3566 : i32 to vector<16xi32>
    %gather3A_3568 = tpu.vector_load_idx %arg8[%broadcast_in_dim3A_3567, %add3A_3562, %select_n3A_695] : memref<10x80x16xf32, #tpu.memory_space<vmem>>[vector<16xi32>, vector<16xi32>, vector<16xi32>], vector<16xf32>,
    %sub3A_3569 = arith.subf %gather3A_3565, %convert_element_type3A_670 : vector<16xf32>
    %sub3A_3570 = arith.subf %gather3A_3568, %convert_element_type3A_672 : vector<16xf32>
    %mul3A_3571 = arith.mulf %sub3A_3569, %sub3A_3569 : vector<16xf32>
    %mul3A_3572 = arith.mulf %sub3A_3570, %sub3A_3570 : vector<16xf32>
    %add3A_3573 = arith.addf %mul3A_3571, %mul3A_3572 : vector<16xf32>
    %bitcast3A_3574 = vector.bitcast %add3A_3573 : vector<16xf32> to vector<16xi32>
    %broadcast_in_dim3A_3575 = arith.constant 1597463007 : i32
    %broadcast_in_dim3A_3576 = vector.broadcast %broadcast_in_dim3A_3575 : i32 to vector<16xi32>
    %shift_right_arithmetic3A_3577 = arith.constant 1 : i32
    %shift_right_arithmetic3A_3578 = vector.broadcast %shift_right_arithmetic3A_3577 : i32 to vector<16xi32>
    %shift_right_arithmetic3A_3579 = arith.shrsi %bitcast3A_3574, %shift_right_arithmetic3A_3578 : vector<16xi32>
    %sub3A_3580 = arith.subi %broadcast_in_dim3A_3576, %shift_right_arithmetic3A_3579 : vector<16xi32>
    %bitcast3A_3581 = vector.bitcast %sub3A_3580 : vector<16xi32> to vector<16xf32>
    %mul3A_3582 = arith.constant 5.000000e-01 : f32
    %mul3A_3583 = vector.broadcast %mul3A_3582 : f32 to vector<16xf32>
    %mul3A_3584 = arith.mulf %mul3A_3583, %add3A_3573 : vector<16xf32>
    %mul3A_3585 = arith.mulf %mul3A_3584, %bitcast3A_3581 : vector<16xf32>
    %mul3A_3586 = arith.mulf %mul3A_3585, %bitcast3A_3581 : vector<16xf32>
    %sub3A_3587 = arith.constant 1.500000e+00 : f32
    %sub3A_3588 = vector.broadcast %sub3A_3587 : f32 to vector<16xf32>
    %sub3A_3589 = arith.subf %sub3A_3588, %mul3A_3586 : vector<16xf32>
    %mul3A_3590 = arith.mulf %bitcast3A_3581, %sub3A_3589 : vector<16xf32>
    %mul3A_3591 = arith.constant 5.000000e-01 : f32
    %mul3A_3592 = vector.broadcast %mul3A_3591 : f32 to vector<16xf32>
    %mul3A_3593 = arith.mulf %mul3A_3592, %add3A_3573 : vector<16xf32>
    %mul3A_3594 = arith.mulf %mul3A_3593, %mul3A_3590 : vector<16xf32>
    %mul3A_3595 = arith.mulf %mul3A_3594, %mul3A_3590 : vector<16xf32>
    %sub3A_3596 = arith.constant 1.500000e+00 : f32
    %sub3A_3597 = vector.broadcast %sub3A_3596 : f32 to vector<16xf32>
    %sub3A_3598 = arith.subf %sub3A_3597, %mul3A_3595 : vector<16xf32>
    %mul3A_3599 = arith.mulf %mul3A_3590, %sub3A_3598 : vector<16xf32>
    %mul3A_3600 = arith.constant 5.000000e-01 : f32
    %mul3A_3601 = vector.broadcast %mul3A_3600 : f32 to vector<16xf32>
    %mul3A_3602 = arith.mulf %mul3A_3601, %add3A_3573 : vector<16xf32>
    %mul3A_3603 = arith.mulf %mul3A_3602, %mul3A_3599 : vector<16xf32>
    %mul3A_3604 = arith.mulf %mul3A_3603, %mul3A_3599 : vector<16xf32>
    %sub3A_3605 = arith.constant 1.500000e+00 : f32
    %sub3A_3606 = vector.broadcast %sub3A_3605 : f32 to vector<16xf32>
    %sub3A_3607 = arith.subf %sub3A_3606, %mul3A_3604 : vector<16xf32>
    %mul3A_3608 = arith.mulf %mul3A_3599, %sub3A_3607 : vector<16xf32>
    %mul3A_3609 = arith.mulf %add3A_3573, %mul3A_3608 : vector<16xf32>
    %jit3A_3610 = arith.constant 0.000000e+00 : f32
    %broadcast_in_dim3A_3611 = vector.broadcast %jit3A_3610 : f32 to vector<16xf32>
    %select_n3A_3612 = arith.select %and3A_2361, %mul3A_3609, %broadcast_in_dim3A_3611 : vector<16xi1>, vector<16xf32>
    %add3A_3613 = arith.addf %add3A_3559, %select_n3A_3612 : vector<16xf32>
    %mul3A_3614 = arith.constant 8.000000e-01 : f32
    %mul3A_3615 = vector.broadcast %mul3A_3614 : f32 to vector<16xf32>
    %mul3A_3616 = arith.mulf %mul3A_3615, %add3A_3613 : vector<16xf32>
    %add3A_3617 = arith.addf %add3A_3311, %mul3A_3616 : vector<16xf32>
    %dma_wait3A_3618 = arith.constant 8 : i32
    %dma_wait3A_3619 = arith.constant 8 : i32
    %dma_wait3A_3620 = arith.constant 8 : i32
    %dma_wait3A_3621 = arith.constant 0 : i32
    %dma_wait3A_3622 = arith.constant 0 : i32
    %dma_wait3A_3623 = tpu.memref_slice %arg8[%dma_wait3A_3619, %dma_wait3A_3621, %dma_wait3A_3622] : memref<10x80x16xf32, #tpu.memory_space<vmem>> -> memref<1x72x16xf32, #tpu.memory_space<vmem>>
    %dma_wait3A_3624 = tpu.memref_squeeze %dma_wait3A_3623 : memref<1x72x16xf32, #tpu.memory_space<vmem>> -> memref<72x16xf32, #tpu.memory_space<vmem>>
    %dma_wait3A_3625 = arith.constant 0 : i32
    %dma_wait3A_3626 = tpu.memref_slice %arg7[%dma_wait3A_3618, %dma_wait3A_3625] : memref<10x80xi32, #tpu.memory_space<vmem>> -> memref<1x72xi32, #tpu.memory_space<vmem>>
    %dma_wait3A_3627 = tpu.memref_squeeze %dma_wait3A_3626 : memref<1x72xi32, #tpu.memory_space<vmem>> -> memref<72xi32, #tpu.memory_space<vmem>>
    %dma_wait3A_3628 = arith.constant 0 : i32
    %dma_wait3A_3629 = arith.constant 0 : i32
    %dma_wait3A_3630 = tpu.memref_slice %arg2[%dma_wait3A_3628, %dma_wait3A_3629] : memref<368640x16xf32, #tpu.memory_space<hbm>> -> memref<368640x16xf32, #tpu.memory_space<hbm>>
    %dma_wait3A_3631 = tpu.memref_slice %arg10[%dma_wait3A_3620] : memref<10x!tpu.dma_semaphore, #tpu.memory_space<semaphore_mem>> -> memref<1x!tpu.dma_semaphore, #tpu.memory_space<semaphore_mem>>
    %dma_wait3A_3632 = tpu.memref_squeeze %dma_wait3A_3631 : memref<1x!tpu.dma_semaphore, #tpu.memory_space<semaphore_mem>> -> memref<!tpu.dma_semaphore, #tpu.memory_space<semaphore_mem>>
    tpu.wait_indirect_dma semaphore(%dma_wait3A_3632 : memref<!tpu.dma_semaphore, #tpu.memory_space<semaphore_mem>>) src(%dma_wait3A_3630 : memref<368640x16xf32, #tpu.memory_space<hbm>>) dst(%dma_wait3A_3624 : memref<72x16xf32, #tpu.memory_space<vmem>>)
    %dma_wait3A_3633 = arith.constant 9 : i32
    %dma_wait3A_3634 = arith.constant 9 : i32
    %dma_wait3A_3635 = arith.constant 9 : i32
    %dma_wait3A_3636 = arith.constant 0 : i32
    %dma_wait3A_3637 = arith.constant 0 : i32
    %dma_wait3A_3638 = tpu.memref_slice %arg8[%dma_wait3A_3634, %dma_wait3A_3636, %dma_wait3A_3637] : memref<10x80x16xf32, #tpu.memory_space<vmem>> -> memref<1x72x16xf32, #tpu.memory_space<vmem>>
    %dma_wait3A_3639 = tpu.memref_squeeze %dma_wait3A_3638 : memref<1x72x16xf32, #tpu.memory_space<vmem>> -> memref<72x16xf32, #tpu.memory_space<vmem>>
    %dma_wait3A_3640 = arith.constant 0 : i32
    %dma_wait3A_3641 = tpu.memref_slice %arg7[%dma_wait3A_3633, %dma_wait3A_3640] : memref<10x80xi32, #tpu.memory_space<vmem>> -> memref<1x72xi32, #tpu.memory_space<vmem>>
    %dma_wait3A_3642 = tpu.memref_squeeze %dma_wait3A_3641 : memref<1x72xi32, #tpu.memory_space<vmem>> -> memref<72xi32, #tpu.memory_space<vmem>>
    %dma_wait3A_3643 = arith.constant 0 : i32
    %dma_wait3A_3644 = arith.constant 0 : i32
    %dma_wait3A_3645 = tpu.memref_slice %arg2[%dma_wait3A_3643, %dma_wait3A_3644] : memref<368640x16xf32, #tpu.memory_space<hbm>> -> memref<368640x16xf32, #tpu.memory_space<hbm>>
    %dma_wait3A_3646 = tpu.memref_slice %arg10[%dma_wait3A_3635] : memref<10x!tpu.dma_semaphore, #tpu.memory_space<semaphore_mem>> -> memref<1x!tpu.dma_semaphore, #tpu.memory_space<semaphore_mem>>
    %dma_wait3A_3647 = tpu.memref_squeeze %dma_wait3A_3646 : memref<1x!tpu.dma_semaphore, #tpu.memory_space<semaphore_mem>> -> memref<!tpu.dma_semaphore, #tpu.memory_space<semaphore_mem>>
    tpu.wait_indirect_dma semaphore(%dma_wait3A_3647 : memref<!tpu.dma_semaphore, #tpu.memory_space<semaphore_mem>>) src(%dma_wait3A_3645 : memref<368640x16xf32, #tpu.memory_space<hbm>>) dst(%dma_wait3A_3639 : memref<72x16xf32, #tpu.memory_space<vmem>>)
    %broadcast_in_dim3A_3648 = arith.constant 0.000000e+00 : f32
    %broadcast_in_dim3A_3649 = vector.broadcast %broadcast_in_dim3A_3648 : f32 to vector<16xf32>
    %add3A_3650 = arith.constant 0 : i32
    %add3A_3651 = vector.broadcast %add3A_3650 : i32 to vector<16xi32>
    %add3A_3652 = arith.addi %iota3A, %add3A_3651 : vector<16xi32>
    %broadcast_in_dim3A_3653 = arith.constant 8 : i32
    %broadcast_in_dim3A_3654 = vector.broadcast %broadcast_in_dim3A_3653 : i32 to vector<16xi32>
    %gather3A_3655 = tpu.vector_load_idx %arg8[%broadcast_in_dim3A_3654, %add3A_3652, %select_n3A_123] : memref<10x80x16xf32, #tpu.memory_space<vmem>>[vector<16xi32>, vector<16xi32>, vector<16xi32>], vector<16xf32>,
    %broadcast_in_dim3A_3656 = arith.constant 9 : i32
    %broadcast_in_dim3A_3657 = vector.broadcast %broadcast_in_dim3A_3656 : i32 to vector<16xi32>
    %gather3A_3658 = tpu.vector_load_idx %arg8[%broadcast_in_dim3A_3657, %add3A_3652, %select_n3A_123] : memref<10x80x16xf32, #tpu.memory_space<vmem>>[vector<16xi32>, vector<16xi32>, vector<16xi32>], vector<16xf32>,
    %sub3A_3659 = arith.subf %gather3A_3655, %convert_element_type3A : vector<16xf32>
    %sub3A_3660 = arith.subf %gather3A_3658, %convert_element_type3A_101 : vector<16xf32>
    %mul3A_3661 = arith.mulf %sub3A_3659, %sub3A_3659 : vector<16xf32>
    %mul3A_3662 = arith.mulf %sub3A_3660, %sub3A_3660 : vector<16xf32>
    %add3A_3663 = arith.addf %mul3A_3661, %mul3A_3662 : vector<16xf32>
    %bitcast3A_3664 = vector.bitcast %add3A_3663 : vector<16xf32> to vector<16xi32>
    %broadcast_in_dim3A_3665 = arith.constant 1597463007 : i32
    %broadcast_in_dim3A_3666 = vector.broadcast %broadcast_in_dim3A_3665 : i32 to vector<16xi32>
    %shift_right_arithmetic3A_3667 = arith.constant 1 : i32
    %shift_right_arithmetic3A_3668 = vector.broadcast %shift_right_arithmetic3A_3667 : i32 to vector<16xi32>
    %shift_right_arithmetic3A_3669 = arith.shrsi %bitcast3A_3664, %shift_right_arithmetic3A_3668 : vector<16xi32>
    %sub3A_3670 = arith.subi %broadcast_in_dim3A_3666, %shift_right_arithmetic3A_3669 : vector<16xi32>
    %bitcast3A_3671 = vector.bitcast %sub3A_3670 : vector<16xi32> to vector<16xf32>
    %mul3A_3672 = arith.constant 5.000000e-01 : f32
    %mul3A_3673 = vector.broadcast %mul3A_3672 : f32 to vector<16xf32>
    %mul3A_3674 = arith.mulf %mul3A_3673, %add3A_3663 : vector<16xf32>
    %mul3A_3675 = arith.mulf %mul3A_3674, %bitcast3A_3671 : vector<16xf32>
    %mul3A_3676 = arith.mulf %mul3A_3675, %bitcast3A_3671 : vector<16xf32>
    %sub3A_3677 = arith.constant 1.500000e+00 : f32
    %sub3A_3678 = vector.broadcast %sub3A_3677 : f32 to vector<16xf32>
    %sub3A_3679 = arith.subf %sub3A_3678, %mul3A_3676 : vector<16xf32>
    %mul3A_3680 = arith.mulf %bitcast3A_3671, %sub3A_3679 : vector<16xf32>
    %mul3A_3681 = arith.constant 5.000000e-01 : f32
    %mul3A_3682 = vector.broadcast %mul3A_3681 : f32 to vector<16xf32>
    %mul3A_3683 = arith.mulf %mul3A_3682, %add3A_3663 : vector<16xf32>
    %mul3A_3684 = arith.mulf %mul3A_3683, %mul3A_3680 : vector<16xf32>
    %mul3A_3685 = arith.mulf %mul3A_3684, %mul3A_3680 : vector<16xf32>
    %sub3A_3686 = arith.constant 1.500000e+00 : f32
    %sub3A_3687 = vector.broadcast %sub3A_3686 : f32 to vector<16xf32>
    %sub3A_3688 = arith.subf %sub3A_3687, %mul3A_3685 : vector<16xf32>
    %mul3A_3689 = arith.mulf %mul3A_3680, %sub3A_3688 : vector<16xf32>
    %mul3A_3690 = arith.constant 5.000000e-01 : f32
    %mul3A_3691 = vector.broadcast %mul3A_3690 : f32 to vector<16xf32>
    %mul3A_3692 = arith.mulf %mul3A_3691, %add3A_3663 : vector<16xf32>
    %mul3A_3693 = arith.mulf %mul3A_3692, %mul3A_3689 : vector<16xf32>
    %mul3A_3694 = arith.mulf %mul3A_3693, %mul3A_3689 : vector<16xf32>
    %sub3A_3695 = arith.constant 1.500000e+00 : f32
    %sub3A_3696 = vector.broadcast %sub3A_3695 : f32 to vector<16xf32>
    %sub3A_3697 = arith.subf %sub3A_3696, %mul3A_3694 : vector<16xf32>
    %mul3A_3698 = arith.mulf %mul3A_3689, %sub3A_3697 : vector<16xf32>
    %mul3A_3699 = arith.mulf %add3A_3663, %mul3A_3698 : vector<16xf32>
    %jit3A_3700 = arith.constant 0.000000e+00 : f32
    %broadcast_in_dim3A_3701 = vector.broadcast %jit3A_3700 : f32 to vector<16xf32>
    %select_n3A_3702 = arith.select %and3A_2345, %mul3A_3699, %broadcast_in_dim3A_3701 : vector<16xi1>, vector<16xf32>
    %add3A_3703 = arith.addf %broadcast_in_dim3A_3649, %select_n3A_3702 : vector<16xf32>
    %add3A_3704 = arith.constant 16 : i32
    %add3A_3705 = vector.broadcast %add3A_3704 : i32 to vector<16xi32>
    %add3A_3706 = arith.addi %iota3A, %add3A_3705 : vector<16xi32>
    %broadcast_in_dim3A_3707 = arith.constant 8 : i32
    %broadcast_in_dim3A_3708 = vector.broadcast %broadcast_in_dim3A_3707 : i32 to vector<16xi32>
    %gather3A_3709 = tpu.vector_load_idx %arg8[%broadcast_in_dim3A_3708, %add3A_3706, %select_n3A_266] : memref<10x80x16xf32, #tpu.memory_space<vmem>>[vector<16xi32>, vector<16xi32>, vector<16xi32>], vector<16xf32>,
    %broadcast_in_dim3A_3710 = arith.constant 9 : i32
    %broadcast_in_dim3A_3711 = vector.broadcast %broadcast_in_dim3A_3710 : i32 to vector<16xi32>
    %gather3A_3712 = tpu.vector_load_idx %arg8[%broadcast_in_dim3A_3711, %add3A_3706, %select_n3A_266] : memref<10x80x16xf32, #tpu.memory_space<vmem>>[vector<16xi32>, vector<16xi32>, vector<16xi32>], vector<16xf32>,
    %sub3A_3713 = arith.subf %gather3A_3709, %convert_element_type3A_241 : vector<16xf32>
    %sub3A_3714 = arith.subf %gather3A_3712, %convert_element_type3A_243 : vector<16xf32>
    %mul3A_3715 = arith.mulf %sub3A_3713, %sub3A_3713 : vector<16xf32>
    %mul3A_3716 = arith.mulf %sub3A_3714, %sub3A_3714 : vector<16xf32>
    %add3A_3717 = arith.addf %mul3A_3715, %mul3A_3716 : vector<16xf32>
    %bitcast3A_3718 = vector.bitcast %add3A_3717 : vector<16xf32> to vector<16xi32>
    %broadcast_in_dim3A_3719 = arith.constant 1597463007 : i32
    %broadcast_in_dim3A_3720 = vector.broadcast %broadcast_in_dim3A_3719 : i32 to vector<16xi32>
    %shift_right_arithmetic3A_3721 = arith.constant 1 : i32
    %shift_right_arithmetic3A_3722 = vector.broadcast %shift_right_arithmetic3A_3721 : i32 to vector<16xi32>
    %shift_right_arithmetic3A_3723 = arith.shrsi %bitcast3A_3718, %shift_right_arithmetic3A_3722 : vector<16xi32>
    %sub3A_3724 = arith.subi %broadcast_in_dim3A_3720, %shift_right_arithmetic3A_3723 : vector<16xi32>
    %bitcast3A_3725 = vector.bitcast %sub3A_3724 : vector<16xi32> to vector<16xf32>
    %mul3A_3726 = arith.constant 5.000000e-01 : f32
    %mul3A_3727 = vector.broadcast %mul3A_3726 : f32 to vector<16xf32>
    %mul3A_3728 = arith.mulf %mul3A_3727, %add3A_3717 : vector<16xf32>
    %mul3A_3729 = arith.mulf %mul3A_3728, %bitcast3A_3725 : vector<16xf32>
    %mul3A_3730 = arith.mulf %mul3A_3729, %bitcast3A_3725 : vector<16xf32>
    %sub3A_3731 = arith.constant 1.500000e+00 : f32
    %sub3A_3732 = vector.broadcast %sub3A_3731 : f32 to vector<16xf32>
    %sub3A_3733 = arith.subf %sub3A_3732, %mul3A_3730 : vector<16xf32>
    %mul3A_3734 = arith.mulf %bitcast3A_3725, %sub3A_3733 : vector<16xf32>
    %mul3A_3735 = arith.constant 5.000000e-01 : f32
    %mul3A_3736 = vector.broadcast %mul3A_3735 : f32 to vector<16xf32>
    %mul3A_3737 = arith.mulf %mul3A_3736, %add3A_3717 : vector<16xf32>
    %mul3A_3738 = arith.mulf %mul3A_3737, %mul3A_3734 : vector<16xf32>
    %mul3A_3739 = arith.mulf %mul3A_3738, %mul3A_3734 : vector<16xf32>
    %sub3A_3740 = arith.constant 1.500000e+00 : f32
    %sub3A_3741 = vector.broadcast %sub3A_3740 : f32 to vector<16xf32>
    %sub3A_3742 = arith.subf %sub3A_3741, %mul3A_3739 : vector<16xf32>
    %mul3A_3743 = arith.mulf %mul3A_3734, %sub3A_3742 : vector<16xf32>
    %mul3A_3744 = arith.constant 5.000000e-01 : f32
    %mul3A_3745 = vector.broadcast %mul3A_3744 : f32 to vector<16xf32>
    %mul3A_3746 = arith.mulf %mul3A_3745, %add3A_3717 : vector<16xf32>
    %mul3A_3747 = arith.mulf %mul3A_3746, %mul3A_3743 : vector<16xf32>
    %mul3A_3748 = arith.mulf %mul3A_3747, %mul3A_3743 : vector<16xf32>
    %sub3A_3749 = arith.constant 1.500000e+00 : f32
    %sub3A_3750 = vector.broadcast %sub3A_3749 : f32 to vector<16xf32>
    %sub3A_3751 = arith.subf %sub3A_3750, %mul3A_3748 : vector<16xf32>
    %mul3A_3752 = arith.mulf %mul3A_3743, %sub3A_3751 : vector<16xf32>
    %mul3A_3753 = arith.mulf %add3A_3717, %mul3A_3752 : vector<16xf32>
    %jit3A_3754 = arith.constant 0.000000e+00 : f32
    %broadcast_in_dim3A_3755 = vector.broadcast %jit3A_3754 : f32 to vector<16xf32>
    %select_n3A_3756 = arith.select %and3A_2349, %mul3A_3753, %broadcast_in_dim3A_3755 : vector<16xi1>, vector<16xf32>
    %add3A_3757 = arith.addf %add3A_3703, %select_n3A_3756 : vector<16xf32>
    %add3A_3758 = arith.constant 32 : i32
    %add3A_3759 = vector.broadcast %add3A_3758 : i32 to vector<16xi32>
    %add3A_3760 = arith.addi %iota3A, %add3A_3759 : vector<16xi32>
    %broadcast_in_dim3A_3761 = arith.constant 8 : i32
    %broadcast_in_dim3A_3762 = vector.broadcast %broadcast_in_dim3A_3761 : i32 to vector<16xi32>
    %gather3A_3763 = tpu.vector_load_idx %arg8[%broadcast_in_dim3A_3762, %add3A_3760, %select_n3A_409] : memref<10x80x16xf32, #tpu.memory_space<vmem>>[vector<16xi32>, vector<16xi32>, vector<16xi32>], vector<16xf32>,
    %broadcast_in_dim3A_3764 = arith.constant 9 : i32
    %broadcast_in_dim3A_3765 = vector.broadcast %broadcast_in_dim3A_3764 : i32 to vector<16xi32>
    %gather3A_3766 = tpu.vector_load_idx %arg8[%broadcast_in_dim3A_3765, %add3A_3760, %select_n3A_409] : memref<10x80x16xf32, #tpu.memory_space<vmem>>[vector<16xi32>, vector<16xi32>, vector<16xi32>], vector<16xf32>,
    %sub3A_3767 = arith.subf %gather3A_3763, %convert_element_type3A_384 : vector<16xf32>
    %sub3A_3768 = arith.subf %gather3A_3766, %convert_element_type3A_386 : vector<16xf32>
    %mul3A_3769 = arith.mulf %sub3A_3767, %sub3A_3767 : vector<16xf32>
    %mul3A_3770 = arith.mulf %sub3A_3768, %sub3A_3768 : vector<16xf32>
    %add3A_3771 = arith.addf %mul3A_3769, %mul3A_3770 : vector<16xf32>
    %bitcast3A_3772 = vector.bitcast %add3A_3771 : vector<16xf32> to vector<16xi32>
    %broadcast_in_dim3A_3773 = arith.constant 1597463007 : i32
    %broadcast_in_dim3A_3774 = vector.broadcast %broadcast_in_dim3A_3773 : i32 to vector<16xi32>
    %shift_right_arithmetic3A_3775 = arith.constant 1 : i32
    %shift_right_arithmetic3A_3776 = vector.broadcast %shift_right_arithmetic3A_3775 : i32 to vector<16xi32>
    %shift_right_arithmetic3A_3777 = arith.shrsi %bitcast3A_3772, %shift_right_arithmetic3A_3776 : vector<16xi32>
    %sub3A_3778 = arith.subi %broadcast_in_dim3A_3774, %shift_right_arithmetic3A_3777 : vector<16xi32>
    %bitcast3A_3779 = vector.bitcast %sub3A_3778 : vector<16xi32> to vector<16xf32>
    %mul3A_3780 = arith.constant 5.000000e-01 : f32
    %mul3A_3781 = vector.broadcast %mul3A_3780 : f32 to vector<16xf32>
    %mul3A_3782 = arith.mulf %mul3A_3781, %add3A_3771 : vector<16xf32>
    %mul3A_3783 = arith.mulf %mul3A_3782, %bitcast3A_3779 : vector<16xf32>
    %mul3A_3784 = arith.mulf %mul3A_3783, %bitcast3A_3779 : vector<16xf32>
    %sub3A_3785 = arith.constant 1.500000e+00 : f32
    %sub3A_3786 = vector.broadcast %sub3A_3785 : f32 to vector<16xf32>
    %sub3A_3787 = arith.subf %sub3A_3786, %mul3A_3784 : vector<16xf32>
    %mul3A_3788 = arith.mulf %bitcast3A_3779, %sub3A_3787 : vector<16xf32>
    %mul3A_3789 = arith.constant 5.000000e-01 : f32
    %mul3A_3790 = vector.broadcast %mul3A_3789 : f32 to vector<16xf32>
    %mul3A_3791 = arith.mulf %mul3A_3790, %add3A_3771 : vector<16xf32>
    %mul3A_3792 = arith.mulf %mul3A_3791, %mul3A_3788 : vector<16xf32>
    %mul3A_3793 = arith.mulf %mul3A_3792, %mul3A_3788 : vector<16xf32>
    %sub3A_3794 = arith.constant 1.500000e+00 : f32
    %sub3A_3795 = vector.broadcast %sub3A_3794 : f32 to vector<16xf32>
    %sub3A_3796 = arith.subf %sub3A_3795, %mul3A_3793 : vector<16xf32>
    %mul3A_3797 = arith.mulf %mul3A_3788, %sub3A_3796 : vector<16xf32>
    %mul3A_3798 = arith.constant 5.000000e-01 : f32
    %mul3A_3799 = vector.broadcast %mul3A_3798 : f32 to vector<16xf32>
    %mul3A_3800 = arith.mulf %mul3A_3799, %add3A_3771 : vector<16xf32>
    %mul3A_3801 = arith.mulf %mul3A_3800, %mul3A_3797 : vector<16xf32>
    %mul3A_3802 = arith.mulf %mul3A_3801, %mul3A_3797 : vector<16xf32>
    %sub3A_3803 = arith.constant 1.500000e+00 : f32
    %sub3A_3804 = vector.broadcast %sub3A_3803 : f32 to vector<16xf32>
    %sub3A_3805 = arith.subf %sub3A_3804, %mul3A_3802 : vector<16xf32>
    %mul3A_3806 = arith.mulf %mul3A_3797, %sub3A_3805 : vector<16xf32>
    %mul3A_3807 = arith.mulf %add3A_3771, %mul3A_3806 : vector<16xf32>
    %jit3A_3808 = arith.constant 0.000000e+00 : f32
    %broadcast_in_dim3A_3809 = vector.broadcast %jit3A_3808 : f32 to vector<16xf32>
    %select_n3A_3810 = arith.select %and3A_2353, %mul3A_3807, %broadcast_in_dim3A_3809 : vector<16xi1>, vector<16xf32>
    %add3A_3811 = arith.addf %add3A_3757, %select_n3A_3810 : vector<16xf32>
    %add3A_3812 = arith.constant 48 : i32
    %add3A_3813 = vector.broadcast %add3A_3812 : i32 to vector<16xi32>
    %add3A_3814 = arith.addi %iota3A, %add3A_3813 : vector<16xi32>
    %broadcast_in_dim3A_3815 = arith.constant 8 : i32
    %broadcast_in_dim3A_3816 = vector.broadcast %broadcast_in_dim3A_3815 : i32 to vector<16xi32>
    %gather3A_3817 = tpu.vector_load_idx %arg8[%broadcast_in_dim3A_3816, %add3A_3814, %select_n3A_552] : memref<10x80x16xf32, #tpu.memory_space<vmem>>[vector<16xi32>, vector<16xi32>, vector<16xi32>], vector<16xf32>,
    %broadcast_in_dim3A_3818 = arith.constant 9 : i32
    %broadcast_in_dim3A_3819 = vector.broadcast %broadcast_in_dim3A_3818 : i32 to vector<16xi32>
    %gather3A_3820 = tpu.vector_load_idx %arg8[%broadcast_in_dim3A_3819, %add3A_3814, %select_n3A_552] : memref<10x80x16xf32, #tpu.memory_space<vmem>>[vector<16xi32>, vector<16xi32>, vector<16xi32>], vector<16xf32>,
    %sub3A_3821 = arith.subf %gather3A_3817, %convert_element_type3A_527 : vector<16xf32>
    %sub3A_3822 = arith.subf %gather3A_3820, %convert_element_type3A_529 : vector<16xf32>
    %mul3A_3823 = arith.mulf %sub3A_3821, %sub3A_3821 : vector<16xf32>
    %mul3A_3824 = arith.mulf %sub3A_3822, %sub3A_3822 : vector<16xf32>
    %add3A_3825 = arith.addf %mul3A_3823, %mul3A_3824 : vector<16xf32>
    %bitcast3A_3826 = vector.bitcast %add3A_3825 : vector<16xf32> to vector<16xi32>
    %broadcast_in_dim3A_3827 = arith.constant 1597463007 : i32
    %broadcast_in_dim3A_3828 = vector.broadcast %broadcast_in_dim3A_3827 : i32 to vector<16xi32>
    %shift_right_arithmetic3A_3829 = arith.constant 1 : i32
    %shift_right_arithmetic3A_3830 = vector.broadcast %shift_right_arithmetic3A_3829 : i32 to vector<16xi32>
    %shift_right_arithmetic3A_3831 = arith.shrsi %bitcast3A_3826, %shift_right_arithmetic3A_3830 : vector<16xi32>
    %sub3A_3832 = arith.subi %broadcast_in_dim3A_3828, %shift_right_arithmetic3A_3831 : vector<16xi32>
    %bitcast3A_3833 = vector.bitcast %sub3A_3832 : vector<16xi32> to vector<16xf32>
    %mul3A_3834 = arith.constant 5.000000e-01 : f32
    %mul3A_3835 = vector.broadcast %mul3A_3834 : f32 to vector<16xf32>
    %mul3A_3836 = arith.mulf %mul3A_3835, %add3A_3825 : vector<16xf32>
    %mul3A_3837 = arith.mulf %mul3A_3836, %bitcast3A_3833 : vector<16xf32>
    %mul3A_3838 = arith.mulf %mul3A_3837, %bitcast3A_3833 : vector<16xf32>
    %sub3A_3839 = arith.constant 1.500000e+00 : f32
    %sub3A_3840 = vector.broadcast %sub3A_3839 : f32 to vector<16xf32>
    %sub3A_3841 = arith.subf %sub3A_3840, %mul3A_3838 : vector<16xf32>
    %mul3A_3842 = arith.mulf %bitcast3A_3833, %sub3A_3841 : vector<16xf32>
    %mul3A_3843 = arith.constant 5.000000e-01 : f32
    %mul3A_3844 = vector.broadcast %mul3A_3843 : f32 to vector<16xf32>
    %mul3A_3845 = arith.mulf %mul3A_3844, %add3A_3825 : vector<16xf32>
    %mul3A_3846 = arith.mulf %mul3A_3845, %mul3A_3842 : vector<16xf32>
    %mul3A_3847 = arith.mulf %mul3A_3846, %mul3A_3842 : vector<16xf32>
    %sub3A_3848 = arith.constant 1.500000e+00 : f32
    %sub3A_3849 = vector.broadcast %sub3A_3848 : f32 to vector<16xf32>
    %sub3A_3850 = arith.subf %sub3A_3849, %mul3A_3847 : vector<16xf32>
    %mul3A_3851 = arith.mulf %mul3A_3842, %sub3A_3850 : vector<16xf32>
    %mul3A_3852 = arith.constant 5.000000e-01 : f32
    %mul3A_3853 = vector.broadcast %mul3A_3852 : f32 to vector<16xf32>
    %mul3A_3854 = arith.mulf %mul3A_3853, %add3A_3825 : vector<16xf32>
    %mul3A_3855 = arith.mulf %mul3A_3854, %mul3A_3851 : vector<16xf32>
    %mul3A_3856 = arith.mulf %mul3A_3855, %mul3A_3851 : vector<16xf32>
    %sub3A_3857 = arith.constant 1.500000e+00 : f32
    %sub3A_3858 = vector.broadcast %sub3A_3857 : f32 to vector<16xf32>
    %sub3A_3859 = arith.subf %sub3A_3858, %mul3A_3856 : vector<16xf32>
    %mul3A_3860 = arith.mulf %mul3A_3851, %sub3A_3859 : vector<16xf32>
    %mul3A_3861 = arith.mulf %add3A_3825, %mul3A_3860 : vector<16xf32>
    %jit3A_3862 = arith.constant 0.000000e+00 : f32
    %broadcast_in_dim3A_3863 = vector.broadcast %jit3A_3862 : f32 to vector<16xf32>
    %select_n3A_3864 = arith.select %and3A_2357, %mul3A_3861, %broadcast_in_dim3A_3863 : vector<16xi1>, vector<16xf32>
    %add3A_3865 = arith.addf %add3A_3811, %select_n3A_3864 : vector<16xf32>
    %add3A_3866 = arith.constant 64 : i32
    %add3A_3867 = vector.broadcast %add3A_3866 : i32 to vector<16xi32>
    %add3A_3868 = arith.addi %iota3A, %add3A_3867 : vector<16xi32>
    %broadcast_in_dim3A_3869 = arith.constant 8 : i32
    %broadcast_in_dim3A_3870 = vector.broadcast %broadcast_in_dim3A_3869 : i32 to vector<16xi32>
    %gather3A_3871 = tpu.vector_load_idx %arg8[%broadcast_in_dim3A_3870, %add3A_3868, %select_n3A_695] : memref<10x80x16xf32, #tpu.memory_space<vmem>>[vector<16xi32>, vector<16xi32>, vector<16xi32>], vector<16xf32>,
    %broadcast_in_dim3A_3872 = arith.constant 9 : i32
    %broadcast_in_dim3A_3873 = vector.broadcast %broadcast_in_dim3A_3872 : i32 to vector<16xi32>
    %gather3A_3874 = tpu.vector_load_idx %arg8[%broadcast_in_dim3A_3873, %add3A_3868, %select_n3A_695] : memref<10x80x16xf32, #tpu.memory_space<vmem>>[vector<16xi32>, vector<16xi32>, vector<16xi32>], vector<16xf32>,
    %sub3A_3875 = arith.subf %gather3A_3871, %convert_element_type3A_670 : vector<16xf32>
    %sub3A_3876 = arith.subf %gather3A_3874, %convert_element_type3A_672 : vector<16xf32>
    %mul3A_3877 = arith.mulf %sub3A_3875, %sub3A_3875 : vector<16xf32>
    %mul3A_3878 = arith.mulf %sub3A_3876, %sub3A_3876 : vector<16xf32>
    %add3A_3879 = arith.addf %mul3A_3877, %mul3A_3878 : vector<16xf32>
    %bitcast3A_3880 = vector.bitcast %add3A_3879 : vector<16xf32> to vector<16xi32>
    %broadcast_in_dim3A_3881 = arith.constant 1597463007 : i32
    %broadcast_in_dim3A_3882 = vector.broadcast %broadcast_in_dim3A_3881 : i32 to vector<16xi32>
    %shift_right_arithmetic3A_3883 = arith.constant 1 : i32
    %shift_right_arithmetic3A_3884 = vector.broadcast %shift_right_arithmetic3A_3883 : i32 to vector<16xi32>
    %shift_right_arithmetic3A_3885 = arith.shrsi %bitcast3A_3880, %shift_right_arithmetic3A_3884 : vector<16xi32>
    %sub3A_3886 = arith.subi %broadcast_in_dim3A_3882, %shift_right_arithmetic3A_3885 : vector<16xi32>
    %bitcast3A_3887 = vector.bitcast %sub3A_3886 : vector<16xi32> to vector<16xf32>
    %mul3A_3888 = arith.constant 5.000000e-01 : f32
    %mul3A_3889 = vector.broadcast %mul3A_3888 : f32 to vector<16xf32>
    %mul3A_3890 = arith.mulf %mul3A_3889, %add3A_3879 : vector<16xf32>
    %mul3A_3891 = arith.mulf %mul3A_3890, %bitcast3A_3887 : vector<16xf32>
    %mul3A_3892 = arith.mulf %mul3A_3891, %bitcast3A_3887 : vector<16xf32>
    %sub3A_3893 = arith.constant 1.500000e+00 : f32
    %sub3A_3894 = vector.broadcast %sub3A_3893 : f32 to vector<16xf32>
    %sub3A_3895 = arith.subf %sub3A_3894, %mul3A_3892 : vector<16xf32>
    %mul3A_3896 = arith.mulf %bitcast3A_3887, %sub3A_3895 : vector<16xf32>
    %mul3A_3897 = arith.constant 5.000000e-01 : f32
    %mul3A_3898 = vector.broadcast %mul3A_3897 : f32 to vector<16xf32>
    %mul3A_3899 = arith.mulf %mul3A_3898, %add3A_3879 : vector<16xf32>
    %mul3A_3900 = arith.mulf %mul3A_3899, %mul3A_3896 : vector<16xf32>
    %mul3A_3901 = arith.mulf %mul3A_3900, %mul3A_3896 : vector<16xf32>
    %sub3A_3902 = arith.constant 1.500000e+00 : f32
    %sub3A_3903 = vector.broadcast %sub3A_3902 : f32 to vector<16xf32>
    %sub3A_3904 = arith.subf %sub3A_3903, %mul3A_3901 : vector<16xf32>
    %mul3A_3905 = arith.mulf %mul3A_3896, %sub3A_3904 : vector<16xf32>
    %mul3A_3906 = arith.constant 5.000000e-01 : f32
    %mul3A_3907 = vector.broadcast %mul3A_3906 : f32 to vector<16xf32>
    %mul3A_3908 = arith.mulf %mul3A_3907, %add3A_3879 : vector<16xf32>
    %mul3A_3909 = arith.mulf %mul3A_3908, %mul3A_3905 : vector<16xf32>
    %mul3A_3910 = arith.mulf %mul3A_3909, %mul3A_3905 : vector<16xf32>
    %sub3A_3911 = arith.constant 1.500000e+00 : f32
    %sub3A_3912 = vector.broadcast %sub3A_3911 : f32 to vector<16xf32>
    %sub3A_3913 = arith.subf %sub3A_3912, %mul3A_3910 : vector<16xf32>
    %mul3A_3914 = arith.mulf %mul3A_3905, %sub3A_3913 : vector<16xf32>
    %mul3A_3915 = arith.mulf %add3A_3879, %mul3A_3914 : vector<16xf32>
    %jit3A_3916 = arith.constant 0.000000e+00 : f32
    %broadcast_in_dim3A_3917 = vector.broadcast %jit3A_3916 : f32 to vector<16xf32>
    %select_n3A_3918 = arith.select %and3A_2361, %mul3A_3915, %broadcast_in_dim3A_3917 : vector<16xi1>, vector<16xf32>
    %add3A_3919 = arith.addf %add3A_3865, %select_n3A_3918 : vector<16xf32>
    %mul3A_3920 = arith.constant 1.000000e+00 : f32
    %mul3A_3921 = vector.broadcast %mul3A_3920 : f32 to vector<16xf32>
    %mul3A_3922 = arith.mulf %mul3A_3921, %add3A_3919 : vector<16xf32>
    %add3A_3923 = arith.addf %add3A_3617, %mul3A_3922 : vector<16xf32>
    %reduce_sum3A = arith.constant true
    %reduce_sum3A_3924 = vector.broadcast %reduce_sum3A : i1 to vector<16xi1>
    %reduce_sum3A_3925 = tpu.scan <sum>, %add3A_3923 masked %reduce_sum3A_3924 : vector<16xf32>, vector<16xi1> -> vector<16xf32>
    %reduce_sum3A_3926 = vector.extract %reduce_sum3A_3925[15] : f32 from vector<16xf32>
    %broadcast_in_dim3A_3927 = vector.broadcast %reduce_sum3A_3926 : f32 to vector<16xf32>
    %reduce_sum3A_3928 = arith.constant true
    %reduce_sum3A_3929 = vector.broadcast %reduce_sum3A_3928 : i1 to vector<16xi1>
    %reduce_sum3A_3930 = tpu.scan <sum>, %add3A_2393 masked %reduce_sum3A_3929 : vector<16xf32>, vector<16xi1> -> vector<16xf32>
    %reduce_sum3A_3931 = vector.extract %reduce_sum3A_3930[15] : f32 from vector<16xf32>
    %broadcast_in_dim3A_3932 = vector.broadcast %reduce_sum3A_3931 : f32 to vector<16xf32>
    %div3A_3933 = arith.divf %broadcast_in_dim3A_3927, %broadcast_in_dim3A_3932 : vector<16xf32>
    %swap3A_3934 = arith.constant 0 : index
    %swap3A_3935 = tpu.vector_load %arg9[%swap3A_3934] {strides = array<i32>} : memref<16xf32, #tpu.memory_space<vmem>>, vector<16xf32>,
    tpu.vector_store %arg9[%swap3A_3934], %div3A_3933 {strides = array<i32>} : memref<16xf32, #tpu.memory_space<vmem>>, vector<16xf32>,
    "tpu.region"() ({
      %run_scoped3A = tpu.sem_alloc : memref<!tpu.dma_semaphore, #tpu.memory_space<semaphore_mem>>
      tpu.enqueue_dma source(%arg9 : memref<16xf32, #tpu.memory_space<vmem>>) target(%arg4 : memref<16xf32, #tpu.memory_space<hbm>>) target_semaphore(%run_scoped3A : memref<!tpu.dma_semaphore, #tpu.memory_space<semaphore_mem>>)
      tpu.wait_dma2 semaphore(%run_scoped3A : memref<!tpu.dma_semaphore, #tpu.memory_space<semaphore_mem>>) src(%arg9 : memref<16xf32, #tpu.memory_space<vmem>>) dst(%arg4 : memref<16xf32, #tpu.memory_space<hbm>>)
      tpu.yield
    }) : () -> ()
    return
  }
}

</mosaic_0001>

<sc_bundles>
// kernel: kernel.3.cloned.1.call-start
scs
__scs_entry_jumppad:
0x0: {  	(pc) =	sbr.rel $0x88, $3  }
0x1: {  	(tag) =	ssettag $0x0;
	lr =	simm.s32 $0x1  }
0x2: {  	[smem:$0x3F9F] =	sst lr;
	_ =	strace $0xD0000000  }
0x3: {  	_ = 	snop  }
0x4: {  	_ = 	snop  }
0x5: {  	_ = 	snop  }
0x6: {  	_ = 	snop  }
0x7: {  	_ = 	snop  }
__scs_overlays_trampoline_lowered:
0x8: {  	[smem:$0x3FAE] =	sst s0  }
0x9: {  	[smem:$0x3FAF] =	sst s1  }
0xa: {  	[smem:$0x3FB0] =	sst s2  }
0xb: {  	[smem:$0x3FB1] =	sst s3  }
0xc: {  	[smem:$0x3FB2] =	sst s4  }
0xd: {  	[smem:$0x3FB3] =	sst s5  }
0xe: {  	[smem:$0x3FB4] =	sst s6  }
0xf: {  	[smem:$0x3FB5] =	sst s7  }
0x10: {  	[smem:$0x3FB6] =	sst s8  }
0x11: {  	[smem:$0x3FB7] =	sst s9;
	s0 =	simm.s32 @!p0 $0x0  }
0x12: {  	s1 =	sld [smem:$0x3F9D];
	s0 =	simm.s32 @p0 $0x1  }
0x13: {  	[smem:$0x3FB8] =	sst s0;
	s0 =	simm.s32 @!p1 $0x0  }
0x14: {  	s2 =	sld [smem:$0x3F9C];
	s0 =	simm.s32 @p1 $0x1  }
0x15: {  	[smem:$0x3FB9] =	sst s0;
	s0 =	simm.s32 @!p2 $0x0  }
0x16: {  	s3 =	sld [smem:$0x3FDB];
	s0 =	simm.s32 @p2 $0x1  }
0x17: {  	s4 =	simm.s32 $0x1BF5;
	[smem:$0x3FBB] =	sst s0  }
0x18: {  	s0 =	sld [smem:$0x3F9E];
	_ =	swait.ge [sflag:s4], $0x0  }
0x19: {  	s7 =	sld [smem:$0x3F9F]  }
0x1a: {  	s8 =	sadd.s32 $0xFFFFE003, lr  }
0x1b: {  	s9 =	sadd.s32 $0xFFFFFEF7, lr;
	s5 =	simm.s32 $0xFFFFFFFF;
	p2 =	slt.u32 s8, $0xFFFFF086  }
0x1c: {  	p1 =	slt.u32 s9, $0xF7A;
	s5 =	simm.s32 @!p2 $0x0  }
0x1d: {  	s5 =	simm.s32 @p1 $0x1;
	p0 =	seq.s32 s7, s2  }
0x1e: {  	s7 =	smul.u32 @!p0 $0xF7A, s2;
	p2 =	seq.s32 @!p0 s5, $0x0  }
0x1f: {  	s9 =	smul.u32 $0xF7A, s1;
	s8 =	simm.s32 @!p0 $0x1BF5;
	p2 =	por !p2, p0  }
0x20: {  	[sflag:s8] =	ssyncset.s32 @!p0 $0xFFFFF086;
	s6 =	sadd.s32 @!p0 s3, s7;
	s7 =	simm.s32 @!p0 $0x108  }
0x21: {  	s3 =	sadd.s32 s3, s9;
	s6 =	sadd.s32 @!p0 $0x88, s6;
	s7 =	simm.s32 @p2 $0x1082  }
0x22: {  	[simem:s7], [sflag:s8] =	dma.local @!p0 [hbm:s6], $0xF7A  }
0x23: {  	s9 =	sor.u32 $0xD0000000, s2;
	s6 =	simm.s32 $0x108;
	_ =	swait.ge @!p0 [sflag:s8], $0x0  }
0x24: {  	s3 =	sadd.s32 $0x88, s3;
	s6 =	simm.s32 @!p1 $0x1082;
	[sflag:s4] =	ssyncset.s32 $0xFFFFF086  }
0x25: {  	[simem:s6], [sflag:s4] =	dma.local [hbm:s3], $0xF7A  }
0x26: {  	[smem:$0x3F9F] =	sst s1;
	(tag) =	ssettag s2;
	_ =	strace s9  }
0x27: {  	s1 =	sld [smem:$0x3FAF]  }
0x28: {  	s2 =	sld [smem:$0x3FB0]  }
0x29: {  	s4 =	sld [smem:$0x3FB2]  }
0x2a: {  	p0 =	seq.s32 s5, $0x0;
	s5 =	sld [smem:$0x3FB3]  }
0x2b: {  	s6 =	sld [smem:$0x3FB4]  }
0x2c: {  	s7 =	sld [smem:$0x3FB5]  }
0x2d: {  	s3 =	simm.s32 $0x108;
	s8 =	sld [smem:$0x3FB6]  }
0x2e: {  	s3 =	simm.s32 @!p0 $0x1082;
	s9 =	sld [smem:$0x3FB7]  }
0x2f: {  	lr =	sadd.s32 s0, s3;
	s0 =	sld [smem:$0x3FAE]  }
0x30: {  	s3 =	sld [smem:$0x3FB1]  }
0x31: {  	[smem:$0x3FBA] =	sst s10  }
0x32: {  	s10 =	sld [smem:$0x3FB8];
	_ =	sdelay $0x3  }
0x33: {  	p0 =	seq.s32 s10, $0x1;
	s10 =	sld [smem:$0x3FBA];
	_ =	sdelay $0x3  }
0x34: {  	[smem:$0x3FBA] =	sst s10  }
0x35: {  	s10 =	sld [smem:$0x3FB9];
	_ =	sdelay $0x3  }
0x36: {  	p1 =	seq.s32 s10, $0x1;
	s10 =	sld [smem:$0x3FBA];
	_ =	sdelay $0x3  }
0x37: {  	[smem:$0x3FBA] =	sst s10  }
0x38: {  	s10 =	sld [smem:$0x3FBB]  }
0x39: {  	_ = 	snop;
	(pc) =	sbr.ind lr, $3  }
0x3a: {  	_ = 	snop  }
0x3b: {  	_ = 	snop  }
0x3c: {  	p2 =	seq.s32 s10, $0x1;
	s10 =	sld [smem:$0x3FBA]  }
0x3d: {  	_ =	shalt  }
0x3e: {  	_ =	shalt  }
0x3f: {  	_ =	shalt  }
0x40: {  	_ =	shalt  }
0x41: {  	_ =	shalt  }
0x42: {  	_ =	shalt  }
0x43: {  	_ =	shalt  }
0x44: {  	_ =	shalt  }
0x45: {  	_ =	shalt  }
0x46: {  	_ =	shalt  }
0x47: {  	_ =	shalt  }
0x48: {  	_ =	shalt  }
0x49: {  	_ =	shalt  }
0x4a: {  	_ =	shalt  }
0x4b: {  	_ =	shalt  }
0x4c: {  	_ =	shalt  }
0x4d: {  	_ =	shalt  }
0x4e: {  	_ =	shalt  }
0x4f: {  	_ =	shalt  }
0x50: {  	_ =	shalt  }
0x51: {  	_ =	shalt  }
0x52: {  	_ =	shalt  }
0x53: {  	_ =	shalt  }
0x54: {  	_ =	shalt  }
0x55: {  	_ =	shalt  }
0x56: {  	_ =	shalt  }
0x57: {  	_ =	shalt  }
0x58: {  	_ =	shalt  }
0x59: {  	_ =	shalt  }
0x5a: {  	_ =	shalt  }
0x5b: {  	_ =	shalt  }
0x5c: {  	_ =	shalt  }
0x5d: {  	_ =	shalt  }
0x5e: {  	_ =	shalt  }
0x5f: {  	_ =	shalt  }
0x60: {  	_ =	shalt  }
0x61: {  	_ =	shalt  }
0x62: {  	_ =	shalt  }
0x63: {  	_ =	shalt  }
0x64: {  	_ =	shalt  }
0x65: {  	_ =	shalt  }
0x66: {  	_ =	shalt  }
0x67: {  	_ =	shalt  }
0x68: {  	_ =	shalt  }
0x69: {  	_ =	shalt  }
0x6a: {  	_ =	shalt  }
0x6b: {  	_ =	shalt  }
0x6c: {  	_ =	shalt  }
0x6d: {  	_ =	shalt  }
0x6e: {  	_ =	shalt  }
0x6f: {  	_ =	shalt  }
0x70: {  	_ =	shalt  }
0x71: {  	_ =	shalt  }
0x72: {  	_ =	shalt  }
0x73: {  	_ =	shalt  }
0x74: {  	_ =	shalt  }
0x75: {  	_ =	shalt  }
0x76: {  	_ =	shalt  }
0x77: {  	_ =	shalt  }
0x78: {  	_ =	shalt  }
0x79: {  	_ =	shalt  }
0x7a: {  	_ =	shalt  }
0x7b: {  	_ =	shalt  }
0x7c: {  	_ =	shalt  }
0x7d: {  	_ =	shalt  }
0x7e: {  	_ =	shalt  }
0x7f: {  	_ =	shalt  }
0x80: {  	_ =	shalt  }
0x81: {  	_ =	shalt  }
0x82: {  	_ =	shalt  }
0x83: {  	_ =	shalt  }
0x84: {  	_ =	shalt  }
0x85: {  	_ =	shalt  }
0x86: {  	_ =	shalt  }
0x87: {  	_ =	shalt  }
.Lfunc_end0:
.L_simem_size_0:
called_computation_lowered:
.L_overlay_start_0:
0x88: {  	s0 =	sld [smem:$0x3FD9]  }
0x89: {  	s1 =	sld [smem:$0x3FFE];
	_ =	sdelay $0x3  }
0x8a: {  	s0 =	sadd.s32 s1, s0  }
0x8b: {  	[smem:$0x3FC6] =	sst s0  }
0x8c: {  	_ = 	snop  }
0x8d: {  	s0 =	sld [smem:$0x3FD0];
	(tm) =	ssettm $0x1  }
0x8e: {  	s16 =	sld [smem:$0x3FFB];
	_ =	sdelay $0x3  }
0x8f: {  	_ =	strace s16  }
0x90: {  	s1 =	sld [smem:$0x3FFC];
	_ =	sdelay $0x3  }
0x91: {  	_ =	strace s1  }
0x92: {  	s1 =	sld [smem:$0x3FFD];
	_ =	sdelay $0x3  }
0x93: {  	_ =	strace s1  }
0x94: {  	_ =	strace $0x8FFFFFFF  }
0x95: {  	s17 =	sld [smem:$0x3FDB];
	_ =	sdelay $0x1  }
0x96: {  	s2 =	simm.s32 $_scs_section_size  }
0x97: {  	s3 =	simm.s32 $_size__tile_overlayer_lowered;
	s4 =	simm.s32 $_tile_overlayer_lowered  }
0x98: {  	s20 =	simm.s32 $0x1BFF;
	s19 =	sshll.u32 s4, $0x1;
	s1 =	sadd.s32 s2, s17  }
0x99: {  	s5 =	simm.s32 $0x0;
	s18 =	sshll.u32 s3, $0x1;
	s3 =	sadd.s32 s19, s1  }
0x9a: {  	[timem:s5], [sflag:s20] =	dma.local [hbm:s3], s18  }
0x9b: {  	_ =	swait.ge [sflag:s20], s18  }
0x9c: {  	s2 =	ssub.s32 $0x0, s18;
	[sflag:s20] =	ssyncset.done $0x0  }
0x9d: {  	[sflag:s20] =	ssyncadd.s32 s2;
	_ =	sdelay $0x1  }
0x9e: {  	s21 =	simm.s32 $0x1B8B  }
0x9f: {  	_ =	swait.ge [sflag:s21], $0x1  }
0xa0: {  	[sflag:s21] =	ssyncset.done $0x0  }
0xa1: {  	s23 =	simm.s32 $0x1B8E;
	s22 =	sld [smem:$0x3FFE];
	[sflag:s21] =	ssyncadd.s32 $0xFFFFFFFF  }
0xa2: {  	s24 =	simm.s32 $execute0_lowered;
	[smem:$0x3FD2] =	sst s23  }
0xa3: {  	s3 =	sshll.u32 s24, $0x1;
	_ =	strace $0x80000046;
	[dreg:$0x1] =	wrdreg $0xFFFFFFFF  }
0xa4: {  	s25 =	simm.s32 $_size_execute0_lowered;
	s1 =	sadd.s32 s1, s3;
	[dreg:$0x0] =	wrdreg $0x0  }
0xa5: {  	s3 =	sshll.u32 s25, $0x1;
	[dreg:$0x2] =	wrdreg s1  }
0xa6: {  	[dreg:$0x3] =	wrdreg s3  }
0xa7: {  	[dreg:$0x4] =	wrdreg $0xC0  }
0xa8: {  	_ =	task [dreg:s5], $0x5FFFF  }
0xa9: {  	[dreg:$0x1] =	wrdreg $0xFFFFFFFF  }
0xaa: {  	[dreg:$0x0] =	wrdreg $0x60  }
0xab: {  	[dreg:$0x2] =	wrdreg s22  }
0xac: {  	[dreg:$0x3] =	wrdreg s0  }
0xad: {  	[dreg:$0x4] =	wrdreg $0x9  }
0xae: {  	_ =	task.clear_ibuf [dreg:s5], $0x5FFFF;
	_ =	strace $0x90000046  }
0xaf: {  	s26 =	simm.s32 $0x9;
	_ =	strace $0x80000048  }
0xb0: {  	_ =	swait.ge [sflag:s26], $0x1  }
0xb1: {  	[sflag:s26] =	ssyncadd.s32 $0xFFFFFFFF  }
0xb2: {  	_ =	strace $0x90000048  }
0xb3: {  	_ =	sfence  }
0xb4: {  	s28 =	sld [smem:$0x0];
	_ =	sdelay $0x1  }
0xb5: {  	s29 =	srdreg.scid  }
0xb6: {  	s30 =	sshll.u32 s29, $0xD;
	s31 =	sshrl.u32 s29, $0x2  }
0xb7: {  	s2 =	sand.u32 $0x4000, s30;
	s1 =	sand.u32 $0x1, s29;
	s0 =	sadd.s32 s31, s28  }
0xb8: {  	s1 =	sor.u32 s2, s1;
	s0 =	sshll.u32 s0, $0x11  }
0xb9: {  	s0 =	sor.u32 s0, s1  }
0xba: {  	s0 =	sadd.s32 $0x8F2B, s0  }
0xbb: {  	[sflag:s0] =	ssyncadd.remote.s32 $0x1  }
0xbc: {  	_ =	sfence.sel $0xFFFF  }
0xbd: {  	[dreg:$0x0] =	wrdreg $0xFFFFFFFF;
	(pc) =	sbr.abs _section_cstart, $3  }
0xbe: {  	[dreg:$0x1] =	wrdreg $0xFFFFFFFF  }
0xbf: {  	_ =	task.clear_ibuf [dreg:s5], $0x2FFFF;
	_ =	strace $0x9FFFFFFF  }
0xc0: {  	(tm) =	ssettm $0x7FFFFFFF  }
0xc1: {  	_ =	shalt  }
tec
execute0_lowered:
.L_overlay_start_1:
0x0: {  	(tag) =	ssettag $0x1  }
0x1: {  	s2 =	stileid.u32  }
0x2: {  	p0 =	sne.s32 s2, $0x0  }
.Ltmp0:
0x3: {  	_ = 	snop;
	(pc) =	sbr.rel @p0 .LBB2_2-.Ltmp0, $4  }
0x4: {  	_ = 	snop  }
0x5: {  	s4 =	rddreg [dreg:$0x0]  }
0x6: {  	s1 =	rddreg [dreg:$0x1]  }
0x7: {  	s0 =	rddreg [dreg:$0x2];
	_ =	strace $0x80000047  }
0x8: {  	v1 =	vlaneseq.u32;
	v58 =	vimm.s32 $0x58565452;
	v59 =	vimm.s32 $0x605E5C5A  }
0x9: {  	v60 =	vimm.s32 $0x48464420;
	v5 =	vimm.s32 $0x504E4C4A;
	vm15 =	vcmask $0x1F10  }
0xa: {  	v62 =	vimm.s32 $0x59575553;
	v13 =	vimm.s32 $0x615F5D5B;
	v14 =	vimm.s32 $0x49474521  }
0xb: {  	v8 =	vimm.s32 $0x514F4D4B;
	v11 =	vimm.s32 $0x6A686642;
	v12 =	vimm.s32 $0x72706E6C  }
0xc: {  	v19 =	vimm.s32 $0x6B696743;
	v20 =	vimm.s32 $0x83817F7D;
	v21 =	vimm.s32 $0x73716F6D  }
0xd: {  	v22 =	vimm.s32 $0x7B797775;
	v28 =	vimm.s32 $0x0;
	v29 =	vimm.s32 $0x9A989694  }
0xe: {  	v31 =	vimm.s32 $0xA2A09E9C;
	v32 =	vimm.s32 $0x8A886462;
	v33 =	vimm.s32 $0x92908E8C  }
0xf: {  	v35 =	vimm.s32 $0x9B999795;
	v37 =	vimm.s32 $0xA3A19F9D;
	v38 =	vimm.s32 $0x8B896563  }
0x10: {  	v41 =	vimm.s32 $0xBCBAB8B6;
	v42 =	vimm.s32 $0xC4C2C0BE;
	v44 =	vimm.s32 $0xACAA8684  }
0x11: {  	v52 =	vimm.s32 $0x0;
	v55 =	vimm.s32 $0xDCDAD8D6;
	v56 =	vimm.s32 $0xE4E2E0DE  }
0x12: {  	s3 =	sadd.s32 $0x400, s4;
	s2 =	simm.s32 $0x0;
	v57 =	vimm.s32 $0xCCA8A6A4;
	vm4 =	vcmask $0x2F20;
	v0 =	vmul.u32 $0x2, v1  }
0x13: {  	vm5 =	vcmask $0x3330;
	[tilespmem:s2], [sflag:$0xB] =	stream.linear.gather [hbm4b:s3+s2], $0x110, $0x38;
	v5 =	vunpack.c.0.s8.s32 v5;
	v63 =	vunpack.c.0.s8.s32 v62;
	[tilespmem:$0x36A0] =	vst v63  }
0x14: {  	s3 =	simm.s32 $0xB;
	v11 =	vunpack.c.0.s8.s32 v11;
	v12 =	vunpack.c.0.s8.s32 v12;
	v3 =	vadd.s32 $0x22, v0  }
0x15: {  	v8 =	vunpack.c.0.s8.s32 v8;
	v36 =	vunpack.c.0.s8.s32 v35;
	_ =	swait.ge [sflag:s3], $0x110;
	v2 =	vor.u32 $0x1, v0  }
0x16: {  	v39 =	vunpack.c.0.s8.s32 v38;
	[sflag:s3] =	ssyncset.done $0x0;
	v17 =	vsel vm15, v12, v11;
	v11 =	vunpack.c.0.s8.s32 v20  }
0x17: {  	v12 =	vunpack.c.0.s8.s32 v21;
	v20 =	vimm.s32 $0xC5C3C1BF;
	v21 =	vimm.s32 $0xADAB8785;
	[sflag:s3] =	ssyncadd.s32 $0xFFFFFEF0  }
0x18: {  	v43 =	vunpack.c.0.s8.s32 v42;
	v20 =	vunpack.c.0.s8.s32 v20;
	v21 =	vunpack.c.0.s8.s32 v21;
	v9 =	vld.idx.msk [tilespmem:v0+s2+$0x0], $0xffff  }
0x19: {  	v24 =	vand.u32 $0xFF, v11;
	v0 =	vadd.s32 $0x23, v0;
	v10 =	vld.idx.msk [tilespmem:v3+s2+$0x0], $0xffff;
	v3 =	vunpack.c.0.s8.s32 v60  }
0x1a: {  	v4 =	vld.idx.msk [tilespmem:v2+s2+$0x0], $0xffff;
	v2 =	vunpack.c.0.s8.s32 v59;
	v59 =	vimm.s32 $0x48000;
	v60 =	vimm.s32 $0xDDDBD9D7  }
0x1b: {  	v62 =	vunpack.c.0.s8.s32 v60;
	v61 =	vsel vm15, v5, v3;
	v3 =	vunpack.c.0.s8.s32 v13  }
0x1c: {  	v5 =	vunpack.c.0.s8.s32 v14;
	v13 =	vimm.s32 $0x82807E7C;
	v14 =	vimm.s32 $0x7A787674  }
0x1d: {  	v13 =	vunpack.c.0.s8.s32 v13;
	v16 =	vunpack.c.0.s8.s32 v14;
	v14 =	vunpack.c.0.s8.s32 v33  }
0x1e: {  	v7 =	vld.idx.msk [tilespmem:v0+s2+$0x0], $0xffff;
	vm0 =	vlt.u32 v9, $0x180;
	v0 =	vunpack.c.0.s8.s32 v58;
	v15 =	vsel vm15, v8, v5  }
0x1f: {  	v8 =	vunpack.c.0.s8.s32 v19;
	v19 =	vimm.s32 $0xBDBBB9B7;
	v58 =	vimm.s32 $0xD4D2D0CE  }
0x20: {  	vm1 =	vlt.u32 v4, $0x180;
	vm14 =	vlt.u32 v10, $0x180;
	v6 =	vmul.u32 $0x180, v4  }
0x21: {  	v18 =	vand.u32 $0xFF, v13;
	v13 =	vunpack.c.0.s8.s32 v22;
	v19 =	vunpack.c.0.s8.s32 v19  }
0x22: {  	v22 =	vimm.s32 $0xB5B3B1AF;
	vm0 =	vmand vm0, vm1;
	v0 =	vsel vm15, v2, v0  }
0x23: {  	v5 =	vsel vm15, v18, v16;
	v26 =	vsel vm15, v12, v8;
	v12 =	vunpack.c.0.s8.s32 v31  }
0x24: {  	v16 =	vimm.s32 $0x93918F8D;
	v18 =	vimm.s32 $0xB4B2B0AE;
	v22 =	vunpack.c.0.s8.s32 v22  }
0x25: {  	vm1 =	vmand vm0, vm14;
	v2 =	vcombine.low v61, v0;
	v0 =	vsel vm15, v3, v63  }
0x26: {  	v23 =	vcombine.low v17, v5;
	v25 =	vadd.s32 v9, v6;
	v27 =	vsel vm15, v24, v13  }
0x27: {  	v13 =	vunpack.c.0.s8.s32 v32;
	v40 =	vunpack.c.0.s8.s32 v16;
	v16 =	vunpack.c.0.s8.s32 v44  }
0x28: {  	v18 =	vunpack.c.0.s8.s32 v18;
	v3 =	vcombine.low v15, v0;
	vm2 =	vlt.u32 v7, $0x180  }
0x29: {  	v47 =	vsel vm15, v20, v19;
	v8 =	vcombine.low v26, v27;
	vm8 =	vmand vm1, vm2  }
0x2a: {  	v19 =	vunpack.c.0.s8.s32 v58;
	v63 =	vimm.s32 $0xE5E3E1DF;
	v0 =	vnsel vm8, $0xFFFFFFFF, v25  }
0x2b: {  	v24 =	vimm.s32 $0xCDA9A7A5;
	v32 =	vimm.s32 $0xF7F5F3F1;
	v5 =	vsel vm8, $0xFFFFFFFF, v28;
	[tilespmem:$0x110] =	vst v0  }
0x2c: {  	vm14 =	vcmask $0x3734;
	v15 =	vimm.s32 $0x24000;
	v48 =	vsel vm15, v22, v21;
	[tilespmem:$0x1FF60] =	vst v5;
	v5 =	vld.idx.msk [tilespmem:v2+s2+$0x0], $0xffff  }
0x2d: {  	v21 =	vunpack.c.0.s8.s32 v24;
	v46 =	vsel vm15, v18, v16;
	v18 =	vunpack.c.0.s8.s32 v57;
	v6 =	vld.idx.msk [tilespmem:v23+s2+$0x0], $0xffff  }
0x2e: {  	v26 =	vimm.s32 $0xEECAC8C6;
	v34 =	vsel vm15, v14, v13;
	v13 =	vunpack.c.0.s8.s32 v37;
	v2 =	vld.idx.msk [tilespmem:v3+s2+$0x0], $0xffff  }
0x2f: {  	v61 =	vsel vm15, v19, v18;
	v25 =	vimm.s32 $0xD5D3D1CF;
	v3 =	vld.idx.msk [tilespmem:v8+s2+$0x0], $0xffff;
	v8 =	vunpack.c.0.s8.s32 v29  }
0x30: {  	v19 =	vunpack.c.0.s8.s32 v63;
	v28 =	vimm.s32 $0xF6F4F2F0;
	v22 =	vunpack.c.0.s8.s32 v25  }
0x31: {  	v8 =	vsel vm15, v12, v8;
	v12 =	vsel vm15, v13, v36;
	v13 =	vunpack.c.0.s8.s32 v41  }
0x32: {  	v8 =	vcombine.low v34, v8;
	vm6 =	vlt.u32 v5, $0x180;
	vm9 =	vlt.u32 v6, $0x180  }
0x33: {  	v45 =	vsel vm15, v43, v13;
	v13 =	vcombine.low v48, v47;
	vm7 =	vlt.u32 v2, $0x180  }
0x34: {  	vm3 =	vlt.u32 v3, $0x180;
	v17 =	vand.u32 $0xFF, v8;
	v8 =	vsel vm15, v40, v39  }
0x35: {  	v30 =	vmul.u32 $0x180, v2;
	vm1 =	vmand vm6, vm7;
	v8 =	vcombine.low v8, v12  }
0x36: {  	v12 =	vcombine.low v46, v45;
	vm2 =	vmand vm1, vm9;
	vm1 =	vcmask $0x300  }
0x37: {  	v53 =	vand.u32 $0xFF, v13;
	v11 =	vadd.s32 v30, v5;
	v15 =	vsel vm1, $0x0, v15  }
0x38: {  	v49 =	vand.u32 $0xFF, v8;
	vm7 =	vmand vm2, vm3;
	v50 =	vadd.s32 v15, v11  }
0x39: {  	v18 =	vsel vm15, v19, v62;
	v51 =	vand.u32 $0xFF, v12;
	v8 =	vnsel vm7, $0xFFFFFFFF, v50  }
0x3a: {  	v19 =	vunpack.c.0.s8.s32 v28;
	v23 =	vimm.s32 $0xFFFDFBF9;
	v27 =	vsel vm15, v22, v21;
	[tilespmem:$0x120] =	vst v8  }
0x3b: {  	v29 =	vimm.s32 $0xFEFCFAF8;
	v22 =	vunpack.c.0.s8.s32 v32;
	v23 =	vunpack.c.0.s8.s32 v23;
	v14 =	vld.idx.msk [tilespmem:v17+s2+$0x0], $0xffff  }
0x3c: {  	v18 =	vcombine.low v27, v18;
	v19 =	vand.u32 $0xFF, v19;
	v12 =	vsel vm7, $0xFFFFFFFF, v52;
	v15 =	vld.idx.msk [tilespmem:v53+s2+$0x0], $0xffff  }
0x3d: {  	v21 =	vunpack.c.0.s8.s32 v29;
	[tilespmem:$0x1FF70] =	vst v12;
	v12 =	vunpack.c.0.s8.s32 v55;
	v17 =	vunpack.c.0.s8.s32 v56;
	v13 =	vld.idx.msk [tilespmem:v49+s2+$0x0], $0xffff  }
0x3e: {  	v33 =	vand.u32 $0xFF, v22;
	v36 =	vimm.s32 $0x0;
	v18 =	vand.u32 $0xFF, v18;
	v16 =	vld.idx.msk [tilespmem:v51+s2+$0x0], $0xffff  }
0x3f: {  	v21 =	vand.u32 $0xFF, v21;
	v12 =	vsel vm15, v17, v12;
	v17 =	vunpack.c.0.s8.s32 v26  }
0x40: {  	v34 =	vand.u32 $0xFF, v23;
	v30 =	vimm.s32 $0xEFCBC9C7;
	v12 =	vcombine.low v61, v12  }
0x41: {  	vm3 =	vcmask $0xF00;
	v31 =	vunpack.c.0.s8.s32 v30;
	v17 =	vand.u32 $0xFF, v17  }
0x42: {  	vm10 =	vlt.u32 v14, $0x180;
	vm13 =	vlt.u32 v15, $0x180;
	v12 =	vand.u32 $0xFF, v12  }
0x43: {  	v17 =	vnsel vm3, $0x106, v17;
	vm11 =	vlt.u32 v13, $0x180;
	vm12 =	vlt.u32 v16, $0x180  }
0x44: {  	v54 =	vmul.u32 $0x180, v13;
	v17 =	vsel vm15, v19, v17;
	v19 =	vand.u32 $0xFF, v31  }
0x45: {  	vm2 =	vmand vm10, vm11;
	v17 =	vsel vm4, v21, v17;
	v19 =	vnsel vm3, $0x107, v19  }
0x46: {  	vm2 =	vmand vm2, vm12;
	v11 =	vadd.s32 v54, v14;
	v19 =	vsel vm15, v33, v19  }
0x47: {  	v17 =	vsel vm5, $0x100, v17;
	vm15 =	vcmask $0x3B38;
	vm6 =	vmand vm2, vm13  }
0x48: {  	vm2 =	vcmask $0x700;
	v19 =	vsel vm4, v34, v19;
	v17 =	vsel vm14, $0x102, v17  }
0x49: {  	v20 =	vsel vm2, $0x24000, v59;
	v19 =	vsel vm5, $0x101, v19;
	v35 =	vsel vm15, $0x104, v17  }
0x4a: {  	v17 =	vsel vm6, $0xFFFFFFFF, v36;
	v11 =	vadd.s32 v20, v11;
	v19 =	vsel vm14, $0x103, v19  }
0x4b: {  	v42 =	vimm.s32 $0x10E;
	[tilespmem:$0x1FF80] =	vst v17;
	v17 =	vnsel vm6, $0xFFFFFFFF, v11;
	v37 =	vsel vm15, $0x105, v19  }
0x4c: {  	v44 =	vimm.s32 $0x0;
	v24 =	vimm.s32 $0x10F;
	v27 =	vmul.u32 $0x18, v4;
	[tilespmem:$0x130] =	vst v17  }
0x4d: {  	v41 =	vimm.s32 $0x6C000;
	v39 =	vimm.s32 $0xECEAE8E6;
	v40 =	vimm.s32 $0xEDEBE9E7;
	v19 =	vld.idx.msk [tilespmem:v12+s2+$0x0], $0xffff  }
0x4e: {  	v45 =	vmul.u32 $0x18, v2;
	v24 =	vsel vm1, $0x109, v24;
	vm13 =	vcmask $0xB00;
	v20 =	vld.idx.msk [tilespmem:v18+s2+$0x0], $0xffff  }
0x4f: {  	vm5 =	vmmov vm6;
	v12 =	vunpack.c.0.s8.s32 v39;
	v18 =	vunpack.c.0.s8.s32 v40;
	v22 =	vld.idx.msk [tilespmem:v35+s2+$0x0], $0xffff  }
0x50: {  	v23 =	vsel vm13, $0x48000, v41;
	vm14 =	vcmask $0x704;
	vm15 =	vcmask $0xB08;
	v21 =	vld.idx.msk [tilespmem:v37+s2+$0x0], $0xffff  }
0x51: {  	v24 =	vsel vm14, $0x10B, v24;
	v12 =	vand.u32 $0xFF, v12;
	v18 =	vand.u32 $0xFF, v18  }
0x52: {  	v12 =	vnsel vm3, $0xEC, v12;
	v25 =	vnsel vm3, $0xED, v18;
	v18 =	vsel vm1, $0x108, v42  }
0x53: {  	vm9 =	vlt.u32 v19, $0x180;
	vm10 =	vlt.u32 v20, $0x180;
	v38 =	vmul.u32 $0x180, v20  }
0x54: {  	v18 =	vsel vm14, $0x10A, v18;
	vm0 =	vmand vm9, vm10;
	vm11 =	vlt.u32 v22, $0x180  }
0x55: {  	vm0 =	vmand vm0, vm11;
	v11 =	vadd.s32 v38, v19;
	vm12 =	vlt.u32 v21, $0x180  }
0x56: {  	v43 =	vsel vm15, $0x10C, v18;
	v11 =	vadd.s32 v23, v11;
	vm6 =	vmand vm0, vm12  }
0x57: {  	v28 =	vshra.s32 v5, $0x4;
	v26 =	vsel vm15, $0x10D, v24;
	v18 =	vnsel vm6, $0xFFFFFFFF, v11  }
0x58: {  	v29 =	vimm.s32 $0x4800;
	v46 =	vshra.s32 v9, $0x4;
	v28 =	vadd.s32 v45, v28;
	[tilespmem:$0x140] =	vst v18  }
0x59: {  	v29 =	vsel vm1, $0x0, v29;
	v30 =	vimm.s32 $0x0;
	v11 =	vsel vm6, $0xFFFFFFFF, v44;
	v24 =	vld.idx.msk [tilespmem:v12+s2+$0x0], $0xffff  }
0x5a: {  	v47 =	vadd.s32 v29, v28;
	v53 =	vimm.s32 $0x0;
	v48 =	vmul.u32 $0x18, v13;
	[tilespmem:$0x1FF90] =	vst v11;
	v11 =	vld.idx.msk [tilespmem:v25+s2+$0x0], $0xffff  }
0x5b: {  	v51 =	vimm.s32 $0x9000;
	v49 =	vshra.s32 v14, $0x4;
	v23 =	vadd.s32 v46, v27;
	v25 =	vld.idx.msk [tilespmem:v43+s2+$0x0], $0xffff  }
0x5c: {  	v29 =	vsel vm2, $0x4800, v51;
	v27 =	vnsel vm8, $0x0, v23;
	v23 =	vadd.s32 v48, v49;
	v12 =	vld.idx.msk [tilespmem:v26+s2+$0x0], $0xffff  }
0x5d: {  	v31 =	vimm.s32 $0xD800;
	v52 =	vmul.u32 $0x18, v20;
	v29 =	vadd.s32 v29, v23  }
0x5e: {  	v54 =	vshra.s32 v19, $0x4;
	v29 =	vnsel vm5, $0x0, v29;
	v26 =	vnsel vm7, $0x0, v47  }
0x5f: {  	vm7 =	vmmov $0xf;
	vm9 =	vlt.u32 v24, $0x180;
	vm10 =	vlt.u32 v11, $0x180  }
0x60: {  	vm11 =	vlt.u32 v25, $0x180;
	v50 =	vmul.u32 $0x180, v11;
	vm1 =	vmand vm9, vm10  }
0x61: {  	[tilespmem:$0x170] =	vst v27;
	v30 =	vsel vm7, $0xFFFFFFFF, v30;
	vm12 =	vlt.u32 v12, $0x180;
	vm1 =	vmand vm1, vm11  }
0x62: {  	[tilespmem:$0x190] =	vst v29;
	v32 =	vmul.u32 $0x18, v11;
	v28 =	vadd.s32 v50, v24;
	vm1 =	vmand vm1, vm12  }
0x63: {  	[tilespmem:$0x180] =	vst v26;
	v56 =	vshra.s32 v24, $0x4;
	v28 =	vadd.s32 $0x6C000, v28;
	vm1 =	vmand vm1, vm7  }
0x64: {  	[tilespmem:$0x1FEB0] =	vst v30;
	v57 =	vadd.s32 v32, v56;
	v23 =	vnsel vm1, $0xFFFFFFFF, v28;
	v28 =	vsel vm1, $0xFFFFFFFF, v53  }
0x65: {  	v55 =	vsel vm13, $0x9000, v31;
	v30 =	vadd.s32 $0xD800, v57;
	[tilespmem:$0x1FFA0] =	vst v28;
	v28 =	vadd.s32 v52, v54  }
0x66: {  	v30 =	vnsel vm1, $0x0, v30;
	[tilespmem:$0x150] =	vst v23;
	v28 =	vadd.s32 v55, v28  }
0x67: {  	s5 =	sadd.s32 $0x600, s4;
	[tilespmem:$0x1B0] =	vst v30;
	v28 =	vnsel vm6, $0x0, v28  }
0x68: {  	s6 =	simm.s32 $0x48;
	s7 =	simm.s32 $0x170;
	s4 =	simm.s32 $0x490;
	[tilespmem:$0x1A0] =	vst v28  }
0x69: {  	v58 =	vadd.s32 $0x2400, v27;
	[tilespmem:s4], [sflag:$0x1] =	stream.indirect.gather [hbm4b:s5+s6], $0x10, s7, s6, $0xb8;
	[tilespmem:$0x36A0] =	vst v63  }
0x6a: {  	v59 =	vadd.s32 $0x2400, v26;
	[tilespmem:$0x1C0] =	vst v58  }
0x6b: {  	v60 =	vadd.s32 $0x2400, v29;
	[tilespmem:$0x1D0] =	vst v59  }
0x6c: {  	v61 =	vadd.s32 $0x2400, v28;
	[tilespmem:$0x1E0] =	vst v60  }
0x6d: {  	v62 =	vadd.s32 $0x2400, v30;
	[tilespmem:$0x1F0] =	vst v61  }
0x6e: {  	s26 =	simm.s32 $0x1C0;
	s8 =	simm.s32 $0x990;
	[tilespmem:$0x200] =	vst v62  }
0x6f: {  	v63 =	vadd.s32 $0x12000, v27;
	[tilespmem:s8], [sflag:$0x2] =	stream.indirect.gather [hbm4b:s5+s6], $0x10, s26, s6, $0xb8;
	[tilespmem:$0x36A0] =	vst v63  }
0x70: {  	v33 =	vadd.s32 $0x12000, v26;
	[tilespmem:$0x210] =	vst v63  }
0x71: {  	v34 =	vadd.s32 $0x12000, v29;
	[tilespmem:$0x220] =	vst v33  }
0x72: {  	v35 =	vadd.s32 $0x12000, v28;
	[tilespmem:$0x230] =	vst v34  }
0x73: {  	v36 =	vadd.s32 $0x12000, v30;
	[tilespmem:$0x240] =	vst v35  }
0x74: {  	s28 =	simm.s32 $0x210;
	s29 =	simm.s32 $0xE90;
	[tilespmem:$0x250] =	vst v36  }
0x75: {  	v37 =	vadd.s32 $0x14400, v27;
	[tilespmem:s29], [sflag:$0x3] =	stream.indirect.gather [hbm4b:s5+s6], $0x10, s28, s6, $0xb8;
	[tilespmem:$0x36A0] =	vst v63  }
0x76: {  	v38 =	vadd.s32 $0x14400, v26;
	[tilespmem:$0x260] =	vst v37  }
0x77: {  	v39 =	vadd.s32 $0x14400, v29;
	[tilespmem:$0x270] =	vst v38  }
0x78: {  	v40 =	vadd.s32 $0x14400, v28;
	[tilespmem:$0x280] =	vst v39  }
0x79: {  	v41 =	vadd.s32 $0x14400, v30;
	[tilespmem:$0x290] =	vst v40  }
0x7a: {  	s30 =	simm.s32 $0x260;
	s31 =	simm.s32 $0x1390;
	[tilespmem:$0x2A0] =	vst v41  }
0x7b: {  	v42 =	vadd.s32 $0x24000, v27;
	[tilespmem:s31], [sflag:$0x4] =	stream.indirect.gather [hbm4b:s5+s6], $0x10, s30, s6, $0xb8;
	[tilespmem:$0x36A0] =	vst v63  }
0x7c: {  	v43 =	vadd.s32 $0x24000, v26;
	[tilespmem:$0x2B0] =	vst v42  }
0x7d: {  	v44 =	vadd.s32 $0x24000, v29;
	[tilespmem:$0x2C0] =	vst v43  }
0x7e: {  	v45 =	vadd.s32 $0x24000, v28;
	[tilespmem:$0x2D0] =	vst v44  }
0x7f: {  	v46 =	vadd.s32 $0x24000, v30;
	[tilespmem:$0x2E0] =	vst v45  }
0x80: {  	s9 =	simm.s32 $0x1890;
	s8 =	simm.s32 $0x2B0;
	[tilespmem:$0x2F0] =	vst v46  }
0x81: {  	v47 =	vadd.s32 $0x26400, v27;
	[tilespmem:s9], [sflag:$0x5] =	stream.indirect.gather [hbm4b:s5+s6], $0x10, s8, s6, $0xb8;
	[tilespmem:$0x36A0] =	vst v63  }
0x82: {  	v48 =	vadd.s32 $0x26400, v26;
	[tilespmem:$0x300] =	vst v47  }
0x83: {  	v49 =	vadd.s32 $0x26400, v29;
	[tilespmem:$0x310] =	vst v48  }
0x84: {  	v50 =	vadd.s32 $0x26400, v28;
	[tilespmem:$0x320] =	vst v49  }
0x85: {  	v51 =	vadd.s32 $0x26400, v30;
	[tilespmem:$0x330] =	vst v50  }
0x86: {  	s10 =	simm.s32 $0x300;
	s11 =	simm.s32 $0x1D90;
	[tilespmem:$0x340] =	vst v51  }
0x87: {  	v52 =	vadd.s32 $0x36000, v27;
	[tilespmem:s11], [sflag:$0x6] =	stream.indirect.gather [hbm4b:s5+s6], $0x10, s10, s6, $0xb8;
	[tilespmem:$0x36A0] =	vst v63  }
0x88: {  	v53 =	vadd.s32 $0x36000, v26;
	[tilespmem:$0x350] =	vst v52  }
0x89: {  	v54 =	vadd.s32 $0x36000, v29;
	[tilespmem:$0x360] =	vst v53  }
0x8a: {  	v55 =	vadd.s32 $0x36000, v28;
	[tilespmem:$0x370] =	vst v54  }
0x8b: {  	v56 =	vadd.s32 $0x36000, v30;
	[tilespmem:$0x380] =	vst v55  }
0x8c: {  	s12 =	simm.s32 $0x350;
	s13 =	simm.s32 $0x2290;
	[tilespmem:$0x390] =	vst v56  }
0x8d: {  	v57 =	vadd.s32 $0x38400, v27;
	[tilespmem:s13], [sflag:$0x7] =	stream.indirect.gather [hbm4b:s5+s6], $0x10, s12, s6, $0xb8;
	[tilespmem:$0x36A0] =	vst v63  }
0x8e: {  	v58 =	vadd.s32 $0x38400, v26;
	[tilespmem:$0x3A0] =	vst v57  }
0x8f: {  	v59 =	vadd.s32 $0x38400, v29;
	[tilespmem:$0x3B0] =	vst v58  }
0x90: {  	v60 =	vadd.s32 $0x38400, v28;
	[tilespmem:$0x3C0] =	vst v59  }
0x91: {  	v61 =	vadd.s32 $0x38400, v30;
	[tilespmem:$0x3D0] =	vst v60  }
0x92: {  	s14 =	simm.s32 $0x3A0;
	s15 =	simm.s32 $0x2790;
	[tilespmem:$0x3E0] =	vst v61  }
0x93: {  	v62 =	vadd.s32 $0x48000, v27;
	[tilespmem:s15], [sflag:$0x8] =	stream.indirect.gather [hbm4b:s5+s6], $0x10, s14, s6, $0xb8;
	[tilespmem:$0x36A0] =	vst v63  }
0x94: {  	v63 =	vadd.s32 $0x48000, v26;
	[tilespmem:$0x3F0] =	vst v62  }
0x95: {  	v33 =	vadd.s32 $0x48000, v29;
	[tilespmem:$0x400] =	vst v63  }
0x96: {  	v34 =	vadd.s32 $0x48000, v28;
	[tilespmem:$0x410] =	vst v33  }
0x97: {  	v35 =	vadd.s32 $0x48000, v30;
	[tilespmem:$0x420] =	vst v34  }
0x98: {  	s16 =	simm.s32 $0x3F0;
	s17 =	simm.s32 $0x2C90;
	[tilespmem:$0x430] =	vst v35  }
0x99: {  	v27 =	vadd.s32 $0x4A400, v27;
	[tilespmem:s17], [sflag:$0x9] =	stream.indirect.gather [hbm4b:s5+s6], $0x10, s16, s6, $0xb8;
	[tilespmem:$0x36A0] =	vst v63  }
0x9a: {  	v26 =	vadd.s32 $0x4A400, v26;
	[tilespmem:$0x440] =	vst v27  }
0x9b: {  	v36 =	vadd.s32 $0x4A400, v29;
	[tilespmem:$0x450] =	vst v26  }
0x9c: {  	v37 =	vadd.s32 $0x4A400, v28;
	[tilespmem:$0x460] =	vst v36  }
0x9d: {  	v38 =	vadd.s32 $0x4A400, v30;
	[tilespmem:$0x470] =	vst v37  }
0x9e: {  	s18 =	simm.s32 $0x440;
	s19 =	simm.s32 $0x3190;
	[tilespmem:$0x480] =	vst v38  }
0x9f: {  	[tilespmem:s19], [sflag:$0xA] =	stream.indirect.gather [hbm4b:s5+s6], $0x10, s18, s6, $0xb8;
	[tilespmem:$0x36A0] =	vst v63  }
0xa0: {  	v26 =	vld.msk [tilespmem:$0x111 ss:$0x0], $0xffff  }
0xa1: {  	v1 =	vmul.u32 $0x10, v1;
	v27 =	vld.msk [tilespmem:$0x112 ss:$0x0], $0xffff  }
0xa2: {  	vm14 =	vmmov $0x1;
	vm9 =	vmmov $0x3;
	v41 =	vimm.s32 $0x0;
	v39 =	vld.msk [tilespmem:$0x113 ss:$0x0], $0xffff  }
0xa3: {  	v46 =	vimm.s32 $0x0;
	v48 =	vimm.s32 $0x0;
	v50 =	vimm.s32 $0x0;
	v40 =	vld.msk [tilespmem:$0x114 ss:$0x0], $0xffff  }
0xa4: {  	v54 =	vimm.s32 $0x0;
	v56 =	vimm.s32 $0x0;
	v57 =	vimm.s32 $0x0  }
0xa5: {  	v59 =	vimm.s32 $0x0;
	v60 =	vimm.s32 $0x0;
	v62 =	vimm.s32 $0x0;
	v42 =	vld.msk [tilespmem:$0x115 ss:$0x0], $0xffff  }
0xa6: {  	v34 =	vimm.s32 $0x0;
	v37 =	vimm.s32 $0x0;
	v38 =	vimm.s32 $0x0;
	v44 =	vld.msk [tilespmem:$0x117 ss:$0x0], $0xffff  }
0xa7: {  	v43 =	vld.msk [tilespmem:$0x116 ss:$0x0], $0xffff;
	vm13 =	veq.s32 v0, v26;
	v26 =	vsel vm14, $0xFFFFFFFF, v41;
	vm15 =	veq.s32 v0, v27  }
0xa8: {  	vm8 =	veq.s32 v0, v39;
	vm11 =	veq.s32 v0, v40;
	v41 =	vimm.s32 $0x0  }
0xa9: {  	vm3 =	vmand vm13, vm14;
	vm2 =	vmand vm15, vm9;
	vm15 =	vmmov $0x7  }
0xaa: {  	vm12 =	vmand vm11, vm7;
	vm13 =	veq.s32 v0, v42;
	vm14 =	vmmov $0x1f  }
0xab: {  	v45 =	vld.msk [tilespmem:$0x118 ss:$0x0], $0xffff;
	vm11 =	veq.s32 v0, v44;
	vm3 =	vmor vm3, vm2;
	vm10 =	vmand vm8, vm15  }
0xac: {  	[tilespmem:$0x1FEA0] =	vst v26;
	v26 =	vsel vm14, $0xFFFFFFFF, v46;
	vm1 =	vmand vm13, vm14;
	vm2 =	veq.s32 v0, v43  }
0xad: {  	v47 =	vld.msk [tilespmem:$0x119 ss:$0x0], $0xffff;
	vm14 =	vmmov $0xff;
	vm3 =	vmor vm3, vm10;
	vm10 =	vmmov $0x3f  }
0xae: {  	v49 =	vld.msk [tilespmem:$0x11A ss:$0x0], $0xffff;
	v28 =	vsel vm14, $0xFFFFFFFF, v50;
	vm5 =	vmor vm3, vm12;
	vm3 =	vmand vm2, vm10  }
0xaf: {  	v27 =	vsel vm10, $0xFFFFFFFF, v48;
	vm12 =	vmmov $0x7f;
	vm5 =	vmor vm5, vm1  }
0xb0: {  	vm13 =	vmand vm11, vm12;
	vm6 =	vmmov vm12;
	vm11 =	veq.s32 v0, v45  }
0xb1: {  	v51 =	vld.msk [tilespmem:$0x11B ss:$0x0], $0xffff;
	vm1 =	vne.s32 v6, v5;
	vm7 =	vmor vm5, vm3;
	vm4 =	vmand vm11, vm14  }
0xb2: {  	vm5 =	veq.s32 v0, v47;
	vm14 =	vmmov $0x3ff;
	vm7 =	vmor vm7, vm13  }
0xb3: {  	v52 =	vld.msk [tilespmem:$0x11C ss:$0x0], $0xffff;
	[tilespmem:$0x1FED0] =	vst v27;
	vm13 =	veq.s32 v0, v49;
	v27 =	vsel vm14, $0xFFFFFFFF, v54;
	v49 =	vimm.s32 $0x0  }
0xb4: {  	vm11 =	vmor vm7, vm4;
	vm7 =	vmmov $0x1ff;
	vm4 =	vne.s32 v10, v9  }
0xb5: {  	v10 =	vsub.s32 v10, v9;
	v9 =	vand.u32 $0xF, v9;
	vm12 =	vmand vm5, vm7  }
0xb6: {  	v53 =	vld.msk [tilespmem:$0x11D ss:$0x0], $0xffff;
	vm8 =	vmmov vm7;
	vm5 =	veq.s32 v0, v51;
	vm7 =	vmmov $0x7ff  }
0xb7: {  	vm11 =	vmor vm11, vm12;
	vm12 =	vmand vm13, vm14;
	vm14 =	vne.s32 v7, v4  }
0xb8: {  	[tilespmem:$0x1FF40] =	vst v28;
	v28 =	vsel vm7, $0xFFFFFFFF, v56;
	vm0 =	vmand vm5, vm7;
	vm5 =	veq.s32 v0, v52  }
0xb9: {  	v58 =	vld.msk [tilespmem:$0x11F ss:$0x0], $0xffff;
	vm13 =	vmmov $0xfff;
	vm7 =	vmmov $0x1fff;
	v4 =	vsub.s32 v7, v4  }
0xba: {  	v55 =	vld.msk [tilespmem:$0x11E ss:$0x0], $0xffff;
	[tilespmem:$0x1FF20] =	vst v26;
	vm4 =	vmor vm4, vm14;
	vm11 =	vmor vm11, vm12;
	v26 =	vsel vm13, $0xFFFFFFFF, v59  }
0xbb: {  	vm12 =	veq.s32 v0, v53;
	vm14 =	vne.s32 v3, v2;
	v53 =	vimm.s32 $0x0  }
0xbc: {  	[tilespmem:$0x1FEF0] =	vst v28;
	v31 =	vcvt.s32.f32 v4;
	v2 =	vsub.s32 v3, v2;
	v28 =	vsel vm4, $0xFFFFFFFF, v57  }
0xbd: {  	vm0 =	vmor vm11, vm0;
	vm11 =	vmand vm5, vm13;
	[tilespmem:$0x1FF00] =	vst v26;
	v26 =	vsel vm7, $0xFFFFFFFF, v60  }
0xbe: {  	v61 =	vld.msk [tilespmem:$0x120 ss:$0x0], $0xffff;
	vm5 =	veq.s32 v0, v58;
	vm3 =	vmor vm0, vm11;
	vm11 =	vmand vm12, vm7  }
0xbf: {  	[tilespmem:$0x1FEE0] =	vst v27;
	vm12 =	veq.s32 v0, v55;
	vm7 =	vmmov $0x3fff;
	vm0 =	vmor vm1, vm14  }
0xc0: {  	[tilespmem:$0x1FEC0] =	vst v26;
	v26 =	vsel vm6, $0xFFFFFFFF, v49;
	v27 =	vsel vm0, $0xFFFFFFFF, v62;
	vm14 =	vmor vm3, vm11  }
0xc1: {  	v63 =	vld.msk [tilespmem:$0x121 ss:$0x0], $0xffff;
	vm4 =	vmand vm12, vm7;
	vm11 =	vne.s32 v16, v14;
	vm12 =	vne.s32 v15, v13  }
0xc2: {  	vm3 =	vne.s32 v25, v24;
	vm0 =	vmor vm14, vm4;
	vm14 =	vmmov $0x7fff  }
0xc3: {  	v33 =	vld.msk [tilespmem:$0x122 ss:$0x0], $0xffff;
	vm2 =	vmor vm11, vm12;
	vm11 =	veq.s32 v0, v61;
	vm4 =	vne.s32 v22, v19  }
0xc4: {  	v35 =	vld.msk [tilespmem:$0x123 ss:$0x0], $0xffff;
	[tilespmem:$0x1FFC0] =	vst v27;
	vm12 =	vne.s32 v12, v11;
	v27 =	vsel vm9, $0xFFFFFFFF, v41;
	vm1 =	vmand vm5, vm14  }
0xc5: {  	v40 =	vld [tilespmem:$0x1FEA0];
	v29 =	vsel vm2, $0xFFFFFFFF, v34;
	vm2 =	vne.s32 v21, v20;
	vm0 =	vmor vm0, vm1  }
0xc6: {  	vm2 =	vmor vm4, vm2;
	vm1 =	veq.s32 v8, v63;
	vm5 =	vmor vm11, vm0  }
0xc7: {  	v36 =	vld.msk [tilespmem:$0x124 ss:$0x0], $0xffff;
	vm11 =	veq.s32 v0, v63;
	v30 =	vsel vm2, $0xFFFFFFFF, v37;
	vm0 =	vmor vm3, vm12  }
0xc8: {  	v44 =	vld [tilespmem:$0x1FEB0];
	vm12 =	veq.s32 v0, v33;
	[tilespmem:$0x1FFE0] =	vst v30;
	v30 =	vsel vm0, $0xFFFFFFFF, v38;
	vm0 =	vmor vm11, vm5  }
0xc9: {  	v42 =	vld.msk [tilespmem:$0x126 ss:$0x0], $0xffff;
	vm11 =	veq.s32 v8, v33;
	vm5 =	vmmov vm9;
	vm0 =	vmor vm12, vm0  }
0xca: {  	v39 =	vld.msk [tilespmem:$0x125 ss:$0x0], $0xffff;
	vm12 =	vnez.u8 v40;
	vm4 =	vmand vm11, vm9;
	vm9 =	veq.s32 v0, v35  }
0xcb: {  	v46 =	vld [tilespmem:$0x1FF20];
	vm11 =	veq.s32 v8, v35;
	vm1 =	vmand vm1, vm12;
	vm0 =	vmor vm9, vm0  }
0xcc: {  	v43 =	vld.msk [tilespmem:$0x127 ss:$0x0], $0xffff;
	vm9 =	vmand vm11, vm15;
	vm11 =	veq.s32 v0, v36;
	vm1 =	vmor vm1, vm4  }
0xcd: {  	v45 =	vld.msk [tilespmem:$0x128 ss:$0x0], $0xffff;
	vm0 =	vmor vm11, vm0;
	vm4 =	veq.s32 v8, v36;
	vm11 =	vnez.u8 v44  }
0xce: {  	vm3 =	veq.s32 v8, v42;
	vm1 =	vmor vm1, vm9;
	vm2 =	vmand vm4, vm11  }
0xcf: {  	v47 =	vld.msk [tilespmem:$0x129 ss:$0x0], $0xffff;
	vm9 =	veq.s32 v0, v39;
	vm4 =	veq.s32 v8, v39;
	vm1 =	vmor vm1, vm2  }
0xd0: {  	v51 =	vld [tilespmem:$0x1FF40];
	vm0 =	vmor vm9, vm0;
	vm9 =	vnez.u8 v46;
	vm2 =	veq.s32 v0, v42  }
0xd1: {  	vm4 =	vmand vm4, vm9;
	vm0 =	vmor vm2, vm0;
	vm2 =	vmand vm3, vm10  }
0xd2: {  	vm10 =	veq.s32 v0, v43;
	vm3 =	veq.s32 v0, v45;
	vm1 =	vmor vm1, vm4  }
0xd3: {  	v48 =	vld.msk [tilespmem:$0x12A ss:$0x0], $0xffff;
	vm0 =	vmor vm10, vm0;
	vm4 =	veq.s32 v8, v43;
	vm10 =	vmmov vm6  }
0xd4: {  	v55 =	vld [tilespmem:$0x1FEE0];
	vm1 =	vmor vm1, vm2;
	vm2 =	vmand vm4, vm6;
	vm4 =	veq.s32 v8, v45  }
0xd5: {  	v50 =	vld.msk [tilespmem:$0x12B ss:$0x0], $0xffff;
	vm0 =	vmor vm3, vm0;
	vm6 =	vnez.u8 v51;
	vm3 =	veq.s32 v8, v47  }
0xd6: {  	v57 =	vld [tilespmem:$0x1FEF0];
	vm1 =	vmor vm1, vm2;
	vm4 =	vmand vm4, vm6;
	vm2 =	veq.s32 v0, v47  }
0xd7: {  	vm1 =	vmor vm1, vm4;
	vm0 =	vmor vm2, vm0;
	vm2 =	vmand vm3, vm8  }
0xd8: {  	v52 =	vld.msk [tilespmem:$0x12C ss:$0x0], $0xffff;
	[tilespmem:$0x1FF30] =	vst v26;
	v26 =	vcvt.s32.f32 v10;
	vm3 =	veq.s32 v0, v48;
	vm1 =	vmor vm1, vm2  }
0xd9: {  	v54 =	vld.msk [tilespmem:$0x12D ss:$0x0], $0xffff;
	vm0 =	vmor vm3, vm0;
	vm2 =	veq.s32 v8, v48;
	vm3 =	vnez.u8 v55  }
0xda: {  	v60 =	vld [tilespmem:$0x1FEC0];
	[tilespmem:$0x1FFD0] =	vst v29;
	v29 =	vsel vm8, $0xFFFFFFFF, v53;
	vm4 =	veq.s32 v8, v50;
	vm2 =	vmand vm2, vm3  }
0xdb: {  	v56 =	vld.msk [tilespmem:$0x12E ss:$0x0], $0xffff;
	vm3 =	veq.s32 v0, v50;
	vm1 =	vmor vm1, vm2;
	vm2 =	vnez.u8 v57  }
0xdc: {  	v58 =	vld.msk [tilespmem:$0x12F ss:$0x0], $0xffff;
	[tilespmem:$0x1FFF0] =	vst v30;
	v30 =	vcvt.s32.f32 v2;
	vm0 =	vmor vm3, vm0;
	vm2 =	vmand vm4, vm2  }
0xdd: {  	vm3 =	veq.s32 v8, v52;
	vm1 =	vmor vm1, vm2;
	vm2 =	veq.s32 v0, v52  }
0xde: {  	vm0 =	vmor vm2, vm0;
	vm2 =	vmand vm3, vm13;
	vm13 =	veq.s32 v0, v54  }
0xdf: {  	v59 =	vld.msk [tilespmem:$0x130 ss:$0x0], $0xffff;
	vm4 =	veq.s32 v8, v54;
	vm0 =	vmor vm13, vm0;
	vm13 =	vnez.u8 v60  }
0xe0: {  	v61 =	vld.msk [tilespmem:$0x131 ss:$0x0], $0xffff;
	vm3 =	veq.s32 v0, v56;
	vm1 =	vmor vm1, vm2;
	vm2 =	vmand vm4, vm13  }
0xe1: {  	v62 =	vld.msk [tilespmem:$0x132 ss:$0x0], $0xffff;
	vm4 =	veq.s32 v8, v56;
	vm0 =	vmor vm3, vm0;
	vm3 =	veq.s32 v8, v58  }
0xe2: {  	vm1 =	vmor vm1, vm2;
	vm4 =	vmand vm4, vm7;
	vm2 =	veq.s32 v0, v58  }
0xe3: {  	vm1 =	vmor vm1, vm4;
	vm0 =	vmor vm2, vm0;
	vm2 =	vmand vm3, vm14  }
0xe4: {  	v63 =	vld.msk [tilespmem:$0x133 ss:$0x0], $0xffff;
	vm3 =	veq.s32 v0, v59;
	vm4 =	veq.s32 v8, v59;
	vm1 =	vmor vm1, vm2  }
0xe5: {  	vm0 =	vmor vm3, vm0;
	vm2 =	veq.s32 v0, v61;
	vm3 =	veq.s32 v8, v61  }
0xe6: {  	vm1 =	vmor vm4, vm1;
	vm0 =	vmor vm2, vm0;
	vm4 =	veq.s32 v0, v62  }
0xe7: {  	v32 =	vld.msk [tilespmem:$0x134 ss:$0x0], $0xffff;
	vm2 =	veq.s32 v17, v61;
	vm1 =	vmor vm3, vm1;
	vm0 =	vmor vm4, vm0  }
0xe8: {  	vm3 =	veq.s32 v17, v62;
	vm2 =	vmand vm2, vm12;
	vm4 =	veq.s32 v8, v62  }
0xe9: {  	v33 =	vld.msk [tilespmem:$0x135 ss:$0x0], $0xffff;
	vm3 =	vmand vm3, vm5;
	vm1 =	vmor vm4, vm1;
	vm4 =	veq.s32 v0, v63  }
0xea: {  	v34 =	vld.msk [tilespmem:$0x136 ss:$0x0], $0xffff;
	vm5 =	veq.s32 v8, v63;
	vm2 =	vmor vm2, vm3;
	vm3 =	veq.s32 v17, v63  }
0xeb: {  	vm0 =	vmor vm4, vm0;
	vm1 =	vmor vm5, vm1;
	vm3 =	vmand vm3, vm15  }
0xec: {  	v37 =	vld [tilespmem:$0x1FED0];
	vm5 =	veq.s32 v17, v32;
	vm2 =	vmor vm2, vm3;
	vm3 =	veq.s32 v0, v32  }
0xed: {  	v35 =	vld.msk [tilespmem:$0x137 ss:$0x0], $0xffff;
	vm4 =	veq.s32 v8, v32;
	vm0 =	vmor vm3, vm0;
	vm3 =	vmand vm5, vm11  }
0xee: {  	vm1 =	vmor vm4, vm1;
	vm2 =	vmor vm2, vm3;
	vm3 =	veq.s32 v0, v33  }
0xef: {  	vm4 =	veq.s32 v17, v33;
	vm5 =	veq.s32 v8, v34;
	vm0 =	vmor vm3, vm0  }
0xf0: {  	v39 =	vld.msk [tilespmem:$0x13A ss:$0x0], $0xffff;
	vm3 =	vmand vm4, vm9;
	vm9 =	veq.s32 v8, v33;
	vm4 =	veq.s32 v0, v34  }
0xf1: {  	v36 =	vld.msk [tilespmem:$0x138 ss:$0x0], $0xffff;
	vm1 =	vmor vm9, vm1;
	vm2 =	vmor vm2, vm3;
	vm3 =	veq.s32 v17, v34  }
0xf2: {  	vm9 =	vnez.u8 v37;
	vm0 =	vmor vm4, vm0;
	vm4 =	veq.s32 v8, v35  }
0xf3: {  	v38 =	vld.msk [tilespmem:$0x139 ss:$0x0], $0xffff;
	vm3 =	vmand vm3, vm9;
	vm1 =	vmor vm5, vm1;
	vm5 =	veq.s32 v17, v35  }
0xf4: {  	vm2 =	vmor vm2, vm3;
	vm3 =	veq.s32 v0, v35;
	vm1 =	vmor vm4, vm1  }
0xf5: {  	v41 =	vld.msk [tilespmem:$0x13C ss:$0x0], $0xffff;
	vm10 =	vmand vm5, vm10;
	vm5 =	veq.s32 v17, v39;
	vm0 =	vmor vm3, vm0  }
0xf6: {  	v40 =	vld.msk [tilespmem:$0x13B ss:$0x0], $0xffff;
	vm2 =	vmor vm2, vm10;
	vm3 =	veq.s32 v0, v36;
	vm10 =	veq.s32 v17, v36  }
0xf7: {  	v42 =	vld [tilespmem:$0x1FEE0];
	vm0 =	vmor vm3, vm0;
	vm3 =	vmand vm10, vm6;
	vm10 =	veq.s32 v8, v36  }
0xf8: {  	vm6 =	veq.s32 v17, v38;
	vm1 =	vmor vm10, vm1;
	vm2 =	vmor vm2, vm3  }
0xf9: {  	v44 =	vld [tilespmem:$0x1FEF0];
	vm3 =	vmand vm6, vm8;
	vm8 =	veq.s32 v0, v38;
	vm10 =	veq.s32 v8, v38  }
0xfa: {  	vm4 =	veq.s32 v0, v41;
	vm0 =	vmor vm8, vm0;
	vm1 =	vmor vm10, vm1  }
0xfb: {  	vm2 =	vmor vm2, vm3;
	vm8 =	veq.s32 v0, v39;
	vm10 =	veq.s32 v8, v39  }
0xfc: {  	v46 =	vld [tilespmem:$0x1FF00];
	vm3 =	veq.s32 v0, v40;
	vm0 =	vmor vm8, vm0;
	vm8 =	vnez.u8 v42  }
0xfd: {  	v43 =	vld.msk [tilespmem:$0x13D ss:$0x0], $0xffff;
	vm1 =	vmor vm10, vm1;
	vm10 =	veq.s32 v17, v40;
	vm6 =	vmand vm5, vm8  }
0xfe: {  	v42 =	vor.u32 $0x500, v1;
	vm2 =	vmor vm2, vm6;
	vm6 =	vnez.u8 v44  }
0xff: {  	v45 =	vld.msk [tilespmem:$0x13E ss:$0x0], $0xffff;
	vm0 =	vmor vm3, vm0;
	vm3 =	vmand vm10, vm6;
	vm10 =	veq.s32 v8, v40  }
0x100: {  	vm5 =	veq.s32 v8, v41;
	vm0 =	vmor vm4, vm0;
	vm1 =	vmor vm10, vm1  }
0x101: {  	v50 =	vld.msk [tilespmem:$0x142 ss:$0x0], $0xffff;
	vm2 =	vmor vm2, vm3;
	vm3 =	veq.s32 v17, v41;
	vm10 =	vnez.u8 v46  }
0x102: {  	vm4 =	veq.s32 v8, v43;
	v46 =	vor.u32 $0x100, v1;
	vm3 =	vmand vm3, vm10  }
0x103: {  	v47 =	vld.msk [tilespmem:$0x13F ss:$0x0], $0xffff;
	vm1 =	vmor vm5, vm1;
	vm5 =	veq.s32 v17, v43;
	vm2 =	vmor vm2, vm3  }
0x104: {  	vm3 =	veq.s32 v0, v43;
	vm1 =	vmor vm4, vm1;
	vm4 =	veq.s32 v17, v45  }
0x105: {  	v48 =	vld.msk [tilespmem:$0x140 ss:$0x0], $0xffff;
	v43 =	vand.u32 $0xF, v5;
	vm0 =	vmor vm3, vm0;
	vm3 =	vmand vm5, vm13  }
0x106: {  	vm5 =	veq.s32 v18, v50;
	vm2 =	vmor vm2, vm3;
	vm3 =	veq.s32 v0, v45  }
0x107: {  	v49 =	vld.msk [tilespmem:$0x141 ss:$0x0], $0xffff;
	vm0 =	vmor vm3, vm0;
	vm3 =	vmand vm4, vm7;
	vm4 =	veq.s32 v8, v45  }
0x108: {  	vm1 =	vmor vm4, vm1;
	vm2 =	vmor vm2, vm3;
	vm3 =	veq.s32 v0, v47  }
0x109: {  	vm4 =	veq.s32 v17, v47;
	vm0 =	vmor vm3, vm0;
	vm3 =	veq.s32 v8, v47  }
0x10a: {  	vm1 =	vmor vm3, vm1;
	vm3 =	vmand vm4, vm14;
	vm4 =	veq.s32 v0, v48  }
0x10b: {  	[tilespmem:$0x1FF10] =	vst v27;
	vm2 =	vmor vm2, vm3;
	vm0 =	vmor vm4, vm0;
	vm3 =	veq.s32 v8, v48  }
0x10c: {  	v53 =	vld [tilespmem:$0x1FF10];
	vm4 =	veq.s32 v0, v49;
	vm1 =	vmor vm3, vm1;
	vm3 =	veq.s32 v17, v48  }
0x10d: {  	vm0 =	vmor vm4, vm0;
	vm2 =	vmor vm3, vm2;
	vm3 =	veq.s32 v8, v49  }
0x10e: {  	v51 =	vld.msk [tilespmem:$0x143 ss:$0x0], $0xffff;
	vm4 =	veq.s32 v18, v49;
	vm1 =	vmor vm3, vm1;
	vm3 =	veq.s32 v17, v49  }
0x10f: {  	vm2 =	vmor vm3, vm2;
	vm3 =	vmand vm4, vm12;
	vm12 =	veq.s32 v0, v50  }
0x110: {  	v47 =	vor.u32 $0x600, v1;
	vm0 =	vmor vm12, vm0;
	vm12 =	veq.s32 v8, v50  }
0x111: {  	v52 =	vld.msk [tilespmem:$0x144 ss:$0x0], $0xffff;
	v48 =	vsub.s32 v6, v5;
	vm1 =	vmor vm12, vm1;
	vm12 =	vnez.u8 v53  }
0x112: {  	v27 =	vcvt.s32.f32 v48;
	vm4 =	vmand vm5, vm12;
	vm12 =	veq.s32 v17, v50  }
0x113: {  	vm2 =	vmor vm12, vm2;
	vm3 =	vmor vm3, vm4;
	vm12 =	veq.s32 v0, v51  }
0x114: {  	v54 =	vld.msk [tilespmem:$0x145 ss:$0x0], $0xffff;
	vm4 =	veq.s32 v8, v51;
	vm0 =	vmor vm12, vm0;
	vm12 =	veq.s32 v18, v51  }
0x115: {  	vm1 =	vmor vm4, vm1;
	vm12 =	vmand vm12, vm15;
	vm15 =	veq.s32 v17, v51  }
0x116: {  	v57 =	vld [tilespmem:$0x1FF20];
	vm2 =	vmor vm15, vm2;
	vm3 =	vmor vm3, vm12;
	vm12 =	veq.s32 v0, v52  }
0x117: {  	vm15 =	veq.s32 v8, v52;
	vm0 =	vmor vm12, vm0;
	vm12 =	veq.s32 v18, v52  }
0x118: {  	v55 =	vld.msk [tilespmem:$0x146 ss:$0x0], $0xffff;
	vm1 =	vmor vm15, vm1;
	vm15 =	vmand vm12, vm11;
	vm11 =	veq.s32 v17, v52  }
0x119: {  	vm12 =	veq.s32 v0, v54;
	v52 =	vand.u32 $0xF, v14;
	vm2 =	vmor vm11, vm2  }
0x11a: {  	vm3 =	vmor vm3, vm15;
	vm0 =	vmor vm12, vm0;
	vm15 =	veq.s32 v8, v54  }
0x11b: {  	vm11 =	veq.s32 v18, v54;
	vm12 =	vnez.u8 v57;
	v57 =	vsub.s32 v16, v14  }
0x11c: {  	v56 =	vld.msk [tilespmem:$0x147 ss:$0x0], $0xffff;
	vm1 =	vmor vm15, vm1;
	vm4 =	vmand vm11, vm12;
	vm15 =	veq.s32 v17, v54  }
0x11d: {  	v60 =	vld [tilespmem:$0x1FF30];
	vm11 =	veq.s32 v0, v55;
	vm12 =	veq.s32 v8, v55;
	v5 =	vcvt.s32.f32 v57  }
0x11e: {  	v57 =	vor.u32 $0xB00, v1;
	vm2 =	vmor vm15, vm2;
	vm3 =	vmor vm3, vm4  }
0x11f: {  	v58 =	vld.msk [tilespmem:$0x148 ss:$0x0], $0xffff;
	vm0 =	vmor vm11, vm0;
	vm15 =	veq.s32 v18, v55;
	vm1 =	vmor vm12, vm1  }
0x120: {  	vm12 =	veq.s32 v17, v55;
	v55 =	vor.u32 $0x200, v1;
	vm11 =	vmand vm15, vm9  }
0x121: {  	vm2 =	vmor vm12, vm2;
	vm15 =	veq.s32 v0, v56;
	vm9 =	veq.s32 v8, v56  }
0x122: {  	v62 =	vld [tilespmem:$0x1FF40];
	vm12 =	vnez.u8 v60;
	v60 =	vsub.s32 v15, v13;
	vm3 =	vmor vm3, vm11  }
0x123: {  	vm0 =	vmor vm15, vm0;
	vm11 =	veq.s32 v18, v56;
	vm1 =	vmor vm9, vm1  }
0x124: {  	[tilespmem:$0x1FF50] =	vst v29;
	v59 =	vld.msk [tilespmem:$0x149 ss:$0x0], $0xffff;
	vm15 =	veq.s32 v17, v56;
	vm9 =	veq.s32 v0, v58;
	v56 =	vor.u32 $0x700, v1  }
0x125: {  	v32 =	vld [tilespmem:$0x1FF50];
	v3 =	vcvt.s32.f32 v60;
	v60 =	vor.u32 $0xD00, v1;
	vm4 =	vmand vm11, vm12  }
0x126: {  	vm2 =	vmor vm15, vm2;
	vm0 =	vmor vm9, vm0;
	vm11 =	veq.s32 v8, v58  }
0x127: {  	v61 =	vld.msk [tilespmem:$0x14A ss:$0x0], $0xffff;
	vm12 =	veq.s32 v18, v58;
	vm15 =	vnez.u8 v62;
	vm9 =	veq.s32 v17, v58  }
0x128: {  	vm3 =	vmor vm3, vm4;
	vm1 =	vmor vm11, vm1;
	vm4 =	vmand vm12, vm15  }
0x129: {  	vm2 =	vmor vm9, vm2;
	vm11 =	veq.s32 v0, v59;
	vm12 =	veq.s32 v8, v59  }
0x12a: {  	v63 =	vld.msk [tilespmem:$0x14B ss:$0x0], $0xffff;
	vm15 =	veq.s32 v18, v59;
	vm9 =	vnez.u8 v32;
	vm3 =	vmor vm3, vm4  }
0x12b: {  	vm0 =	vmor vm11, vm0;
	vm1 =	vmor vm12, vm1;
	vm4 =	vmand vm15, vm9  }
0x12c: {  	vm11 =	veq.s32 v17, v59;
	vm12 =	veq.s32 v0, v61;
	vm15 =	veq.s32 v8, v61  }
0x12d: {  	v33 =	vld.msk [tilespmem:$0x14C ss:$0x0], $0xffff;
	vm9 =	veq.s32 v18, v61;
	vm2 =	vmor vm11, vm2;
	vm3 =	vmor vm3, vm4  }
0x12e: {  	vm0 =	vmor vm12, vm0;
	vm1 =	vmor vm15, vm1;
	vm11 =	vmand vm9, vm8  }
0x12f: {  	vm12 =	veq.s32 v17, v61;
	vm15 =	veq.s32 v0, v63;
	vm8 =	veq.s32 v8, v63  }
0x130: {  	vm9 =	veq.s32 v18, v63;
	vm2 =	vmor vm12, vm2;
	vm3 =	vmor vm3, vm11  }
0x131: {  	v34 =	vld.msk [tilespmem:$0x14D ss:$0x0], $0xffff;
	vm0 =	vmor vm15, vm0;
	vm1 =	vmor vm8, vm1;
	vm11 =	vmand vm9, vm6  }
0x132: {  	vm12 =	veq.s32 v17, v63;
	vm15 =	veq.s32 v0, v33;
	vm8 =	veq.s32 v8, v33  }
0x133: {  	vm9 =	veq.s32 v18, v33;
	v63 =	vsub.s32 v22, v19;
	v22 =	vsub.s32 v21, v20  }
0x134: {  	v35 =	vld.msk [tilespmem:$0x14E ss:$0x0], $0xffff;
	vm2 =	vmor vm12, vm2;
	vm3 =	vmor vm3, vm11;
	vm0 =	vmor vm15, vm0  }
0x135: {  	v36 =	vld.msk [tilespmem:$0x14F ss:$0x0], $0xffff;
	vm1 =	vmor vm8, vm1;
	vm11 =	vmand vm9, vm10;
	vm12 =	veq.s32 v17, v33  }
0x136: {  	vm15 =	veq.s32 v0, v34;
	vm8 =	veq.s32 v8, v34;
	vm9 =	veq.s32 v17, v34  }
0x137: {  	v37 =	vld.msk [tilespmem:$0x150 ss:$0x0], $0xffff;
	vm10 =	veq.s32 v18, v34;
	v2 =	vcvt.s32.f32 v63;
	vm2 =	vmor vm12, vm2  }
0x138: {  	v40 =	vld [tilespmem:$0x1FF60];
	vm3 =	vmor vm3, vm11;
	vm0 =	vmor vm15, vm0;
	vm1 =	vmor vm8, vm1  }
0x139: {  	vm4 =	vmand vm10, vm13;
	vm11 =	veq.s32 v0, v35;
	vm12 =	veq.s32 v8, v35  }
0x13a: {  	vm13 =	veq.s32 v17, v35;
	vm15 =	veq.s32 v18, v35;
	vm10 =	veq.s32 v8, v36  }
0x13b: {  	vm2 =	vmor vm9, vm2;
	vm3 =	vmor vm3, vm4;
	vm0 =	vmor vm11, vm0  }
0x13c: {  	v38 =	vld.msk [tilespmem:$0x151 ss:$0x0], $0xffff;
	vm1 =	vmor vm12, vm1;
	vm8 =	vmand vm15, vm7;
	vm9 =	veq.s32 v0, v36  }
0x13d: {  	vm12 =	vnez.u8 v40;
	vm11 =	veq.s32 v17, v36;
	vm15 =	veq.s32 v8, v37  }
0x13e: {  	vm7 =	vcmask $0x3F04;
	vm2 =	vmor vm13, vm2;
	vm3 =	vmor vm3, vm8  }
0x13f: {  	vm0 =	vmor vm9, vm0;
	v29 =	vnsel vm12, $0x0, v9;
	vm1 =	vmor vm10, vm1  }
0x140: {  	s20 =	simm.s32 $0x1;
	[tilespmem:$0x1FFB0] =	vst v28;
	v39 =	vld.msk [tilespmem:$0x152 ss:$0x0], $0xffff;
	vm13 =	veq.s32 v18, v36;
	vm8 =	veq.s32 v17, v37;
	vm9 =	veq.s32 v18, v37  }
0x141: {  	v33 =	vld.msk [tilespmem:$0x153 ss:$0x0], $0xffff;
	_ =	swait.ge [sflag:s20], $0x480;
	vm10 =	veq.s32 v0, v38;
	v36 =	vand.u32 $0xF, v19;
	v41 =	vor.u32 v1, v29  }
0x142: {  	[sflag:s20] =	ssyncset.done $0x0;
	vm2 =	vmor vm11, vm2;
	v9 =	vor.u32 v42, v29;
	vm4 =	vmand vm13, vm14  }
0x143: {  	s21 =	simm.s32 $0x2;
	[sflag:s20] =	ssyncadd.s32 $0xFFFFFB80;
	vm14 =	veq.s32 v0, v37;
	vm1 =	vmor vm15, vm1;
	vm11 =	veq.s32 v8, v38  }
0x144: {  	_ =	swait.ge [sflag:s21], $0x480;
	vm13 =	veq.s32 v17, v38;
	vm15 =	vne.s32 v23, v38;
	v42 =	vor.u32 $0x300, v1  }
0x145: {  	[sflag:s21] =	ssyncset.done $0x0;
	vm3 =	vmor vm3, vm4;
	vm0 =	vmor vm14, vm0;
	vm2 =	vmor vm8, vm2  }
0x146: {  	v44 =	vld [tilespmem:$0x1FF70];
	[sflag:s21] =	ssyncadd.s32 $0xFFFFFB80;
	vm1 =	vmor vm11, vm1;
	vm14 =	veq.s32 v18, v38;
	vm11 =	vne.s32 v23, v39  }
0x147: {  	vm3 =	vmor vm9, vm3;
	vm0 =	vmor vm10, vm0;
	vm5 =	vmor vm13, vm2;
	v7 =	vld.idx.msk [tilespmem:v41+s4+$0x0], $0xffff  }
0x148: {  	vm2 =	vmor vm15, vm7;
	vm13 =	veq.s32 v0, v39;
	vm15 =	veq.s32 v17, v39;
	v9 =	vld.idx.msk [tilespmem:v9+s4+$0x0], $0xffff  }
0x149: {  	vm10 =	veq.s32 v18, v39;
	vm6 =	vmor vm14, vm3;
	vm4 =	vmor vm13, vm0  }
0x14a: {  	vm14 =	veq.s32 v8, v39;
	vm13 =	vcmask $0x3F08;
	v39 =	vsub.s32 v25, v24  }
0x14b: {  	v53 =	vld [tilespmem:$0x1FF80];
	v24 =	vand.u32 $0xF, v24;
	vm3 =	vmor vm14, vm1;
	vm9 =	vnez.u8 v44  }
0x14c: {  	vm1 =	vmor vm15, vm5;
	vm0 =	vmor vm10, vm6;
	v28 =	vnsel vm9, $0x0, v43  }
0x14d: {  	v45 =	vsub.f32 v7, v26;
	v9 =	vsub.f32 v9, v31;
	v7 =	vor.u32 v46, v28  }
0x14e: {  	vm5 =	vmor vm11, vm13;
	vm14 =	veq.s32 v0, v33;
	v10 =	vor.u32 v47, v28  }
0x14f: {  	vm15 =	veq.s32 v8, v33;
	v4 =	vmul.f32 v45, v45;
	v9 =	vmul.f32 v9, v9  }
0x150: {  	vm11 =	veq.s32 v17, v33;
	vm13 =	veq.s32 v18, v33;
	vm10 =	vnez.u8 v53  }
0x151: {  	v38 =	vld [tilespmem:$0x1FF90];
	vm2 =	vmand vm2, vm5;
	vm4 =	vmor vm14, vm4;
	v32 =	vadd.f32 v9, v4  }
0x152: {  	vm3 =	vmor vm15, vm3;
	vm1 =	vmor vm11, vm1;
	v49 =	vld.idx.msk [tilespmem:v7+s4+$0x0], $0xffff;
	v7 =	vnsel vm10, $0x0, v52  }
0x153: {  	v51 =	vld.idx.msk [tilespmem:v10+s4+$0x0], $0xffff;
	v50 =	vshra.s32 v32, $0x1;
	v34 =	vmul.f32 $5.000000000e-01, v32;
	v9 =	vor.u32 v55, v7  }
0x154: {  	vm0 =	vmor vm13, vm0;
	v47 =	vld [tilespmem:$0x1FFA0];
	v59 =	vor.u32 v56, v7;
	v4 =	vsub.s32 $0x5F3759DF, v50  }
0x155: {  	vm14 =	vne.s32 v23, v33;
	vm15 =	vcmask $0x3F0C;
	v54 =	vmul.f32 v4, v34  }
0x156: {  	vm8 =	vnez.u8 v38;
	v43 =	vor.u32 $0x800, v1;
	vm5 =	vmor vm14, vm15  }
0x157: {  	vm4 =	vmneg vm4;
	vm3 =	vmneg vm3;
	v58 =	vmul.f32 v4, v54  }
0x158: {  	vm1 =	vmneg vm1;
	vm0 =	vmneg vm0;
	v6 =	vsub.f32 v51, v30;
	v35 =	vld.idx.msk [tilespmem:v9+s4+$0x0], $0xffff  }
0x159: {  	vm7 =	vnez.u8 v47;
	v61 =	vsub.f32 v49, v27;
	v37 =	vld.idx.msk [tilespmem:v59+s4+$0x0], $0xffff;
	v62 =	vsub.f32 $1.500000000e+00, v58  }
0x15a: {  	vm2 =	vmand vm2, vm5;
	v0 =	vnsel vm7, $0x0, v24;
	v6 =	vmul.f32 v6, v6  }
0x15b: {  	v55 =	vor.u32 $0xA00, v1;
	v13 =	vmul.f32 v61, v61;
	v10 =	vmul.f32 v4, v62  }
0x15c: {  	v56 =	vor.u32 $0xF00, v1;
	v51 =	vor.u32 $0x900, v1;
	v49 =	vor.u32 $0x400, v1  }
0x15d: {  	v9 =	vnsel vm8, $0x0, v36;
	v19 =	vadd.f32 v6, v13;
	v40 =	vmul.f32 v10, v34  }
0x15e: {  	v21 =	vor.u32 v42, v9;
	v15 =	vsub.f32 v35, v5;
	v13 =	vsub.f32 v37, v3  }
0x15f: {  	v4 =	vcvt.s32.f32 v22;
	v22 =	vor.u32 v43, v9;
	v14 =	vmul.f32 v40, v10  }
0x160: {  	v24 =	vor.u32 v49, v0;
	v15 =	vmul.f32 v15, v15;
	v13 =	vmul.f32 v13, v13  }
0x161: {  	v6 =	vcvt.s32.f32 v39;
	v41 =	vshra.s32 v19, $0x1;
	v20 =	vmul.f32 $5.000000000e-01, v19  }
0x162: {  	v16 =	vsub.s32 $0x5F3759DF, v41;
	v14 =	vsub.f32 $1.500000000e+00, v14;
	v39 =	vadd.f32 v13, v15  }
0x163: {  	v59 =	vor.u32 $0x1000, v1;
	v36 =	vor.u32 $0xC00, v1;
	v21 =	vld.idx.msk [tilespmem:v21+s4+$0x0], $0xffff;
	v44 =	vmul.f32 v16, v20  }
0x164: {  	v46 =	vld.idx.msk [tilespmem:v22+s4+$0x0], $0xffff;
	v8 =	vmul.f32 v14, v10;
	v15 =	vshra.s32 v39, $0x1;
	v22 =	vmul.f32 $5.000000000e-01, v39  }
0x165: {  	v36 =	vor.u32 v36, v7;
	v45 =	vmul.f32 v16, v44;
	v15 =	vsub.s32 $0x5F3759DF, v15  }
0x166: {  	v14 =	vmul.f32 v8, v34;
	v50 =	vmul.f32 v15, v22;
	v34 =	vor.u32 v51, v0  }
0x167: {  	v61 =	vor.u32 v60, v9;
	v60 =	vor.u32 $0x1500, v1;
	v18 =	vld.idx.msk [tilespmem:v24+s4+$0x0], $0xffff;
	v25 =	vsub.f32 $1.500000000e+00, v45  }
0x168: {  	v62 =	vor.u32 $0x1200, v1;
	v21 =	vsub.f32 v21, v2;
	v52 =	vmul.f32 v15, v50  }
0x169: {  	v63 =	vor.u32 v62, v9;
	v48 =	vmul.f32 v16, v25;
	v10 =	vsub.f32 v46, v4  }
0x16a: {  	s22 =	simm.s32 $0x3;
	v62 =	vor.u32 $0x1600, v1;
	v21 =	vmul.f32 v21, v21;
	v17 =	vsub.f32 $1.500000000e+00, v52  }
0x16b: {  	v37 =	vor.u32 $0x1100, v1;
	v16 =	vmul.f32 v48, v20;
	v10 =	vmul.f32 v10, v10;
	v24 =	vld.idx.msk [tilespmem:v34+s4+$0x0], $0xffff;
	_ =	swait.ge [sflag:s22], $0x480  }
0x16c: {  	v18 =	vsub.f32 v18, v6;
	v53 =	vmul.f32 v15, v17;
	[sflag:s22] =	ssyncset.done $0x0;
	v17 =	vor.u32 v56, v29  }
0x16d: {  	s23 =	simm.s32 $0x4;
	v16 =	vmul.f32 v16, v48;
	v10 =	vadd.f32 v10, v21;
	v21 =	vor.u32 v57, v28;
	[sflag:s22] =	ssyncadd.s32 $0xFFFFFB80  }
0x16e: {  	v37 =	vor.u32 v37, v7;
	v14 =	vmul.f32 v14, v8;
	v34 =	vor.u32 v59, v28;
	_ =	swait.ge [sflag:s23], $0x480  }
0x16f: {  	v18 =	vmul.f32 v18, v18;
	v50 =	vor.u32 $0x1300, v1;
	v16 =	vsub.f32 $1.500000000e+00, v16;
	[sflag:s23] =	ssyncset.done $0x0  }
0x170: {  	v14 =	vsub.f32 $1.500000000e+00, v14;
	v54 =	vshra.s32 v10, $0x1;
	v33 =	vmul.f32 $5.000000000e-01, v10;
	[sflag:s23] =	ssyncadd.s32 $0xFFFFFB80  }
0x171: {  	v15 =	vsub.s32 $0x5F3759DF, v54;
	v23 =	vmul.f32 v16, v48;
	v16 =	vor.u32 v55, v29;
	v40 =	vld.idx.msk [tilespmem:v17+s4+$0x0], $0xffff  }
0x172: {  	v51 =	vor.u32 v50, v0;
	v57 =	vor.u32 $0x1400, v1;
	v58 =	vmul.f32 v15, v33;
	v41 =	vld.idx.msk [tilespmem:v21+s4+$0x0], $0xffff  }
0x173: {  	v59 =	vor.u32 $0x1900, v1;
	v14 =	vmul.f32 v14, v8;
	v48 =	vor.u32 $0xE00, v1;
	v44 =	vld.idx.msk [tilespmem:v34+s4+$0x0], $0xffff  }
0x174: {  	v35 =	vmul.f32 v53, v22;
	v49 =	vor.u32 v48, v0;
	v25 =	vmul.f32 v15, v58;
	v17 =	vld.idx.msk [tilespmem:v61+s4+$0x0], $0xffff  }
0x175: {  	v13 =	vmul.f32 v14, v32;
	v32 =	vor.u32 v57, v29;
	v57 =	vor.u32 $0x1C00, v1;
	v21 =	vld.idx.msk [tilespmem:v63+s4+$0x0], $0xffff  }
0x176: {  	v35 =	vmul.f32 v35, v53;
	v20 =	vmul.f32 v23, v20;
	v25 =	vsub.f32 $1.500000000e+00, v25;
	v38 =	vld.idx.msk [tilespmem:v16+s4+$0x0], $0xffff  }
0x177: {  	v50 =	vor.u32 v57, v9;
	v57 =	vor.u32 $0x2400, v1;
	v61 =	vor.u32 $0x1A00, v1;
	v16 =	vld.idx.msk [tilespmem:v36+s4+$0x0], $0xffff  }
0x178: {  	v35 =	vsub.f32 $1.500000000e+00, v35;
	v20 =	vmul.f32 v20, v23;
	v42 =	vmul.f32 v15, v25;
	v25 =	vld.idx.msk [tilespmem:v37+s4+$0x0], $0xffff  }
0x179: {  	s24 =	simm.s32 $0x5;
	v63 =	vor.u32 v62, v7;
	v36 =	vor.u32 v60, v28;
	v60 =	vor.u32 $0x1D00, v1;
	v14 =	vld.idx.msk [tilespmem:v49+s4+$0x0], $0xffff  }
0x17a: {  	v45 =	vmul.f32 v35, v53;
	v53 =	vsub.s32 v12, v11;
	v20 =	vsub.f32 $1.500000000e+00, v20;
	v15 =	vld.idx.msk [tilespmem:v51+s4+$0x0], $0xffff;
	_ =	swait.ge [sflag:s24], $0x480  }
0x17b: {  	v35 =	vor.u32 v59, v29;
	v37 =	vor.u32 v61, v28;
	v62 =	vor.u32 v60, v0;
	[sflag:s24] =	ssyncset.done $0x0  }
0x17c: {  	s25 =	simm.s32 $0x6;
	v60 =	vor.u32 $0x2500, v1;
	v8 =	vcvt.s32.f32 v53;
	v53 =	vor.u32 $0x1B00, v1;
	[sflag:s24] =	ssyncadd.s32 $0xFFFFFB80  }
0x17d: {  	v52 =	vmul.f32 v42, v33;
	v54 =	vmul.f32 v45, v22;
	v58 =	vsub.f32 v40, v31;
	_ =	swait.ge [sflag:s25], $0x480  }
0x17e: {  	v20 =	vmul.f32 v20, v23;
	v21 =	vsub.f32 v21, v4;
	v24 =	vsub.f32 v24, v8;
	[sflag:s25] =	ssyncset.done $0x0  }
0x17f: {  	v55 =	vmul.f32 v52, v42;
	v11 =	vmul.f32 v54, v45;
	v56 =	vsub.f32 v38, v26;
	[sflag:s25] =	ssyncadd.s32 $0xFFFFFB80  }
0x180: {  	v34 =	vmul.f32 v58, v58;
	v54 =	vor.u32 $0x1700, v1;
	v58 =	vor.u32 $0x1800, v1;
	v46 =	vld.idx.msk [tilespmem:v32+s4+$0x0], $0xffff  }
0x181: {  	v21 =	vmul.f32 v21, v21;
	v59 =	vor.u32 v58, v0;
	v24 =	vmul.f32 v24, v24;
	v47 =	vld.idx.msk [tilespmem:v35+s4+$0x0], $0xffff  }
0x182: {  	v12 =	vsub.f32 $1.500000000e+00, v55;
	v22 =	vmul.f32 v56, v56;
	v32 =	vor.u32 v53, v7;
	v52 =	vld.idx.msk [tilespmem:v37+s4+$0x0], $0xffff  }
0x183: {  	v56 =	vor.u32 v54, v9;
	v35 =	vld.idx.msk [tilespmem:v63+s4+$0x0], $0xffff;
	v11 =	vsub.f32 $1.500000000e+00, v11;
	v37 =	vmul.f32 v20, v19  }
0x184: {  	v63 =	vld [tilespmem:$0x1FFB0];
	v54 =	vsub.f32 v44, v30;
	v44 =	vor.u32 v57, v28;
	v43 =	vadd.f32 v34, v22  }
0x185: {  	v53 =	vmul.f32 v12, v42;
	v34 =	vadd.f32 v24, v18;
	v11 =	vmul.f32 v11, v45  }
0x186: {  	v49 =	vld.idx.msk [tilespmem:v36+s4+$0x0], $0xffff;
	v42 =	vsub.f32 v41, v27;
	v22 =	vmul.f32 v54, v54;
	v55 =	vshra.s32 v43, $0x1  }
0x187: {  	v48 =	vmul.f32 $5.000000000e-01, v43;
	v24 =	vmul.f32 v53, v33;
	v40 =	vshra.s32 v34, $0x1  }
0x188: {  	v20 =	vld.idx.msk [tilespmem:v59+s4+$0x0], $0xffff;
	v38 =	vmul.f32 $5.000000000e-01, v34;
	v18 =	vmul.f32 v42, v42;
	v59 =	vor.u32 $0x2000, v1  }
0x189: {  	v33 =	vld.idx.msk [tilespmem:v50+s4+$0x0], $0xffff;
	v39 =	vmul.f32 v11, v39;
	v51 =	vsub.s32 $0x5F3759DF, v55;
	vm11 =	vnez.u8 v63  }
0x18a: {  	v36 =	vld.idx.msk [tilespmem:v32+s4+$0x0], $0xffff;
	v50 =	vsub.s32 $0x5F3759DF, v40;
	v55 =	vor.u32 $0x2300, v1;
	v46 =	vsub.f32 v46, v26  }
0x18b: {  	v32 =	vld.idx.msk [tilespmem:v56+s4+$0x0], $0xffff;
	v56 =	vor.u32 $0x1F00, v1;
	v47 =	vsub.f32 v47, v31;
	v49 =	vsub.f32 v49, v27  }
0x18c: {  	v63 =	vor.u32 $0x2600, v1;
	v52 =	vsub.f32 v52, v30;
	v35 =	vsub.f32 v35, v5  }
0x18d: {  	v61 =	vmul.f32 v51, v48;
	vm4 =	vmand vm11, vm4;
	v45 =	vmul.f32 v24, v53  }
0x18e: {  	v41 =	vor.u32 v56, v28;
	v40 =	vadd.f32 v22, v18;
	v46 =	vmul.f32 v46, v46  }
0x18f: {  	v18 =	vor.u32 v59, v7;
	v47 =	vmul.f32 v47, v47;
	v23 =	vmul.f32 v51, v61  }
0x190: {  	s26 =	simm.s32 $0x7;
	vm4 =	vmand vm12, vm4;
	v49 =	vmul.f32 v49, v49;
	v52 =	vmul.f32 v52, v52  }
0x191: {  	v24 =	vld.idx.msk [tilespmem:v62+s4+$0x0], $0xffff;
	_ =	swait.ge [sflag:s26], $0x480;
	v35 =	vmul.f32 v35, v35;
	v61 =	vor.u32 $0x2100, v1;
	v12 =	vsub.f32 $1.500000000e+00, v23  }
0x192: {  	[sflag:s26] =	ssyncset.done $0x0;
	v62 =	vshra.s32 v40, $0x1;
	v42 =	vmul.f32 $5.000000000e-01, v40;
	v22 =	vor.u32 v61, v9  }
0x193: {  	s28 =	simm.s32 $0x8;
	[sflag:s26] =	ssyncadd.s32 $0xFFFFFB80;
	v56 =	vsub.s32 $0x5F3759DF, v62;
	v12 =	vmul.f32 v51, v12;
	v51 =	vor.u32 $0x1E00, v1  }
0x194: {  	_ =	swait.ge [sflag:s28], $0x480;
	v61 =	vor.u32 $0x2700, v1;
	v33 =	vsub.f32 v33, v4;
	v19 =	vor.u32 v51, v29  }
0x195: {  	v20 =	vsub.f32 v20, v6;
	v23 =	vor.u32 v55, v29;
	[sflag:s28] =	ssyncset.done $0x0;
	v59 =	vor.u32 v61, v0  }
0x196: {  	v61 =	vmul.f32 v56, v42;
	v62 =	vld [tilespmem:$0x1FFC0];
	v36 =	vsub.f32 v36, v3;
	v32 =	vsub.f32 v32, v2;
	[sflag:s28] =	ssyncadd.s32 $0xFFFFFB80  }
0x197: {  	v33 =	vmul.f32 v33, v33;
	v24 =	vsub.f32 v24, v8;
	v57 =	vld.idx.msk [tilespmem:v41+s4+$0x0], $0xffff;
	v58 =	vmul.f32 v12, v48  }
0x198: {  	v20 =	vmul.f32 v20, v20;
	v41 =	vor.u32 v63, v9;
	v18 =	vld.idx.msk [tilespmem:v18+s4+$0x0], $0xffff;
	v63 =	vmul.f32 v56, v61  }
0x199: {  	v36 =	vmul.f32 v36, v36;
	v51 =	vmul.f32 v58, v12;
	v54 =	vld.idx.msk [tilespmem:v19+s4+$0x0], $0xffff;
	v19 =	vor.u32 v60, v7  }
0x19a: {  	v61 =	vor.u32 $0x2D00, v1;
	v32 =	vmul.f32 v32, v32;
	v24 =	vmul.f32 v24, v24;
	v55 =	vld.idx.msk [tilespmem:v23+s4+$0x0], $0xffff  }
0x19b: {  	v35 =	vadd.f32 v36, v35;
	v60 =	vor.u32 $0x2200, v1;
	v51 =	vsub.f32 $1.500000000e+00, v51  }
0x19c: {  	v32 =	vadd.f32 v33, v32;
	vm12 =	vnez.u8 v62;
	v58 =	vld.idx.msk [tilespmem:v44+s4+$0x0], $0xffff;
	v44 =	vor.u32 v60, v0  }
0x19d: {  	v20 =	vadd.f32 v24, v20;
	vm3 =	vmand vm12, vm3;
	v51 =	vmul.f32 v51, v12;
	v12 =	vld.idx.msk [tilespmem:v59+s4+$0x0], $0xffff  }
0x19e: {  	v57 =	vsub.f32 v57, v27;
	vm5 =	vmand vm9, vm3;
	v18 =	vsub.f32 v18, v5;
	v23 =	vld.idx.msk [tilespmem:v19+s4+$0x0], $0xffff  }
0x19f: {  	v37 =	vnsel vm5, $0x0, v37;
	v60 =	vmul.f32 v50, v38;
	v55 =	vsub.f32 v55, v31;
	v19 =	vld.idx.msk [tilespmem:v22+s4+$0x0], $0xffff  }
0x1a0: {  	v18 =	vmul.f32 v18, v18;
	v22 =	vld.idx.msk [tilespmem:v41+s4+$0x0], $0xffff;
	v41 =	vsub.f32 $1.500000000e+00, v45;
	v45 =	vadd.f32 v47, v46  }
0x1a1: {  	v46 =	vmul.f32 v51, v48;
	v47 =	vsub.f32 $1.500000000e+00, v63;
	v11 =	vld.idx.msk [tilespmem:v44+s4+$0x0], $0xffff;
	v44 =	vmul.f32 v50, v60  }
0x1a2: {  	s29 =	simm.s32 $0x9;
	v60 =	vor.u32 $0x2800, v1;
	v48 =	vshra.s32 v45, $0x1;
	v59 =	vmul.f32 $5.000000000e-01, v45  }
0x1a3: {  	_ =	swait.ge [sflag:s29], $0x480;
	v60 =	vor.u32 v60, v29;
	v41 =	vmul.f32 v41, v53;
	v53 =	vor.u32 v61, v29  }
0x1a4: {  	[sflag:s29] =	ssyncset.done $0x0;
	v46 =	vmul.f32 v46, v51;
	v47 =	vmul.f32 v56, v47;
	v48 =	vsub.s32 $0x5F3759DF, v48  }
0x1a5: {  	s30 =	simm.s32 $0xA;
	v12 =	vsub.f32 v12, v8;
	[sflag:s29] =	ssyncadd.s32 $0xFFFFFB80;
	v44 =	vsub.f32 $1.500000000e+00, v44;
	v61 =	vmul.f32 v48, v59  }
0x1a6: {  	v54 =	vsub.f32 v54, v26;
	_ =	swait.ge [sflag:s30], $0x480;
	v63 =	vmul.f32 v47, v42;
	v10 =	vmul.f32 v41, v10  }
0x1a7: {  	v12 =	vmul.f32 v12, v12;
	[sflag:s30] =	ssyncset.done $0x0;
	v29 =	vmul.f32 v50, v44;
	v44 =	vsub.f32 $1.500000000e+00, v46  }
0x1a8: {  	v23 =	vsub.f32 v23, v3;
	v19 =	vsub.f32 v19, v2;
	v62 =	vmul.f32 v48, v61;
	[sflag:s30] =	ssyncadd.s32 $0xFFFFFB80  }
0x1a9: {  	v22 =	vsub.f32 v22, v4;
	v46 =	vmul.f32 v63, v47;
	v63 =	vmul.f32 v54, v54;
	v53 =	vld.idx.msk [tilespmem:v53+s4+$0x0], $0xffff  }
0x1aa: {  	v51 =	vmul.f32 v44, v51;
	v44 =	vadd.f32 v52, v49;
	v61 =	vsub.f32 $1.500000000e+00, v62;
	v62 =	vld.idx.msk [tilespmem:v60+s4+$0x0], $0xffff  }
0x1ab: {  	v11 =	vsub.f32 v11, v6;
	v23 =	vmul.f32 v23, v23;
	v60 =	vmul.f32 v55, v55  }
0x1ac: {  	v54 =	vshra.s32 v44, $0x1;
	v55 =	vmul.f32 $5.000000000e-01, v44;
	v48 =	vmul.f32 v48, v61  }
0x1ad: {  	v49 =	vadd.f32 v60, v63;
	v61 =	vor.u32 $0x2900, v1;
	v54 =	vsub.s32 $0x5F3759DF, v54  }
0x1ae: {  	v50 =	vor.u32 v61, v28;
	v52 =	vmul.f32 v48, v59;
	v31 =	vsub.f32 v53, v31  }
0x1af: {  	v53 =	vor.u32 $0x2E00, v1;
	v56 =	vshra.s32 v49, $0x1;
	v26 =	vsub.f32 v62, v26  }
0x1b0: {  	v60 =	vmul.f32 $5.000000000e-01, v49;
	v28 =	vor.u32 v53, v28;
	v62 =	vmul.f32 v54, v55  }
0x1b1: {  	v53 =	vsub.s32 $0x5F3759DF, v56;
	v31 =	vmul.f32 v31, v31;
	v26 =	vmul.f32 v26, v26  }
0x1b2: {  	v46 =	vsub.f32 $1.500000000e+00, v46;
	v52 =	vmul.f32 v52, v48;
	v56 =	vmul.f32 v53, v60  }
0x1b3: {  	v11 =	vmul.f32 v11, v11;
	v43 =	vmul.f32 v51, v43;
	v26 =	vadd.f32 v31, v26  }
0x1b4: {  	v51 =	vmul.f32 v54, v62;
	v63 =	vsub.f32 $1.500000000e+00, v52;
	v61 =	vmul.f32 v53, v56;
	v50 =	vld.idx.msk [tilespmem:v50+s4+$0x0], $0xffff  }
0x1b5: {  	v31 =	vmul.f32 v46, v47;
	v28 =	vld.idx.msk [tilespmem:v28+s4+$0x0], $0xffff;
	v62 =	vshra.s32 v26, $0x1;
	v56 =	vmul.f32 $5.000000000e-01, v26  }
0x1b6: {  	v46 =	vmul.f32 v63, v48;
	v63 =	vsub.f32 v58, v30;
	v52 =	vsub.s32 $0x5F3759DF, v62  }
0x1b7: {  	v11 =	vadd.f32 v12, v11;
	v47 =	vsub.f32 $1.500000000e+00, v61;
	v61 =	vmul.f32 v52, v56  }
0x1b8: {  	v51 =	vsub.f32 $1.500000000e+00, v51;
	v62 =	vmul.f32 v57, v57;
	v48 =	vmul.f32 v63, v63  }
0x1b9: {  	v47 =	vmul.f32 v53, v47;
	v27 =	vsub.f32 v50, v27;
	v63 =	vmul.f32 v52, v61  }
0x1ba: {  	v51 =	vmul.f32 v54, v51;
	v48 =	vadd.f32 v48, v62;
	v62 =	vld [tilespmem:$0x1FFD0];
	v28 =	vsub.f32 v28, v30  }
0x1bb: {  	v58 =	vmul.f32 v47, v60;
	v27 =	vmul.f32 v27, v27;
	v61 =	vsub.f32 $1.500000000e+00, v63  }
0x1bc: {  	v53 =	vshra.s32 v48, $0x1;
	v54 =	vmul.f32 $5.000000000e-01, v48;
	v28 =	vmul.f32 v28, v28  }
0x1bd: {  	v30 =	vmul.f32 v58, v47;
	v50 =	vmul.f32 v52, v61;
	v52 =	vsub.s32 $0x5F3759DF, v53  }
0x1be: {  	v59 =	vmul.f32 v46, v59;
	v53 =	vadd.f32 v28, v27;
	v63 =	vmul.f32 v52, v54  }
0x1bf: {  	v30 =	vsub.f32 $1.500000000e+00, v30;
	vm13 =	vnez.u8 v62;
	v61 =	vmul.f32 v50, v56  }
0x1c0: {  	v62 =	vshra.s32 v53, $0x1;
	v58 =	vmul.f32 $5.000000000e-01, v53;
	v27 =	vmul.f32 v52, v63  }
0x1c1: {  	v30 =	vmul.f32 v30, v47;
	v57 =	vsub.s32 $0x5F3759DF, v62;
	v28 =	vmul.f32 v61, v50  }
0x1c2: {  	v63 =	vmul.f32 v59, v46;
	v47 =	vmul.f32 v57, v58;
	v27 =	vsub.f32 $1.500000000e+00, v27  }
0x1c3: {  	v60 =	vmul.f32 v30, v60;
	v62 =	vmul.f32 v51, v55;
	v61 =	vld [tilespmem:$0x1FFE0];
	v28 =	vsub.f32 $1.500000000e+00, v28  }
0x1c4: {  	v43 =	vadd.f32 $0.0e+00, v43;
	v47 =	vmul.f32 v57, v47;
	v27 =	vmul.f32 v52, v27  }
0x1c5: {  	vm1 =	vmand vm13, vm1;
	v52 =	vmul.f32 v60, v30;
	v28 =	vmul.f32 v28, v50  }
0x1c6: {  	vm3 =	vmand vm10, vm1;
	v59 =	vmul.f32 v62, v51;
	v47 =	vsub.f32 $1.500000000e+00, v47  }
0x1c7: {  	v50 =	vsub.f32 $1.500000000e+00, v63;
	v52 =	vsub.f32 $1.500000000e+00, v52;
	v56 =	vmul.f32 v28, v56  }
0x1c8: {  	vm14 =	vnez.u8 v61;
	v61 =	vld [tilespmem:$0x1FFF0];
	v47 =	vmul.f32 v57, v47;
	v57 =	vmul.f32 v27, v54  }
0x1c9: {  	v39 =	vnsel vm3, $0x0, v39;
	v46 =	vmul.f32 v50, v46;
	v30 =	vmul.f32 v52, v30  }
0x1ca: {  	vm0 =	vmand vm14, vm0;
	v56 =	vmul.f32 v56, v28;
	v60 =	vmul.f32 v47, v58  }
0x1cb: {  	vm0 =	vmand vm8, vm0;
	v63 =	vmul.f32 v57, v27;
	v45 =	vmul.f32 v46, v45  }
0x1cc: {  	v57 =	vmul.f32 v29, v38;
	v10 =	vnsel vm0, $0x0, v10;
	v30 =	vmul.f32 v30, v49  }
0x1cd: {  	vm15 =	vnez.u8 v61;
	v56 =	vsub.f32 $1.500000000e+00, v56;
	v61 =	vsub.f32 $1.500000000e+00, v59  }
0x1ce: {  	v62 =	vmul.f32 v60, v47;
	v63 =	vsub.f32 $1.500000000e+00, v63;
	v59 =	vmul.f32 v31, v42  }
0x1cf: {  	v42 =	vmul.f32 v57, v29;
	v60 =	vadd.f32 $0.0e+00, v45;
	v30 =	vadd.f32 $0.0e+00, v30  }
0x1d0: {  	v28 =	vmul.f32 v56, v28;
	v50 =	vmul.f32 v61, v51;
	v52 =	vsub.f32 $1.500000000e+00, v62  }
0x1d1: {  	v46 =	vmul.f32 v63, v27;
	v56 =	vadd.f32 $0.0e+00, v13;
	v45 =	vmul.f32 v59, v31  }
0x1d2: {  	v62 =	vsub.f32 v16, v5;
	v63 =	vsub.f32 v25, v3;
	v27 =	vnsel vm4, $0x0, v60  }
0x1d3: {  	v42 =	vsub.f32 $1.500000000e+00, v42;
	v26 =	vmul.f32 v28, v26;
	v47 =	vmul.f32 v52, v47  }
0x1d4: {  	v49 =	vnsel vm4, $0x0, v56;
	v55 =	vmul.f32 v50, v55;
	v60 =	vmul.f32 v46, v54  }
0x1d5: {  	v28 =	vnsel vm4, $0x0, v43;
	v42 =	vmul.f32 v42, v29;
	v61 =	vadd.f32 $0.0e+00, v26  }
0x1d6: {  	v45 =	vsub.f32 $1.500000000e+00, v45;
	v59 =	vmul.f32 v55, v50;
	v43 =	vmul.f32 v60, v46  }
0x1d7: {  	v25 =	vnsel vm4, $0x0, v61;
	v61 =	vmul.f32 v62, v62;
	v62 =	vmul.f32 v63, v63  }
0x1d8: {  	v26 =	vnsel vm4, $0x0, v30;
	v31 =	vmul.f32 v45, v31;
	v63 =	vmul.f32 v47, v58  }
0x1d9: {  	v38 =	vmul.f32 v42, v38;
	v30 =	vsub.f32 $1.500000000e+00, v59;
	v29 =	vadd.f32 v62, v61  }
0x1da: {  	v43 =	vsub.f32 $1.500000000e+00, v43;
	v31 =	vmul.f32 v31, v40;
	v51 =	vmul.f32 v63, v47  }
0x1db: {  	v30 =	vmul.f32 v30, v50;
	v54 =	vshra.s32 v29, $0x1;
	v50 =	vmul.f32 $5.000000000e-01, v29  }
0x1dc: {  	v59 =	vsub.f32 v17, v2;
	v58 =	vsub.f32 $1.500000000e+00, v51;
	v56 =	vsub.s32 $0x5F3759DF, v54  }
0x1dd: {  	vm1 =	vmand vm15, vm2;
	v55 =	vmul.f32 v43, v46;
	v57 =	vmul.f32 v56, v50  }
0x1de: {  	v60 =	vsub.f32 v14, v6;
	v46 =	vmul.f32 v59, v59;
	v45 =	vmul.f32 v58, v47  }
0x1df: {  	v62 =	vsub.f32 v15, v8;
	v30 =	vmul.f32 v30, v44;
	v44 =	vmul.f32 v56, v57  }
0x1e0: {  	v40 =	vmul.f32 v55, v48;
	v46 =	vadd.f32 v21, v46;
	v61 =	vmul.f32 v45, v53  }
0x1e1: {  	v53 =	vmul.f32 v60, v60;
	v45 =	vmul.f32 v62, v62;
	v44 =	vsub.f32 $1.500000000e+00, v44  }
0x1e2: {  	v15 =	vnsel vm5, $0x0, v40;
	v40 =	vmul.f32 $5.000000000e-01, v46;
	v52 =	vshra.s32 v46, $0x1  }
0x1e3: {  	v43 =	vsub.s32 $0x5F3759DF, v52;
	v63 =	vmul.f32 v56, v44;
	v44 =	vadd.f32 v45, v53  }
0x1e4: {  	vm1 =	vmand vm7, vm1;
	v37 =	vadd.f32 v37, v49;
	v55 =	vmul.f32 v43, v40  }
0x1e5: {  	v38 =	vmul.f32 v38, v42;
	v47 =	vmul.f32 $5.000000000e-01, v44;
	v57 =	vshra.s32 v44, $0x1  }
0x1e6: {  	v56 =	vmul.f32 v43, v55;
	v54 =	vmul.f32 v63, v50;
	v48 =	vsub.s32 $0x5F3759DF, v57  }
0x1e7: {  	v37 =	vadd.f32 v39, v37;
	v38 =	vsub.f32 $1.500000000e+00, v38;
	v58 =	vmul.f32 v48, v47  }
0x1e8: {  	v31 =	vnsel vm5, $0x0, v31;
	v45 =	vsub.f32 $1.500000000e+00, v56;
	v41 =	vmul.f32 v54, v63  }
0x1e9: {  	v38 =	vmul.f32 v38, v42;
	v60 =	vshra.s32 v35, $0x1;
	v36 =	vmul.f32 v48, v58  }
0x1ea: {  	v59 =	vmul.f32 v43, v45;
	v43 =	vmul.f32 $5.000000000e-01, v35;
	v41 =	vsub.f32 $1.500000000e+00, v41  }
0x1eb: {  	v34 =	vmul.f32 v38, v34;
	v42 =	vsub.s32 $0x5F3759DF, v60;
	v36 =	vsub.f32 $1.500000000e+00, v36  }
0x1ec: {  	v21 =	vnsel vm5, $0x0, v30;
	v30 =	vmul.f32 v41, v63;
	v63 =	vmul.f32 v42, v43  }
0x1ed: {  	v14 =	vnsel vm5, $0x0, v61;
	v61 =	vmul.f32 v59, v40;
	v36 =	vmul.f32 v48, v36  }
0x1ee: {  	v10 =	vadd.f32 v10, v37;
	v28 =	vadd.f32 v31, v28;
	v52 =	vmul.f32 v42, v63  }
0x1ef: {  	v34 =	vnsel vm1, $0x0, v34;
	v38 =	vmul.f32 v61, v59;
	v54 =	vmul.f32 v36, v47  }
0x1f0: {  	v13 =	vimm.f32 $0.0e+00;
	v34 =	vadd.f32 v34, v10;
	v55 =	vsub.f32 $1.500000000e+00, v52  }
0x1f1: {  	v62 =	vmul.f32 v30, v50;
	v38 =	vsub.f32 $1.500000000e+00, v38;
	v56 =	vmul.f32 v54, v36  }
0x1f2: {  	v57 =	vshra.s32 v32, $0x1;
	v41 =	vmul.f32 v42, v55;
	v42 =	vmul.f32 $5.000000000e-01, v32  }
0x1f3: {  	v45 =	vsub.s32 $0x5F3759DF, v57;
	v48 =	vmul.f32 $5.000000000e-01, v20;
	v38 =	vmul.f32 v38, v59  }
0x1f4: {  	v53 =	vmul.f32 v62, v30;
	v33 =	vsub.f32 $1.500000000e+00, v56;
	v59 =	vmul.f32 v45, v42  }
0x1f5: {  	v63 =	vshra.s32 v20, $0x1;
	v40 =	vmul.f32 v38, v40;
	v58 =	vmul.f32 v41, v43  }
0x1f6: {  	v37 =	vsub.s32 $0x5F3759DF, v63;
	v60 =	vmul.f32 v33, v36;
	v62 =	vmul.f32 v45, v59  }
0x1f7: {  	v52 =	vmul.f32 v37, v48;
	v39 =	vsub.f32 $1.500000000e+00, v53;
	v61 =	vmul.f32 v58, v41  }
0x1f8: {  	v40 =	vmul.f32 v40, v38;
	v47 =	vmul.f32 v60, v47;
	v36 =	vsub.f32 $1.500000000e+00, v62  }
0x1f9: {  	v54 =	vmul.f32 v37, v52;
	v30 =	vmul.f32 v39, v30;
	v33 =	vsub.f32 $1.500000000e+00, v61  }
0x1fa: {  	v40 =	vsub.f32 $1.500000000e+00, v40;
	v53 =	vmul.f32 v47, v60;
	v36 =	vmul.f32 v45, v36  }
0x1fb: {  	v58 =	vsub.f32 $1.500000000e+00, v54;
	v29 =	vmul.f32 v30, v29;
	v33 =	vmul.f32 v33, v41  }
0x1fc: {  	v38 =	vmul.f32 v40, v38;
	v55 =	vsub.f32 $1.500000000e+00, v53;
	v57 =	vmul.f32 v36, v42  }
0x1fd: {  	v37 =	vmul.f32 v37, v58;
	v29 =	vnsel vm3, $0x0, v29;
	v56 =	vmul.f32 v33, v43  }
0x1fe: {  	v58 =	vor.u32 $0x2A00, v1;
	v24 =	vmul.f32 v55, v60;
	v60 =	vmul.f32 v57, v36  }
0x1ff: {  	v61 =	vmul.f32 v38, v46;
	v63 =	vmul.f32 v37, v48;
	v45 =	vadd.f32 v29, v28  }
0x200: {  	v46 =	vmul.f32 v19, v19;
	v59 =	vmul.f32 v56, v33;
	v10 =	vsub.f32 $1.500000000e+00, v60  }
0x201: {  	v47 =	vmul.f32 v22, v22;
	v41 =	vmul.f32 v63, v37;
	v51 =	vnsel vm0, $0x0, v61  }
0x202: {  	v62 =	vsub.f32 $1.500000000e+00, v59;
	v40 =	vmul.f32 v10, v36;
	v10 =	vadd.f32 v23, v18  }
0x203: {  	v61 =	vor.u32 $0x3000, v1;
	v24 =	vmul.f32 v24, v44;
	v44 =	vsub.f32 $1.500000000e+00, v41  }
0x204: {  	v33 =	vmul.f32 v62, v33;
	v50 =	vshra.s32 v10, $0x1;
	v29 =	vmul.f32 $5.000000000e-01, v10  }
0x205: {  	v49 =	vmul.f32 v44, v37;
	v18 =	vadd.f32 v47, v46;
	v28 =	vsub.s32 $0x5F3759DF, v50  }
0x206: {  	v63 =	vor.u32 $0x2C00, v1;
	v43 =	vmul.f32 v40, v42;
	v53 =	vmul.f32 v28, v29  }
0x207: {  	v33 =	vmul.f32 v33, v35;
	v54 =	vshra.s32 v18, $0x1;
	v38 =	vmul.f32 $5.000000000e-01, v18  }
0x208: {  	v37 =	vsub.s32 $0x5F3759DF, v54;
	v35 =	vmul.f32 v43, v40;
	v36 =	vmul.f32 v28, v53  }
0x209: {  	v19 =	vadd.f32 v51, v45;
	v59 =	vor.u32 $0x2F00, v1;
	v56 =	vmul.f32 v37, v38  }
0x20a: {  	v35 =	vsub.f32 $1.500000000e+00, v35;
	v57 =	vsub.f32 $1.500000000e+00, v36;
	v36 =	vor.u32 v58, v7  }
0x20b: {  	v60 =	vor.u32 $0x2B00, v1;
	v31 =	vmul.f32 v37, v56;
	v7 =	vor.u32 v59, v7  }
0x20c: {  	v52 =	vmul.f32 v49, v48;
	v55 =	vmul.f32 v35, v40;
	v35 =	vor.u32 v60, v9  }
0x20d: {  	v24 =	vnsel vm1, $0x0, v24;
	v31 =	vsub.f32 $1.500000000e+00, v31;
	v9 =	vor.u32 v61, v9  }
0x20e: {  	v1 =	vor.u32 $0x3100, v1;
	v19 =	vadd.f32 v24, v19;
	v30 =	vmul.f32 v52, v49  }
0x20f: {  	v28 =	vmul.f32 v28, v57;
	v31 =	vmul.f32 v37, v31;
	v37 =	vor.u32 v63, v0;
	v36 =	vld.idx.msk [tilespmem:v36+s4+$0x0], $0xffff  }
0x210: {  	v16 =	vsel vm4, $0x3F800000, v13;
	v30 =	vsub.f32 $1.500000000e+00, v30;
	v0 =	vor.u32 v1, v0;
	v7 =	vld.idx.msk [tilespmem:v7+s4+$0x0], $0xffff  }
0x211: {  	v17 =	vsel vm5, $0x3F800000, v13;
	v19 =	vmul.f32 $5.120000240e-01, v19;
	v62 =	vmul.f32 v28, v29;
	v41 =	vld.idx.msk [tilespmem:v35+s4+$0x0], $0xffff  }
0x212: {  	v21 =	vadd.f32 v21, v27;
	v22 =	vmul.f32 v30, v49;
	v40 =	vmul.f32 $4.095999900e-01, v34;
	v9 =	vld.idx.msk [tilespmem:v9+s4+$0x0], $0xffff  }
0x213: {  	v47 =	vshra.s32 v11, $0x1;
	v49 =	vmul.f32 $5.000000000e-01, v11;
	v30 =	vmul.f32 v62, v28  }
0x214: {  	v48 =	vsub.s32 $0x5F3759DF, v47;
	v23 =	vmul.f32 v55, v32;
	v42 =	vmul.f32 v31, v38;
	v45 =	vld.idx.msk [tilespmem:v37+s4+$0x0], $0xffff  }
0x215: {  	v20 =	vmul.f32 v22, v20;
	v1 =	vadd.f32 $0.0e+00, v40;
	v0 =	vld.idx.msk [tilespmem:v0+s4+$0x0], $0xffff;
	v43 =	vsub.f32 $1.500000000e+00, v30  }
0x216: {  	v44 =	vmul.f32 v42, v31;
	v5 =	vsub.f32 v36, v5;
	v3 =	vsub.f32 v7, v3  }
0x217: {  	v50 =	vmul.f32 v48, v49;
	v2 =	vsub.f32 v41, v2;
	v4 =	vsub.f32 v9, v4  }
0x218: {  	v46 =	vsub.f32 $1.500000000e+00, v44;
	v5 =	vmul.f32 v5, v5;
	v3 =	vmul.f32 v3, v3  }
0x219: {  	v2 =	vmul.f32 v2, v2;
	v4 =	vmul.f32 v4, v4;
	v6 =	vsub.f32 v45, v6  }
0x21a: {  	v12 =	vmul.f32 v43, v28;
	v0 =	vsub.f32 v0, v8;
	v3 =	vadd.f32 v3, v5  }
0x21b: {  	v7 =	vmul.f32 v46, v31;
	v2 =	vadd.f32 v4, v2;
	v6 =	vmul.f32 v6, v6  }
0x21c: {  	v0 =	vmul.f32 v0, v0;
	v51 =	vshra.s32 v3, $0x1;
	v52 =	vmul.f32 $5.000000000e-01, v3  }
0x21d: {  	v54 =	vshra.s32 v2, $0x1;
	v55 =	vmul.f32 $5.000000000e-01, v2;
	v53 =	vsub.s32 $0x5F3759DF, v51  }
0x21e: {  	v0 =	vadd.f32 v0, v6;
	v28 =	vsub.s32 $0x5F3759DF, v54;
	v8 =	vmul.f32 v53, v52  }
0x21f: {  	v1 =	vadd.f32 v19, v1;
	v5 =	vmul.f32 v48, v50;
	v57 =	vmul.f32 v28, v55  }
0x220: {  	v58 =	vshra.s32 v0, $0x1;
	v59 =	vmul.f32 $5.000000000e-01, v0;
	v56 =	vmul.f32 v53, v8  }
0x221: {  	v5 =	vsub.f32 $1.500000000e+00, v5;
	v19 =	vsub.s32 $0x5F3759DF, v58;
	v8 =	vmul.f32 v28, v57  }
0x222: {  	v61 =	vmul.f32 v12, v29;
	v60 =	vmul.f32 v19, v59;
	v6 =	vsub.f32 $1.500000000e+00, v56  }
0x223: {  	v36 =	vmul.f32 v7, v38;
	v5 =	vmul.f32 v48, v5;
	v62 =	vsub.f32 $1.500000000e+00, v8  }
0x224: {  	v63 =	vnsel vm3, $0x0, v33;
	v9 =	vmul.f32 v19, v60;
	v4 =	vmul.f32 v53, v6  }
0x225: {  	v23 =	vnsel vm0, $0x0, v23;
	v32 =	vmul.f32 v5, v49;
	v6 =	vmul.f32 v28, v62  }
0x226: {  	v27 =	vmul.f32 v61, v12;
	v9 =	vsub.f32 $1.500000000e+00, v9;
	v33 =	vmul.f32 v4, v52  }
0x227: {  	v8 =	vadd.f32 v63, v21;
	v34 =	vmul.f32 v32, v5;
	v35 =	vmul.f32 v6, v55  }
0x228: {  	v20 =	vnsel vm1, $0x0, v20;
	v9 =	vmul.f32 v19, v9;
	v21 =	vmul.f32 v33, v4  }
0x229: {  	v8 =	vadd.f32 v23, v8;
	v23 =	vsub.f32 $1.500000000e+00, v34;
	v19 =	vmul.f32 v35, v6  }
0x22a: {  	v39 =	vmul.f32 v36, v7;
	v37 =	vmul.f32 v9, v59;
	v21 =	vsub.f32 $1.500000000e+00, v21  }
0x22b: {  	v38 =	vsub.f32 $1.500000000e+00, v27;
	v5 =	vmul.f32 v23, v5;
	v19 =	vsub.f32 $1.500000000e+00, v19  }
0x22c: {  	v8 =	vadd.f32 v20, v8;
	v20 =	vmul.f32 v37, v9;
	v4 =	vmul.f32 v21, v4  }
0x22d: {  	v15 =	vadd.f32 v15, v26;
	v22 =	vmul.f32 v5, v49;
	v6 =	vmul.f32 v19, v6  }
0x22e: {  	v12 =	vmul.f32 v38, v12;
	v40 =	vsub.f32 $1.500000000e+00, v20;
	v24 =	vmul.f32 v4, v52  }
0x22f: {  	v41 =	vsub.f32 $1.500000000e+00, v39;
	v42 =	vmul.f32 v22, v5;
	v45 =	vmul.f32 v6, v55  }
0x230: {  	v44 =	vsel vm3, $0x3F800000, v13;
	v9 =	vmul.f32 v40, v9;
	v43 =	vmul.f32 v24, v4  }
0x231: {  	v7 =	vmul.f32 v41, v7;
	v10 =	vmul.f32 v12, v10;
	v47 =	vsub.f32 $1.500000000e+00, v42  }
0x232: {  	v48 =	vmul.f32 v45, v6;
	v49 =	vmul.f32 v9, v59;
	v46 =	vsub.f32 $1.500000000e+00, v43  }
0x233: {  	v7 =	vmul.f32 v7, v18;
	v10 =	vnsel vm3, $0x0, v10;
	v5 =	vmul.f32 v47, v5  }
0x234: {  	v50 =	vsub.f32 $1.500000000e+00, v48;
	v51 =	vmul.f32 v49, v9;
	v4 =	vmul.f32 v46, v4  }
0x235: {  	v7 =	vnsel vm0, $0x0, v7;
	v10 =	vadd.f32 v10, v15;
	v52 =	vmul.f32 v5, v11  }
0x236: {  	v53 =	vmul.f32 v50, v6;
	v54 =	vsub.f32 $1.500000000e+00, v51;
	v3 =	vmul.f32 v4, v3  }
0x237: {  	v7 =	vadd.f32 v7, v10;
	v55 =	vadd.f32 v14, v25;
	v4 =	vnsel vm1, $0x0, v52  }
0x238: {  	v2 =	vmul.f32 v53, v2;
	v56 =	vmul.f32 v54, v9;
	v3 =	vnsel vm3, $0x0, v3  }
0x239: {  	v57 =	vmul.f32 $6.399999860e-01, v8;
	v4 =	vadd.f32 v4, v7;
	v3 =	vadd.f32 v3, v55  }
0x23a: {  	v58 =	vadd.f32 v17, v16;
	v2 =	vnsel vm0, $0x0, v2;
	v0 =	vmul.f32 v56, v0  }
0x23b: {  	v1 =	vadd.f32 v57, v1;
	v4 =	vmul.f32 $8.000000110e-01, v4;
	v2 =	vadd.f32 v2, v3  }
0x23c: {  	v59 =	vadd.f32 v58, v44;
	v0 =	vnsel vm1, $0x0, v0  }
0x23d: {  	v60 =	vsel vm0, $0x3F800000, v13;
	v1 =	vadd.f32 v4, v1;
	v0 =	vadd.f32 v0, v2  }
0x23e: {  	v61 =	vadd.f32 v59, v60  }
0x23f: {  	v62 =	vsel vm1, $0x3F800000, v13;
	v0 =	vadd.f32 v0, v1  }
0x240: {  	v63 =	vadd.f32 v61, v62  }
0x241: {  	(xrf2) =	vadd.scan.msk.f32 $0xffff, v0  }
0x242: {  	(xrf2) =	vadd.scan.msk.f32 $0xffff, v63;
	_ =	sdelay $0x8  }
0x243: {  	v0, _, _ =	vpop (xrf2)  }
0x244: {  	v1, _, _ =	vpop (xrf2)  }
0x245: {  	v1 =	vbroadcast v1, $0xF;
	_ =	sdelay $0x1  }
0x246: {  	(erf) = vrcp.f32 v1;
	_ =	sdelay $0x7  }
0x247: {  	v0 =	vbroadcast v0, $0xF  }
0x248: {  	v1 =	vpop (erf)  }
0x249: {  	v0 =	vmul.f32 v0, v1;
	_ =	sdelay $0x1  }
0x24a: {  	s31 =	simm.s32 $0x3690;
	[tilespmem:$0x3690] =	vst v0  }
0x24b: {  	[hbm4b:s1+s2] =	stream.linear.scatter [tilespmem:s31], [sflag:$0xB], $0x10, $0x38;
	[tilespmem:$0x36A0] =	vst v63  }
0x24c: {  	_ =	swait.ge [sflag:s3], $0x10  }
0x24d: {  	[sflag:s3] =	ssyncset.done $0x0  }
0x24e: {  	[sflag:s3] =	ssyncadd.s32 $0xFFFFFFF0  }
.LBB2_2:
0x24f: {  	_ =	sfence.sel $0x180000  }
0x250: {  	[bflag:$0x0] =	sbarrier.arrive $0xFFFF  }
0x251: {  	_ =	strace $0x90000047  }
0x252: {  	s0 =	sadd.s32 @!p0 $0x100000, s0;
	[bflag:$0x2] =	sbarrier.arrive $0xFFFF  }
0x253: {  	[sflag:s0] =	ssyncadd.tile.s32 @!p0 $0x1;
	_ =	shalt  }
.Lfunc_end2:
_tile_overlayer_lowered:
.L_overlay_start_2:
0x254: {  	(tag) =	ssettag $0x2  }
0x255: {  	s0 =	rddreg [dreg:$0x0];
	s2 =	stileid.u32  }
0x256: {  	s1 =	rddreg [dreg:$0x1];
	p0 =	sne.s32 s2, $0x0  }
0x257: {  	s3 =	rddreg [dreg:$0x2];
	[bflag:$0x3] =	sbarrier.arrive $0xFFFF;
	s2 =	simm.s32 @!p0 $0x1C0B  }
0x258: {  	[timem:s3], [sflag:s2] =	dma.local @!p0 [hbm:s0], s1  }
0x259: {  	s0 =	simm.s32 @!p0 $0xB  }
0x25a: {  	_ =	swait.ge @!p0 [sflag:s0], s1  }
0x25b: {  	s1 =	ssub.s32 @!p0 $0x0, s1;
	[sflag:s0] =	ssyncset.done @!p0 $0x0  }
0x25c: {  	[sflag:s0] =	ssyncadd.s32 @!p0 s1  }
0x25d: {  	[bflag:$0x3] =	sbarrier.arrive $0xFFFF  }
0x25e: {  	_ =	shalt  }

</sc_bundles>
